<compile_context>
chip_gen: v7x
topology: tpu7x:2x2x1
jax: 0.10.2.dev20260603
libtpu: 0.0.44.dev20260713+nightly
codegen_flags: <defaults>
</compile_context>

<pallas_src>
import jax
import jax.numpy as jnp
from jax import lax
from jax.experimental import pallas as pl
from jax.experimental.pallas import tpu as pltpu
from jax.experimental.pallas import tpu_sc as plsc

N_NODES = 10000
D = 128
NP = 10240
NC = 2
NS = 16
NW = NC * NS
LANES = 16
EB = 64
NB = 320
CH = NB * EB // 2
EPAD = NS * NB * EB
DH = D // 2
PAD_ROW = NP - 1
ROWS_PER_SUB = NP // NS
BLK = 1024

_vector_mesh = plsc.VectorSubcoreMesh(core_axis_name="c", subcore_axis_name="s")

_sc_params = pltpu.CompilerParams(needs_layout_passes=False,
                                  use_tc_tiling_on_sc=False)



def _sc_hist_body(src_hbm, dst_hbm, out_hbm, idx_v, hist_v):
    c = lax.axis_index("c")
    s = lax.axis_index("s")
    tid = c * NS + s
    ones = jnp.ones((LANES,), jnp.float32)
    zeros = jnp.zeros((LANES,), jnp.float32)
    for which, ehbm in ((0, src_hbm), (1, dst_hbm)):
        @pl.loop(0, NP, step=LANES)
        def _(i):
            hist_v[pl.ds(i, LANES)] = zeros

        pltpu.sync_copy(ehbm.at[tid], idx_v)

        @pl.loop(0, CH, step=LANES)
        def _(e):
            plsc.addupdate_scatter(hist_v, [idx_v[pl.ds(e, LANES)]], ones)

        pltpu.sync_copy(hist_v, out_hbm.at[which, tid])


def _sc_hist(src_flat, dst_flat):
    k = pl.kernel(
        _sc_hist_body,
        out_type=jax.ShapeDtypeStruct((2, NW, NP), jnp.float32),
        mesh=_vector_mesh,
        compiler_params=_sc_params,
        scratch_types=[
            pltpu.VMEM((CH,), jnp.int32),
            pltpu.VMEM((NP,), jnp.float32),
        ],
    )
    return k(src_flat, dst_flat)


NBUF = 8
GB = 1
SB = GB * EB
NB2 = NB // GB
CHKB = 32
NCHK = NB2 // CHKB


def _sc_agg_body(hw_hbm, src_hbm, dst_hbm, out_hbm,
                 sidx, didx, bufs, hwS, acc, gsems, ssems):
    c = lax.axis_index("c")
    s = lax.axis_index("s")
    zeros = jnp.zeros((LANES,), jnp.float32)

    @pl.loop(0, EB)
    def _(r):
        @pl.loop(0, DH, step=LANES)
        def _(l):
            bufs[0][r, pl.ds(l, LANES)] = zeros

    row0 = s * ROWS_PER_SUB
    pltpu.sync_copy(hw_hbm.at[c].at[pl.ds(row0, ROWS_PER_SUB)],
                    hwS.at[pl.ds(row0, ROWS_PER_SUB)])
    for k in range(ROWS_PER_SUB // EB):
        pltpu.sync_copy(bufs[0].at[pl.ds(0, EB)],
                        acc.at[pl.ds(row0 + k * EB, EB)])
    plsc.subcore_barrier()

    def g_start(j, k):
        pltpu.async_copy(hwS.at[sidx.at[j]], bufs[k], gsems[k])

    def g_wait(j, k):
        pltpu.make_async_copy(hwS.at[sidx.at[j]], bufs[k], gsems[k]).wait()

    def s_start(j, k):
        pltpu.async_copy(bufs[k], acc.at[didx.at[j]], ssems[k], add=True)

    def s_wait(j, k):
        pltpu.make_async_copy(bufs[k], acc.at[didx.at[j]], ssems[k]).wait()

    @pl.loop(0, NCHK)
    def _(ch):
        base = ch * CHKB
        pltpu.sync_copy(src_hbm.at[s].at[pl.ds(base, CHKB)], sidx)
        pltpu.sync_copy(dst_hbm.at[s].at[pl.ds(base, CHKB)], didx)

        for k in range(NBUF):
            g_start(k, k)

        @pl.loop(0, CHKB, step=NBUF)
        def _(j):
            for k in range(NBUF):
                g_wait(j + k, k)
                s_start(j + k, k)
            for k in range(NBUF):
                @pl.when(j + NBUF + k < CHKB)
                def _():
                    s_wait(j + k, k)
                    g_start(j + NBUF + k, k)

        for k in range(NBUF):
            s_wait(CHKB - NBUF + k, k)

    plsc.subcore_barrier()
    pltpu.sync_copy(acc.at[pl.ds(row0, ROWS_PER_SUB)],
                    out_hbm.at[c].at[pl.ds(row0, ROWS_PER_SUB)])


def _sc_agg(hw_halves, src_t, dst_t):
    k = pl.kernel(
        _sc_agg_body,
        out_type=jax.ShapeDtypeStruct((NC, NP, DH), jnp.float32),
        mesh=_vector_mesh,
        compiler_params=_sc_params,
        scratch_types=[
            pltpu.VMEM((CHKB, SB), jnp.int32),
            pltpu.VMEM((CHKB, SB), jnp.int32),
            [pltpu.VMEM((SB, DH), jnp.float32) for _ in range(NBUF)],
            pltpu.VMEM_SHARED((NP, DH), jnp.float32),
            pltpu.VMEM_SHARED((NP, DH), jnp.float32),
            [pltpu.SemaphoreType.DMA for _ in range(NBUF)],
            [pltpu.SemaphoreType.DMA for _ in range(NBUF)],
        ],
    )
    return k(hw_halves, src_t, dst_t)



def _scales_body(hist_ref, o_ref):
    deg = jnp.sum(hist_ref[...], axis=1)
    o_ref[...] = lax.rsqrt(jnp.maximum(deg, 1.0))


def _tc_scales(hist):
    return pl.pallas_call(
        _scales_body,
        out_shape=jax.ShapeDtypeStruct((2, NP), jnp.float32),
    )(hist)


def _prep_body(h_ref, w_ref, s_ref, o_ref):
    hw = jnp.dot(h_ref[...], w_ref[...],
                 preferred_element_type=jnp.float32) * s_ref[...]
    o_ref[0] = hw[:, :DH]
    o_ref[1] = hw[:, DH:]


def _tc_prep(h_pad, W, s_col):
    return pl.pallas_call(
        _prep_body,
        grid=(NP // BLK,),
        in_specs=[pl.BlockSpec((BLK, D), lambda i: (i, 0)),
                  pl.BlockSpec((D, D), lambda i: (0, 0)),
                  pl.BlockSpec((BLK, 1), lambda i: (i, 0))],
        out_specs=pl.BlockSpec((NC, BLK, DH), lambda i: (0, i, 0)),
        out_shape=jax.ShapeDtypeStruct((NC, NP, DH), jnp.float32),
    )(h_pad, W, s_col)


def _mid_body(parts_ref, sin_ref, sout_ref, b_ref, w_ref, o_ref):
    i = pl.program_id(0)
    agg = jnp.concatenate([parts_ref[0], parts_ref[1]], axis=1)
    x = agg * sin_ref[...] + b_ref[...]
    x = jnp.maximum(x, 0.0) * sout_ref[...]
    rows = i * BLK + lax.broadcasted_iota(jnp.int32, (BLK, 1), 0)
    x = jnp.where(rows < N_NODES, x, 0.0)
    hw = jnp.dot(x, w_ref[...], preferred_element_type=jnp.float32)
    o_ref[0] = hw[:, :DH]
    o_ref[1] = hw[:, DH:]


def _tc_mid(parts, s_in, s_out, b_row, W):
    return pl.pallas_call(
        _mid_body,
        grid=(NP // BLK,),
        in_specs=[pl.BlockSpec((NC, BLK, DH), lambda i: (0, i, 0)),
                  pl.BlockSpec((BLK, 1), lambda i: (i, 0)),
                  pl.BlockSpec((BLK, 1), lambda i: (i, 0)),
                  pl.BlockSpec((1, D), lambda i: (0, 0)),
                  pl.BlockSpec((D, D), lambda i: (0, 0))],
        out_specs=pl.BlockSpec((NC, BLK, DH), lambda i: (0, i, 0)),
        out_shape=jax.ShapeDtypeStruct((NC, NP, DH), jnp.float32),
    )(parts, s_in, s_out, b_row, W)


def _final_body(parts_ref, sin_ref, b_ref, o_ref):
    agg = jnp.concatenate([parts_ref[0], parts_ref[1]], axis=1)
    o_ref[...] = agg * sin_ref[...] + b_ref[...]


def _tc_final(parts, s_in, b_row):
    return pl.pallas_call(
        _final_body,
        grid=(pl.cdiv(N_NODES, BLK),),
        in_specs=[pl.BlockSpec((NC, BLK, DH), lambda i: (0, i, 0)),
                  pl.BlockSpec((BLK, 1), lambda i: (i, 0)),
                  pl.BlockSpec((1, D), lambda i: (0, 0))],
        out_specs=pl.BlockSpec((BLK, D), lambda i: (i, 0)),
        out_shape=jax.ShapeDtypeStruct((N_NODES, D), jnp.float32),
    )(parts, s_in, b_row)



def kernel(h_feat, edge_index, W1, b1, W2, b2):
    n_edges = edge_index.shape[1]
    pad = jnp.full((EPAD - n_edges,), PAD_ROW, jnp.int32)
    src_pad = jnp.concatenate([edge_index[0], pad])
    dst_pad = jnp.concatenate([edge_index[1], pad])
    src_t = src_pad.reshape(NS, NB2, SB)
    dst_t = dst_pad.reshape(NS, NB2, SB)
    src_flat = src_pad.reshape(NW, CH)
    dst_flat = dst_pad.reshape(NW, CH)
    h_pad = jnp.pad(h_feat, ((0, NP - N_NODES), (0, 0)))

    hist = _sc_hist(src_flat, dst_flat)
    scales = _tc_scales(hist)
    s_out = scales[0].reshape(NP, 1)
    s_in = scales[1].reshape(NP, 1)

    hw1 = _tc_prep(h_pad, W1, s_out)
    parts1 = _sc_agg(hw1, src_t, dst_t)
    hw2 = _tc_mid(parts1, s_in, s_out, b1.reshape(1, D), W2)
    parts2 = _sc_agg(hw2, src_t, dst_t)
    return _tc_final(parts2, s_in, b2.reshape(1, D))

# --- scband reference (transcript-rebuilt; emitter-appended) ---
"""Pipeline reference for scband-gcn-74217034875214 (READ-ONLY COPY).

The authoritative reference and input builder live on the scoring server;
editing this copy changes nothing except your own understanding.
"""

import jax, jax.numpy as jnp
import numpy as np

N_NODES = 10000
N_EDGES = 320000
D = 128


def _glorot(key, shape):
    limit = float(np.sqrt(6.0 / (shape[0] + shape[1])))
    return jax.random.uniform(key, shape, dtype=jnp.float32, minval=-limit, maxval=limit)


def setup_inputs(seed: int = 0) -> dict:
    key = jax.random.key(seed)
    k1, k2, k3, k4 = jax.random.split(key, 4)
    h_feat = jax.random.normal(k1, (N_NODES, D), dtype=jnp.float32)
    edge_index = jax.random.randint(k2, (2, N_EDGES), 0, N_NODES, dtype=jnp.int32)
    W1 = _glorot(k3, (D, D))
    b1 = jnp.zeros((D,), dtype=jnp.float32)
    W2 = _glorot(k4, (D, D))
    b2 = jnp.zeros((D,), dtype=jnp.float32)
    return {"h_feat": h_feat, "edge_index": edge_index, "W1": W1, "b1": b1, "W2": W2, "b2": b2}


def _graph_conv(h, W, b, src, dst, n_nodes):
    # DGL GraphConv with norm='both': h_i = b + sum_{(j->i)} (d_out(j) d_in(i))^{-1/2} (h_j W)
    deg_out = jnp.clip(jnp.bincount(src, length=n_nodes), 1).astype(h.dtype)
    deg_in = jnp.clip(jnp.bincount(dst, length=n_nodes), 1).astype(h.dtype)
    h = h * (deg_out ** -0.5)[:, None]
    h = h @ W  # weight applied before aggregation (in_feats <= out_feats path)
    msgs = jnp.take(h, src, axis=0)
    agg = jnp.zeros((n_nodes, W.shape[1]), dtype=h.dtype).at[dst].add(msgs)
    agg = agg * (deg_in ** -0.5)[:, None]
    return agg + b


def reference(h_feat, edge_index, W1, b1, W2, b2):
    src = edge_index[0]
    dst = edge_index[1]
    h = _graph_conv(h_feat, W1, b1, src, dst, N_NODES)
    h = jax.nn.relu(h)
    h = _graph_conv(h, W2, b2, src, dst, N_NODES)
    return h

if __name__ == "__main__":
    import jax
    _d = setup_inputs()
    print(jax.jit(kernel)(*tuple(_d.values())))

</pallas_src>

<mosaic_0001>
#map = affine_map<(d0, d1) -> (0, 0)>
#map1 = affine_map<(d0, d1) -> (0, 0, 0)>
module attributes {stable_mosaic.version = 14 : i64} {
  func.func @_sc_hist_body(%arg0: i32, %arg1: i32, %arg2: memref<32x10240xi32, #tpu.memory_space<hbm>>, %arg3: memref<32x10240xi32, #tpu.memory_space<hbm>>, %arg4: memref<2x32x10240xf32, #tpu.memory_space<hbm>>, %arg5: memref<10240xi32, #tpu.memory_space<vmem>>, %arg6: memref<10240xf32, #tpu.memory_space<vmem>>) attributes {dimension_semantics = [#tpu.dimension_semantics<core_parallel>, #tpu.dimension_semantics<subcore_parallel>], iteration_bounds = array<i64: 2, 16>, scalar_prefetch = 0 : i64, scratch_operands = 2 : i64, tpu.core_type = #tpu.core_type<sc_vector_subcore>, window_params = [{transform_indices = #map}, {transform_indices = #map}, {transform_indices = #map1}]} {
    %mul3A = arith.constant 16 : i32
    %mul3A_0 = arith.muli %arg0, %mul3A : i32
    %add3A = arith.addi %mul3A_0, %arg1 : i32
    %broadcast_in_dim3A = arith.constant 1.000000e+00 : f32
    %broadcast_in_dim3A_1 = vector.broadcast %broadcast_in_dim3A : f32 to vector<16xf32>
    %broadcast_in_dim3A_2 = arith.constant 0.000000e+00 : f32
    %broadcast_in_dim3A_3 = vector.broadcast %broadcast_in_dim3A_2 : f32 to vector<16xf32>
    %scan3A = arith.constant 0 : i32
    %scan3A_4 = arith.constant 640 : i32
    %scan3A_5 = arith.addi %scan3A, %scan3A_4 : i32
    %scan3A_6 = arith.constant 1 : i32
    scf.for %scan3A_24 = %scan3A to %scan3A_5 step %scan3A_6  : i32 {
      %mul3A_25 = arith.constant 16 : i32
      %mul3A_26 = arith.muli %scan3A_24, %mul3A_25 : i32
      %add3A_27 = arith.constant 0 : i32
      %add3A_28 = arith.addi %add3A_27, %mul3A_26 : i32
      %swap3A = arith.index_cast %add3A_28 : i32 to index
      %swap3A_29 = tpu.vector_load %arg6[%swap3A] {strides = array<i32>} : memref<10240xf32, #tpu.memory_space<vmem>>, vector<16xf32>,
      tpu.vector_store %arg6[%swap3A], %broadcast_in_dim3A_3 {strides = array<i32>} : memref<10240xf32, #tpu.memory_space<vmem>>, vector<16xf32>,
    }
    %scan3A_7 = arith.constant 640 : i32
    "tpu.region"() ({
      %run_scoped3A_24 = tpu.sem_alloc : memref<!tpu.dma_semaphore, #tpu.memory_space<semaphore_mem>>
      %dma_start3A = arith.constant 0 : i32
      %dma_start3A_25 = tpu.memref_slice %arg2[%add3A, %dma_start3A] : memref<32x10240xi32, #tpu.memory_space<hbm>> -> memref<1x10240xi32, #tpu.memory_space<hbm>>
      %dma_start3A_26 = tpu.memref_squeeze %dma_start3A_25 : memref<1x10240xi32, #tpu.memory_space<hbm>> -> memref<10240xi32, #tpu.memory_space<hbm>>
      %dma_start3A_27 = arith.constant 0 : i32
      %dma_start3A_28 = tpu.memref_slice %arg2[%add3A, %dma_start3A_27] : memref<32x10240xi32, #tpu.memory_space<hbm>> -> memref<1x10240xi32, #tpu.memory_space<hbm>>
      %dma_start3A_29 = tpu.memref_squeeze %dma_start3A_28 : memref<1x10240xi32, #tpu.memory_space<hbm>> -> memref<10240xi32, #tpu.memory_space<hbm>>
      tpu.enqueue_dma source(%dma_start3A_29 : memref<10240xi32, #tpu.memory_space<hbm>>) target(%arg5 : memref<10240xi32, #tpu.memory_space<vmem>>) target_semaphore(%run_scoped3A_24 : memref<!tpu.dma_semaphore, #tpu.memory_space<semaphore_mem>>)
      %dma_wait3A = arith.constant 0 : i32
      %dma_wait3A_30 = tpu.memref_slice %arg2[%add3A, %dma_wait3A] : memref<32x10240xi32, #tpu.memory_space<hbm>> -> memref<1x10240xi32, #tpu.memory_space<hbm>>
      %dma_wait3A_31 = tpu.memref_squeeze %dma_wait3A_30 : memref<1x10240xi32, #tpu.memory_space<hbm>> -> memref<10240xi32, #tpu.memory_space<hbm>>
      %dma_wait3A_32 = arith.constant 0 : i32
      %dma_wait3A_33 = tpu.memref_slice %arg2[%add3A, %dma_wait3A_32] : memref<32x10240xi32, #tpu.memory_space<hbm>> -> memref<1x10240xi32, #tpu.memory_space<hbm>>
      %dma_wait3A_34 = tpu.memref_squeeze %dma_wait3A_33 : memref<1x10240xi32, #tpu.memory_space<hbm>> -> memref<10240xi32, #tpu.memory_space<hbm>>
      tpu.wait_dma2 semaphore(%run_scoped3A_24 : memref<!tpu.dma_semaphore, #tpu.memory_space<semaphore_mem>>) src(%dma_wait3A_34 : memref<10240xi32, #tpu.memory_space<hbm>>) dst(%arg5 : memref<10240xi32, #tpu.memory_space<vmem>>)
      tpu.yield
    }) : () -> ()
    %scan3A_8 = arith.constant 0 : i32
    %scan3A_9 = arith.constant 640 : i32
    %scan3A_10 = arith.addi %scan3A_8, %scan3A_9 : i32
    %scan3A_11 = arith.constant 1 : i32
    scf.for %scan3A_24 = %scan3A_8 to %scan3A_10 step %scan3A_11  : i32 {
      %mul3A_25 = arith.constant 16 : i32
      %mul3A_26 = arith.muli %scan3A_24, %mul3A_25 : i32
      %add3A_27 = arith.constant 0 : i32
      %add3A_28 = arith.addi %add3A_27, %mul3A_26 : i32
      %get3A = arith.index_cast %add3A_28 : i32 to index
      %get3A_29 = tpu.vector_load %arg5[%get3A] {strides = array<i32>} : memref<10240xi32, #tpu.memory_space<vmem>>, vector<16xi32>,
      tpu.vector_store_idx %arg6[%get3A_29], %broadcast_in_dim3A_1 {add = true} : memref<10240xf32, #tpu.memory_space<vmem>>[vector<16xi32>], vector<16xf32>,
    }
    %scan3A_12 = arith.constant 640 : i32
    %run_scoped3A = arith.constant 0 : i32
    "tpu.region"() ({
      %run_scoped3A_24 = tpu.sem_alloc : memref<!tpu.dma_semaphore, #tpu.memory_space<semaphore_mem>>
      %dma_start3A = arith.constant 0 : i32
      %dma_start3A_25 = tpu.memref_slice %arg4[%run_scoped3A, %add3A, %dma_start3A] : memref<2x32x10240xf32, #tpu.memory_space<hbm>> -> memref<1x1x10240xf32, #tpu.memory_space<hbm>>
      %dma_start3A_26 = tpu.memref_squeeze %dma_start3A_25 : memref<1x1x10240xf32, #tpu.memory_space<hbm>> -> memref<10240xf32, #tpu.memory_space<hbm>>
      %dma_start3A_27 = arith.constant 0 : i32
      %dma_start3A_28 = tpu.memref_slice %arg4[%run_scoped3A, %add3A, %dma_start3A_27] : memref<2x32x10240xf32, #tpu.memory_space<hbm>> -> memref<1x1x10240xf32, #tpu.memory_space<hbm>>
      %dma_start3A_29 = tpu.memref_squeeze %dma_start3A_28 : memref<1x1x10240xf32, #tpu.memory_space<hbm>> -> memref<10240xf32, #tpu.memory_space<hbm>>
      tpu.enqueue_dma source(%arg6 : memref<10240xf32, #tpu.memory_space<vmem>>) target(%dma_start3A_29 : memref<10240xf32, #tpu.memory_space<hbm>>) target_semaphore(%run_scoped3A_24 : memref<!tpu.dma_semaphore, #tpu.memory_space<semaphore_mem>>)
      %dma_wait3A = arith.constant 0 : i32
      %dma_wait3A_30 = tpu.memref_slice %arg4[%run_scoped3A, %add3A, %dma_wait3A] : memref<2x32x10240xf32, #tpu.memory_space<hbm>> -> memref<1x1x10240xf32, #tpu.memory_space<hbm>>
      %dma_wait3A_31 = tpu.memref_squeeze %dma_wait3A_30 : memref<1x1x10240xf32, #tpu.memory_space<hbm>> -> memref<10240xf32, #tpu.memory_space<hbm>>
      %dma_wait3A_32 = arith.constant 0 : i32
      %dma_wait3A_33 = tpu.memref_slice %arg4[%run_scoped3A, %add3A, %dma_wait3A_32] : memref<2x32x10240xf32, #tpu.memory_space<hbm>> -> memref<1x1x10240xf32, #tpu.memory_space<hbm>>
      %dma_wait3A_34 = tpu.memref_squeeze %dma_wait3A_33 : memref<1x1x10240xf32, #tpu.memory_space<hbm>> -> memref<10240xf32, #tpu.memory_space<hbm>>
      tpu.wait_dma2 semaphore(%run_scoped3A_24 : memref<!tpu.dma_semaphore, #tpu.memory_space<semaphore_mem>>) src(%arg6 : memref<10240xf32, #tpu.memory_space<vmem>>) dst(%dma_wait3A_34 : memref<10240xf32, #tpu.memory_space<hbm>>)
      tpu.yield
    }) : () -> ()
    %scan3A_13 = arith.constant 0 : i32
    %scan3A_14 = arith.constant 640 : i32
    %scan3A_15 = arith.addi %scan3A_13, %scan3A_14 : i32
    %scan3A_16 = arith.constant 1 : i32
    scf.for %scan3A_24 = %scan3A_13 to %scan3A_15 step %scan3A_16  : i32 {
      %mul3A_25 = arith.constant 16 : i32
      %mul3A_26 = arith.muli %scan3A_24, %mul3A_25 : i32
      %add3A_27 = arith.constant 0 : i32
      %add3A_28 = arith.addi %add3A_27, %mul3A_26 : i32
      %swap3A = arith.index_cast %add3A_28 : i32 to index
      %swap3A_29 = tpu.vector_load %arg6[%swap3A] {strides = array<i32>} : memref<10240xf32, #tpu.memory_space<vmem>>, vector<16xf32>,
      tpu.vector_store %arg6[%swap3A], %broadcast_in_dim3A_3 {strides = array<i32>} : memref<10240xf32, #tpu.memory_space<vmem>>, vector<16xf32>,
    }
    %scan3A_17 = arith.constant 640 : i32
    "tpu.region"() ({
      %run_scoped3A_24 = tpu.sem_alloc : memref<!tpu.dma_semaphore, #tpu.memory_space<semaphore_mem>>
      %dma_start3A = arith.constant 0 : i32
      %dma_start3A_25 = tpu.memref_slice %arg3[%add3A, %dma_start3A] : memref<32x10240xi32, #tpu.memory_space<hbm>> -> memref<1x10240xi32, #tpu.memory_space<hbm>>
      %dma_start3A_26 = tpu.memref_squeeze %dma_start3A_25 : memref<1x10240xi32, #tpu.memory_space<hbm>> -> memref<10240xi32, #tpu.memory_space<hbm>>
      %dma_start3A_27 = arith.constant 0 : i32
      %dma_start3A_28 = tpu.memref_slice %arg3[%add3A, %dma_start3A_27] : memref<32x10240xi32, #tpu.memory_space<hbm>> -> memref<1x10240xi32, #tpu.memory_space<hbm>>
      %dma_start3A_29 = tpu.memref_squeeze %dma_start3A_28 : memref<1x10240xi32, #tpu.memory_space<hbm>> -> memref<10240xi32, #tpu.memory_space<hbm>>
      tpu.enqueue_dma source(%dma_start3A_29 : memref<10240xi32, #tpu.memory_space<hbm>>) target(%arg5 : memref<10240xi32, #tpu.memory_space<vmem>>) target_semaphore(%run_scoped3A_24 : memref<!tpu.dma_semaphore, #tpu.memory_space<semaphore_mem>>)
      %dma_wait3A = arith.constant 0 : i32
      %dma_wait3A_30 = tpu.memref_slice %arg3[%add3A, %dma_wait3A] : memref<32x10240xi32, #tpu.memory_space<hbm>> -> memref<1x10240xi32, #tpu.memory_space<hbm>>
      %dma_wait3A_31 = tpu.memref_squeeze %dma_wait3A_30 : memref<1x10240xi32, #tpu.memory_space<hbm>> -> memref<10240xi32, #tpu.memory_space<hbm>>
      %dma_wait3A_32 = arith.constant 0 : i32
      %dma_wait3A_33 = tpu.memref_slice %arg3[%add3A, %dma_wait3A_32] : memref<32x10240xi32, #tpu.memory_space<hbm>> -> memref<1x10240xi32, #tpu.memory_space<hbm>>
      %dma_wait3A_34 = tpu.memref_squeeze %dma_wait3A_33 : memref<1x10240xi32, #tpu.memory_space<hbm>> -> memref<10240xi32, #tpu.memory_space<hbm>>
      tpu.wait_dma2 semaphore(%run_scoped3A_24 : memref<!tpu.dma_semaphore, #tpu.memory_space<semaphore_mem>>) src(%dma_wait3A_34 : memref<10240xi32, #tpu.memory_space<hbm>>) dst(%arg5 : memref<10240xi32, #tpu.memory_space<vmem>>)
      tpu.yield
    }) : () -> ()
    %scan3A_18 = arith.constant 0 : i32
    %scan3A_19 = arith.constant 640 : i32
    %scan3A_20 = arith.addi %scan3A_18, %scan3A_19 : i32
    %scan3A_21 = arith.constant 1 : i32
    scf.for %scan3A_24 = %scan3A_18 to %scan3A_20 step %scan3A_21  : i32 {
      %mul3A_25 = arith.constant 16 : i32
      %mul3A_26 = arith.muli %scan3A_24, %mul3A_25 : i32
      %add3A_27 = arith.constant 0 : i32
      %add3A_28 = arith.addi %add3A_27, %mul3A_26 : i32
      %get3A = arith.index_cast %add3A_28 : i32 to index
      %get3A_29 = tpu.vector_load %arg5[%get3A] {strides = array<i32>} : memref<10240xi32, #tpu.memory_space<vmem>>, vector<16xi32>,
      tpu.vector_store_idx %arg6[%get3A_29], %broadcast_in_dim3A_1 {add = true} : memref<10240xf32, #tpu.memory_space<vmem>>[vector<16xi32>], vector<16xf32>,
    }
    %scan3A_22 = arith.constant 640 : i32
    %run_scoped3A_23 = arith.constant 1 : i32
    "tpu.region"() ({
      %run_scoped3A_24 = tpu.sem_alloc : memref<!tpu.dma_semaphore, #tpu.memory_space<semaphore_mem>>
      %dma_start3A = arith.constant 0 : i32
      %dma_start3A_25 = tpu.memref_slice %arg4[%run_scoped3A_23, %add3A, %dma_start3A] : memref<2x32x10240xf32, #tpu.memory_space<hbm>> -> memref<1x1x10240xf32, #tpu.memory_space<hbm>>
      %dma_start3A_26 = tpu.memref_squeeze %dma_start3A_25 : memref<1x1x10240xf32, #tpu.memory_space<hbm>> -> memref<10240xf32, #tpu.memory_space<hbm>>
      %dma_start3A_27 = arith.constant 0 : i32
      %dma_start3A_28 = tpu.memref_slice %arg4[%run_scoped3A_23, %add3A, %dma_start3A_27] : memref<2x32x10240xf32, #tpu.memory_space<hbm>> -> memref<1x1x10240xf32, #tpu.memory_space<hbm>>
      %dma_start3A_29 = tpu.memref_squeeze %dma_start3A_28 : memref<1x1x10240xf32, #tpu.memory_space<hbm>> -> memref<10240xf32, #tpu.memory_space<hbm>>
      tpu.enqueue_dma source(%arg6 : memref<10240xf32, #tpu.memory_space<vmem>>) target(%dma_start3A_29 : memref<10240xf32, #tpu.memory_space<hbm>>) target_semaphore(%run_scoped3A_24 : memref<!tpu.dma_semaphore, #tpu.memory_space<semaphore_mem>>)
      %dma_wait3A = arith.constant 0 : i32
      %dma_wait3A_30 = tpu.memref_slice %arg4[%run_scoped3A_23, %add3A, %dma_wait3A] : memref<2x32x10240xf32, #tpu.memory_space<hbm>> -> memref<1x1x10240xf32, #tpu.memory_space<hbm>>
      %dma_wait3A_31 = tpu.memref_squeeze %dma_wait3A_30 : memref<1x1x10240xf32, #tpu.memory_space<hbm>> -> memref<10240xf32, #tpu.memory_space<hbm>>
      %dma_wait3A_32 = arith.constant 0 : i32
      %dma_wait3A_33 = tpu.memref_slice %arg4[%run_scoped3A_23, %add3A, %dma_wait3A_32] : memref<2x32x10240xf32, #tpu.memory_space<hbm>> -> memref<1x1x10240xf32, #tpu.memory_space<hbm>>
      %dma_wait3A_34 = tpu.memref_squeeze %dma_wait3A_33 : memref<1x1x10240xf32, #tpu.memory_space<hbm>> -> memref<10240xf32, #tpu.memory_space<hbm>>
      tpu.wait_dma2 semaphore(%run_scoped3A_24 : memref<!tpu.dma_semaphore, #tpu.memory_space<semaphore_mem>>) src(%arg6 : memref<10240xf32, #tpu.memory_space<vmem>>) dst(%dma_wait3A_34 : memref<10240xf32, #tpu.memory_space<hbm>>)
      tpu.yield
    }) : () -> ()
    return
  }
}

#map = affine_map<(d0, d1) -> (0, 0, 0)>
module attributes {stable_mosaic.version = 14 : i64} {
  func.func @_sc_agg_body(%arg0: i32, %arg1: i32, %arg2: memref<2x10240x64xf32, #tpu.memory_space<hbm>>, %arg3: memref<16x320x64xi32, #tpu.memory_space<hbm>>, %arg4: memref<16x320x64xi32, #tpu.memory_space<hbm>>, %arg5: memref<2x10240x64xf32, #tpu.memory_space<hbm>>, %arg6: memref<32x64xi32, #tpu.memory_space<vmem>>, %arg7: memref<32x64xi32, #tpu.memory_space<vmem>>, %arg8: memref<64x64xf32, #tpu.memory_space<vmem>>, %arg9: memref<64x64xf32, #tpu.memory_space<vmem>>, %arg10: memref<64x64xf32, #tpu.memory_space<vmem>>, %arg11: memref<64x64xf32, #tpu.memory_space<vmem>>, %arg12: memref<64x64xf32, #tpu.memory_space<vmem>>, %arg13: memref<64x64xf32, #tpu.memory_space<vmem>>, %arg14: memref<64x64xf32, #tpu.memory_space<vmem>>, %arg15: memref<64x64xf32, #tpu.memory_space<vmem>>, %arg16: memref<10240x64xf32, #tpu.memory_space<vmem_shared>>, %arg17: memref<10240x64xf32, #tpu.memory_space<vmem_shared>>, %arg18: memref<!tpu.dma_semaphore, #tpu.memory_space<semaphore_mem>>, %arg19: memref<!tpu.dma_semaphore, #tpu.memory_space<semaphore_mem>>, %arg20: memref<!tpu.dma_semaphore, #tpu.memory_space<semaphore_mem>>, %arg21: memref<!tpu.dma_semaphore, #tpu.memory_space<semaphore_mem>>, %arg22: memref<!tpu.dma_semaphore, #tpu.memory_space<semaphore_mem>>, %arg23: memref<!tpu.dma_semaphore, #tpu.memory_space<semaphore_mem>>, %arg24: memref<!tpu.dma_semaphore, #tpu.memory_space<semaphore_mem>>, %arg25: memref<!tpu.dma_semaphore, #tpu.memory_space<semaphore_mem>>, %arg26: memref<!tpu.dma_semaphore, #tpu.memory_space<semaphore_mem>>, %arg27: memref<!tpu.dma_semaphore, #tpu.memory_space<semaphore_mem>>, %arg28: memref<!tpu.dma_semaphore, #tpu.memory_space<semaphore_mem>>, %arg29: memref<!tpu.dma_semaphore, #tpu.memory_space<semaphore_mem>>, %arg30: memref<!tpu.dma_semaphore, #tpu.memory_space<semaphore_mem>>, %arg31: memref<!tpu.dma_semaphore, #tpu.memory_space<semaphore_mem>>, %arg32: memref<!tpu.dma_semaphore, #tpu.memory_space<semaphore_mem>>, %arg33: memref<!tpu.dma_semaphore, #tpu.memory_space<semaphore_mem>>) attributes {dimension_semantics = [#tpu.dimension_semantics<core_parallel>, #tpu.dimension_semantics<subcore_parallel>], iteration_bounds = array<i64: 2, 16>, scalar_prefetch = 0 : i64, scratch_operands = 28 : i64, tpu.core_type = #tpu.core_type<sc_vector_subcore>, window_params = [{transform_indices = #map}, {transform_indices = #map}, {transform_indices = #map}, {transform_indices = #map}]} {
    %broadcast_in_dim3A = arith.constant 0.000000e+00 : f32
    %broadcast_in_dim3A_0 = vector.broadcast %broadcast_in_dim3A : f32 to vector<16xf32>
    %scan3A = arith.constant 0 : i32
    %scan3A_1 = arith.constant 64 : i32
    %scan3A_2 = arith.addi %scan3A, %scan3A_1 : i32
    %scan3A_3 = arith.constant 1 : i32
    scf.for %scan3A_31 = %scan3A to %scan3A_2 step %scan3A_3  : i32 {
      %mul3A_32 = arith.constant 1 : i32
      %mul3A_33 = arith.muli %scan3A_31, %mul3A_32 : i32
      %add3A_34 = arith.constant 0 : i32
      %add3A_35 = arith.addi %add3A_34, %mul3A_33 : i32
      %scan3A_36 = arith.constant 0 : i32
      %scan3A_37 = arith.constant 4 : i32
      %scan3A_38 = arith.addi %scan3A_36, %scan3A_37 : i32
      %scan3A_39 = arith.constant 1 : i32
      scf.for %scan3A_41 = %scan3A_36 to %scan3A_38 step %scan3A_39  : i32 {
        %mul3A_42 = arith.constant 16 : i32
        %mul3A_43 = arith.muli %scan3A_41, %mul3A_42 : i32
        %add3A_44 = arith.constant 0 : i32
        %add3A_45 = arith.addi %add3A_44, %mul3A_43 : i32
        %swap3A = arith.index_cast %add3A_35 : i32 to index
        %swap3A_46 = arith.index_cast %add3A_45 : i32 to index
        %swap3A_47 = tpu.vector_load %arg8[%swap3A, %swap3A_46] {strides = array<i32>} : memref<64x64xf32, #tpu.memory_space<vmem>>, vector<16xf32>,
        tpu.vector_store %arg8[%swap3A, %swap3A_46], %broadcast_in_dim3A_0 {strides = array<i32>} : memref<64x64xf32, #tpu.memory_space<vmem>>, vector<16xf32>,
      }
      %scan3A_40 = arith.constant 4 : i32
    }
    %scan3A_4 = arith.constant 64 : i32
    %mul3A = arith.constant 640 : i32
    %mul3A_5 = arith.muli %arg1, %mul3A : i32
    "tpu.region"() ({
      %run_scoped3A = tpu.sem_alloc : memref<!tpu.dma_semaphore, #tpu.memory_space<semaphore_mem>>
      %dma_start3A = arith.constant 0 : i32
      %dma_start3A_31 = tpu.memref_slice %arg16[%mul3A_5, %dma_start3A] : memref<10240x64xf32, #tpu.memory_space<vmem_shared>> -> memref<640x64xf32, #tpu.memory_space<vmem_shared>>
      %dma_start3A_32 = arith.constant 0 : i32
      %dma_start3A_33 = arith.constant 0 : i32
      %dma_start3A_34 = tpu.memref_slice %arg2[%arg0, %dma_start3A_32, %dma_start3A_33] : memref<2x10240x64xf32, #tpu.memory_space<hbm>> -> memref<1x10240x64xf32, #tpu.memory_space<hbm>>
      %dma_start3A_35 = tpu.memref_squeeze %dma_start3A_34 : memref<1x10240x64xf32, #tpu.memory_space<hbm>> -> memref<10240x64xf32, #tpu.memory_space<hbm>>
      %dma_start3A_36 = arith.constant 0 : i32
      %dma_start3A_37 = tpu.memref_slice %dma_start3A_35[%mul3A_5, %dma_start3A_36] : memref<10240x64xf32, #tpu.memory_space<hbm>> -> memref<640x64xf32, #tpu.memory_space<hbm>>
      tpu.enqueue_dma source(%dma_start3A_37 : memref<640x64xf32, #tpu.memory_space<hbm>>) target(%dma_start3A_31 : memref<640x64xf32, #tpu.memory_space<vmem_shared>>) target_semaphore(%run_scoped3A : memref<!tpu.dma_semaphore, #tpu.memory_space<semaphore_mem>>)
      %dma_wait3A = arith.constant 0 : i32
      %dma_wait3A_38 = tpu.memref_slice %arg16[%mul3A_5, %dma_wait3A] : memref<10240x64xf32, #tpu.memory_space<vmem_shared>> -> memref<640x64xf32, #tpu.memory_space<vmem_shared>>
      %dma_wait3A_39 = arith.constant 0 : i32
      %dma_wait3A_40 = arith.constant 0 : i32
      %dma_wait3A_41 = tpu.memref_slice %arg2[%arg0, %dma_wait3A_39, %dma_wait3A_40] : memref<2x10240x64xf32, #tpu.memory_space<hbm>> -> memref<1x10240x64xf32, #tpu.memory_space<hbm>>
      %dma_wait3A_42 = tpu.memref_squeeze %dma_wait3A_41 : memref<1x10240x64xf32, #tpu.memory_space<hbm>> -> memref<10240x64xf32, #tpu.memory_space<hbm>>
      %dma_wait3A_43 = arith.constant 0 : i32
      %dma_wait3A_44 = tpu.memref_slice %dma_wait3A_42[%mul3A_5, %dma_wait3A_43] : memref<10240x64xf32, #tpu.memory_space<hbm>> -> memref<640x64xf32, #tpu.memory_space<hbm>>
      tpu.wait_dma2 semaphore(%run_scoped3A : memref<!tpu.dma_semaphore, #tpu.memory_space<semaphore_mem>>) src(%dma_wait3A_44 : memref<640x64xf32, #tpu.memory_space<hbm>>) dst(%dma_wait3A_38 : memref<640x64xf32, #tpu.memory_space<vmem_shared>>)
      tpu.yield
    }) : () -> ()
    %add3A = arith.constant 0 : i32
    %add3A_6 = arith.addi %mul3A_5, %add3A : i32
    "tpu.region"() ({
      %run_scoped3A = tpu.sem_alloc : memref<!tpu.dma_semaphore, #tpu.memory_space<semaphore_mem>>
      %dma_start3A = arith.constant 0 : i32
      %dma_start3A_31 = arith.constant 0 : i32
      %dma_start3A_32 = tpu.memref_slice %arg8[%dma_start3A, %dma_start3A_31] : memref<64x64xf32, #tpu.memory_space<vmem>> -> memref<64x64xf32, #tpu.memory_space<vmem>>
      %dma_start3A_33 = arith.constant 0 : i32
      %dma_start3A_34 = tpu.memref_slice %arg17[%add3A_6, %dma_start3A_33] : memref<10240x64xf32, #tpu.memory_space<vmem_shared>> -> memref<64x64xf32, #tpu.memory_space<vmem_shared>>
      %dma_start3A_35 = arith.constant 0 : i32
      %dma_start3A_36 = tpu.memref_slice %arg17[%add3A_6, %dma_start3A_35] : memref<10240x64xf32, #tpu.memory_space<vmem_shared>> -> memref<64x64xf32, #tpu.memory_space<vmem_shared>>
      %dma_start3A_37 = arith.constant 0 : i32
      %dma_start3A_38 = arith.constant 0 : i32
      %dma_start3A_39 = tpu.memref_slice %arg8[%dma_start3A_37, %dma_start3A_38] : memref<64x64xf32, #tpu.memory_space<vmem>> -> memref<64x64xf32, #tpu.memory_space<vmem>>
      tpu.enqueue_dma source(%dma_start3A_39 : memref<64x64xf32, #tpu.memory_space<vmem>>) target(%dma_start3A_36 : memref<64x64xf32, #tpu.memory_space<vmem_shared>>) target_semaphore(%run_scoped3A : memref<!tpu.dma_semaphore, #tpu.memory_space<semaphore_mem>>)
      %dma_wait3A = arith.constant 0 : i32
      %dma_wait3A_40 = arith.constant 0 : i32
      %dma_wait3A_41 = tpu.memref_slice %arg8[%dma_wait3A, %dma_wait3A_40] : memref<64x64xf32, #tpu.memory_space<vmem>> -> memref<64x64xf32, #tpu.memory_space<vmem>>
      %dma_wait3A_42 = arith.constant 0 : i32
      %dma_wait3A_43 = tpu.memref_slice %arg17[%add3A_6, %dma_wait3A_42] : memref<10240x64xf32, #tpu.memory_space<vmem_shared>> -> memref<64x64xf32, #tpu.memory_space<vmem_shared>>
      %dma_wait3A_44 = arith.constant 0 : i32
      %dma_wait3A_45 = tpu.memref_slice %arg17[%add3A_6, %dma_wait3A_44] : memref<10240x64xf32, #tpu.memory_space<vmem_shared>> -> memref<64x64xf32, #tpu.memory_space<vmem_shared>>
      %dma_wait3A_46 = arith.constant 0 : i32
      %dma_wait3A_47 = arith.constant 0 : i32
      %dma_wait3A_48 = tpu.memref_slice %arg8[%dma_wait3A_46, %dma_wait3A_47] : memref<64x64xf32, #tpu.memory_space<vmem>> -> memref<64x64xf32, #tpu.memory_space<vmem>>
      tpu.wait_dma2 semaphore(%run_scoped3A : memref<!tpu.dma_semaphore, #tpu.memory_space<semaphore_mem>>) src(%dma_wait3A_48 : memref<64x64xf32, #tpu.memory_space<vmem>>) dst(%dma_wait3A_45 : memref<64x64xf32, #tpu.memory_space<vmem_shared>>)
      tpu.yield
    }) : () -> ()
    %add3A_7 = arith.constant 64 : i32
    %add3A_8 = arith.addi %mul3A_5, %add3A_7 : i32
    "tpu.region"() ({
      %run_scoped3A = tpu.sem_alloc : memref<!tpu.dma_semaphore, #tpu.memory_space<semaphore_mem>>
      %dma_start3A = arith.constant 0 : i32
      %dma_start3A_31 = arith.constant 0 : i32
      %dma_start3A_32 = tpu.memref_slice %arg8[%dma_start3A, %dma_start3A_31] : memref<64x64xf32, #tpu.memory_space<vmem>> -> memref<64x64xf32, #tpu.memory_space<vmem>>
      %dma_start3A_33 = arith.constant 0 : i32
      %dma_start3A_34 = tpu.memref_slice %arg17[%add3A_8, %dma_start3A_33] : memref<10240x64xf32, #tpu.memory_space<vmem_shared>> -> memref<64x64xf32, #tpu.memory_space<vmem_shared>>
      %dma_start3A_35 = arith.constant 0 : i32
      %dma_start3A_36 = tpu.memref_slice %arg17[%add3A_8, %dma_start3A_35] : memref<10240x64xf32, #tpu.memory_space<vmem_shared>> -> memref<64x64xf32, #tpu.memory_space<vmem_shared>>
      %dma_start3A_37 = arith.constant 0 : i32
      %dma_start3A_38 = arith.constant 0 : i32
      %dma_start3A_39 = tpu.memref_slice %arg8[%dma_start3A_37, %dma_start3A_38] : memref<64x64xf32, #tpu.memory_space<vmem>> -> memref<64x64xf32, #tpu.memory_space<vmem>>
      tpu.enqueue_dma source(%dma_start3A_39 : memref<64x64xf32, #tpu.memory_space<vmem>>) target(%dma_start3A_36 : memref<64x64xf32, #tpu.memory_space<vmem_shared>>) target_semaphore(%run_scoped3A : memref<!tpu.dma_semaphore, #tpu.memory_space<semaphore_mem>>)
      %dma_wait3A = arith.constant 0 : i32
      %dma_wait3A_40 = arith.constant 0 : i32
      %dma_wait3A_41 = tpu.memref_slice %arg8[%dma_wait3A, %dma_wait3A_40] : memref<64x64xf32, #tpu.memory_space<vmem>> -> memref<64x64xf32, #tpu.memory_space<vmem>>
      %dma_wait3A_42 = arith.constant 0 : i32
      %dma_wait3A_43 = tpu.memref_slice %arg17[%add3A_8, %dma_wait3A_42] : memref<10240x64xf32, #tpu.memory_space<vmem_shared>> -> memref<64x64xf32, #tpu.memory_space<vmem_shared>>
      %dma_wait3A_44 = arith.constant 0 : i32
      %dma_wait3A_45 = tpu.memref_slice %arg17[%add3A_8, %dma_wait3A_44] : memref<10240x64xf32, #tpu.memory_space<vmem_shared>> -> memref<64x64xf32, #tpu.memory_space<vmem_shared>>
      %dma_wait3A_46 = arith.constant 0 : i32
      %dma_wait3A_47 = arith.constant 0 : i32
      %dma_wait3A_48 = tpu.memref_slice %arg8[%dma_wait3A_46, %dma_wait3A_47] : memref<64x64xf32, #tpu.memory_space<vmem>> -> memref<64x64xf32, #tpu.memory_space<vmem>>
      tpu.wait_dma2 semaphore(%run_scoped3A : memref<!tpu.dma_semaphore, #tpu.memory_space<semaphore_mem>>) src(%dma_wait3A_48 : memref<64x64xf32, #tpu.memory_space<vmem>>) dst(%dma_wait3A_45 : memref<64x64xf32, #tpu.memory_space<vmem_shared>>)
      tpu.yield
    }) : () -> ()
    %add3A_9 = arith.constant 128 : i32
    %add3A_10 = arith.addi %mul3A_5, %add3A_9 : i32
    "tpu.region"() ({
      %run_scoped3A = tpu.sem_alloc : memref<!tpu.dma_semaphore, #tpu.memory_space<semaphore_mem>>
      %dma_start3A = arith.constant 0 : i32
      %dma_start3A_31 = arith.constant 0 : i32
      %dma_start3A_32 = tpu.memref_slice %arg8[%dma_start3A, %dma_start3A_31] : memref<64x64xf32, #tpu.memory_space<vmem>> -> memref<64x64xf32, #tpu.memory_space<vmem>>
      %dma_start3A_33 = arith.constant 0 : i32
      %dma_start3A_34 = tpu.memref_slice %arg17[%add3A_10, %dma_start3A_33] : memref<10240x64xf32, #tpu.memory_space<vmem_shared>> -> memref<64x64xf32, #tpu.memory_space<vmem_shared>>
      %dma_start3A_35 = arith.constant 0 : i32
      %dma_start3A_36 = tpu.memref_slice %arg17[%add3A_10, %dma_start3A_35] : memref<10240x64xf32, #tpu.memory_space<vmem_shared>> -> memref<64x64xf32, #tpu.memory_space<vmem_shared>>
      %dma_start3A_37 = arith.constant 0 : i32
      %dma_start3A_38 = arith.constant 0 : i32
      %dma_start3A_39 = tpu.memref_slice %arg8[%dma_start3A_37, %dma_start3A_38] : memref<64x64xf32, #tpu.memory_space<vmem>> -> memref<64x64xf32, #tpu.memory_space<vmem>>
      tpu.enqueue_dma source(%dma_start3A_39 : memref<64x64xf32, #tpu.memory_space<vmem>>) target(%dma_start3A_36 : memref<64x64xf32, #tpu.memory_space<vmem_shared>>) target_semaphore(%run_scoped3A : memref<!tpu.dma_semaphore, #tpu.memory_space<semaphore_mem>>)
      %dma_wait3A = arith.constant 0 : i32
      %dma_wait3A_40 = arith.constant 0 : i32
      %dma_wait3A_41 = tpu.memref_slice %arg8[%dma_wait3A, %dma_wait3A_40] : memref<64x64xf32, #tpu.memory_space<vmem>> -> memref<64x64xf32, #tpu.memory_space<vmem>>
      %dma_wait3A_42 = arith.constant 0 : i32
      %dma_wait3A_43 = tpu.memref_slice %arg17[%add3A_10, %dma_wait3A_42] : memref<10240x64xf32, #tpu.memory_space<vmem_shared>> -> memref<64x64xf32, #tpu.memory_space<vmem_shared>>
      %dma_wait3A_44 = arith.constant 0 : i32
      %dma_wait3A_45 = tpu.memref_slice %arg17[%add3A_10, %dma_wait3A_44] : memref<10240x64xf32, #tpu.memory_space<vmem_shared>> -> memref<64x64xf32, #tpu.memory_space<vmem_shared>>
      %dma_wait3A_46 = arith.constant 0 : i32
      %dma_wait3A_47 = arith.constant 0 : i32
      %dma_wait3A_48 = tpu.memref_slice %arg8[%dma_wait3A_46, %dma_wait3A_47] : memref<64x64xf32, #tpu.memory_space<vmem>> -> memref<64x64xf32, #tpu.memory_space<vmem>>
      tpu.wait_dma2 semaphore(%run_scoped3A : memref<!tpu.dma_semaphore, #tpu.memory_space<semaphore_mem>>) src(%dma_wait3A_48 : memref<64x64xf32, #tpu.memory_space<vmem>>) dst(%dma_wait3A_45 : memref<64x64xf32, #tpu.memory_space<vmem_shared>>)
      tpu.yield
    }) : () -> ()
    %add3A_11 = arith.constant 192 : i32
    %add3A_12 = arith.addi %mul3A_5, %add3A_11 : i32
    "tpu.region"() ({
      %run_scoped3A = tpu.sem_alloc : memref<!tpu.dma_semaphore, #tpu.memory_space<semaphore_mem>>
      %dma_start3A = arith.constant 0 : i32
      %dma_start3A_31 = arith.constant 0 : i32
      %dma_start3A_32 = tpu.memref_slice %arg8[%dma_start3A, %dma_start3A_31] : memref<64x64xf32, #tpu.memory_space<vmem>> -> memref<64x64xf32, #tpu.memory_space<vmem>>
      %dma_start3A_33 = arith.constant 0 : i32
      %dma_start3A_34 = tpu.memref_slice %arg17[%add3A_12, %dma_start3A_33] : memref<10240x64xf32, #tpu.memory_space<vmem_shared>> -> memref<64x64xf32, #tpu.memory_space<vmem_shared>>
      %dma_start3A_35 = arith.constant 0 : i32
      %dma_start3A_36 = tpu.memref_slice %arg17[%add3A_12, %dma_start3A_35] : memref<10240x64xf32, #tpu.memory_space<vmem_shared>> -> memref<64x64xf32, #tpu.memory_space<vmem_shared>>
      %dma_start3A_37 = arith.constant 0 : i32
      %dma_start3A_38 = arith.constant 0 : i32
      %dma_start3A_39 = tpu.memref_slice %arg8[%dma_start3A_37, %dma_start3A_38] : memref<64x64xf32, #tpu.memory_space<vmem>> -> memref<64x64xf32, #tpu.memory_space<vmem>>
      tpu.enqueue_dma source(%dma_start3A_39 : memref<64x64xf32, #tpu.memory_space<vmem>>) target(%dma_start3A_36 : memref<64x64xf32, #tpu.memory_space<vmem_shared>>) target_semaphore(%run_scoped3A : memref<!tpu.dma_semaphore, #tpu.memory_space<semaphore_mem>>)
      %dma_wait3A = arith.constant 0 : i32
      %dma_wait3A_40 = arith.constant 0 : i32
      %dma_wait3A_41 = tpu.memref_slice %arg8[%dma_wait3A, %dma_wait3A_40] : memref<64x64xf32, #tpu.memory_space<vmem>> -> memref<64x64xf32, #tpu.memory_space<vmem>>
      %dma_wait3A_42 = arith.constant 0 : i32
      %dma_wait3A_43 = tpu.memref_slice %arg17[%add3A_12, %dma_wait3A_42] : memref<10240x64xf32, #tpu.memory_space<vmem_shared>> -> memref<64x64xf32, #tpu.memory_space<vmem_shared>>
      %dma_wait3A_44 = arith.constant 0 : i32
      %dma_wait3A_45 = tpu.memref_slice %arg17[%add3A_12, %dma_wait3A_44] : memref<10240x64xf32, #tpu.memory_space<vmem_shared>> -> memref<64x64xf32, #tpu.memory_space<vmem_shared>>
      %dma_wait3A_46 = arith.constant 0 : i32
      %dma_wait3A_47 = arith.constant 0 : i32
      %dma_wait3A_48 = tpu.memref_slice %arg8[%dma_wait3A_46, %dma_wait3A_47] : memref<64x64xf32, #tpu.memory_space<vmem>> -> memref<64x64xf32, #tpu.memory_space<vmem>>
      tpu.wait_dma2 semaphore(%run_scoped3A : memref<!tpu.dma_semaphore, #tpu.memory_space<semaphore_mem>>) src(%dma_wait3A_48 : memref<64x64xf32, #tpu.memory_space<vmem>>) dst(%dma_wait3A_45 : memref<64x64xf32, #tpu.memory_space<vmem_shared>>)
      tpu.yield
    }) : () -> ()
    %add3A_13 = arith.constant 256 : i32
    %add3A_14 = arith.addi %mul3A_5, %add3A_13 : i32
    "tpu.region"() ({
      %run_scoped3A = tpu.sem_alloc : memref<!tpu.dma_semaphore, #tpu.memory_space<semaphore_mem>>
      %dma_start3A = arith.constant 0 : i32
      %dma_start3A_31 = arith.constant 0 : i32
      %dma_start3A_32 = tpu.memref_slice %arg8[%dma_start3A, %dma_start3A_31] : memref<64x64xf32, #tpu.memory_space<vmem>> -> memref<64x64xf32, #tpu.memory_space<vmem>>
      %dma_start3A_33 = arith.constant 0 : i32
      %dma_start3A_34 = tpu.memref_slice %arg17[%add3A_14, %dma_start3A_33] : memref<10240x64xf32, #tpu.memory_space<vmem_shared>> -> memref<64x64xf32, #tpu.memory_space<vmem_shared>>
      %dma_start3A_35 = arith.constant 0 : i32
      %dma_start3A_36 = tpu.memref_slice %arg17[%add3A_14, %dma_start3A_35] : memref<10240x64xf32, #tpu.memory_space<vmem_shared>> -> memref<64x64xf32, #tpu.memory_space<vmem_shared>>
      %dma_start3A_37 = arith.constant 0 : i32
      %dma_start3A_38 = arith.constant 0 : i32
      %dma_start3A_39 = tpu.memref_slice %arg8[%dma_start3A_37, %dma_start3A_38] : memref<64x64xf32, #tpu.memory_space<vmem>> -> memref<64x64xf32, #tpu.memory_space<vmem>>
      tpu.enqueue_dma source(%dma_start3A_39 : memref<64x64xf32, #tpu.memory_space<vmem>>) target(%dma_start3A_36 : memref<64x64xf32, #tpu.memory_space<vmem_shared>>) target_semaphore(%run_scoped3A : memref<!tpu.dma_semaphore, #tpu.memory_space<semaphore_mem>>)
      %dma_wait3A = arith.constant 0 : i32
      %dma_wait3A_40 = arith.constant 0 : i32
      %dma_wait3A_41 = tpu.memref_slice %arg8[%dma_wait3A, %dma_wait3A_40] : memref<64x64xf32, #tpu.memory_space<vmem>> -> memref<64x64xf32, #tpu.memory_space<vmem>>
      %dma_wait3A_42 = arith.constant 0 : i32
      %dma_wait3A_43 = tpu.memref_slice %arg17[%add3A_14, %dma_wait3A_42] : memref<10240x64xf32, #tpu.memory_space<vmem_shared>> -> memref<64x64xf32, #tpu.memory_space<vmem_shared>>
      %dma_wait3A_44 = arith.constant 0 : i32
      %dma_wait3A_45 = tpu.memref_slice %arg17[%add3A_14, %dma_wait3A_44] : memref<10240x64xf32, #tpu.memory_space<vmem_shared>> -> memref<64x64xf32, #tpu.memory_space<vmem_shared>>
      %dma_wait3A_46 = arith.constant 0 : i32
      %dma_wait3A_47 = arith.constant 0 : i32
      %dma_wait3A_48 = tpu.memref_slice %arg8[%dma_wait3A_46, %dma_wait3A_47] : memref<64x64xf32, #tpu.memory_space<vmem>> -> memref<64x64xf32, #tpu.memory_space<vmem>>
      tpu.wait_dma2 semaphore(%run_scoped3A : memref<!tpu.dma_semaphore, #tpu.memory_space<semaphore_mem>>) src(%dma_wait3A_48 : memref<64x64xf32, #tpu.memory_space<vmem>>) dst(%dma_wait3A_45 : memref<64x64xf32, #tpu.memory_space<vmem_shared>>)
      tpu.yield
    }) : () -> ()
    %add3A_15 = arith.constant 320 : i32
    %add3A_16 = arith.addi %mul3A_5, %add3A_15 : i32
    "tpu.region"() ({
      %run_scoped3A = tpu.sem_alloc : memref<!tpu.dma_semaphore, #tpu.memory_space<semaphore_mem>>
      %dma_start3A = arith.constant 0 : i32
      %dma_start3A_31 = arith.constant 0 : i32
      %dma_start3A_32 = tpu.memref_slice %arg8[%dma_start3A, %dma_start3A_31] : memref<64x64xf32, #tpu.memory_space<vmem>> -> memref<64x64xf32, #tpu.memory_space<vmem>>
      %dma_start3A_33 = arith.constant 0 : i32
      %dma_start3A_34 = tpu.memref_slice %arg17[%add3A_16, %dma_start3A_33] : memref<10240x64xf32, #tpu.memory_space<vmem_shared>> -> memref<64x64xf32, #tpu.memory_space<vmem_shared>>
      %dma_start3A_35 = arith.constant 0 : i32
      %dma_start3A_36 = tpu.memref_slice %arg17[%add3A_16, %dma_start3A_35] : memref<10240x64xf32, #tpu.memory_space<vmem_shared>> -> memref<64x64xf32, #tpu.memory_space<vmem_shared>>
      %dma_start3A_37 = arith.constant 0 : i32
      %dma_start3A_38 = arith.constant 0 : i32
      %dma_start3A_39 = tpu.memref_slice %arg8[%dma_start3A_37, %dma_start3A_38] : memref<64x64xf32, #tpu.memory_space<vmem>> -> memref<64x64xf32, #tpu.memory_space<vmem>>
      tpu.enqueue_dma source(%dma_start3A_39 : memref<64x64xf32, #tpu.memory_space<vmem>>) target(%dma_start3A_36 : memref<64x64xf32, #tpu.memory_space<vmem_shared>>) target_semaphore(%run_scoped3A : memref<!tpu.dma_semaphore, #tpu.memory_space<semaphore_mem>>)
      %dma_wait3A = arith.constant 0 : i32
      %dma_wait3A_40 = arith.constant 0 : i32
      %dma_wait3A_41 = tpu.memref_slice %arg8[%dma_wait3A, %dma_wait3A_40] : memref<64x64xf32, #tpu.memory_space<vmem>> -> memref<64x64xf32, #tpu.memory_space<vmem>>
      %dma_wait3A_42 = arith.constant 0 : i32
      %dma_wait3A_43 = tpu.memref_slice %arg17[%add3A_16, %dma_wait3A_42] : memref<10240x64xf32, #tpu.memory_space<vmem_shared>> -> memref<64x64xf32, #tpu.memory_space<vmem_shared>>
      %dma_wait3A_44 = arith.constant 0 : i32
      %dma_wait3A_45 = tpu.memref_slice %arg17[%add3A_16, %dma_wait3A_44] : memref<10240x64xf32, #tpu.memory_space<vmem_shared>> -> memref<64x64xf32, #tpu.memory_space<vmem_shared>>
      %dma_wait3A_46 = arith.constant 0 : i32
      %dma_wait3A_47 = arith.constant 0 : i32
      %dma_wait3A_48 = tpu.memref_slice %arg8[%dma_wait3A_46, %dma_wait3A_47] : memref<64x64xf32, #tpu.memory_space<vmem>> -> memref<64x64xf32, #tpu.memory_space<vmem>>
      tpu.wait_dma2 semaphore(%run_scoped3A : memref<!tpu.dma_semaphore, #tpu.memory_space<semaphore_mem>>) src(%dma_wait3A_48 : memref<64x64xf32, #tpu.memory_space<vmem>>) dst(%dma_wait3A_45 : memref<64x64xf32, #tpu.memory_space<vmem_shared>>)
      tpu.yield
    }) : () -> ()
    %add3A_17 = arith.constant 384 : i32
    %add3A_18 = arith.addi %mul3A_5, %add3A_17 : i32
    "tpu.region"() ({
      %run_scoped3A = tpu.sem_alloc : memref<!tpu.dma_semaphore, #tpu.memory_space<semaphore_mem>>
      %dma_start3A = arith.constant 0 : i32
      %dma_start3A_31 = arith.constant 0 : i32
      %dma_start3A_32 = tpu.memref_slice %arg8[%dma_start3A, %dma_start3A_31] : memref<64x64xf32, #tpu.memory_space<vmem>> -> memref<64x64xf32, #tpu.memory_space<vmem>>
      %dma_start3A_33 = arith.constant 0 : i32
      %dma_start3A_34 = tpu.memref_slice %arg17[%add3A_18, %dma_start3A_33] : memref<10240x64xf32, #tpu.memory_space<vmem_shared>> -> memref<64x64xf32, #tpu.memory_space<vmem_shared>>
      %dma_start3A_35 = arith.constant 0 : i32
      %dma_start3A_36 = tpu.memref_slice %arg17[%add3A_18, %dma_start3A_35] : memref<10240x64xf32, #tpu.memory_space<vmem_shared>> -> memref<64x64xf32, #tpu.memory_space<vmem_shared>>
      %dma_start3A_37 = arith.constant 0 : i32
      %dma_start3A_38 = arith.constant 0 : i32
      %dma_start3A_39 = tpu.memref_slice %arg8[%dma_start3A_37, %dma_start3A_38] : memref<64x64xf32, #tpu.memory_space<vmem>> -> memref<64x64xf32, #tpu.memory_space<vmem>>
      tpu.enqueue_dma source(%dma_start3A_39 : memref<64x64xf32, #tpu.memory_space<vmem>>) target(%dma_start3A_36 : memref<64x64xf32, #tpu.memory_space<vmem_shared>>) target_semaphore(%run_scoped3A : memref<!tpu.dma_semaphore, #tpu.memory_space<semaphore_mem>>)
      %dma_wait3A = arith.constant 0 : i32
      %dma_wait3A_40 = arith.constant 0 : i32
      %dma_wait3A_41 = tpu.memref_slice %arg8[%dma_wait3A, %dma_wait3A_40] : memref<64x64xf32, #tpu.memory_space<vmem>> -> memref<64x64xf32, #tpu.memory_space<vmem>>
      %dma_wait3A_42 = arith.constant 0 : i32
      %dma_wait3A_43 = tpu.memref_slice %arg17[%add3A_18, %dma_wait3A_42] : memref<10240x64xf32, #tpu.memory_space<vmem_shared>> -> memref<64x64xf32, #tpu.memory_space<vmem_shared>>
      %dma_wait3A_44 = arith.constant 0 : i32
      %dma_wait3A_45 = tpu.memref_slice %arg17[%add3A_18, %dma_wait3A_44] : memref<10240x64xf32, #tpu.memory_space<vmem_shared>> -> memref<64x64xf32, #tpu.memory_space<vmem_shared>>
      %dma_wait3A_46 = arith.constant 0 : i32
      %dma_wait3A_47 = arith.constant 0 : i32
      %dma_wait3A_48 = tpu.memref_slice %arg8[%dma_wait3A_46, %dma_wait3A_47] : memref<64x64xf32, #tpu.memory_space<vmem>> -> memref<64x64xf32, #tpu.memory_space<vmem>>
      tpu.wait_dma2 semaphore(%run_scoped3A : memref<!tpu.dma_semaphore, #tpu.memory_space<semaphore_mem>>) src(%dma_wait3A_48 : memref<64x64xf32, #tpu.memory_space<vmem>>) dst(%dma_wait3A_45 : memref<64x64xf32, #tpu.memory_space<vmem_shared>>)
      tpu.yield
    }) : () -> ()
    %add3A_19 = arith.constant 448 : i32
    %add3A_20 = arith.addi %mul3A_5, %add3A_19 : i32
    "tpu.region"() ({
      %run_scoped3A = tpu.sem_alloc : memref<!tpu.dma_semaphore, #tpu.memory_space<semaphore_mem>>
      %dma_start3A = arith.constant 0 : i32
      %dma_start3A_31 = arith.constant 0 : i32
      %dma_start3A_32 = tpu.memref_slice %arg8[%dma_start3A, %dma_start3A_31] : memref<64x64xf32, #tpu.memory_space<vmem>> -> memref<64x64xf32, #tpu.memory_space<vmem>>
      %dma_start3A_33 = arith.constant 0 : i32
      %dma_start3A_34 = tpu.memref_slice %arg17[%add3A_20, %dma_start3A_33] : memref<10240x64xf32, #tpu.memory_space<vmem_shared>> -> memref<64x64xf32, #tpu.memory_space<vmem_shared>>
      %dma_start3A_35 = arith.constant 0 : i32
      %dma_start3A_36 = tpu.memref_slice %arg17[%add3A_20, %dma_start3A_35] : memref<10240x64xf32, #tpu.memory_space<vmem_shared>> -> memref<64x64xf32, #tpu.memory_space<vmem_shared>>
      %dma_start3A_37 = arith.constant 0 : i32
      %dma_start3A_38 = arith.constant 0 : i32
      %dma_start3A_39 = tpu.memref_slice %arg8[%dma_start3A_37, %dma_start3A_38] : memref<64x64xf32, #tpu.memory_space<vmem>> -> memref<64x64xf32, #tpu.memory_space<vmem>>
      tpu.enqueue_dma source(%dma_start3A_39 : memref<64x64xf32, #tpu.memory_space<vmem>>) target(%dma_start3A_36 : memref<64x64xf32, #tpu.memory_space<vmem_shared>>) target_semaphore(%run_scoped3A : memref<!tpu.dma_semaphore, #tpu.memory_space<semaphore_mem>>)
      %dma_wait3A = arith.constant 0 : i32
      %dma_wait3A_40 = arith.constant 0 : i32
      %dma_wait3A_41 = tpu.memref_slice %arg8[%dma_wait3A, %dma_wait3A_40] : memref<64x64xf32, #tpu.memory_space<vmem>> -> memref<64x64xf32, #tpu.memory_space<vmem>>
      %dma_wait3A_42 = arith.constant 0 : i32
      %dma_wait3A_43 = tpu.memref_slice %arg17[%add3A_20, %dma_wait3A_42] : memref<10240x64xf32, #tpu.memory_space<vmem_shared>> -> memref<64x64xf32, #tpu.memory_space<vmem_shared>>
      %dma_wait3A_44 = arith.constant 0 : i32
      %dma_wait3A_45 = tpu.memref_slice %arg17[%add3A_20, %dma_wait3A_44] : memref<10240x64xf32, #tpu.memory_space<vmem_shared>> -> memref<64x64xf32, #tpu.memory_space<vmem_shared>>
      %dma_wait3A_46 = arith.constant 0 : i32
      %dma_wait3A_47 = arith.constant 0 : i32
      %dma_wait3A_48 = tpu.memref_slice %arg8[%dma_wait3A_46, %dma_wait3A_47] : memref<64x64xf32, #tpu.memory_space<vmem>> -> memref<64x64xf32, #tpu.memory_space<vmem>>
      tpu.wait_dma2 semaphore(%run_scoped3A : memref<!tpu.dma_semaphore, #tpu.memory_space<semaphore_mem>>) src(%dma_wait3A_48 : memref<64x64xf32, #tpu.memory_space<vmem>>) dst(%dma_wait3A_45 : memref<64x64xf32, #tpu.memory_space<vmem_shared>>)
      tpu.yield
    }) : () -> ()
    %add3A_21 = arith.constant 512 : i32
    %add3A_22 = arith.addi %mul3A_5, %add3A_21 : i32
    "tpu.region"() ({
      %run_scoped3A = tpu.sem_alloc : memref<!tpu.dma_semaphore, #tpu.memory_space<semaphore_mem>>
      %dma_start3A = arith.constant 0 : i32
      %dma_start3A_31 = arith.constant 0 : i32
      %dma_start3A_32 = tpu.memref_slice %arg8[%dma_start3A, %dma_start3A_31] : memref<64x64xf32, #tpu.memory_space<vmem>> -> memref<64x64xf32, #tpu.memory_space<vmem>>
      %dma_start3A_33 = arith.constant 0 : i32
      %dma_start3A_34 = tpu.memref_slice %arg17[%add3A_22, %dma_start3A_33] : memref<10240x64xf32, #tpu.memory_space<vmem_shared>> -> memref<64x64xf32, #tpu.memory_space<vmem_shared>>
      %dma_start3A_35 = arith.constant 0 : i32
      %dma_start3A_36 = tpu.memref_slice %arg17[%add3A_22, %dma_start3A_35] : memref<10240x64xf32, #tpu.memory_space<vmem_shared>> -> memref<64x64xf32, #tpu.memory_space<vmem_shared>>
      %dma_start3A_37 = arith.constant 0 : i32
      %dma_start3A_38 = arith.constant 0 : i32
      %dma_start3A_39 = tpu.memref_slice %arg8[%dma_start3A_37, %dma_start3A_38] : memref<64x64xf32, #tpu.memory_space<vmem>> -> memref<64x64xf32, #tpu.memory_space<vmem>>
      tpu.enqueue_dma source(%dma_start3A_39 : memref<64x64xf32, #tpu.memory_space<vmem>>) target(%dma_start3A_36 : memref<64x64xf32, #tpu.memory_space<vmem_shared>>) target_semaphore(%run_scoped3A : memref<!tpu.dma_semaphore, #tpu.memory_space<semaphore_mem>>)
      %dma_wait3A = arith.constant 0 : i32
      %dma_wait3A_40 = arith.constant 0 : i32
      %dma_wait3A_41 = tpu.memref_slice %arg8[%dma_wait3A, %dma_wait3A_40] : memref<64x64xf32, #tpu.memory_space<vmem>> -> memref<64x64xf32, #tpu.memory_space<vmem>>
      %dma_wait3A_42 = arith.constant 0 : i32
      %dma_wait3A_43 = tpu.memref_slice %arg17[%add3A_22, %dma_wait3A_42] : memref<10240x64xf32, #tpu.memory_space<vmem_shared>> -> memref<64x64xf32, #tpu.memory_space<vmem_shared>>
      %dma_wait3A_44 = arith.constant 0 : i32
      %dma_wait3A_45 = tpu.memref_slice %arg17[%add3A_22, %dma_wait3A_44] : memref<10240x64xf32, #tpu.memory_space<vmem_shared>> -> memref<64x64xf32, #tpu.memory_space<vmem_shared>>
      %dma_wait3A_46 = arith.constant 0 : i32
      %dma_wait3A_47 = arith.constant 0 : i32
      %dma_wait3A_48 = tpu.memref_slice %arg8[%dma_wait3A_46, %dma_wait3A_47] : memref<64x64xf32, #tpu.memory_space<vmem>> -> memref<64x64xf32, #tpu.memory_space<vmem>>
      tpu.wait_dma2 semaphore(%run_scoped3A : memref<!tpu.dma_semaphore, #tpu.memory_space<semaphore_mem>>) src(%dma_wait3A_48 : memref<64x64xf32, #tpu.memory_space<vmem>>) dst(%dma_wait3A_45 : memref<64x64xf32, #tpu.memory_space<vmem_shared>>)
      tpu.yield
    }) : () -> ()
    %add3A_23 = arith.constant 576 : i32
    %add3A_24 = arith.addi %mul3A_5, %add3A_23 : i32
    "tpu.region"() ({
      %run_scoped3A = tpu.sem_alloc : memref<!tpu.dma_semaphore, #tpu.memory_space<semaphore_mem>>
      %dma_start3A = arith.constant 0 : i32
      %dma_start3A_31 = arith.constant 0 : i32
      %dma_start3A_32 = tpu.memref_slice %arg8[%dma_start3A, %dma_start3A_31] : memref<64x64xf32, #tpu.memory_space<vmem>> -> memref<64x64xf32, #tpu.memory_space<vmem>>
      %dma_start3A_33 = arith.constant 0 : i32
      %dma_start3A_34 = tpu.memref_slice %arg17[%add3A_24, %dma_start3A_33] : memref<10240x64xf32, #tpu.memory_space<vmem_shared>> -> memref<64x64xf32, #tpu.memory_space<vmem_shared>>
      %dma_start3A_35 = arith.constant 0 : i32
      %dma_start3A_36 = tpu.memref_slice %arg17[%add3A_24, %dma_start3A_35] : memref<10240x64xf32, #tpu.memory_space<vmem_shared>> -> memref<64x64xf32, #tpu.memory_space<vmem_shared>>
      %dma_start3A_37 = arith.constant 0 : i32
      %dma_start3A_38 = arith.constant 0 : i32
      %dma_start3A_39 = tpu.memref_slice %arg8[%dma_start3A_37, %dma_start3A_38] : memref<64x64xf32, #tpu.memory_space<vmem>> -> memref<64x64xf32, #tpu.memory_space<vmem>>
      tpu.enqueue_dma source(%dma_start3A_39 : memref<64x64xf32, #tpu.memory_space<vmem>>) target(%dma_start3A_36 : memref<64x64xf32, #tpu.memory_space<vmem_shared>>) target_semaphore(%run_scoped3A : memref<!tpu.dma_semaphore, #tpu.memory_space<semaphore_mem>>)
      %dma_wait3A = arith.constant 0 : i32
      %dma_wait3A_40 = arith.constant 0 : i32
      %dma_wait3A_41 = tpu.memref_slice %arg8[%dma_wait3A, %dma_wait3A_40] : memref<64x64xf32, #tpu.memory_space<vmem>> -> memref<64x64xf32, #tpu.memory_space<vmem>>
      %dma_wait3A_42 = arith.constant 0 : i32
      %dma_wait3A_43 = tpu.memref_slice %arg17[%add3A_24, %dma_wait3A_42] : memref<10240x64xf32, #tpu.memory_space<vmem_shared>> -> memref<64x64xf32, #tpu.memory_space<vmem_shared>>
      %dma_wait3A_44 = arith.constant 0 : i32
      %dma_wait3A_45 = tpu.memref_slice %arg17[%add3A_24, %dma_wait3A_44] : memref<10240x64xf32, #tpu.memory_space<vmem_shared>> -> memref<64x64xf32, #tpu.memory_space<vmem_shared>>
      %dma_wait3A_46 = arith.constant 0 : i32
      %dma_wait3A_47 = arith.constant 0 : i32
      %dma_wait3A_48 = tpu.memref_slice %arg8[%dma_wait3A_46, %dma_wait3A_47] : memref<64x64xf32, #tpu.memory_space<vmem>> -> memref<64x64xf32, #tpu.memory_space<vmem>>
      tpu.wait_dma2 semaphore(%run_scoped3A : memref<!tpu.dma_semaphore, #tpu.memory_space<semaphore_mem>>) src(%dma_wait3A_48 : memref<64x64xf32, #tpu.memory_space<vmem>>) dst(%dma_wait3A_45 : memref<64x64xf32, #tpu.memory_space<vmem_shared>>)
      tpu.yield
    }) : () -> ()
    %barrier3A = arith.constant 0 : index
    tpu.barrier barrier_id(%barrier3A)
    %scan3A_25 = arith.constant 0 : i32
    %scan3A_26 = arith.constant 10 : i32
    %scan3A_27 = arith.addi %scan3A_25, %scan3A_26 : i32
    %scan3A_28 = arith.constant 1 : i32
    scf.for %scan3A_31 = %scan3A_25 to %scan3A_27 step %scan3A_28  : i32 {
      %mul3A_32 = arith.constant 1 : i32
      %mul3A_33 = arith.muli %scan3A_31, %mul3A_32 : i32
      %add3A_34 = arith.constant 0 : i32
      %add3A_35 = arith.addi %add3A_34, %mul3A_33 : i32
      %mul3A_36 = arith.constant 32 : i32
      %mul3A_37 = arith.muli %add3A_35, %mul3A_36 : i32
      "tpu.region"() ({
        %run_scoped3A = tpu.sem_alloc : memref<!tpu.dma_semaphore, #tpu.memory_space<semaphore_mem>>
        %dma_start3A_153 = arith.constant 0 : i32
        %dma_start3A_154 = arith.constant 0 : i32
        %dma_start3A_155 = tpu.memref_slice %arg3[%arg1, %dma_start3A_153, %dma_start3A_154] : memref<16x320x64xi32, #tpu.memory_space<hbm>> -> memref<1x320x64xi32, #tpu.memory_space<hbm>>
        %dma_start3A_156 = tpu.memref_squeeze %dma_start3A_155 : memref<1x320x64xi32, #tpu.memory_space<hbm>> -> memref<320x64xi32, #tpu.memory_space<hbm>>
        %dma_start3A_157 = arith.constant 0 : i32
        %dma_start3A_158 = tpu.memref_slice %dma_start3A_156[%mul3A_37, %dma_start3A_157] : memref<320x64xi32, #tpu.memory_space<hbm>> -> memref<32x64xi32, #tpu.memory_space<hbm>>
        %dma_start3A_159 = arith.constant 0 : i32
        %dma_start3A_160 = arith.constant 0 : i32
        %dma_start3A_161 = tpu.memref_slice %arg3[%arg1, %dma_start3A_159, %dma_start3A_160] : memref<16x320x64xi32, #tpu.memory_space<hbm>> -> memref<1x320x64xi32, #tpu.memory_space<hbm>>
        %dma_start3A_162 = tpu.memref_squeeze %dma_start3A_161 : memref<1x320x64xi32, #tpu.memory_space<hbm>> -> memref<320x64xi32, #tpu.memory_space<hbm>>
        %dma_start3A_163 = arith.constant 0 : i32
        %dma_start3A_164 = tpu.memref_slice %dma_start3A_162[%mul3A_37, %dma_start3A_163] : memref<320x64xi32, #tpu.memory_space<hbm>> -> memref<32x64xi32, #tpu.memory_space<hbm>>
        tpu.enqueue_dma source(%dma_start3A_164 : memref<32x64xi32, #tpu.memory_space<hbm>>) target(%arg6 : memref<32x64xi32, #tpu.memory_space<vmem>>) target_semaphore(%run_scoped3A : memref<!tpu.dma_semaphore, #tpu.memory_space<semaphore_mem>>)
        %dma_wait3A_165 = arith.constant 0 : i32
        %dma_wait3A_166 = arith.constant 0 : i32
        %dma_wait3A_167 = tpu.memref_slice %arg3[%arg1, %dma_wait3A_165, %dma_wait3A_166] : memref<16x320x64xi32, #tpu.memory_space<hbm>> -> memref<1x320x64xi32, #tpu.memory_space<hbm>>
        %dma_wait3A_168 = tpu.memref_squeeze %dma_wait3A_167 : memref<1x320x64xi32, #tpu.memory_space<hbm>> -> memref<320x64xi32, #tpu.memory_space<hbm>>
        %dma_wait3A_169 = arith.constant 0 : i32
        %dma_wait3A_170 = tpu.memref_slice %dma_wait3A_168[%mul3A_37, %dma_wait3A_169] : memref<320x64xi32, #tpu.memory_space<hbm>> -> memref<32x64xi32, #tpu.memory_space<hbm>>
        %dma_wait3A_171 = arith.constant 0 : i32
        %dma_wait3A_172 = arith.constant 0 : i32
        %dma_wait3A_173 = tpu.memref_slice %arg3[%arg1, %dma_wait3A_171, %dma_wait3A_172] : memref<16x320x64xi32, #tpu.memory_space<hbm>> -> memref<1x320x64xi32, #tpu.memory_space<hbm>>
        %dma_wait3A_174 = tpu.memref_squeeze %dma_wait3A_173 : memref<1x320x64xi32, #tpu.memory_space<hbm>> -> memref<320x64xi32, #tpu.memory_space<hbm>>
        %dma_wait3A_175 = arith.constant 0 : i32
        %dma_wait3A_176 = tpu.memref_slice %dma_wait3A_174[%mul3A_37, %dma_wait3A_175] : memref<320x64xi32, #tpu.memory_space<hbm>> -> memref<32x64xi32, #tpu.memory_space<hbm>>
        tpu.wait_dma2 semaphore(%run_scoped3A : memref<!tpu.dma_semaphore, #tpu.memory_space<semaphore_mem>>) src(%dma_wait3A_176 : memref<32x64xi32, #tpu.memory_space<hbm>>) dst(%arg6 : memref<32x64xi32, #tpu.memory_space<vmem>>)
        tpu.yield
      }) : () -> ()
      "tpu.region"() ({
        %run_scoped3A = tpu.sem_alloc : memref<!tpu.dma_semaphore, #tpu.memory_space<semaphore_mem>>
        %dma_start3A_153 = arith.constant 0 : i32
        %dma_start3A_154 = arith.constant 0 : i32
        %dma_start3A_155 = tpu.memref_slice %arg4[%arg1, %dma_start3A_153, %dma_start3A_154] : memref<16x320x64xi32, #tpu.memory_space<hbm>> -> memref<1x320x64xi32, #tpu.memory_space<hbm>>
        %dma_start3A_156 = tpu.memref_squeeze %dma_start3A_155 : memref<1x320x64xi32, #tpu.memory_space<hbm>> -> memref<320x64xi32, #tpu.memory_space<hbm>>
        %dma_start3A_157 = arith.constant 0 : i32
        %dma_start3A_158 = tpu.memref_slice %dma_start3A_156[%mul3A_37, %dma_start3A_157] : memref<320x64xi32, #tpu.memory_space<hbm>> -> memref<32x64xi32, #tpu.memory_space<hbm>>
        %dma_start3A_159 = arith.constant 0 : i32
        %dma_start3A_160 = arith.constant 0 : i32
        %dma_start3A_161 = tpu.memref_slice %arg4[%arg1, %dma_start3A_159, %dma_start3A_160] : memref<16x320x64xi32, #tpu.memory_space<hbm>> -> memref<1x320x64xi32, #tpu.memory_space<hbm>>
        %dma_start3A_162 = tpu.memref_squeeze %dma_start3A_161 : memref<1x320x64xi32, #tpu.memory_space<hbm>> -> memref<320x64xi32, #tpu.memory_space<hbm>>
        %dma_start3A_163 = arith.constant 0 : i32
        %dma_start3A_164 = tpu.memref_slice %dma_start3A_162[%mul3A_37, %dma_start3A_163] : memref<320x64xi32, #tpu.memory_space<hbm>> -> memref<32x64xi32, #tpu.memory_space<hbm>>
        tpu.enqueue_dma source(%dma_start3A_164 : memref<32x64xi32, #tpu.memory_space<hbm>>) target(%arg7 : memref<32x64xi32, #tpu.memory_space<vmem>>) target_semaphore(%run_scoped3A : memref<!tpu.dma_semaphore, #tpu.memory_space<semaphore_mem>>)
        %dma_wait3A_165 = arith.constant 0 : i32
        %dma_wait3A_166 = arith.constant 0 : i32
        %dma_wait3A_167 = tpu.memref_slice %arg4[%arg1, %dma_wait3A_165, %dma_wait3A_166] : memref<16x320x64xi32, #tpu.memory_space<hbm>> -> memref<1x320x64xi32, #tpu.memory_space<hbm>>
        %dma_wait3A_168 = tpu.memref_squeeze %dma_wait3A_167 : memref<1x320x64xi32, #tpu.memory_space<hbm>> -> memref<320x64xi32, #tpu.memory_space<hbm>>
        %dma_wait3A_169 = arith.constant 0 : i32
        %dma_wait3A_170 = tpu.memref_slice %dma_wait3A_168[%mul3A_37, %dma_wait3A_169] : memref<320x64xi32, #tpu.memory_space<hbm>> -> memref<32x64xi32, #tpu.memory_space<hbm>>
        %dma_wait3A_171 = arith.constant 0 : i32
        %dma_wait3A_172 = arith.constant 0 : i32
        %dma_wait3A_173 = tpu.memref_slice %arg4[%arg1, %dma_wait3A_171, %dma_wait3A_172] : memref<16x320x64xi32, #tpu.memory_space<hbm>> -> memref<1x320x64xi32, #tpu.memory_space<hbm>>
        %dma_wait3A_174 = tpu.memref_squeeze %dma_wait3A_173 : memref<1x320x64xi32, #tpu.memory_space<hbm>> -> memref<320x64xi32, #tpu.memory_space<hbm>>
        %dma_wait3A_175 = arith.constant 0 : i32
        %dma_wait3A_176 = tpu.memref_slice %dma_wait3A_174[%mul3A_37, %dma_wait3A_175] : memref<320x64xi32, #tpu.memory_space<hbm>> -> memref<32x64xi32, #tpu.memory_space<hbm>>
        tpu.wait_dma2 semaphore(%run_scoped3A : memref<!tpu.dma_semaphore, #tpu.memory_space<semaphore_mem>>) src(%dma_wait3A_176 : memref<32x64xi32, #tpu.memory_space<hbm>>) dst(%arg7 : memref<32x64xi32, #tpu.memory_space<vmem>>)
        tpu.yield
      }) : () -> ()
      %dma_start3A = arith.constant 0 : i32
      %dma_start3A_38 = arith.constant 0 : i32
      %dma_start3A_39 = tpu.memref_slice %arg6[%dma_start3A, %dma_start3A_38] : memref<32x64xi32, #tpu.memory_space<vmem>> -> memref<1x64xi32, #tpu.memory_space<vmem>>
      %dma_start3A_40 = tpu.memref_squeeze %dma_start3A_39 : memref<1x64xi32, #tpu.memory_space<vmem>> -> memref<64xi32, #tpu.memory_space<vmem>>
      %dma_start3A_41 = arith.constant 0 : i32
      %dma_start3A_42 = arith.constant 0 : i32
      %dma_start3A_43 = tpu.memref_slice %arg16[%dma_start3A_41, %dma_start3A_42] : memref<10240x64xf32, #tpu.memory_space<vmem_shared>> -> memref<10240x64xf32, #tpu.memory_space<vmem_shared>>
      tpu.enqueue_indirect_dma source(%dma_start3A_43 : memref<10240x64xf32, #tpu.memory_space<vmem_shared>>) target(%arg8 : memref<64x64xf32, #tpu.memory_space<vmem>>) offsets(%dma_start3A_40 : memref<64xi32, #tpu.memory_space<vmem>>) semaphore(%arg18 : memref<!tpu.dma_semaphore, #tpu.memory_space<semaphore_mem>>)
      %dma_start3A_44 = arith.constant 1 : i32
      %dma_start3A_45 = arith.constant 0 : i32
      %dma_start3A_46 = tpu.memref_slice %arg6[%dma_start3A_44, %dma_start3A_45] : memref<32x64xi32, #tpu.memory_space<vmem>> -> memref<1x64xi32, #tpu.memory_space<vmem>>
      %dma_start3A_47 = tpu.memref_squeeze %dma_start3A_46 : memref<1x64xi32, #tpu.memory_space<vmem>> -> memref<64xi32, #tpu.memory_space<vmem>>
      %dma_start3A_48 = arith.constant 0 : i32
      %dma_start3A_49 = arith.constant 0 : i32
      %dma_start3A_50 = tpu.memref_slice %arg16[%dma_start3A_48, %dma_start3A_49] : memref<10240x64xf32, #tpu.memory_space<vmem_shared>> -> memref<10240x64xf32, #tpu.memory_space<vmem_shared>>
      tpu.enqueue_indirect_dma source(%dma_start3A_50 : memref<10240x64xf32, #tpu.memory_space<vmem_shared>>) target(%arg9 : memref<64x64xf32, #tpu.memory_space<vmem>>) offsets(%dma_start3A_47 : memref<64xi32, #tpu.memory_space<vmem>>) semaphore(%arg19 : memref<!tpu.dma_semaphore, #tpu.memory_space<semaphore_mem>>)
      %dma_start3A_51 = arith.constant 2 : i32
      %dma_start3A_52 = arith.constant 0 : i32
      %dma_start3A_53 = tpu.memref_slice %arg6[%dma_start3A_51, %dma_start3A_52] : memref<32x64xi32, #tpu.memory_space<vmem>> -> memref<1x64xi32, #tpu.memory_space<vmem>>
      %dma_start3A_54 = tpu.memref_squeeze %dma_start3A_53 : memref<1x64xi32, #tpu.memory_space<vmem>> -> memref<64xi32, #tpu.memory_space<vmem>>
      %dma_start3A_55 = arith.constant 0 : i32
      %dma_start3A_56 = arith.constant 0 : i32
      %dma_start3A_57 = tpu.memref_slice %arg16[%dma_start3A_55, %dma_start3A_56] : memref<10240x64xf32, #tpu.memory_space<vmem_shared>> -> memref<10240x64xf32, #tpu.memory_space<vmem_shared>>
      tpu.enqueue_indirect_dma source(%dma_start3A_57 : memref<10240x64xf32, #tpu.memory_space<vmem_shared>>) target(%arg10 : memref<64x64xf32, #tpu.memory_space<vmem>>) offsets(%dma_start3A_54 : memref<64xi32, #tpu.memory_space<vmem>>) semaphore(%arg20 : memref<!tpu.dma_semaphore, #tpu.memory_space<semaphore_mem>>)
      %dma_start3A_58 = arith.constant 3 : i32
      %dma_start3A_59 = arith.constant 0 : i32
      %dma_start3A_60 = tpu.memref_slice %arg6[%dma_start3A_58, %dma_start3A_59] : memref<32x64xi32, #tpu.memory_space<vmem>> -> memref<1x64xi32, #tpu.memory_space<vmem>>
      %dma_start3A_61 = tpu.memref_squeeze %dma_start3A_60 : memref<1x64xi32, #tpu.memory_space<vmem>> -> memref<64xi32, #tpu.memory_space<vmem>>
      %dma_start3A_62 = arith.constant 0 : i32
      %dma_start3A_63 = arith.constant 0 : i32
      %dma_start3A_64 = tpu.memref_slice %arg16[%dma_start3A_62, %dma_start3A_63] : memref<10240x64xf32, #tpu.memory_space<vmem_shared>> -> memref<10240x64xf32, #tpu.memory_space<vmem_shared>>
      tpu.enqueue_indirect_dma source(%dma_start3A_64 : memref<10240x64xf32, #tpu.memory_space<vmem_shared>>) target(%arg11 : memref<64x64xf32, #tpu.memory_space<vmem>>) offsets(%dma_start3A_61 : memref<64xi32, #tpu.memory_space<vmem>>) semaphore(%arg21 : memref<!tpu.dma_semaphore, #tpu.memory_space<semaphore_mem>>)
      %dma_start3A_65 = arith.constant 4 : i32
      %dma_start3A_66 = arith.constant 0 : i32
      %dma_start3A_67 = tpu.memref_slice %arg6[%dma_start3A_65, %dma_start3A_66] : memref<32x64xi32, #tpu.memory_space<vmem>> -> memref<1x64xi32, #tpu.memory_space<vmem>>
      %dma_start3A_68 = tpu.memref_squeeze %dma_start3A_67 : memref<1x64xi32, #tpu.memory_space<vmem>> -> memref<64xi32, #tpu.memory_space<vmem>>
      %dma_start3A_69 = arith.constant 0 : i32
      %dma_start3A_70 = arith.constant 0 : i32
      %dma_start3A_71 = tpu.memref_slice %arg16[%dma_start3A_69, %dma_start3A_70] : memref<10240x64xf32, #tpu.memory_space<vmem_shared>> -> memref<10240x64xf32, #tpu.memory_space<vmem_shared>>
      tpu.enqueue_indirect_dma source(%dma_start3A_71 : memref<10240x64xf32, #tpu.memory_space<vmem_shared>>) target(%arg12 : memref<64x64xf32, #tpu.memory_space<vmem>>) offsets(%dma_start3A_68 : memref<64xi32, #tpu.memory_space<vmem>>) semaphore(%arg22 : memref<!tpu.dma_semaphore, #tpu.memory_space<semaphore_mem>>)
      %dma_start3A_72 = arith.constant 5 : i32
      %dma_start3A_73 = arith.constant 0 : i32
      %dma_start3A_74 = tpu.memref_slice %arg6[%dma_start3A_72, %dma_start3A_73] : memref<32x64xi32, #tpu.memory_space<vmem>> -> memref<1x64xi32, #tpu.memory_space<vmem>>
      %dma_start3A_75 = tpu.memref_squeeze %dma_start3A_74 : memref<1x64xi32, #tpu.memory_space<vmem>> -> memref<64xi32, #tpu.memory_space<vmem>>
      %dma_start3A_76 = arith.constant 0 : i32
      %dma_start3A_77 = arith.constant 0 : i32
      %dma_start3A_78 = tpu.memref_slice %arg16[%dma_start3A_76, %dma_start3A_77] : memref<10240x64xf32, #tpu.memory_space<vmem_shared>> -> memref<10240x64xf32, #tpu.memory_space<vmem_shared>>
      tpu.enqueue_indirect_dma source(%dma_start3A_78 : memref<10240x64xf32, #tpu.memory_space<vmem_shared>>) target(%arg13 : memref<64x64xf32, #tpu.memory_space<vmem>>) offsets(%dma_start3A_75 : memref<64xi32, #tpu.memory_space<vmem>>) semaphore(%arg23 : memref<!tpu.dma_semaphore, #tpu.memory_space<semaphore_mem>>)
      %dma_start3A_79 = arith.constant 6 : i32
      %dma_start3A_80 = arith.constant 0 : i32
      %dma_start3A_81 = tpu.memref_slice %arg6[%dma_start3A_79, %dma_start3A_80] : memref<32x64xi32, #tpu.memory_space<vmem>> -> memref<1x64xi32, #tpu.memory_space<vmem>>
      %dma_start3A_82 = tpu.memref_squeeze %dma_start3A_81 : memref<1x64xi32, #tpu.memory_space<vmem>> -> memref<64xi32, #tpu.memory_space<vmem>>
      %dma_start3A_83 = arith.constant 0 : i32
      %dma_start3A_84 = arith.constant 0 : i32
      %dma_start3A_85 = tpu.memref_slice %arg16[%dma_start3A_83, %dma_start3A_84] : memref<10240x64xf32, #tpu.memory_space<vmem_shared>> -> memref<10240x64xf32, #tpu.memory_space<vmem_shared>>
      tpu.enqueue_indirect_dma source(%dma_start3A_85 : memref<10240x64xf32, #tpu.memory_space<vmem_shared>>) target(%arg14 : memref<64x64xf32, #tpu.memory_space<vmem>>) offsets(%dma_start3A_82 : memref<64xi32, #tpu.memory_space<vmem>>) semaphore(%arg24 : memref<!tpu.dma_semaphore, #tpu.memory_space<semaphore_mem>>)
      %dma_start3A_86 = arith.constant 7 : i32
      %dma_start3A_87 = arith.constant 0 : i32
      %dma_start3A_88 = tpu.memref_slice %arg6[%dma_start3A_86, %dma_start3A_87] : memref<32x64xi32, #tpu.memory_space<vmem>> -> memref<1x64xi32, #tpu.memory_space<vmem>>
      %dma_start3A_89 = tpu.memref_squeeze %dma_start3A_88 : memref<1x64xi32, #tpu.memory_space<vmem>> -> memref<64xi32, #tpu.memory_space<vmem>>
      %dma_start3A_90 = arith.constant 0 : i32
      %dma_start3A_91 = arith.constant 0 : i32
      %dma_start3A_92 = tpu.memref_slice %arg16[%dma_start3A_90, %dma_start3A_91] : memref<10240x64xf32, #tpu.memory_space<vmem_shared>> -> memref<10240x64xf32, #tpu.memory_space<vmem_shared>>
      tpu.enqueue_indirect_dma source(%dma_start3A_92 : memref<10240x64xf32, #tpu.memory_space<vmem_shared>>) target(%arg15 : memref<64x64xf32, #tpu.memory_space<vmem>>) offsets(%dma_start3A_89 : memref<64xi32, #tpu.memory_space<vmem>>) semaphore(%arg25 : memref<!tpu.dma_semaphore, #tpu.memory_space<semaphore_mem>>)
      %scan3A_93 = arith.constant 0 : i32
      %scan3A_94 = arith.constant 4 : i32
      %scan3A_95 = arith.addi %scan3A_93, %scan3A_94 : i32
      %scan3A_96 = arith.constant 1 : i32
      scf.for %scan3A_153 = %scan3A_93 to %scan3A_95 step %scan3A_96  : i32 {
        %mul3A_154 = arith.constant 8 : i32
        %mul3A_155 = arith.muli %scan3A_153, %mul3A_154 : i32
        %add3A_156 = arith.constant 0 : i32
        %add3A_157 = arith.addi %add3A_156, %mul3A_155 : i32
        %add3A_158 = arith.constant 0 : i32
        %add3A_159 = arith.addi %add3A_157, %add3A_158 : i32
        %dma_wait3A_160 = arith.constant 0 : i32
        %dma_wait3A_161 = tpu.memref_slice %arg6[%add3A_159, %dma_wait3A_160] : memref<32x64xi32, #tpu.memory_space<vmem>> -> memref<1x64xi32, #tpu.memory_space<vmem>>
        %dma_wait3A_162 = tpu.memref_squeeze %dma_wait3A_161 : memref<1x64xi32, #tpu.memory_space<vmem>> -> memref<64xi32, #tpu.memory_space<vmem>>
        %dma_wait3A_163 = arith.constant 0 : i32
        %dma_wait3A_164 = arith.constant 0 : i32
        %dma_wait3A_165 = tpu.memref_slice %arg16[%dma_wait3A_163, %dma_wait3A_164] : memref<10240x64xf32, #tpu.memory_space<vmem_shared>> -> memref<10240x64xf32, #tpu.memory_space<vmem_shared>>
        tpu.wait_indirect_dma semaphore(%arg18 : memref<!tpu.dma_semaphore, #tpu.memory_space<semaphore_mem>>) src(%dma_wait3A_165 : memref<10240x64xf32, #tpu.memory_space<vmem_shared>>) dst(%arg8 : memref<64x64xf32, #tpu.memory_space<vmem>>)
        %add3A_166 = arith.constant 0 : i32
        %add3A_167 = arith.addi %add3A_157, %add3A_166 : i32
        %dma_start3A_168 = arith.constant 0 : i32
        %dma_start3A_169 = tpu.memref_slice %arg7[%add3A_167, %dma_start3A_168] : memref<32x64xi32, #tpu.memory_space<vmem>> -> memref<1x64xi32, #tpu.memory_space<vmem>>
        %dma_start3A_170 = tpu.memref_squeeze %dma_start3A_169 : memref<1x64xi32, #tpu.memory_space<vmem>> -> memref<64xi32, #tpu.memory_space<vmem>>
        %dma_start3A_171 = arith.constant 0 : i32
        %dma_start3A_172 = arith.constant 0 : i32
        %dma_start3A_173 = tpu.memref_slice %arg17[%dma_start3A_171, %dma_start3A_172] : memref<10240x64xf32, #tpu.memory_space<vmem_shared>> -> memref<10240x64xf32, #tpu.memory_space<vmem_shared>>
        tpu.enqueue_indirect_dma source(%arg8 : memref<64x64xf32, #tpu.memory_space<vmem>>) target(%dma_start3A_173 : memref<10240x64xf32, #tpu.memory_space<vmem_shared>>) offsets(%dma_start3A_170 : memref<64xi32, #tpu.memory_space<vmem>>) semaphore(%arg26 : memref<!tpu.dma_semaphore, #tpu.memory_space<semaphore_mem>>) {add = true}
        %add3A_174 = arith.constant 1 : i32
        %add3A_175 = arith.addi %add3A_157, %add3A_174 : i32
        %dma_wait3A_176 = arith.constant 0 : i32
        %dma_wait3A_177 = tpu.memref_slice %arg6[%add3A_175, %dma_wait3A_176] : memref<32x64xi32, #tpu.memory_space<vmem>> -> memref<1x64xi32, #tpu.memory_space<vmem>>
        %dma_wait3A_178 = tpu.memref_squeeze %dma_wait3A_177 : memref<1x64xi32, #tpu.memory_space<vmem>> -> memref<64xi32, #tpu.memory_space<vmem>>
        %dma_wait3A_179 = arith.constant 0 : i32
        %dma_wait3A_180 = arith.constant 0 : i32
        %dma_wait3A_181 = tpu.memref_slice %arg16[%dma_wait3A_179, %dma_wait3A_180] : memref<10240x64xf32, #tpu.memory_space<vmem_shared>> -> memref<10240x64xf32, #tpu.memory_space<vmem_shared>>
        tpu.wait_indirect_dma semaphore(%arg19 : memref<!tpu.dma_semaphore, #tpu.memory_space<semaphore_mem>>) src(%dma_wait3A_181 : memref<10240x64xf32, #tpu.memory_space<vmem_shared>>) dst(%arg9 : memref<64x64xf32, #tpu.memory_space<vmem>>)
        %add3A_182 = arith.constant 1 : i32
        %add3A_183 = arith.addi %add3A_157, %add3A_182 : i32
        %dma_start3A_184 = arith.constant 0 : i32
        %dma_start3A_185 = tpu.memref_slice %arg7[%add3A_183, %dma_start3A_184] : memref<32x64xi32, #tpu.memory_space<vmem>> -> memref<1x64xi32, #tpu.memory_space<vmem>>
        %dma_start3A_186 = tpu.memref_squeeze %dma_start3A_185 : memref<1x64xi32, #tpu.memory_space<vmem>> -> memref<64xi32, #tpu.memory_space<vmem>>
        %dma_start3A_187 = arith.constant 0 : i32
        %dma_start3A_188 = arith.constant 0 : i32
        %dma_start3A_189 = tpu.memref_slice %arg17[%dma_start3A_187, %dma_start3A_188] : memref<10240x64xf32, #tpu.memory_space<vmem_shared>> -> memref<10240x64xf32, #tpu.memory_space<vmem_shared>>
        tpu.enqueue_indirect_dma source(%arg9 : memref<64x64xf32, #tpu.memory_space<vmem>>) target(%dma_start3A_189 : memref<10240x64xf32, #tpu.memory_space<vmem_shared>>) offsets(%dma_start3A_186 : memref<64xi32, #tpu.memory_space<vmem>>) semaphore(%arg27 : memref<!tpu.dma_semaphore, #tpu.memory_space<semaphore_mem>>) {add = true}
        %add3A_190 = arith.constant 2 : i32
        %add3A_191 = arith.addi %add3A_157, %add3A_190 : i32
        %dma_wait3A_192 = arith.constant 0 : i32
        %dma_wait3A_193 = tpu.memref_slice %arg6[%add3A_191, %dma_wait3A_192] : memref<32x64xi32, #tpu.memory_space<vmem>> -> memref<1x64xi32, #tpu.memory_space<vmem>>
        %dma_wait3A_194 = tpu.memref_squeeze %dma_wait3A_193 : memref<1x64xi32, #tpu.memory_space<vmem>> -> memref<64xi32, #tpu.memory_space<vmem>>
        %dma_wait3A_195 = arith.constant 0 : i32
        %dma_wait3A_196 = arith.constant 0 : i32
        %dma_wait3A_197 = tpu.memref_slice %arg16[%dma_wait3A_195, %dma_wait3A_196] : memref<10240x64xf32, #tpu.memory_space<vmem_shared>> -> memref<10240x64xf32, #tpu.memory_space<vmem_shared>>
        tpu.wait_indirect_dma semaphore(%arg20 : memref<!tpu.dma_semaphore, #tpu.memory_space<semaphore_mem>>) src(%dma_wait3A_197 : memref<10240x64xf32, #tpu.memory_space<vmem_shared>>) dst(%arg10 : memref<64x64xf32, #tpu.memory_space<vmem>>)
        %add3A_198 = arith.constant 2 : i32
        %add3A_199 = arith.addi %add3A_157, %add3A_198 : i32
        %dma_start3A_200 = arith.constant 0 : i32
        %dma_start3A_201 = tpu.memref_slice %arg7[%add3A_199, %dma_start3A_200] : memref<32x64xi32, #tpu.memory_space<vmem>> -> memref<1x64xi32, #tpu.memory_space<vmem>>
        %dma_start3A_202 = tpu.memref_squeeze %dma_start3A_201 : memref<1x64xi32, #tpu.memory_space<vmem>> -> memref<64xi32, #tpu.memory_space<vmem>>
        %dma_start3A_203 = arith.constant 0 : i32
        %dma_start3A_204 = arith.constant 0 : i32
        %dma_start3A_205 = tpu.memref_slice %arg17[%dma_start3A_203, %dma_start3A_204] : memref<10240x64xf32, #tpu.memory_space<vmem_shared>> -> memref<10240x64xf32, #tpu.memory_space<vmem_shared>>
        tpu.enqueue_indirect_dma source(%arg10 : memref<64x64xf32, #tpu.memory_space<vmem>>) target(%dma_start3A_205 : memref<10240x64xf32, #tpu.memory_space<vmem_shared>>) offsets(%dma_start3A_202 : memref<64xi32, #tpu.memory_space<vmem>>) semaphore(%arg28 : memref<!tpu.dma_semaphore, #tpu.memory_space<semaphore_mem>>) {add = true}
        %add3A_206 = arith.constant 3 : i32
        %add3A_207 = arith.addi %add3A_157, %add3A_206 : i32
        %dma_wait3A_208 = arith.constant 0 : i32
        %dma_wait3A_209 = tpu.memref_slice %arg6[%add3A_207, %dma_wait3A_208] : memref<32x64xi32, #tpu.memory_space<vmem>> -> memref<1x64xi32, #tpu.memory_space<vmem>>
        %dma_wait3A_210 = tpu.memref_squeeze %dma_wait3A_209 : memref<1x64xi32, #tpu.memory_space<vmem>> -> memref<64xi32, #tpu.memory_space<vmem>>
        %dma_wait3A_211 = arith.constant 0 : i32
        %dma_wait3A_212 = arith.constant 0 : i32
        %dma_wait3A_213 = tpu.memref_slice %arg16[%dma_wait3A_211, %dma_wait3A_212] : memref<10240x64xf32, #tpu.memory_space<vmem_shared>> -> memref<10240x64xf32, #tpu.memory_space<vmem_shared>>
        tpu.wait_indirect_dma semaphore(%arg21 : memref<!tpu.dma_semaphore, #tpu.memory_space<semaphore_mem>>) src(%dma_wait3A_213 : memref<10240x64xf32, #tpu.memory_space<vmem_shared>>) dst(%arg11 : memref<64x64xf32, #tpu.memory_space<vmem>>)
        %add3A_214 = arith.constant 3 : i32
        %add3A_215 = arith.addi %add3A_157, %add3A_214 : i32
        %dma_start3A_216 = arith.constant 0 : i32
        %dma_start3A_217 = tpu.memref_slice %arg7[%add3A_215, %dma_start3A_216] : memref<32x64xi32, #tpu.memory_space<vmem>> -> memref<1x64xi32, #tpu.memory_space<vmem>>
        %dma_start3A_218 = tpu.memref_squeeze %dma_start3A_217 : memref<1x64xi32, #tpu.memory_space<vmem>> -> memref<64xi32, #tpu.memory_space<vmem>>
        %dma_start3A_219 = arith.constant 0 : i32
        %dma_start3A_220 = arith.constant 0 : i32
        %dma_start3A_221 = tpu.memref_slice %arg17[%dma_start3A_219, %dma_start3A_220] : memref<10240x64xf32, #tpu.memory_space<vmem_shared>> -> memref<10240x64xf32, #tpu.memory_space<vmem_shared>>
        tpu.enqueue_indirect_dma source(%arg11 : memref<64x64xf32, #tpu.memory_space<vmem>>) target(%dma_start3A_221 : memref<10240x64xf32, #tpu.memory_space<vmem_shared>>) offsets(%dma_start3A_218 : memref<64xi32, #tpu.memory_space<vmem>>) semaphore(%arg29 : memref<!tpu.dma_semaphore, #tpu.memory_space<semaphore_mem>>) {add = true}
        %add3A_222 = arith.constant 4 : i32
        %add3A_223 = arith.addi %add3A_157, %add3A_222 : i32
        %dma_wait3A_224 = arith.constant 0 : i32
        %dma_wait3A_225 = tpu.memref_slice %arg6[%add3A_223, %dma_wait3A_224] : memref<32x64xi32, #tpu.memory_space<vmem>> -> memref<1x64xi32, #tpu.memory_space<vmem>>
        %dma_wait3A_226 = tpu.memref_squeeze %dma_wait3A_225 : memref<1x64xi32, #tpu.memory_space<vmem>> -> memref<64xi32, #tpu.memory_space<vmem>>
        %dma_wait3A_227 = arith.constant 0 : i32
        %dma_wait3A_228 = arith.constant 0 : i32
        %dma_wait3A_229 = tpu.memref_slice %arg16[%dma_wait3A_227, %dma_wait3A_228] : memref<10240x64xf32, #tpu.memory_space<vmem_shared>> -> memref<10240x64xf32, #tpu.memory_space<vmem_shared>>
        tpu.wait_indirect_dma semaphore(%arg22 : memref<!tpu.dma_semaphore, #tpu.memory_space<semaphore_mem>>) src(%dma_wait3A_229 : memref<10240x64xf32, #tpu.memory_space<vmem_shared>>) dst(%arg12 : memref<64x64xf32, #tpu.memory_space<vmem>>)
        %add3A_230 = arith.constant 4 : i32
        %add3A_231 = arith.addi %add3A_157, %add3A_230 : i32
        %dma_start3A_232 = arith.constant 0 : i32
        %dma_start3A_233 = tpu.memref_slice %arg7[%add3A_231, %dma_start3A_232] : memref<32x64xi32, #tpu.memory_space<vmem>> -> memref<1x64xi32, #tpu.memory_space<vmem>>
        %dma_start3A_234 = tpu.memref_squeeze %dma_start3A_233 : memref<1x64xi32, #tpu.memory_space<vmem>> -> memref<64xi32, #tpu.memory_space<vmem>>
        %dma_start3A_235 = arith.constant 0 : i32
        %dma_start3A_236 = arith.constant 0 : i32
        %dma_start3A_237 = tpu.memref_slice %arg17[%dma_start3A_235, %dma_start3A_236] : memref<10240x64xf32, #tpu.memory_space<vmem_shared>> -> memref<10240x64xf32, #tpu.memory_space<vmem_shared>>
        tpu.enqueue_indirect_dma source(%arg12 : memref<64x64xf32, #tpu.memory_space<vmem>>) target(%dma_start3A_237 : memref<10240x64xf32, #tpu.memory_space<vmem_shared>>) offsets(%dma_start3A_234 : memref<64xi32, #tpu.memory_space<vmem>>) semaphore(%arg30 : memref<!tpu.dma_semaphore, #tpu.memory_space<semaphore_mem>>) {add = true}
        %add3A_238 = arith.constant 5 : i32
        %add3A_239 = arith.addi %add3A_157, %add3A_238 : i32
        %dma_wait3A_240 = arith.constant 0 : i32
        %dma_wait3A_241 = tpu.memref_slice %arg6[%add3A_239, %dma_wait3A_240] : memref<32x64xi32, #tpu.memory_space<vmem>> -> memref<1x64xi32, #tpu.memory_space<vmem>>
        %dma_wait3A_242 = tpu.memref_squeeze %dma_wait3A_241 : memref<1x64xi32, #tpu.memory_space<vmem>> -> memref<64xi32, #tpu.memory_space<vmem>>
        %dma_wait3A_243 = arith.constant 0 : i32
        %dma_wait3A_244 = arith.constant 0 : i32
        %dma_wait3A_245 = tpu.memref_slice %arg16[%dma_wait3A_243, %dma_wait3A_244] : memref<10240x64xf32, #tpu.memory_space<vmem_shared>> -> memref<10240x64xf32, #tpu.memory_space<vmem_shared>>
        tpu.wait_indirect_dma semaphore(%arg23 : memref<!tpu.dma_semaphore, #tpu.memory_space<semaphore_mem>>) src(%dma_wait3A_245 : memref<10240x64xf32, #tpu.memory_space<vmem_shared>>) dst(%arg13 : memref<64x64xf32, #tpu.memory_space<vmem>>)
        %add3A_246 = arith.constant 5 : i32
        %add3A_247 = arith.addi %add3A_157, %add3A_246 : i32
        %dma_start3A_248 = arith.constant 0 : i32
        %dma_start3A_249 = tpu.memref_slice %arg7[%add3A_247, %dma_start3A_248] : memref<32x64xi32, #tpu.memory_space<vmem>> -> memref<1x64xi32, #tpu.memory_space<vmem>>
        %dma_start3A_250 = tpu.memref_squeeze %dma_start3A_249 : memref<1x64xi32, #tpu.memory_space<vmem>> -> memref<64xi32, #tpu.memory_space<vmem>>
        %dma_start3A_251 = arith.constant 0 : i32
        %dma_start3A_252 = arith.constant 0 : i32
        %dma_start3A_253 = tpu.memref_slice %arg17[%dma_start3A_251, %dma_start3A_252] : memref<10240x64xf32, #tpu.memory_space<vmem_shared>> -> memref<10240x64xf32, #tpu.memory_space<vmem_shared>>
        tpu.enqueue_indirect_dma source(%arg13 : memref<64x64xf32, #tpu.memory_space<vmem>>) target(%dma_start3A_253 : memref<10240x64xf32, #tpu.memory_space<vmem_shared>>) offsets(%dma_start3A_250 : memref<64xi32, #tpu.memory_space<vmem>>) semaphore(%arg31 : memref<!tpu.dma_semaphore, #tpu.memory_space<semaphore_mem>>) {add = true}
        %add3A_254 = arith.constant 6 : i32
        %add3A_255 = arith.addi %add3A_157, %add3A_254 : i32
        %dma_wait3A_256 = arith.constant 0 : i32
        %dma_wait3A_257 = tpu.memref_slice %arg6[%add3A_255, %dma_wait3A_256] : memref<32x64xi32, #tpu.memory_space<vmem>> -> memref<1x64xi32, #tpu.memory_space<vmem>>
        %dma_wait3A_258 = tpu.memref_squeeze %dma_wait3A_257 : memref<1x64xi32, #tpu.memory_space<vmem>> -> memref<64xi32, #tpu.memory_space<vmem>>
        %dma_wait3A_259 = arith.constant 0 : i32
        %dma_wait3A_260 = arith.constant 0 : i32
        %dma_wait3A_261 = tpu.memref_slice %arg16[%dma_wait3A_259, %dma_wait3A_260] : memref<10240x64xf32, #tpu.memory_space<vmem_shared>> -> memref<10240x64xf32, #tpu.memory_space<vmem_shared>>
        tpu.wait_indirect_dma semaphore(%arg24 : memref<!tpu.dma_semaphore, #tpu.memory_space<semaphore_mem>>) src(%dma_wait3A_261 : memref<10240x64xf32, #tpu.memory_space<vmem_shared>>) dst(%arg14 : memref<64x64xf32, #tpu.memory_space<vmem>>)
        %add3A_262 = arith.constant 6 : i32
        %add3A_263 = arith.addi %add3A_157, %add3A_262 : i32
        %dma_start3A_264 = arith.constant 0 : i32
        %dma_start3A_265 = tpu.memref_slice %arg7[%add3A_263, %dma_start3A_264] : memref<32x64xi32, #tpu.memory_space<vmem>> -> memref<1x64xi32, #tpu.memory_space<vmem>>
        %dma_start3A_266 = tpu.memref_squeeze %dma_start3A_265 : memref<1x64xi32, #tpu.memory_space<vmem>> -> memref<64xi32, #tpu.memory_space<vmem>>
        %dma_start3A_267 = arith.constant 0 : i32
        %dma_start3A_268 = arith.constant 0 : i32
        %dma_start3A_269 = tpu.memref_slice %arg17[%dma_start3A_267, %dma_start3A_268] : memref<10240x64xf32, #tpu.memory_space<vmem_shared>> -> memref<10240x64xf32, #tpu.memory_space<vmem_shared>>
        tpu.enqueue_indirect_dma source(%arg14 : memref<64x64xf32, #tpu.memory_space<vmem>>) target(%dma_start3A_269 : memref<10240x64xf32, #tpu.memory_space<vmem_shared>>) offsets(%dma_start3A_266 : memref<64xi32, #tpu.memory_space<vmem>>) semaphore(%arg32 : memref<!tpu.dma_semaphore, #tpu.memory_space<semaphore_mem>>) {add = true}
        %add3A_270 = arith.constant 7 : i32
        %add3A_271 = arith.addi %add3A_157, %add3A_270 : i32
        %dma_wait3A_272 = arith.constant 0 : i32
        %dma_wait3A_273 = tpu.memref_slice %arg6[%add3A_271, %dma_wait3A_272] : memref<32x64xi32, #tpu.memory_space<vmem>> -> memref<1x64xi32, #tpu.memory_space<vmem>>
        %dma_wait3A_274 = tpu.memref_squeeze %dma_wait3A_273 : memref<1x64xi32, #tpu.memory_space<vmem>> -> memref<64xi32, #tpu.memory_space<vmem>>
        %dma_wait3A_275 = arith.constant 0 : i32
        %dma_wait3A_276 = arith.constant 0 : i32
        %dma_wait3A_277 = tpu.memref_slice %arg16[%dma_wait3A_275, %dma_wait3A_276] : memref<10240x64xf32, #tpu.memory_space<vmem_shared>> -> memref<10240x64xf32, #tpu.memory_space<vmem_shared>>
        tpu.wait_indirect_dma semaphore(%arg25 : memref<!tpu.dma_semaphore, #tpu.memory_space<semaphore_mem>>) src(%dma_wait3A_277 : memref<10240x64xf32, #tpu.memory_space<vmem_shared>>) dst(%arg15 : memref<64x64xf32, #tpu.memory_space<vmem>>)
        %add3A_278 = arith.constant 7 : i32
        %add3A_279 = arith.addi %add3A_157, %add3A_278 : i32
        %dma_start3A_280 = arith.constant 0 : i32
        %dma_start3A_281 = tpu.memref_slice %arg7[%add3A_279, %dma_start3A_280] : memref<32x64xi32, #tpu.memory_space<vmem>> -> memref<1x64xi32, #tpu.memory_space<vmem>>
        %dma_start3A_282 = tpu.memref_squeeze %dma_start3A_281 : memref<1x64xi32, #tpu.memory_space<vmem>> -> memref<64xi32, #tpu.memory_space<vmem>>
        %dma_start3A_283 = arith.constant 0 : i32
        %dma_start3A_284 = arith.constant 0 : i32
        %dma_start3A_285 = tpu.memref_slice %arg17[%dma_start3A_283, %dma_start3A_284] : memref<10240x64xf32, #tpu.memory_space<vmem_shared>> -> memref<10240x64xf32, #tpu.memory_space<vmem_shared>>
        tpu.enqueue_indirect_dma source(%arg15 : memref<64x64xf32, #tpu.memory_space<vmem>>) target(%dma_start3A_285 : memref<10240x64xf32, #tpu.memory_space<vmem_shared>>) offsets(%dma_start3A_282 : memref<64xi32, #tpu.memory_space<vmem>>) semaphore(%arg33 : memref<!tpu.dma_semaphore, #tpu.memory_space<semaphore_mem>>) {add = true}
        %add3A_286 = arith.constant 8 : i32
        %add3A_287 = arith.addi %add3A_157, %add3A_286 : i32
        %add3A_288 = arith.constant 0 : i32
        %add3A_289 = arith.addi %add3A_287, %add3A_288 : i32
        %lt3A = arith.constant 32 : i32
        %lt3A_290 = arith.cmpi slt, %add3A_289, %lt3A : i32
        %convert_element_type3A = arith.extui %lt3A_290 : i1 to i32
        %cond3A = arith.constant 0 : i32
        %cond3A_291 = arith.cmpi ne, %convert_element_type3A, %cond3A : i32
        scf.if %cond3A_291 {
          %add3A_355 = arith.constant 0 : i32
          %add3A_356 = arith.addi %add3A_157, %add3A_355 : i32
          %dma_wait3A_357 = arith.constant 0 : i32
          %dma_wait3A_358 = tpu.memref_slice %arg7[%add3A_356, %dma_wait3A_357] : memref<32x64xi32, #tpu.memory_space<vmem>> -> memref<1x64xi32, #tpu.memory_space<vmem>>
          %dma_wait3A_359 = tpu.memref_squeeze %dma_wait3A_358 : memref<1x64xi32, #tpu.memory_space<vmem>> -> memref<64xi32, #tpu.memory_space<vmem>>
          %dma_wait3A_360 = arith.constant 0 : i32
          %dma_wait3A_361 = arith.constant 0 : i32
          %dma_wait3A_362 = tpu.memref_slice %arg17[%dma_wait3A_360, %dma_wait3A_361] : memref<10240x64xf32, #tpu.memory_space<vmem_shared>> -> memref<10240x64xf32, #tpu.memory_space<vmem_shared>>
          tpu.wait_indirect_dma semaphore(%arg26 : memref<!tpu.dma_semaphore, #tpu.memory_space<semaphore_mem>>) src(%arg8 : memref<64x64xf32, #tpu.memory_space<vmem>>) dst(%dma_wait3A_362 : memref<10240x64xf32, #tpu.memory_space<vmem_shared>>)
          %add3A_363 = arith.constant 8 : i32
          %add3A_364 = arith.addi %add3A_157, %add3A_363 : i32
          %add3A_365 = arith.constant 0 : i32
          %add3A_366 = arith.addi %add3A_364, %add3A_365 : i32
          %dma_start3A_367 = arith.constant 0 : i32
          %dma_start3A_368 = tpu.memref_slice %arg6[%add3A_366, %dma_start3A_367] : memref<32x64xi32, #tpu.memory_space<vmem>> -> memref<1x64xi32, #tpu.memory_space<vmem>>
          %dma_start3A_369 = tpu.memref_squeeze %dma_start3A_368 : memref<1x64xi32, #tpu.memory_space<vmem>> -> memref<64xi32, #tpu.memory_space<vmem>>
          %dma_start3A_370 = arith.constant 0 : i32
          %dma_start3A_371 = arith.constant 0 : i32
          %dma_start3A_372 = tpu.memref_slice %arg16[%dma_start3A_370, %dma_start3A_371] : memref<10240x64xf32, #tpu.memory_space<vmem_shared>> -> memref<10240x64xf32, #tpu.memory_space<vmem_shared>>
          tpu.enqueue_indirect_dma source(%dma_start3A_372 : memref<10240x64xf32, #tpu.memory_space<vmem_shared>>) target(%arg8 : memref<64x64xf32, #tpu.memory_space<vmem>>) offsets(%dma_start3A_369 : memref<64xi32, #tpu.memory_space<vmem>>) semaphore(%arg18 : memref<!tpu.dma_semaphore, #tpu.memory_space<semaphore_mem>>)
        } else {
        }
        %add3A_292 = arith.constant 8 : i32
        %add3A_293 = arith.addi %add3A_157, %add3A_292 : i32
        %add3A_294 = arith.constant 1 : i32
        %add3A_295 = arith.addi %add3A_293, %add3A_294 : i32
        %lt3A_296 = arith.constant 32 : i32
        %lt3A_297 = arith.cmpi slt, %add3A_295, %lt3A_296 : i32
        %convert_element_type3A_298 = arith.extui %lt3A_297 : i1 to i32
        %cond3A_299 = arith.constant 0 : i32
        %cond3A_300 = arith.cmpi ne, %convert_element_type3A_298, %cond3A_299 : i32
        scf.if %cond3A_300 {
          %add3A_355 = arith.constant 1 : i32
          %add3A_356 = arith.addi %add3A_157, %add3A_355 : i32
          %dma_wait3A_357 = arith.constant 0 : i32
          %dma_wait3A_358 = tpu.memref_slice %arg7[%add3A_356, %dma_wait3A_357] : memref<32x64xi32, #tpu.memory_space<vmem>> -> memref<1x64xi32, #tpu.memory_space<vmem>>
          %dma_wait3A_359 = tpu.memref_squeeze %dma_wait3A_358 : memref<1x64xi32, #tpu.memory_space<vmem>> -> memref<64xi32, #tpu.memory_space<vmem>>
          %dma_wait3A_360 = arith.constant 0 : i32
          %dma_wait3A_361 = arith.constant 0 : i32
          %dma_wait3A_362 = tpu.memref_slice %arg17[%dma_wait3A_360, %dma_wait3A_361] : memref<10240x64xf32, #tpu.memory_space<vmem_shared>> -> memref<10240x64xf32, #tpu.memory_space<vmem_shared>>
          tpu.wait_indirect_dma semaphore(%arg27 : memref<!tpu.dma_semaphore, #tpu.memory_space<semaphore_mem>>) src(%arg9 : memref<64x64xf32, #tpu.memory_space<vmem>>) dst(%dma_wait3A_362 : memref<10240x64xf32, #tpu.memory_space<vmem_shared>>)
          %add3A_363 = arith.constant 8 : i32
          %add3A_364 = arith.addi %add3A_157, %add3A_363 : i32
          %add3A_365 = arith.constant 1 : i32
          %add3A_366 = arith.addi %add3A_364, %add3A_365 : i32
          %dma_start3A_367 = arith.constant 0 : i32
          %dma_start3A_368 = tpu.memref_slice %arg6[%add3A_366, %dma_start3A_367] : memref<32x64xi32, #tpu.memory_space<vmem>> -> memref<1x64xi32, #tpu.memory_space<vmem>>
          %dma_start3A_369 = tpu.memref_squeeze %dma_start3A_368 : memref<1x64xi32, #tpu.memory_space<vmem>> -> memref<64xi32, #tpu.memory_space<vmem>>
          %dma_start3A_370 = arith.constant 0 : i32
          %dma_start3A_371 = arith.constant 0 : i32
          %dma_start3A_372 = tpu.memref_slice %arg16[%dma_start3A_370, %dma_start3A_371] : memref<10240x64xf32, #tpu.memory_space<vmem_shared>> -> memref<10240x64xf32, #tpu.memory_space<vmem_shared>>
          tpu.enqueue_indirect_dma source(%dma_start3A_372 : memref<10240x64xf32, #tpu.memory_space<vmem_shared>>) target(%arg9 : memref<64x64xf32, #tpu.memory_space<vmem>>) offsets(%dma_start3A_369 : memref<64xi32, #tpu.memory_space<vmem>>) semaphore(%arg19 : memref<!tpu.dma_semaphore, #tpu.memory_space<semaphore_mem>>)
        } else {
        }
        %add3A_301 = arith.constant 8 : i32
        %add3A_302 = arith.addi %add3A_157, %add3A_301 : i32
        %add3A_303 = arith.constant 2 : i32
        %add3A_304 = arith.addi %add3A_302, %add3A_303 : i32
        %lt3A_305 = arith.constant 32 : i32
        %lt3A_306 = arith.cmpi slt, %add3A_304, %lt3A_305 : i32
        %convert_element_type3A_307 = arith.extui %lt3A_306 : i1 to i32
        %cond3A_308 = arith.constant 0 : i32
        %cond3A_309 = arith.cmpi ne, %convert_element_type3A_307, %cond3A_308 : i32
        scf.if %cond3A_309 {
          %add3A_355 = arith.constant 2 : i32
          %add3A_356 = arith.addi %add3A_157, %add3A_355 : i32
          %dma_wait3A_357 = arith.constant 0 : i32
          %dma_wait3A_358 = tpu.memref_slice %arg7[%add3A_356, %dma_wait3A_357] : memref<32x64xi32, #tpu.memory_space<vmem>> -> memref<1x64xi32, #tpu.memory_space<vmem>>
          %dma_wait3A_359 = tpu.memref_squeeze %dma_wait3A_358 : memref<1x64xi32, #tpu.memory_space<vmem>> -> memref<64xi32, #tpu.memory_space<vmem>>
          %dma_wait3A_360 = arith.constant 0 : i32
          %dma_wait3A_361 = arith.constant 0 : i32
          %dma_wait3A_362 = tpu.memref_slice %arg17[%dma_wait3A_360, %dma_wait3A_361] : memref<10240x64xf32, #tpu.memory_space<vmem_shared>> -> memref<10240x64xf32, #tpu.memory_space<vmem_shared>>
          tpu.wait_indirect_dma semaphore(%arg28 : memref<!tpu.dma_semaphore, #tpu.memory_space<semaphore_mem>>) src(%arg10 : memref<64x64xf32, #tpu.memory_space<vmem>>) dst(%dma_wait3A_362 : memref<10240x64xf32, #tpu.memory_space<vmem_shared>>)
          %add3A_363 = arith.constant 8 : i32
          %add3A_364 = arith.addi %add3A_157, %add3A_363 : i32
          %add3A_365 = arith.constant 2 : i32
          %add3A_366 = arith.addi %add3A_364, %add3A_365 : i32
          %dma_start3A_367 = arith.constant 0 : i32
          %dma_start3A_368 = tpu.memref_slice %arg6[%add3A_366, %dma_start3A_367] : memref<32x64xi32, #tpu.memory_space<vmem>> -> memref<1x64xi32, #tpu.memory_space<vmem>>
          %dma_start3A_369 = tpu.memref_squeeze %dma_start3A_368 : memref<1x64xi32, #tpu.memory_space<vmem>> -> memref<64xi32, #tpu.memory_space<vmem>>
          %dma_start3A_370 = arith.constant 0 : i32
          %dma_start3A_371 = arith.constant 0 : i32
          %dma_start3A_372 = tpu.memref_slice %arg16[%dma_start3A_370, %dma_start3A_371] : memref<10240x64xf32, #tpu.memory_space<vmem_shared>> -> memref<10240x64xf32, #tpu.memory_space<vmem_shared>>
          tpu.enqueue_indirect_dma source(%dma_start3A_372 : memref<10240x64xf32, #tpu.memory_space<vmem_shared>>) target(%arg10 : memref<64x64xf32, #tpu.memory_space<vmem>>) offsets(%dma_start3A_369 : memref<64xi32, #tpu.memory_space<vmem>>) semaphore(%arg20 : memref<!tpu.dma_semaphore, #tpu.memory_space<semaphore_mem>>)
        } else {
        }
        %add3A_310 = arith.constant 8 : i32
        %add3A_311 = arith.addi %add3A_157, %add3A_310 : i32
        %add3A_312 = arith.constant 3 : i32
        %add3A_313 = arith.addi %add3A_311, %add3A_312 : i32
        %lt3A_314 = arith.constant 32 : i32
        %lt3A_315 = arith.cmpi slt, %add3A_313, %lt3A_314 : i32
        %convert_element_type3A_316 = arith.extui %lt3A_315 : i1 to i32
        %cond3A_317 = arith.constant 0 : i32
        %cond3A_318 = arith.cmpi ne, %convert_element_type3A_316, %cond3A_317 : i32
        scf.if %cond3A_318 {
          %add3A_355 = arith.constant 3 : i32
          %add3A_356 = arith.addi %add3A_157, %add3A_355 : i32
          %dma_wait3A_357 = arith.constant 0 : i32
          %dma_wait3A_358 = tpu.memref_slice %arg7[%add3A_356, %dma_wait3A_357] : memref<32x64xi32, #tpu.memory_space<vmem>> -> memref<1x64xi32, #tpu.memory_space<vmem>>
          %dma_wait3A_359 = tpu.memref_squeeze %dma_wait3A_358 : memref<1x64xi32, #tpu.memory_space<vmem>> -> memref<64xi32, #tpu.memory_space<vmem>>
          %dma_wait3A_360 = arith.constant 0 : i32
          %dma_wait3A_361 = arith.constant 0 : i32
          %dma_wait3A_362 = tpu.memref_slice %arg17[%dma_wait3A_360, %dma_wait3A_361] : memref<10240x64xf32, #tpu.memory_space<vmem_shared>> -> memref<10240x64xf32, #tpu.memory_space<vmem_shared>>
          tpu.wait_indirect_dma semaphore(%arg29 : memref<!tpu.dma_semaphore, #tpu.memory_space<semaphore_mem>>) src(%arg11 : memref<64x64xf32, #tpu.memory_space<vmem>>) dst(%dma_wait3A_362 : memref<10240x64xf32, #tpu.memory_space<vmem_shared>>)
          %add3A_363 = arith.constant 8 : i32
          %add3A_364 = arith.addi %add3A_157, %add3A_363 : i32
          %add3A_365 = arith.constant 3 : i32
          %add3A_366 = arith.addi %add3A_364, %add3A_365 : i32
          %dma_start3A_367 = arith.constant 0 : i32
          %dma_start3A_368 = tpu.memref_slice %arg6[%add3A_366, %dma_start3A_367] : memref<32x64xi32, #tpu.memory_space<vmem>> -> memref<1x64xi32, #tpu.memory_space<vmem>>
          %dma_start3A_369 = tpu.memref_squeeze %dma_start3A_368 : memref<1x64xi32, #tpu.memory_space<vmem>> -> memref<64xi32, #tpu.memory_space<vmem>>
          %dma_start3A_370 = arith.constant 0 : i32
          %dma_start3A_371 = arith.constant 0 : i32
          %dma_start3A_372 = tpu.memref_slice %arg16[%dma_start3A_370, %dma_start3A_371] : memref<10240x64xf32, #tpu.memory_space<vmem_shared>> -> memref<10240x64xf32, #tpu.memory_space<vmem_shared>>
          tpu.enqueue_indirect_dma source(%dma_start3A_372 : memref<10240x64xf32, #tpu.memory_space<vmem_shared>>) target(%arg11 : memref<64x64xf32, #tpu.memory_space<vmem>>) offsets(%dma_start3A_369 : memref<64xi32, #tpu.memory_space<vmem>>) semaphore(%arg21 : memref<!tpu.dma_semaphore, #tpu.memory_space<semaphore_mem>>)
        } else {
        }
        %add3A_319 = arith.constant 8 : i32
        %add3A_320 = arith.addi %add3A_157, %add3A_319 : i32
        %add3A_321 = arith.constant 4 : i32
        %add3A_322 = arith.addi %add3A_320, %add3A_321 : i32
        %lt3A_323 = arith.constant 32 : i32
        %lt3A_324 = arith.cmpi slt, %add3A_322, %lt3A_323 : i32
        %convert_element_type3A_325 = arith.extui %lt3A_324 : i1 to i32
        %cond3A_326 = arith.constant 0 : i32
        %cond3A_327 = arith.cmpi ne, %convert_element_type3A_325, %cond3A_326 : i32
        scf.if %cond3A_327 {
          %add3A_355 = arith.constant 4 : i32
          %add3A_356 = arith.addi %add3A_157, %add3A_355 : i32
          %dma_wait3A_357 = arith.constant 0 : i32
          %dma_wait3A_358 = tpu.memref_slice %arg7[%add3A_356, %dma_wait3A_357] : memref<32x64xi32, #tpu.memory_space<vmem>> -> memref<1x64xi32, #tpu.memory_space<vmem>>
          %dma_wait3A_359 = tpu.memref_squeeze %dma_wait3A_358 : memref<1x64xi32, #tpu.memory_space<vmem>> -> memref<64xi32, #tpu.memory_space<vmem>>
          %dma_wait3A_360 = arith.constant 0 : i32
          %dma_wait3A_361 = arith.constant 0 : i32
          %dma_wait3A_362 = tpu.memref_slice %arg17[%dma_wait3A_360, %dma_wait3A_361] : memref<10240x64xf32, #tpu.memory_space<vmem_shared>> -> memref<10240x64xf32, #tpu.memory_space<vmem_shared>>
          tpu.wait_indirect_dma semaphore(%arg30 : memref<!tpu.dma_semaphore, #tpu.memory_space<semaphore_mem>>) src(%arg12 : memref<64x64xf32, #tpu.memory_space<vmem>>) dst(%dma_wait3A_362 : memref<10240x64xf32, #tpu.memory_space<vmem_shared>>)
          %add3A_363 = arith.constant 8 : i32
          %add3A_364 = arith.addi %add3A_157, %add3A_363 : i32
          %add3A_365 = arith.constant 4 : i32
          %add3A_366 = arith.addi %add3A_364, %add3A_365 : i32
          %dma_start3A_367 = arith.constant 0 : i32
          %dma_start3A_368 = tpu.memref_slice %arg6[%add3A_366, %dma_start3A_367] : memref<32x64xi32, #tpu.memory_space<vmem>> -> memref<1x64xi32, #tpu.memory_space<vmem>>
          %dma_start3A_369 = tpu.memref_squeeze %dma_start3A_368 : memref<1x64xi32, #tpu.memory_space<vmem>> -> memref<64xi32, #tpu.memory_space<vmem>>
          %dma_start3A_370 = arith.constant 0 : i32
          %dma_start3A_371 = arith.constant 0 : i32
          %dma_start3A_372 = tpu.memref_slice %arg16[%dma_start3A_370, %dma_start3A_371] : memref<10240x64xf32, #tpu.memory_space<vmem_shared>> -> memref<10240x64xf32, #tpu.memory_space<vmem_shared>>
          tpu.enqueue_indirect_dma source(%dma_start3A_372 : memref<10240x64xf32, #tpu.memory_space<vmem_shared>>) target(%arg12 : memref<64x64xf32, #tpu.memory_space<vmem>>) offsets(%dma_start3A_369 : memref<64xi32, #tpu.memory_space<vmem>>) semaphore(%arg22 : memref<!tpu.dma_semaphore, #tpu.memory_space<semaphore_mem>>)
        } else {
        }
        %add3A_328 = arith.constant 8 : i32
        %add3A_329 = arith.addi %add3A_157, %add3A_328 : i32
        %add3A_330 = arith.constant 5 : i32
        %add3A_331 = arith.addi %add3A_329, %add3A_330 : i32
        %lt3A_332 = arith.constant 32 : i32
        %lt3A_333 = arith.cmpi slt, %add3A_331, %lt3A_332 : i32
        %convert_element_type3A_334 = arith.extui %lt3A_333 : i1 to i32
        %cond3A_335 = arith.constant 0 : i32
        %cond3A_336 = arith.cmpi ne, %convert_element_type3A_334, %cond3A_335 : i32
        scf.if %cond3A_336 {
          %add3A_355 = arith.constant 5 : i32
          %add3A_356 = arith.addi %add3A_157, %add3A_355 : i32
          %dma_wait3A_357 = arith.constant 0 : i32
          %dma_wait3A_358 = tpu.memref_slice %arg7[%add3A_356, %dma_wait3A_357] : memref<32x64xi32, #tpu.memory_space<vmem>> -> memref<1x64xi32, #tpu.memory_space<vmem>>
          %dma_wait3A_359 = tpu.memref_squeeze %dma_wait3A_358 : memref<1x64xi32, #tpu.memory_space<vmem>> -> memref<64xi32, #tpu.memory_space<vmem>>
          %dma_wait3A_360 = arith.constant 0 : i32
          %dma_wait3A_361 = arith.constant 0 : i32
          %dma_wait3A_362 = tpu.memref_slice %arg17[%dma_wait3A_360, %dma_wait3A_361] : memref<10240x64xf32, #tpu.memory_space<vmem_shared>> -> memref<10240x64xf32, #tpu.memory_space<vmem_shared>>
          tpu.wait_indirect_dma semaphore(%arg31 : memref<!tpu.dma_semaphore, #tpu.memory_space<semaphore_mem>>) src(%arg13 : memref<64x64xf32, #tpu.memory_space<vmem>>) dst(%dma_wait3A_362 : memref<10240x64xf32, #tpu.memory_space<vmem_shared>>)
          %add3A_363 = arith.constant 8 : i32
          %add3A_364 = arith.addi %add3A_157, %add3A_363 : i32
          %add3A_365 = arith.constant 5 : i32
          %add3A_366 = arith.addi %add3A_364, %add3A_365 : i32
          %dma_start3A_367 = arith.constant 0 : i32
          %dma_start3A_368 = tpu.memref_slice %arg6[%add3A_366, %dma_start3A_367] : memref<32x64xi32, #tpu.memory_space<vmem>> -> memref<1x64xi32, #tpu.memory_space<vmem>>
          %dma_start3A_369 = tpu.memref_squeeze %dma_start3A_368 : memref<1x64xi32, #tpu.memory_space<vmem>> -> memref<64xi32, #tpu.memory_space<vmem>>
          %dma_start3A_370 = arith.constant 0 : i32
          %dma_start3A_371 = arith.constant 0 : i32
          %dma_start3A_372 = tpu.memref_slice %arg16[%dma_start3A_370, %dma_start3A_371] : memref<10240x64xf32, #tpu.memory_space<vmem_shared>> -> memref<10240x64xf32, #tpu.memory_space<vmem_shared>>
          tpu.enqueue_indirect_dma source(%dma_start3A_372 : memref<10240x64xf32, #tpu.memory_space<vmem_shared>>) target(%arg13 : memref<64x64xf32, #tpu.memory_space<vmem>>) offsets(%dma_start3A_369 : memref<64xi32, #tpu.memory_space<vmem>>) semaphore(%arg23 : memref<!tpu.dma_semaphore, #tpu.memory_space<semaphore_mem>>)
        } else {
        }
        %add3A_337 = arith.constant 8 : i32
        %add3A_338 = arith.addi %add3A_157, %add3A_337 : i32
        %add3A_339 = arith.constant 6 : i32
        %add3A_340 = arith.addi %add3A_338, %add3A_339 : i32
        %lt3A_341 = arith.constant 32 : i32
        %lt3A_342 = arith.cmpi slt, %add3A_340, %lt3A_341 : i32
        %convert_element_type3A_343 = arith.extui %lt3A_342 : i1 to i32
        %cond3A_344 = arith.constant 0 : i32
        %cond3A_345 = arith.cmpi ne, %convert_element_type3A_343, %cond3A_344 : i32
        scf.if %cond3A_345 {
          %add3A_355 = arith.constant 6 : i32
          %add3A_356 = arith.addi %add3A_157, %add3A_355 : i32
          %dma_wait3A_357 = arith.constant 0 : i32
          %dma_wait3A_358 = tpu.memref_slice %arg7[%add3A_356, %dma_wait3A_357] : memref<32x64xi32, #tpu.memory_space<vmem>> -> memref<1x64xi32, #tpu.memory_space<vmem>>
          %dma_wait3A_359 = tpu.memref_squeeze %dma_wait3A_358 : memref<1x64xi32, #tpu.memory_space<vmem>> -> memref<64xi32, #tpu.memory_space<vmem>>
          %dma_wait3A_360 = arith.constant 0 : i32
          %dma_wait3A_361 = arith.constant 0 : i32
          %dma_wait3A_362 = tpu.memref_slice %arg17[%dma_wait3A_360, %dma_wait3A_361] : memref<10240x64xf32, #tpu.memory_space<vmem_shared>> -> memref<10240x64xf32, #tpu.memory_space<vmem_shared>>
          tpu.wait_indirect_dma semaphore(%arg32 : memref<!tpu.dma_semaphore, #tpu.memory_space<semaphore_mem>>) src(%arg14 : memref<64x64xf32, #tpu.memory_space<vmem>>) dst(%dma_wait3A_362 : memref<10240x64xf32, #tpu.memory_space<vmem_shared>>)
          %add3A_363 = arith.constant 8 : i32
          %add3A_364 = arith.addi %add3A_157, %add3A_363 : i32
          %add3A_365 = arith.constant 6 : i32
          %add3A_366 = arith.addi %add3A_364, %add3A_365 : i32
          %dma_start3A_367 = arith.constant 0 : i32
          %dma_start3A_368 = tpu.memref_slice %arg6[%add3A_366, %dma_start3A_367] : memref<32x64xi32, #tpu.memory_space<vmem>> -> memref<1x64xi32, #tpu.memory_space<vmem>>
          %dma_start3A_369 = tpu.memref_squeeze %dma_start3A_368 : memref<1x64xi32, #tpu.memory_space<vmem>> -> memref<64xi32, #tpu.memory_space<vmem>>
          %dma_start3A_370 = arith.constant 0 : i32
          %dma_start3A_371 = arith.constant 0 : i32
          %dma_start3A_372 = tpu.memref_slice %arg16[%dma_start3A_370, %dma_start3A_371] : memref<10240x64xf32, #tpu.memory_space<vmem_shared>> -> memref<10240x64xf32, #tpu.memory_space<vmem_shared>>
          tpu.enqueue_indirect_dma source(%dma_start3A_372 : memref<10240x64xf32, #tpu.memory_space<vmem_shared>>) target(%arg14 : memref<64x64xf32, #tpu.memory_space<vmem>>) offsets(%dma_start3A_369 : memref<64xi32, #tpu.memory_space<vmem>>) semaphore(%arg24 : memref<!tpu.dma_semaphore, #tpu.memory_space<semaphore_mem>>)
        } else {
        }
        %add3A_346 = arith.constant 8 : i32
        %add3A_347 = arith.addi %add3A_157, %add3A_346 : i32
        %add3A_348 = arith.constant 7 : i32
        %add3A_349 = arith.addi %add3A_347, %add3A_348 : i32
        %lt3A_350 = arith.constant 32 : i32
        %lt3A_351 = arith.cmpi slt, %add3A_349, %lt3A_350 : i32
        %convert_element_type3A_352 = arith.extui %lt3A_351 : i1 to i32
        %cond3A_353 = arith.constant 0 : i32
        %cond3A_354 = arith.cmpi ne, %convert_element_type3A_352, %cond3A_353 : i32
        scf.if %cond3A_354 {
          %add3A_355 = arith.constant 7 : i32
          %add3A_356 = arith.addi %add3A_157, %add3A_355 : i32
          %dma_wait3A_357 = arith.constant 0 : i32
          %dma_wait3A_358 = tpu.memref_slice %arg7[%add3A_356, %dma_wait3A_357] : memref<32x64xi32, #tpu.memory_space<vmem>> -> memref<1x64xi32, #tpu.memory_space<vmem>>
          %dma_wait3A_359 = tpu.memref_squeeze %dma_wait3A_358 : memref<1x64xi32, #tpu.memory_space<vmem>> -> memref<64xi32, #tpu.memory_space<vmem>>
          %dma_wait3A_360 = arith.constant 0 : i32
          %dma_wait3A_361 = arith.constant 0 : i32
          %dma_wait3A_362 = tpu.memref_slice %arg17[%dma_wait3A_360, %dma_wait3A_361] : memref<10240x64xf32, #tpu.memory_space<vmem_shared>> -> memref<10240x64xf32, #tpu.memory_space<vmem_shared>>
          tpu.wait_indirect_dma semaphore(%arg33 : memref<!tpu.dma_semaphore, #tpu.memory_space<semaphore_mem>>) src(%arg15 : memref<64x64xf32, #tpu.memory_space<vmem>>) dst(%dma_wait3A_362 : memref<10240x64xf32, #tpu.memory_space<vmem_shared>>)
          %add3A_363 = arith.constant 8 : i32
          %add3A_364 = arith.addi %add3A_157, %add3A_363 : i32
          %add3A_365 = arith.constant 7 : i32
          %add3A_366 = arith.addi %add3A_364, %add3A_365 : i32
          %dma_start3A_367 = arith.constant 0 : i32
          %dma_start3A_368 = tpu.memref_slice %arg6[%add3A_366, %dma_start3A_367] : memref<32x64xi32, #tpu.memory_space<vmem>> -> memref<1x64xi32, #tpu.memory_space<vmem>>
          %dma_start3A_369 = tpu.memref_squeeze %dma_start3A_368 : memref<1x64xi32, #tpu.memory_space<vmem>> -> memref<64xi32, #tpu.memory_space<vmem>>
          %dma_start3A_370 = arith.constant 0 : i32
          %dma_start3A_371 = arith.constant 0 : i32
          %dma_start3A_372 = tpu.memref_slice %arg16[%dma_start3A_370, %dma_start3A_371] : memref<10240x64xf32, #tpu.memory_space<vmem_shared>> -> memref<10240x64xf32, #tpu.memory_space<vmem_shared>>
          tpu.enqueue_indirect_dma source(%dma_start3A_372 : memref<10240x64xf32, #tpu.memory_space<vmem_shared>>) target(%arg15 : memref<64x64xf32, #tpu.memory_space<vmem>>) offsets(%dma_start3A_369 : memref<64xi32, #tpu.memory_space<vmem>>) semaphore(%arg25 : memref<!tpu.dma_semaphore, #tpu.memory_space<semaphore_mem>>)
        } else {
        }
      }
      %scan3A_97 = arith.constant 4 : i32
      %dma_wait3A = arith.constant 24 : i32
      %dma_wait3A_98 = arith.constant 0 : i32
      %dma_wait3A_99 = tpu.memref_slice %arg7[%dma_wait3A, %dma_wait3A_98] : memref<32x64xi32, #tpu.memory_space<vmem>> -> memref<1x64xi32, #tpu.memory_space<vmem>>
      %dma_wait3A_100 = tpu.memref_squeeze %dma_wait3A_99 : memref<1x64xi32, #tpu.memory_space<vmem>> -> memref<64xi32, #tpu.memory_space<vmem>>
      %dma_wait3A_101 = arith.constant 0 : i32
      %dma_wait3A_102 = arith.constant 0 : i32
      %dma_wait3A_103 = tpu.memref_slice %arg17[%dma_wait3A_101, %dma_wait3A_102] : memref<10240x64xf32, #tpu.memory_space<vmem_shared>> -> memref<10240x64xf32, #tpu.memory_space<vmem_shared>>
      tpu.wait_indirect_dma semaphore(%arg26 : memref<!tpu.dma_semaphore, #tpu.memory_space<semaphore_mem>>) src(%arg8 : memref<64x64xf32, #tpu.memory_space<vmem>>) dst(%dma_wait3A_103 : memref<10240x64xf32, #tpu.memory_space<vmem_shared>>)
      %dma_wait3A_104 = arith.constant 25 : i32
      %dma_wait3A_105 = arith.constant 0 : i32
      %dma_wait3A_106 = tpu.memref_slice %arg7[%dma_wait3A_104, %dma_wait3A_105] : memref<32x64xi32, #tpu.memory_space<vmem>> -> memref<1x64xi32, #tpu.memory_space<vmem>>
      %dma_wait3A_107 = tpu.memref_squeeze %dma_wait3A_106 : memref<1x64xi32, #tpu.memory_space<vmem>> -> memref<64xi32, #tpu.memory_space<vmem>>
      %dma_wait3A_108 = arith.constant 0 : i32
      %dma_wait3A_109 = arith.constant 0 : i32
      %dma_wait3A_110 = tpu.memref_slice %arg17[%dma_wait3A_108, %dma_wait3A_109] : memref<10240x64xf32, #tpu.memory_space<vmem_shared>> -> memref<10240x64xf32, #tpu.memory_space<vmem_shared>>
      tpu.wait_indirect_dma semaphore(%arg27 : memref<!tpu.dma_semaphore, #tpu.memory_space<semaphore_mem>>) src(%arg9 : memref<64x64xf32, #tpu.memory_space<vmem>>) dst(%dma_wait3A_110 : memref<10240x64xf32, #tpu.memory_space<vmem_shared>>)
      %dma_wait3A_111 = arith.constant 26 : i32
      %dma_wait3A_112 = arith.constant 0 : i32
      %dma_wait3A_113 = tpu.memref_slice %arg7[%dma_wait3A_111, %dma_wait3A_112] : memref<32x64xi32, #tpu.memory_space<vmem>> -> memref<1x64xi32, #tpu.memory_space<vmem>>
      %dma_wait3A_114 = tpu.memref_squeeze %dma_wait3A_113 : memref<1x64xi32, #tpu.memory_space<vmem>> -> memref<64xi32, #tpu.memory_space<vmem>>
      %dma_wait3A_115 = arith.constant 0 : i32
      %dma_wait3A_116 = arith.constant 0 : i32
      %dma_wait3A_117 = tpu.memref_slice %arg17[%dma_wait3A_115, %dma_wait3A_116] : memref<10240x64xf32, #tpu.memory_space<vmem_shared>> -> memref<10240x64xf32, #tpu.memory_space<vmem_shared>>
      tpu.wait_indirect_dma semaphore(%arg28 : memref<!tpu.dma_semaphore, #tpu.memory_space<semaphore_mem>>) src(%arg10 : memref<64x64xf32, #tpu.memory_space<vmem>>) dst(%dma_wait3A_117 : memref<10240x64xf32, #tpu.memory_space<vmem_shared>>)
      %dma_wait3A_118 = arith.constant 27 : i32
      %dma_wait3A_119 = arith.constant 0 : i32
      %dma_wait3A_120 = tpu.memref_slice %arg7[%dma_wait3A_118, %dma_wait3A_119] : memref<32x64xi32, #tpu.memory_space<vmem>> -> memref<1x64xi32, #tpu.memory_space<vmem>>
      %dma_wait3A_121 = tpu.memref_squeeze %dma_wait3A_120 : memref<1x64xi32, #tpu.memory_space<vmem>> -> memref<64xi32, #tpu.memory_space<vmem>>
      %dma_wait3A_122 = arith.constant 0 : i32
      %dma_wait3A_123 = arith.constant 0 : i32
      %dma_wait3A_124 = tpu.memref_slice %arg17[%dma_wait3A_122, %dma_wait3A_123] : memref<10240x64xf32, #tpu.memory_space<vmem_shared>> -> memref<10240x64xf32, #tpu.memory_space<vmem_shared>>
      tpu.wait_indirect_dma semaphore(%arg29 : memref<!tpu.dma_semaphore, #tpu.memory_space<semaphore_mem>>) src(%arg11 : memref<64x64xf32, #tpu.memory_space<vmem>>) dst(%dma_wait3A_124 : memref<10240x64xf32, #tpu.memory_space<vmem_shared>>)
      %dma_wait3A_125 = arith.constant 28 : i32
      %dma_wait3A_126 = arith.constant 0 : i32
      %dma_wait3A_127 = tpu.memref_slice %arg7[%dma_wait3A_125, %dma_wait3A_126] : memref<32x64xi32, #tpu.memory_space<vmem>> -> memref<1x64xi32, #tpu.memory_space<vmem>>
      %dma_wait3A_128 = tpu.memref_squeeze %dma_wait3A_127 : memref<1x64xi32, #tpu.memory_space<vmem>> -> memref<64xi32, #tpu.memory_space<vmem>>
      %dma_wait3A_129 = arith.constant 0 : i32
      %dma_wait3A_130 = arith.constant 0 : i32
      %dma_wait3A_131 = tpu.memref_slice %arg17[%dma_wait3A_129, %dma_wait3A_130] : memref<10240x64xf32, #tpu.memory_space<vmem_shared>> -> memref<10240x64xf32, #tpu.memory_space<vmem_shared>>
      tpu.wait_indirect_dma semaphore(%arg30 : memref<!tpu.dma_semaphore, #tpu.memory_space<semaphore_mem>>) src(%arg12 : memref<64x64xf32, #tpu.memory_space<vmem>>) dst(%dma_wait3A_131 : memref<10240x64xf32, #tpu.memory_space<vmem_shared>>)
      %dma_wait3A_132 = arith.constant 29 : i32
      %dma_wait3A_133 = arith.constant 0 : i32
      %dma_wait3A_134 = tpu.memref_slice %arg7[%dma_wait3A_132, %dma_wait3A_133] : memref<32x64xi32, #tpu.memory_space<vmem>> -> memref<1x64xi32, #tpu.memory_space<vmem>>
      %dma_wait3A_135 = tpu.memref_squeeze %dma_wait3A_134 : memref<1x64xi32, #tpu.memory_space<vmem>> -> memref<64xi32, #tpu.memory_space<vmem>>
      %dma_wait3A_136 = arith.constant 0 : i32
      %dma_wait3A_137 = arith.constant 0 : i32
      %dma_wait3A_138 = tpu.memref_slice %arg17[%dma_wait3A_136, %dma_wait3A_137] : memref<10240x64xf32, #tpu.memory_space<vmem_shared>> -> memref<10240x64xf32, #tpu.memory_space<vmem_shared>>
      tpu.wait_indirect_dma semaphore(%arg31 : memref<!tpu.dma_semaphore, #tpu.memory_space<semaphore_mem>>) src(%arg13 : memref<64x64xf32, #tpu.memory_space<vmem>>) dst(%dma_wait3A_138 : memref<10240x64xf32, #tpu.memory_space<vmem_shared>>)
      %dma_wait3A_139 = arith.constant 30 : i32
      %dma_wait3A_140 = arith.constant 0 : i32
      %dma_wait3A_141 = tpu.memref_slice %arg7[%dma_wait3A_139, %dma_wait3A_140] : memref<32x64xi32, #tpu.memory_space<vmem>> -> memref<1x64xi32, #tpu.memory_space<vmem>>
      %dma_wait3A_142 = tpu.memref_squeeze %dma_wait3A_141 : memref<1x64xi32, #tpu.memory_space<vmem>> -> memref<64xi32, #tpu.memory_space<vmem>>
      %dma_wait3A_143 = arith.constant 0 : i32
      %dma_wait3A_144 = arith.constant 0 : i32
      %dma_wait3A_145 = tpu.memref_slice %arg17[%dma_wait3A_143, %dma_wait3A_144] : memref<10240x64xf32, #tpu.memory_space<vmem_shared>> -> memref<10240x64xf32, #tpu.memory_space<vmem_shared>>
      tpu.wait_indirect_dma semaphore(%arg32 : memref<!tpu.dma_semaphore, #tpu.memory_space<semaphore_mem>>) src(%arg14 : memref<64x64xf32, #tpu.memory_space<vmem>>) dst(%dma_wait3A_145 : memref<10240x64xf32, #tpu.memory_space<vmem_shared>>)
      %dma_wait3A_146 = arith.constant 31 : i32
      %dma_wait3A_147 = arith.constant 0 : i32
      %dma_wait3A_148 = tpu.memref_slice %arg7[%dma_wait3A_146, %dma_wait3A_147] : memref<32x64xi32, #tpu.memory_space<vmem>> -> memref<1x64xi32, #tpu.memory_space<vmem>>
      %dma_wait3A_149 = tpu.memref_squeeze %dma_wait3A_148 : memref<1x64xi32, #tpu.memory_space<vmem>> -> memref<64xi32, #tpu.memory_space<vmem>>
      %dma_wait3A_150 = arith.constant 0 : i32
      %dma_wait3A_151 = arith.constant 0 : i32
      %dma_wait3A_152 = tpu.memref_slice %arg17[%dma_wait3A_150, %dma_wait3A_151] : memref<10240x64xf32, #tpu.memory_space<vmem_shared>> -> memref<10240x64xf32, #tpu.memory_space<vmem_shared>>
      tpu.wait_indirect_dma semaphore(%arg33 : memref<!tpu.dma_semaphore, #tpu.memory_space<semaphore_mem>>) src(%arg15 : memref<64x64xf32, #tpu.memory_space<vmem>>) dst(%dma_wait3A_152 : memref<10240x64xf32, #tpu.memory_space<vmem_shared>>)
    }
    %scan3A_29 = arith.constant 10 : i32
    %barrier3A_30 = arith.constant 0 : index
    tpu.barrier barrier_id(%barrier3A_30)
    "tpu.region"() ({
      %run_scoped3A = tpu.sem_alloc : memref<!tpu.dma_semaphore, #tpu.memory_space<semaphore_mem>>
      %dma_start3A = arith.constant 0 : i32
      %dma_start3A_31 = arith.constant 0 : i32
      %dma_start3A_32 = tpu.memref_slice %arg5[%arg0, %dma_start3A, %dma_start3A_31] : memref<2x10240x64xf32, #tpu.memory_space<hbm>> -> memref<1x10240x64xf32, #tpu.memory_space<hbm>>
      %dma_start3A_33 = tpu.memref_squeeze %dma_start3A_32 : memref<1x10240x64xf32, #tpu.memory_space<hbm>> -> memref<10240x64xf32, #tpu.memory_space<hbm>>
      %dma_start3A_34 = arith.constant 0 : i32
      %dma_start3A_35 = tpu.memref_slice %dma_start3A_33[%mul3A_5, %dma_start3A_34] : memref<10240x64xf32, #tpu.memory_space<hbm>> -> memref<640x64xf32, #tpu.memory_space<hbm>>
      %dma_start3A_36 = arith.constant 0 : i32
      %dma_start3A_37 = tpu.memref_slice %arg17[%mul3A_5, %dma_start3A_36] : memref<10240x64xf32, #tpu.memory_space<vmem_shared>> -> memref<640x64xf32, #tpu.memory_space<vmem_shared>>
      tpu.enqueue_dma source(%dma_start3A_37 : memref<640x64xf32, #tpu.memory_space<vmem_shared>>) target(%dma_start3A_35 : memref<640x64xf32, #tpu.memory_space<hbm>>) target_semaphore(%run_scoped3A : memref<!tpu.dma_semaphore, #tpu.memory_space<semaphore_mem>>)
      %dma_wait3A = arith.constant 0 : i32
      %dma_wait3A_38 = arith.constant 0 : i32
      %dma_wait3A_39 = tpu.memref_slice %arg5[%arg0, %dma_wait3A, %dma_wait3A_38] : memref<2x10240x64xf32, #tpu.memory_space<hbm>> -> memref<1x10240x64xf32, #tpu.memory_space<hbm>>
      %dma_wait3A_40 = tpu.memref_squeeze %dma_wait3A_39 : memref<1x10240x64xf32, #tpu.memory_space<hbm>> -> memref<10240x64xf32, #tpu.memory_space<hbm>>
      %dma_wait3A_41 = arith.constant 0 : i32
      %dma_wait3A_42 = tpu.memref_slice %dma_wait3A_40[%mul3A_5, %dma_wait3A_41] : memref<10240x64xf32, #tpu.memory_space<hbm>> -> memref<640x64xf32, #tpu.memory_space<hbm>>
      %dma_wait3A_43 = arith.constant 0 : i32
      %dma_wait3A_44 = tpu.memref_slice %arg17[%mul3A_5, %dma_wait3A_43] : memref<10240x64xf32, #tpu.memory_space<vmem_shared>> -> memref<640x64xf32, #tpu.memory_space<vmem_shared>>
      tpu.wait_dma2 semaphore(%run_scoped3A : memref<!tpu.dma_semaphore, #tpu.memory_space<semaphore_mem>>) src(%dma_wait3A_44 : memref<640x64xf32, #tpu.memory_space<vmem_shared>>) dst(%dma_wait3A_42 : memref<640x64xf32, #tpu.memory_space<hbm>>)
      tpu.yield
    }) : () -> ()
    return
  }
}

#map = affine_map<(d0, d1) -> (0, 0, 0)>
module attributes {stable_mosaic.version = 14 : i64} {
  func.func @_sc_agg_body(%arg0: i32, %arg1: i32, %arg2: memref<2x10240x64xf32, #tpu.memory_space<hbm>>, %arg3: memref<16x320x64xi32, #tpu.memory_space<hbm>>, %arg4: memref<16x320x64xi32, #tpu.memory_space<hbm>>, %arg5: memref<2x10240x64xf32, #tpu.memory_space<hbm>>, %arg6: memref<32x64xi32, #tpu.memory_space<vmem>>, %arg7: memref<32x64xi32, #tpu.memory_space<vmem>>, %arg8: memref<64x64xf32, #tpu.memory_space<vmem>>, %arg9: memref<64x64xf32, #tpu.memory_space<vmem>>, %arg10: memref<64x64xf32, #tpu.memory_space<vmem>>, %arg11: memref<64x64xf32, #tpu.memory_space<vmem>>, %arg12: memref<64x64xf32, #tpu.memory_space<vmem>>, %arg13: memref<64x64xf32, #tpu.memory_space<vmem>>, %arg14: memref<64x64xf32, #tpu.memory_space<vmem>>, %arg15: memref<64x64xf32, #tpu.memory_space<vmem>>, %arg16: memref<10240x64xf32, #tpu.memory_space<vmem_shared>>, %arg17: memref<10240x64xf32, #tpu.memory_space<vmem_shared>>, %arg18: memref<!tpu.dma_semaphore, #tpu.memory_space<semaphore_mem>>, %arg19: memref<!tpu.dma_semaphore, #tpu.memory_space<semaphore_mem>>, %arg20: memref<!tpu.dma_semaphore, #tpu.memory_space<semaphore_mem>>, %arg21: memref<!tpu.dma_semaphore, #tpu.memory_space<semaphore_mem>>, %arg22: memref<!tpu.dma_semaphore, #tpu.memory_space<semaphore_mem>>, %arg23: memref<!tpu.dma_semaphore, #tpu.memory_space<semaphore_mem>>, %arg24: memref<!tpu.dma_semaphore, #tpu.memory_space<semaphore_mem>>, %arg25: memref<!tpu.dma_semaphore, #tpu.memory_space<semaphore_mem>>, %arg26: memref<!tpu.dma_semaphore, #tpu.memory_space<semaphore_mem>>, %arg27: memref<!tpu.dma_semaphore, #tpu.memory_space<semaphore_mem>>, %arg28: memref<!tpu.dma_semaphore, #tpu.memory_space<semaphore_mem>>, %arg29: memref<!tpu.dma_semaphore, #tpu.memory_space<semaphore_mem>>, %arg30: memref<!tpu.dma_semaphore, #tpu.memory_space<semaphore_mem>>, %arg31: memref<!tpu.dma_semaphore, #tpu.memory_space<semaphore_mem>>, %arg32: memref<!tpu.dma_semaphore, #tpu.memory_space<semaphore_mem>>, %arg33: memref<!tpu.dma_semaphore, #tpu.memory_space<semaphore_mem>>) attributes {dimension_semantics = [#tpu.dimension_semantics<core_parallel>, #tpu.dimension_semantics<subcore_parallel>], iteration_bounds = array<i64: 2, 16>, scalar_prefetch = 0 : i64, scratch_operands = 28 : i64, tpu.core_type = #tpu.core_type<sc_vector_subcore>, window_params = [{transform_indices = #map}, {transform_indices = #map}, {transform_indices = #map}, {transform_indices = #map}]} {
    %broadcast_in_dim3A = arith.constant 0.000000e+00 : f32
    %broadcast_in_dim3A_0 = vector.broadcast %broadcast_in_dim3A : f32 to vector<16xf32>
    %scan3A = arith.constant 0 : i32
    %scan3A_1 = arith.constant 64 : i32
    %scan3A_2 = arith.addi %scan3A, %scan3A_1 : i32
    %scan3A_3 = arith.constant 1 : i32
    scf.for %scan3A_31 = %scan3A to %scan3A_2 step %scan3A_3  : i32 {
      %mul3A_32 = arith.constant 1 : i32
      %mul3A_33 = arith.muli %scan3A_31, %mul3A_32 : i32
      %add3A_34 = arith.constant 0 : i32
      %add3A_35 = arith.addi %add3A_34, %mul3A_33 : i32
      %scan3A_36 = arith.constant 0 : i32
      %scan3A_37 = arith.constant 4 : i32
      %scan3A_38 = arith.addi %scan3A_36, %scan3A_37 : i32
      %scan3A_39 = arith.constant 1 : i32
      scf.for %scan3A_41 = %scan3A_36 to %scan3A_38 step %scan3A_39  : i32 {
        %mul3A_42 = arith.constant 16 : i32
        %mul3A_43 = arith.muli %scan3A_41, %mul3A_42 : i32
        %add3A_44 = arith.constant 0 : i32
        %add3A_45 = arith.addi %add3A_44, %mul3A_43 : i32
        %swap3A = arith.index_cast %add3A_35 : i32 to index
        %swap3A_46 = arith.index_cast %add3A_45 : i32 to index
        %swap3A_47 = tpu.vector_load %arg8[%swap3A, %swap3A_46] {strides = array<i32>} : memref<64x64xf32, #tpu.memory_space<vmem>>, vector<16xf32>,
        tpu.vector_store %arg8[%swap3A, %swap3A_46], %broadcast_in_dim3A_0 {strides = array<i32>} : memref<64x64xf32, #tpu.memory_space<vmem>>, vector<16xf32>,
      }
      %scan3A_40 = arith.constant 4 : i32
    }
    %scan3A_4 = arith.constant 64 : i32
    %mul3A = arith.constant 640 : i32
    %mul3A_5 = arith.muli %arg1, %mul3A : i32
    "tpu.region"() ({
      %run_scoped3A = tpu.sem_alloc : memref<!tpu.dma_semaphore, #tpu.memory_space<semaphore_mem>>
      %dma_start3A = arith.constant 0 : i32
      %dma_start3A_31 = tpu.memref_slice %arg16[%mul3A_5, %dma_start3A] : memref<10240x64xf32, #tpu.memory_space<vmem_shared>> -> memref<640x64xf32, #tpu.memory_space<vmem_shared>>
      %dma_start3A_32 = arith.constant 0 : i32
      %dma_start3A_33 = arith.constant 0 : i32
      %dma_start3A_34 = tpu.memref_slice %arg2[%arg0, %dma_start3A_32, %dma_start3A_33] : memref<2x10240x64xf32, #tpu.memory_space<hbm>> -> memref<1x10240x64xf32, #tpu.memory_space<hbm>>
      %dma_start3A_35 = tpu.memref_squeeze %dma_start3A_34 : memref<1x10240x64xf32, #tpu.memory_space<hbm>> -> memref<10240x64xf32, #tpu.memory_space<hbm>>
      %dma_start3A_36 = arith.constant 0 : i32
      %dma_start3A_37 = tpu.memref_slice %dma_start3A_35[%mul3A_5, %dma_start3A_36] : memref<10240x64xf32, #tpu.memory_space<hbm>> -> memref<640x64xf32, #tpu.memory_space<hbm>>
      tpu.enqueue_dma source(%dma_start3A_37 : memref<640x64xf32, #tpu.memory_space<hbm>>) target(%dma_start3A_31 : memref<640x64xf32, #tpu.memory_space<vmem_shared>>) target_semaphore(%run_scoped3A : memref<!tpu.dma_semaphore, #tpu.memory_space<semaphore_mem>>)
      %dma_wait3A = arith.constant 0 : i32
      %dma_wait3A_38 = tpu.memref_slice %arg16[%mul3A_5, %dma_wait3A] : memref<10240x64xf32, #tpu.memory_space<vmem_shared>> -> memref<640x64xf32, #tpu.memory_space<vmem_shared>>
      %dma_wait3A_39 = arith.constant 0 : i32
      %dma_wait3A_40 = arith.constant 0 : i32
      %dma_wait3A_41 = tpu.memref_slice %arg2[%arg0, %dma_wait3A_39, %dma_wait3A_40] : memref<2x10240x64xf32, #tpu.memory_space<hbm>> -> memref<1x10240x64xf32, #tpu.memory_space<hbm>>
      %dma_wait3A_42 = tpu.memref_squeeze %dma_wait3A_41 : memref<1x10240x64xf32, #tpu.memory_space<hbm>> -> memref<10240x64xf32, #tpu.memory_space<hbm>>
      %dma_wait3A_43 = arith.constant 0 : i32
      %dma_wait3A_44 = tpu.memref_slice %dma_wait3A_42[%mul3A_5, %dma_wait3A_43] : memref<10240x64xf32, #tpu.memory_space<hbm>> -> memref<640x64xf32, #tpu.memory_space<hbm>>
      tpu.wait_dma2 semaphore(%run_scoped3A : memref<!tpu.dma_semaphore, #tpu.memory_space<semaphore_mem>>) src(%dma_wait3A_44 : memref<640x64xf32, #tpu.memory_space<hbm>>) dst(%dma_wait3A_38 : memref<640x64xf32, #tpu.memory_space<vmem_shared>>)
      tpu.yield
    }) : () -> ()
    %add3A = arith.constant 0 : i32
    %add3A_6 = arith.addi %mul3A_5, %add3A : i32
    "tpu.region"() ({
      %run_scoped3A = tpu.sem_alloc : memref<!tpu.dma_semaphore, #tpu.memory_space<semaphore_mem>>
      %dma_start3A = arith.constant 0 : i32
      %dma_start3A_31 = arith.constant 0 : i32
      %dma_start3A_32 = tpu.memref_slice %arg8[%dma_start3A, %dma_start3A_31] : memref<64x64xf32, #tpu.memory_space<vmem>> -> memref<64x64xf32, #tpu.memory_space<vmem>>
      %dma_start3A_33 = arith.constant 0 : i32
      %dma_start3A_34 = tpu.memref_slice %arg17[%add3A_6, %dma_start3A_33] : memref<10240x64xf32, #tpu.memory_space<vmem_shared>> -> memref<64x64xf32, #tpu.memory_space<vmem_shared>>
      %dma_start3A_35 = arith.constant 0 : i32
      %dma_start3A_36 = tpu.memref_slice %arg17[%add3A_6, %dma_start3A_35] : memref<10240x64xf32, #tpu.memory_space<vmem_shared>> -> memref<64x64xf32, #tpu.memory_space<vmem_shared>>
      %dma_start3A_37 = arith.constant 0 : i32
      %dma_start3A_38 = arith.constant 0 : i32
      %dma_start3A_39 = tpu.memref_slice %arg8[%dma_start3A_37, %dma_start3A_38] : memref<64x64xf32, #tpu.memory_space<vmem>> -> memref<64x64xf32, #tpu.memory_space<vmem>>
      tpu.enqueue_dma source(%dma_start3A_39 : memref<64x64xf32, #tpu.memory_space<vmem>>) target(%dma_start3A_36 : memref<64x64xf32, #tpu.memory_space<vmem_shared>>) target_semaphore(%run_scoped3A : memref<!tpu.dma_semaphore, #tpu.memory_space<semaphore_mem>>)
      %dma_wait3A = arith.constant 0 : i32
      %dma_wait3A_40 = arith.constant 0 : i32
      %dma_wait3A_41 = tpu.memref_slice %arg8[%dma_wait3A, %dma_wait3A_40] : memref<64x64xf32, #tpu.memory_space<vmem>> -> memref<64x64xf32, #tpu.memory_space<vmem>>
      %dma_wait3A_42 = arith.constant 0 : i32
      %dma_wait3A_43 = tpu.memref_slice %arg17[%add3A_6, %dma_wait3A_42] : memref<10240x64xf32, #tpu.memory_space<vmem_shared>> -> memref<64x64xf32, #tpu.memory_space<vmem_shared>>
      %dma_wait3A_44 = arith.constant 0 : i32
      %dma_wait3A_45 = tpu.memref_slice %arg17[%add3A_6, %dma_wait3A_44] : memref<10240x64xf32, #tpu.memory_space<vmem_shared>> -> memref<64x64xf32, #tpu.memory_space<vmem_shared>>
      %dma_wait3A_46 = arith.constant 0 : i32
      %dma_wait3A_47 = arith.constant 0 : i32
      %dma_wait3A_48 = tpu.memref_slice %arg8[%dma_wait3A_46, %dma_wait3A_47] : memref<64x64xf32, #tpu.memory_space<vmem>> -> memref<64x64xf32, #tpu.memory_space<vmem>>
      tpu.wait_dma2 semaphore(%run_scoped3A : memref<!tpu.dma_semaphore, #tpu.memory_space<semaphore_mem>>) src(%dma_wait3A_48 : memref<64x64xf32, #tpu.memory_space<vmem>>) dst(%dma_wait3A_45 : memref<64x64xf32, #tpu.memory_space<vmem_shared>>)
      tpu.yield
    }) : () -> ()
    %add3A_7 = arith.constant 64 : i32
    %add3A_8 = arith.addi %mul3A_5, %add3A_7 : i32
    "tpu.region"() ({
      %run_scoped3A = tpu.sem_alloc : memref<!tpu.dma_semaphore, #tpu.memory_space<semaphore_mem>>
      %dma_start3A = arith.constant 0 : i32
      %dma_start3A_31 = arith.constant 0 : i32
      %dma_start3A_32 = tpu.memref_slice %arg8[%dma_start3A, %dma_start3A_31] : memref<64x64xf32, #tpu.memory_space<vmem>> -> memref<64x64xf32, #tpu.memory_space<vmem>>
      %dma_start3A_33 = arith.constant 0 : i32
      %dma_start3A_34 = tpu.memref_slice %arg17[%add3A_8, %dma_start3A_33] : memref<10240x64xf32, #tpu.memory_space<vmem_shared>> -> memref<64x64xf32, #tpu.memory_space<vmem_shared>>
      %dma_start3A_35 = arith.constant 0 : i32
      %dma_start3A_36 = tpu.memref_slice %arg17[%add3A_8, %dma_start3A_35] : memref<10240x64xf32, #tpu.memory_space<vmem_shared>> -> memref<64x64xf32, #tpu.memory_space<vmem_shared>>
      %dma_start3A_37 = arith.constant 0 : i32
      %dma_start3A_38 = arith.constant 0 : i32
      %dma_start3A_39 = tpu.memref_slice %arg8[%dma_start3A_37, %dma_start3A_38] : memref<64x64xf32, #tpu.memory_space<vmem>> -> memref<64x64xf32, #tpu.memory_space<vmem>>
      tpu.enqueue_dma source(%dma_start3A_39 : memref<64x64xf32, #tpu.memory_space<vmem>>) target(%dma_start3A_36 : memref<64x64xf32, #tpu.memory_space<vmem_shared>>) target_semaphore(%run_scoped3A : memref<!tpu.dma_semaphore, #tpu.memory_space<semaphore_mem>>)
      %dma_wait3A = arith.constant 0 : i32
      %dma_wait3A_40 = arith.constant 0 : i32
      %dma_wait3A_41 = tpu.memref_slice %arg8[%dma_wait3A, %dma_wait3A_40] : memref<64x64xf32, #tpu.memory_space<vmem>> -> memref<64x64xf32, #tpu.memory_space<vmem>>
      %dma_wait3A_42 = arith.constant 0 : i32
      %dma_wait3A_43 = tpu.memref_slice %arg17[%add3A_8, %dma_wait3A_42] : memref<10240x64xf32, #tpu.memory_space<vmem_shared>> -> memref<64x64xf32, #tpu.memory_space<vmem_shared>>
      %dma_wait3A_44 = arith.constant 0 : i32
      %dma_wait3A_45 = tpu.memref_slice %arg17[%add3A_8, %dma_wait3A_44] : memref<10240x64xf32, #tpu.memory_space<vmem_shared>> -> memref<64x64xf32, #tpu.memory_space<vmem_shared>>
      %dma_wait3A_46 = arith.constant 0 : i32
      %dma_wait3A_47 = arith.constant 0 : i32
      %dma_wait3A_48 = tpu.memref_slice %arg8[%dma_wait3A_46, %dma_wait3A_47] : memref<64x64xf32, #tpu.memory_space<vmem>> -> memref<64x64xf32, #tpu.memory_space<vmem>>
      tpu.wait_dma2 semaphore(%run_scoped3A : memref<!tpu.dma_semaphore, #tpu.memory_space<semaphore_mem>>) src(%dma_wait3A_48 : memref<64x64xf32, #tpu.memory_space<vmem>>) dst(%dma_wait3A_45 : memref<64x64xf32, #tpu.memory_space<vmem_shared>>)
      tpu.yield
    }) : () -> ()
    %add3A_9 = arith.constant 128 : i32
    %add3A_10 = arith.addi %mul3A_5, %add3A_9 : i32
    "tpu.region"() ({
      %run_scoped3A = tpu.sem_alloc : memref<!tpu.dma_semaphore, #tpu.memory_space<semaphore_mem>>
      %dma_start3A = arith.constant 0 : i32
      %dma_start3A_31 = arith.constant 0 : i32
      %dma_start3A_32 = tpu.memref_slice %arg8[%dma_start3A, %dma_start3A_31] : memref<64x64xf32, #tpu.memory_space<vmem>> -> memref<64x64xf32, #tpu.memory_space<vmem>>
      %dma_start3A_33 = arith.constant 0 : i32
      %dma_start3A_34 = tpu.memref_slice %arg17[%add3A_10, %dma_start3A_33] : memref<10240x64xf32, #tpu.memory_space<vmem_shared>> -> memref<64x64xf32, #tpu.memory_space<vmem_shared>>
      %dma_start3A_35 = arith.constant 0 : i32
      %dma_start3A_36 = tpu.memref_slice %arg17[%add3A_10, %dma_start3A_35] : memref<10240x64xf32, #tpu.memory_space<vmem_shared>> -> memref<64x64xf32, #tpu.memory_space<vmem_shared>>
      %dma_start3A_37 = arith.constant 0 : i32
      %dma_start3A_38 = arith.constant 0 : i32
      %dma_start3A_39 = tpu.memref_slice %arg8[%dma_start3A_37, %dma_start3A_38] : memref<64x64xf32, #tpu.memory_space<vmem>> -> memref<64x64xf32, #tpu.memory_space<vmem>>
      tpu.enqueue_dma source(%dma_start3A_39 : memref<64x64xf32, #tpu.memory_space<vmem>>) target(%dma_start3A_36 : memref<64x64xf32, #tpu.memory_space<vmem_shared>>) target_semaphore(%run_scoped3A : memref<!tpu.dma_semaphore, #tpu.memory_space<semaphore_mem>>)
      %dma_wait3A = arith.constant 0 : i32
      %dma_wait3A_40 = arith.constant 0 : i32
      %dma_wait3A_41 = tpu.memref_slice %arg8[%dma_wait3A, %dma_wait3A_40] : memref<64x64xf32, #tpu.memory_space<vmem>> -> memref<64x64xf32, #tpu.memory_space<vmem>>
      %dma_wait3A_42 = arith.constant 0 : i32
      %dma_wait3A_43 = tpu.memref_slice %arg17[%add3A_10, %dma_wait3A_42] : memref<10240x64xf32, #tpu.memory_space<vmem_shared>> -> memref<64x64xf32, #tpu.memory_space<vmem_shared>>
      %dma_wait3A_44 = arith.constant 0 : i32
      %dma_wait3A_45 = tpu.memref_slice %arg17[%add3A_10, %dma_wait3A_44] : memref<10240x64xf32, #tpu.memory_space<vmem_shared>> -> memref<64x64xf32, #tpu.memory_space<vmem_shared>>
      %dma_wait3A_46 = arith.constant 0 : i32
      %dma_wait3A_47 = arith.constant 0 : i32
      %dma_wait3A_48 = tpu.memref_slice %arg8[%dma_wait3A_46, %dma_wait3A_47] : memref<64x64xf32, #tpu.memory_space<vmem>> -> memref<64x64xf32, #tpu.memory_space<vmem>>
      tpu.wait_dma2 semaphore(%run_scoped3A : memref<!tpu.dma_semaphore, #tpu.memory_space<semaphore_mem>>) src(%dma_wait3A_48 : memref<64x64xf32, #tpu.memory_space<vmem>>) dst(%dma_wait3A_45 : memref<64x64xf32, #tpu.memory_space<vmem_shared>>)
      tpu.yield
    }) : () -> ()
    %add3A_11 = arith.constant 192 : i32
    %add3A_12 = arith.addi %mul3A_5, %add3A_11 : i32
    "tpu.region"() ({
      %run_scoped3A = tpu.sem_alloc : memref<!tpu.dma_semaphore, #tpu.memory_space<semaphore_mem>>
      %dma_start3A = arith.constant 0 : i32
      %dma_start3A_31 = arith.constant 0 : i32
      %dma_start3A_32 = tpu.memref_slice %arg8[%dma_start3A, %dma_start3A_31] : memref<64x64xf32, #tpu.memory_space<vmem>> -> memref<64x64xf32, #tpu.memory_space<vmem>>
      %dma_start3A_33 = arith.constant 0 : i32
      %dma_start3A_34 = tpu.memref_slice %arg17[%add3A_12, %dma_start3A_33] : memref<10240x64xf32, #tpu.memory_space<vmem_shared>> -> memref<64x64xf32, #tpu.memory_space<vmem_shared>>
      %dma_start3A_35 = arith.constant 0 : i32
      %dma_start3A_36 = tpu.memref_slice %arg17[%add3A_12, %dma_start3A_35] : memref<10240x64xf32, #tpu.memory_space<vmem_shared>> -> memref<64x64xf32, #tpu.memory_space<vmem_shared>>
      %dma_start3A_37 = arith.constant 0 : i32
      %dma_start3A_38 = arith.constant 0 : i32
      %dma_start3A_39 = tpu.memref_slice %arg8[%dma_start3A_37, %dma_start3A_38] : memref<64x64xf32, #tpu.memory_space<vmem>> -> memref<64x64xf32, #tpu.memory_space<vmem>>
      tpu.enqueue_dma source(%dma_start3A_39 : memref<64x64xf32, #tpu.memory_space<vmem>>) target(%dma_start3A_36 : memref<64x64xf32, #tpu.memory_space<vmem_shared>>) target_semaphore(%run_scoped3A : memref<!tpu.dma_semaphore, #tpu.memory_space<semaphore_mem>>)
      %dma_wait3A = arith.constant 0 : i32
      %dma_wait3A_40 = arith.constant 0 : i32
      %dma_wait3A_41 = tpu.memref_slice %arg8[%dma_wait3A, %dma_wait3A_40] : memref<64x64xf32, #tpu.memory_space<vmem>> -> memref<64x64xf32, #tpu.memory_space<vmem>>
      %dma_wait3A_42 = arith.constant 0 : i32
      %dma_wait3A_43 = tpu.memref_slice %arg17[%add3A_12, %dma_wait3A_42] : memref<10240x64xf32, #tpu.memory_space<vmem_shared>> -> memref<64x64xf32, #tpu.memory_space<vmem_shared>>
      %dma_wait3A_44 = arith.constant 0 : i32
      %dma_wait3A_45 = tpu.memref_slice %arg17[%add3A_12, %dma_wait3A_44] : memref<10240x64xf32, #tpu.memory_space<vmem_shared>> -> memref<64x64xf32, #tpu.memory_space<vmem_shared>>
      %dma_wait3A_46 = arith.constant 0 : i32
      %dma_wait3A_47 = arith.constant 0 : i32
      %dma_wait3A_48 = tpu.memref_slice %arg8[%dma_wait3A_46, %dma_wait3A_47] : memref<64x64xf32, #tpu.memory_space<vmem>> -> memref<64x64xf32, #tpu.memory_space<vmem>>
      tpu.wait_dma2 semaphore(%run_scoped3A : memref<!tpu.dma_semaphore, #tpu.memory_space<semaphore_mem>>) src(%dma_wait3A_48 : memref<64x64xf32, #tpu.memory_space<vmem>>) dst(%dma_wait3A_45 : memref<64x64xf32, #tpu.memory_space<vmem_shared>>)
      tpu.yield
    }) : () -> ()
    %add3A_13 = arith.constant 256 : i32
    %add3A_14 = arith.addi %mul3A_5, %add3A_13 : i32
    "tpu.region"() ({
      %run_scoped3A = tpu.sem_alloc : memref<!tpu.dma_semaphore, #tpu.memory_space<semaphore_mem>>
      %dma_start3A = arith.constant 0 : i32
      %dma_start3A_31 = arith.constant 0 : i32
      %dma_start3A_32 = tpu.memref_slice %arg8[%dma_start3A, %dma_start3A_31] : memref<64x64xf32, #tpu.memory_space<vmem>> -> memref<64x64xf32, #tpu.memory_space<vmem>>
      %dma_start3A_33 = arith.constant 0 : i32
      %dma_start3A_34 = tpu.memref_slice %arg17[%add3A_14, %dma_start3A_33] : memref<10240x64xf32, #tpu.memory_space<vmem_shared>> -> memref<64x64xf32, #tpu.memory_space<vmem_shared>>
      %dma_start3A_35 = arith.constant 0 : i32
      %dma_start3A_36 = tpu.memref_slice %arg17[%add3A_14, %dma_start3A_35] : memref<10240x64xf32, #tpu.memory_space<vmem_shared>> -> memref<64x64xf32, #tpu.memory_space<vmem_shared>>
      %dma_start3A_37 = arith.constant 0 : i32
      %dma_start3A_38 = arith.constant 0 : i32
      %dma_start3A_39 = tpu.memref_slice %arg8[%dma_start3A_37, %dma_start3A_38] : memref<64x64xf32, #tpu.memory_space<vmem>> -> memref<64x64xf32, #tpu.memory_space<vmem>>
      tpu.enqueue_dma source(%dma_start3A_39 : memref<64x64xf32, #tpu.memory_space<vmem>>) target(%dma_start3A_36 : memref<64x64xf32, #tpu.memory_space<vmem_shared>>) target_semaphore(%run_scoped3A : memref<!tpu.dma_semaphore, #tpu.memory_space<semaphore_mem>>)
      %dma_wait3A = arith.constant 0 : i32
      %dma_wait3A_40 = arith.constant 0 : i32
      %dma_wait3A_41 = tpu.memref_slice %arg8[%dma_wait3A, %dma_wait3A_40] : memref<64x64xf32, #tpu.memory_space<vmem>> -> memref<64x64xf32, #tpu.memory_space<vmem>>
      %dma_wait3A_42 = arith.constant 0 : i32
      %dma_wait3A_43 = tpu.memref_slice %arg17[%add3A_14, %dma_wait3A_42] : memref<10240x64xf32, #tpu.memory_space<vmem_shared>> -> memref<64x64xf32, #tpu.memory_space<vmem_shared>>
      %dma_wait3A_44 = arith.constant 0 : i32
      %dma_wait3A_45 = tpu.memref_slice %arg17[%add3A_14, %dma_wait3A_44] : memref<10240x64xf32, #tpu.memory_space<vmem_shared>> -> memref<64x64xf32, #tpu.memory_space<vmem_shared>>
      %dma_wait3A_46 = arith.constant 0 : i32
      %dma_wait3A_47 = arith.constant 0 : i32
      %dma_wait3A_48 = tpu.memref_slice %arg8[%dma_wait3A_46, %dma_wait3A_47] : memref<64x64xf32, #tpu.memory_space<vmem>> -> memref<64x64xf32, #tpu.memory_space<vmem>>
      tpu.wait_dma2 semaphore(%run_scoped3A : memref<!tpu.dma_semaphore, #tpu.memory_space<semaphore_mem>>) src(%dma_wait3A_48 : memref<64x64xf32, #tpu.memory_space<vmem>>) dst(%dma_wait3A_45 : memref<64x64xf32, #tpu.memory_space<vmem_shared>>)
      tpu.yield
    }) : () -> ()
    %add3A_15 = arith.constant 320 : i32
    %add3A_16 = arith.addi %mul3A_5, %add3A_15 : i32
    "tpu.region"() ({
      %run_scoped3A = tpu.sem_alloc : memref<!tpu.dma_semaphore, #tpu.memory_space<semaphore_mem>>
      %dma_start3A = arith.constant 0 : i32
      %dma_start3A_31 = arith.constant 0 : i32
      %dma_start3A_32 = tpu.memref_slice %arg8[%dma_start3A, %dma_start3A_31] : memref<64x64xf32, #tpu.memory_space<vmem>> -> memref<64x64xf32, #tpu.memory_space<vmem>>
      %dma_start3A_33 = arith.constant 0 : i32
      %dma_start3A_34 = tpu.memref_slice %arg17[%add3A_16, %dma_start3A_33] : memref<10240x64xf32, #tpu.memory_space<vmem_shared>> -> memref<64x64xf32, #tpu.memory_space<vmem_shared>>
      %dma_start3A_35 = arith.constant 0 : i32
      %dma_start3A_36 = tpu.memref_slice %arg17[%add3A_16, %dma_start3A_35] : memref<10240x64xf32, #tpu.memory_space<vmem_shared>> -> memref<64x64xf32, #tpu.memory_space<vmem_shared>>
      %dma_start3A_37 = arith.constant 0 : i32
      %dma_start3A_38 = arith.constant 0 : i32
      %dma_start3A_39 = tpu.memref_slice %arg8[%dma_start3A_37, %dma_start3A_38] : memref<64x64xf32, #tpu.memory_space<vmem>> -> memref<64x64xf32, #tpu.memory_space<vmem>>
      tpu.enqueue_dma source(%dma_start3A_39 : memref<64x64xf32, #tpu.memory_space<vmem>>) target(%dma_start3A_36 : memref<64x64xf32, #tpu.memory_space<vmem_shared>>) target_semaphore(%run_scoped3A : memref<!tpu.dma_semaphore, #tpu.memory_space<semaphore_mem>>)
      %dma_wait3A = arith.constant 0 : i32
      %dma_wait3A_40 = arith.constant 0 : i32
      %dma_wait3A_41 = tpu.memref_slice %arg8[%dma_wait3A, %dma_wait3A_40] : memref<64x64xf32, #tpu.memory_space<vmem>> -> memref<64x64xf32, #tpu.memory_space<vmem>>
      %dma_wait3A_42 = arith.constant 0 : i32
      %dma_wait3A_43 = tpu.memref_slice %arg17[%add3A_16, %dma_wait3A_42] : memref<10240x64xf32, #tpu.memory_space<vmem_shared>> -> memref<64x64xf32, #tpu.memory_space<vmem_shared>>
      %dma_wait3A_44 = arith.constant 0 : i32
      %dma_wait3A_45 = tpu.memref_slice %arg17[%add3A_16, %dma_wait3A_44] : memref<10240x64xf32, #tpu.memory_space<vmem_shared>> -> memref<64x64xf32, #tpu.memory_space<vmem_shared>>
      %dma_wait3A_46 = arith.constant 0 : i32
      %dma_wait3A_47 = arith.constant 0 : i32
      %dma_wait3A_48 = tpu.memref_slice %arg8[%dma_wait3A_46, %dma_wait3A_47] : memref<64x64xf32, #tpu.memory_space<vmem>> -> memref<64x64xf32, #tpu.memory_space<vmem>>
      tpu.wait_dma2 semaphore(%run_scoped3A : memref<!tpu.dma_semaphore, #tpu.memory_space<semaphore_mem>>) src(%dma_wait3A_48 : memref<64x64xf32, #tpu.memory_space<vmem>>) dst(%dma_wait3A_45 : memref<64x64xf32, #tpu.memory_space<vmem_shared>>)
      tpu.yield
    }) : () -> ()
    %add3A_17 = arith.constant 384 : i32
    %add3A_18 = arith.addi %mul3A_5, %add3A_17 : i32
    "tpu.region"() ({
      %run_scoped3A = tpu.sem_alloc : memref<!tpu.dma_semaphore, #tpu.memory_space<semaphore_mem>>
      %dma_start3A = arith.constant 0 : i32
      %dma_start3A_31 = arith.constant 0 : i32
      %dma_start3A_32 = tpu.memref_slice %arg8[%dma_start3A, %dma_start3A_31] : memref<64x64xf32, #tpu.memory_space<vmem>> -> memref<64x64xf32, #tpu.memory_space<vmem>>
      %dma_start3A_33 = arith.constant 0 : i32
      %dma_start3A_34 = tpu.memref_slice %arg17[%add3A_18, %dma_start3A_33] : memref<10240x64xf32, #tpu.memory_space<vmem_shared>> -> memref<64x64xf32, #tpu.memory_space<vmem_shared>>
      %dma_start3A_35 = arith.constant 0 : i32
      %dma_start3A_36 = tpu.memref_slice %arg17[%add3A_18, %dma_start3A_35] : memref<10240x64xf32, #tpu.memory_space<vmem_shared>> -> memref<64x64xf32, #tpu.memory_space<vmem_shared>>
      %dma_start3A_37 = arith.constant 0 : i32
      %dma_start3A_38 = arith.constant 0 : i32
      %dma_start3A_39 = tpu.memref_slice %arg8[%dma_start3A_37, %dma_start3A_38] : memref<64x64xf32, #tpu.memory_space<vmem>> -> memref<64x64xf32, #tpu.memory_space<vmem>>
      tpu.enqueue_dma source(%dma_start3A_39 : memref<64x64xf32, #tpu.memory_space<vmem>>) target(%dma_start3A_36 : memref<64x64xf32, #tpu.memory_space<vmem_shared>>) target_semaphore(%run_scoped3A : memref<!tpu.dma_semaphore, #tpu.memory_space<semaphore_mem>>)
      %dma_wait3A = arith.constant 0 : i32
      %dma_wait3A_40 = arith.constant 0 : i32
      %dma_wait3A_41 = tpu.memref_slice %arg8[%dma_wait3A, %dma_wait3A_40] : memref<64x64xf32, #tpu.memory_space<vmem>> -> memref<64x64xf32, #tpu.memory_space<vmem>>
      %dma_wait3A_42 = arith.constant 0 : i32
      %dma_wait3A_43 = tpu.memref_slice %arg17[%add3A_18, %dma_wait3A_42] : memref<10240x64xf32, #tpu.memory_space<vmem_shared>> -> memref<64x64xf32, #tpu.memory_space<vmem_shared>>
      %dma_wait3A_44 = arith.constant 0 : i32
      %dma_wait3A_45 = tpu.memref_slice %arg17[%add3A_18, %dma_wait3A_44] : memref<10240x64xf32, #tpu.memory_space<vmem_shared>> -> memref<64x64xf32, #tpu.memory_space<vmem_shared>>
      %dma_wait3A_46 = arith.constant 0 : i32
      %dma_wait3A_47 = arith.constant 0 : i32
      %dma_wait3A_48 = tpu.memref_slice %arg8[%dma_wait3A_46, %dma_wait3A_47] : memref<64x64xf32, #tpu.memory_space<vmem>> -> memref<64x64xf32, #tpu.memory_space<vmem>>
      tpu.wait_dma2 semaphore(%run_scoped3A : memref<!tpu.dma_semaphore, #tpu.memory_space<semaphore_mem>>) src(%dma_wait3A_48 : memref<64x64xf32, #tpu.memory_space<vmem>>) dst(%dma_wait3A_45 : memref<64x64xf32, #tpu.memory_space<vmem_shared>>)
      tpu.yield
    }) : () -> ()
    %add3A_19 = arith.constant 448 : i32
    %add3A_20 = arith.addi %mul3A_5, %add3A_19 : i32
    "tpu.region"() ({
      %run_scoped3A = tpu.sem_alloc : memref<!tpu.dma_semaphore, #tpu.memory_space<semaphore_mem>>
      %dma_start3A = arith.constant 0 : i32
      %dma_start3A_31 = arith.constant 0 : i32
      %dma_start3A_32 = tpu.memref_slice %arg8[%dma_start3A, %dma_start3A_31] : memref<64x64xf32, #tpu.memory_space<vmem>> -> memref<64x64xf32, #tpu.memory_space<vmem>>
      %dma_start3A_33 = arith.constant 0 : i32
      %dma_start3A_34 = tpu.memref_slice %arg17[%add3A_20, %dma_start3A_33] : memref<10240x64xf32, #tpu.memory_space<vmem_shared>> -> memref<64x64xf32, #tpu.memory_space<vmem_shared>>
      %dma_start3A_35 = arith.constant 0 : i32
      %dma_start3A_36 = tpu.memref_slice %arg17[%add3A_20, %dma_start3A_35] : memref<10240x64xf32, #tpu.memory_space<vmem_shared>> -> memref<64x64xf32, #tpu.memory_space<vmem_shared>>
      %dma_start3A_37 = arith.constant 0 : i32
      %dma_start3A_38 = arith.constant 0 : i32
      %dma_start3A_39 = tpu.memref_slice %arg8[%dma_start3A_37, %dma_start3A_38] : memref<64x64xf32, #tpu.memory_space<vmem>> -> memref<64x64xf32, #tpu.memory_space<vmem>>
      tpu.enqueue_dma source(%dma_start3A_39 : memref<64x64xf32, #tpu.memory_space<vmem>>) target(%dma_start3A_36 : memref<64x64xf32, #tpu.memory_space<vmem_shared>>) target_semaphore(%run_scoped3A : memref<!tpu.dma_semaphore, #tpu.memory_space<semaphore_mem>>)
      %dma_wait3A = arith.constant 0 : i32
      %dma_wait3A_40 = arith.constant 0 : i32
      %dma_wait3A_41 = tpu.memref_slice %arg8[%dma_wait3A, %dma_wait3A_40] : memref<64x64xf32, #tpu.memory_space<vmem>> -> memref<64x64xf32, #tpu.memory_space<vmem>>
      %dma_wait3A_42 = arith.constant 0 : i32
      %dma_wait3A_43 = tpu.memref_slice %arg17[%add3A_20, %dma_wait3A_42] : memref<10240x64xf32, #tpu.memory_space<vmem_shared>> -> memref<64x64xf32, #tpu.memory_space<vmem_shared>>
      %dma_wait3A_44 = arith.constant 0 : i32
      %dma_wait3A_45 = tpu.memref_slice %arg17[%add3A_20, %dma_wait3A_44] : memref<10240x64xf32, #tpu.memory_space<vmem_shared>> -> memref<64x64xf32, #tpu.memory_space<vmem_shared>>
      %dma_wait3A_46 = arith.constant 0 : i32
      %dma_wait3A_47 = arith.constant 0 : i32
      %dma_wait3A_48 = tpu.memref_slice %arg8[%dma_wait3A_46, %dma_wait3A_47] : memref<64x64xf32, #tpu.memory_space<vmem>> -> memref<64x64xf32, #tpu.memory_space<vmem>>
      tpu.wait_dma2 semaphore(%run_scoped3A : memref<!tpu.dma_semaphore, #tpu.memory_space<semaphore_mem>>) src(%dma_wait3A_48 : memref<64x64xf32, #tpu.memory_space<vmem>>) dst(%dma_wait3A_45 : memref<64x64xf32, #tpu.memory_space<vmem_shared>>)
      tpu.yield
    }) : () -> ()
    %add3A_21 = arith.constant 512 : i32
    %add3A_22 = arith.addi %mul3A_5, %add3A_21 : i32
    "tpu.region"() ({
      %run_scoped3A = tpu.sem_alloc : memref<!tpu.dma_semaphore, #tpu.memory_space<semaphore_mem>>
      %dma_start3A = arith.constant 0 : i32
      %dma_start3A_31 = arith.constant 0 : i32
      %dma_start3A_32 = tpu.memref_slice %arg8[%dma_start3A, %dma_start3A_31] : memref<64x64xf32, #tpu.memory_space<vmem>> -> memref<64x64xf32, #tpu.memory_space<vmem>>
      %dma_start3A_33 = arith.constant 0 : i32
      %dma_start3A_34 = tpu.memref_slice %arg17[%add3A_22, %dma_start3A_33] : memref<10240x64xf32, #tpu.memory_space<vmem_shared>> -> memref<64x64xf32, #tpu.memory_space<vmem_shared>>
      %dma_start3A_35 = arith.constant 0 : i32
      %dma_start3A_36 = tpu.memref_slice %arg17[%add3A_22, %dma_start3A_35] : memref<10240x64xf32, #tpu.memory_space<vmem_shared>> -> memref<64x64xf32, #tpu.memory_space<vmem_shared>>
      %dma_start3A_37 = arith.constant 0 : i32
      %dma_start3A_38 = arith.constant 0 : i32
      %dma_start3A_39 = tpu.memref_slice %arg8[%dma_start3A_37, %dma_start3A_38] : memref<64x64xf32, #tpu.memory_space<vmem>> -> memref<64x64xf32, #tpu.memory_space<vmem>>
      tpu.enqueue_dma source(%dma_start3A_39 : memref<64x64xf32, #tpu.memory_space<vmem>>) target(%dma_start3A_36 : memref<64x64xf32, #tpu.memory_space<vmem_shared>>) target_semaphore(%run_scoped3A : memref<!tpu.dma_semaphore, #tpu.memory_space<semaphore_mem>>)
      %dma_wait3A = arith.constant 0 : i32
      %dma_wait3A_40 = arith.constant 0 : i32
      %dma_wait3A_41 = tpu.memref_slice %arg8[%dma_wait3A, %dma_wait3A_40] : memref<64x64xf32, #tpu.memory_space<vmem>> -> memref<64x64xf32, #tpu.memory_space<vmem>>
      %dma_wait3A_42 = arith.constant 0 : i32
      %dma_wait3A_43 = tpu.memref_slice %arg17[%add3A_22, %dma_wait3A_42] : memref<10240x64xf32, #tpu.memory_space<vmem_shared>> -> memref<64x64xf32, #tpu.memory_space<vmem_shared>>
      %dma_wait3A_44 = arith.constant 0 : i32
      %dma_wait3A_45 = tpu.memref_slice %arg17[%add3A_22, %dma_wait3A_44] : memref<10240x64xf32, #tpu.memory_space<vmem_shared>> -> memref<64x64xf32, #tpu.memory_space<vmem_shared>>
      %dma_wait3A_46 = arith.constant 0 : i32
      %dma_wait3A_47 = arith.constant 0 : i32
      %dma_wait3A_48 = tpu.memref_slice %arg8[%dma_wait3A_46, %dma_wait3A_47] : memref<64x64xf32, #tpu.memory_space<vmem>> -> memref<64x64xf32, #tpu.memory_space<vmem>>
      tpu.wait_dma2 semaphore(%run_scoped3A : memref<!tpu.dma_semaphore, #tpu.memory_space<semaphore_mem>>) src(%dma_wait3A_48 : memref<64x64xf32, #tpu.memory_space<vmem>>) dst(%dma_wait3A_45 : memref<64x64xf32, #tpu.memory_space<vmem_shared>>)
      tpu.yield
    }) : () -> ()
    %add3A_23 = arith.constant 576 : i32
    %add3A_24 = arith.addi %mul3A_5, %add3A_23 : i32
    "tpu.region"() ({
      %run_scoped3A = tpu.sem_alloc : memref<!tpu.dma_semaphore, #tpu.memory_space<semaphore_mem>>
      %dma_start3A = arith.constant 0 : i32
      %dma_start3A_31 = arith.constant 0 : i32
      %dma_start3A_32 = tpu.memref_slice %arg8[%dma_start3A, %dma_start3A_31] : memref<64x64xf32, #tpu.memory_space<vmem>> -> memref<64x64xf32, #tpu.memory_space<vmem>>
      %dma_start3A_33 = arith.constant 0 : i32
      %dma_start3A_34 = tpu.memref_slice %arg17[%add3A_24, %dma_start3A_33] : memref<10240x64xf32, #tpu.memory_space<vmem_shared>> -> memref<64x64xf32, #tpu.memory_space<vmem_shared>>
      %dma_start3A_35 = arith.constant 0 : i32
      %dma_start3A_36 = tpu.memref_slice %arg17[%add3A_24, %dma_start3A_35] : memref<10240x64xf32, #tpu.memory_space<vmem_shared>> -> memref<64x64xf32, #tpu.memory_space<vmem_shared>>
      %dma_start3A_37 = arith.constant 0 : i32
      %dma_start3A_38 = arith.constant 0 : i32
      %dma_start3A_39 = tpu.memref_slice %arg8[%dma_start3A_37, %dma_start3A_38] : memref<64x64xf32, #tpu.memory_space<vmem>> -> memref<64x64xf32, #tpu.memory_space<vmem>>
      tpu.enqueue_dma source(%dma_start3A_39 : memref<64x64xf32, #tpu.memory_space<vmem>>) target(%dma_start3A_36 : memref<64x64xf32, #tpu.memory_space<vmem_shared>>) target_semaphore(%run_scoped3A : memref<!tpu.dma_semaphore, #tpu.memory_space<semaphore_mem>>)
      %dma_wait3A = arith.constant 0 : i32
      %dma_wait3A_40 = arith.constant 0 : i32
      %dma_wait3A_41 = tpu.memref_slice %arg8[%dma_wait3A, %dma_wait3A_40] : memref<64x64xf32, #tpu.memory_space<vmem>> -> memref<64x64xf32, #tpu.memory_space<vmem>>
      %dma_wait3A_42 = arith.constant 0 : i32
      %dma_wait3A_43 = tpu.memref_slice %arg17[%add3A_24, %dma_wait3A_42] : memref<10240x64xf32, #tpu.memory_space<vmem_shared>> -> memref<64x64xf32, #tpu.memory_space<vmem_shared>>
      %dma_wait3A_44 = arith.constant 0 : i32
      %dma_wait3A_45 = tpu.memref_slice %arg17[%add3A_24, %dma_wait3A_44] : memref<10240x64xf32, #tpu.memory_space<vmem_shared>> -> memref<64x64xf32, #tpu.memory_space<vmem_shared>>
      %dma_wait3A_46 = arith.constant 0 : i32
      %dma_wait3A_47 = arith.constant 0 : i32
      %dma_wait3A_48 = tpu.memref_slice %arg8[%dma_wait3A_46, %dma_wait3A_47] : memref<64x64xf32, #tpu.memory_space<vmem>> -> memref<64x64xf32, #tpu.memory_space<vmem>>
      tpu.wait_dma2 semaphore(%run_scoped3A : memref<!tpu.dma_semaphore, #tpu.memory_space<semaphore_mem>>) src(%dma_wait3A_48 : memref<64x64xf32, #tpu.memory_space<vmem>>) dst(%dma_wait3A_45 : memref<64x64xf32, #tpu.memory_space<vmem_shared>>)
      tpu.yield
    }) : () -> ()
    %barrier3A = arith.constant 0 : index
    tpu.barrier barrier_id(%barrier3A)
    %scan3A_25 = arith.constant 0 : i32
    %scan3A_26 = arith.constant 10 : i32
    %scan3A_27 = arith.addi %scan3A_25, %scan3A_26 : i32
    %scan3A_28 = arith.constant 1 : i32
    scf.for %scan3A_31 = %scan3A_25 to %scan3A_27 step %scan3A_28  : i32 {
      %mul3A_32 = arith.constant 1 : i32
      %mul3A_33 = arith.muli %scan3A_31, %mul3A_32 : i32
      %add3A_34 = arith.constant 0 : i32
      %add3A_35 = arith.addi %add3A_34, %mul3A_33 : i32
      %mul3A_36 = arith.constant 32 : i32
      %mul3A_37 = arith.muli %add3A_35, %mul3A_36 : i32
      "tpu.region"() ({
        %run_scoped3A = tpu.sem_alloc : memref<!tpu.dma_semaphore, #tpu.memory_space<semaphore_mem>>
        %dma_start3A_153 = arith.constant 0 : i32
        %dma_start3A_154 = arith.constant 0 : i32
        %dma_start3A_155 = tpu.memref_slice %arg3[%arg1, %dma_start3A_153, %dma_start3A_154] : memref<16x320x64xi32, #tpu.memory_space<hbm>> -> memref<1x320x64xi32, #tpu.memory_space<hbm>>
        %dma_start3A_156 = tpu.memref_squeeze %dma_start3A_155 : memref<1x320x64xi32, #tpu.memory_space<hbm>> -> memref<320x64xi32, #tpu.memory_space<hbm>>
        %dma_start3A_157 = arith.constant 0 : i32
        %dma_start3A_158 = tpu.memref_slice %dma_start3A_156[%mul3A_37, %dma_start3A_157] : memref<320x64xi32, #tpu.memory_space<hbm>> -> memref<32x64xi32, #tpu.memory_space<hbm>>
        %dma_start3A_159 = arith.constant 0 : i32
        %dma_start3A_160 = arith.constant 0 : i32
        %dma_start3A_161 = tpu.memref_slice %arg3[%arg1, %dma_start3A_159, %dma_start3A_160] : memref<16x320x64xi32, #tpu.memory_space<hbm>> -> memref<1x320x64xi32, #tpu.memory_space<hbm>>
        %dma_start3A_162 = tpu.memref_squeeze %dma_start3A_161 : memref<1x320x64xi32, #tpu.memory_space<hbm>> -> memref<320x64xi32, #tpu.memory_space<hbm>>
        %dma_start3A_163 = arith.constant 0 : i32
        %dma_start3A_164 = tpu.memref_slice %dma_start3A_162[%mul3A_37, %dma_start3A_163] : memref<320x64xi32, #tpu.memory_space<hbm>> -> memref<32x64xi32, #tpu.memory_space<hbm>>
        tpu.enqueue_dma source(%dma_start3A_164 : memref<32x64xi32, #tpu.memory_space<hbm>>) target(%arg6 : memref<32x64xi32, #tpu.memory_space<vmem>>) target_semaphore(%run_scoped3A : memref<!tpu.dma_semaphore, #tpu.memory_space<semaphore_mem>>)
        %dma_wait3A_165 = arith.constant 0 : i32
        %dma_wait3A_166 = arith.constant 0 : i32
        %dma_wait3A_167 = tpu.memref_slice %arg3[%arg1, %dma_wait3A_165, %dma_wait3A_166] : memref<16x320x64xi32, #tpu.memory_space<hbm>> -> memref<1x320x64xi32, #tpu.memory_space<hbm>>
        %dma_wait3A_168 = tpu.memref_squeeze %dma_wait3A_167 : memref<1x320x64xi32, #tpu.memory_space<hbm>> -> memref<320x64xi32, #tpu.memory_space<hbm>>
        %dma_wait3A_169 = arith.constant 0 : i32
        %dma_wait3A_170 = tpu.memref_slice %dma_wait3A_168[%mul3A_37, %dma_wait3A_169] : memref<320x64xi32, #tpu.memory_space<hbm>> -> memref<32x64xi32, #tpu.memory_space<hbm>>
        %dma_wait3A_171 = arith.constant 0 : i32
        %dma_wait3A_172 = arith.constant 0 : i32
        %dma_wait3A_173 = tpu.memref_slice %arg3[%arg1, %dma_wait3A_171, %dma_wait3A_172] : memref<16x320x64xi32, #tpu.memory_space<hbm>> -> memref<1x320x64xi32, #tpu.memory_space<hbm>>
        %dma_wait3A_174 = tpu.memref_squeeze %dma_wait3A_173 : memref<1x320x64xi32, #tpu.memory_space<hbm>> -> memref<320x64xi32, #tpu.memory_space<hbm>>
        %dma_wait3A_175 = arith.constant 0 : i32
        %dma_wait3A_176 = tpu.memref_slice %dma_wait3A_174[%mul3A_37, %dma_wait3A_175] : memref<320x64xi32, #tpu.memory_space<hbm>> -> memref<32x64xi32, #tpu.memory_space<hbm>>
        tpu.wait_dma2 semaphore(%run_scoped3A : memref<!tpu.dma_semaphore, #tpu.memory_space<semaphore_mem>>) src(%dma_wait3A_176 : memref<32x64xi32, #tpu.memory_space<hbm>>) dst(%arg6 : memref<32x64xi32, #tpu.memory_space<vmem>>)
        tpu.yield
      }) : () -> ()
      "tpu.region"() ({
        %run_scoped3A = tpu.sem_alloc : memref<!tpu.dma_semaphore, #tpu.memory_space<semaphore_mem>>
        %dma_start3A_153 = arith.constant 0 : i32
        %dma_start3A_154 = arith.constant 0 : i32
        %dma_start3A_155 = tpu.memref_slice %arg4[%arg1, %dma_start3A_153, %dma_start3A_154] : memref<16x320x64xi32, #tpu.memory_space<hbm>> -> memref<1x320x64xi32, #tpu.memory_space<hbm>>
        %dma_start3A_156 = tpu.memref_squeeze %dma_start3A_155 : memref<1x320x64xi32, #tpu.memory_space<hbm>> -> memref<320x64xi32, #tpu.memory_space<hbm>>
        %dma_start3A_157 = arith.constant 0 : i32
        %dma_start3A_158 = tpu.memref_slice %dma_start3A_156[%mul3A_37, %dma_start3A_157] : memref<320x64xi32, #tpu.memory_space<hbm>> -> memref<32x64xi32, #tpu.memory_space<hbm>>
        %dma_start3A_159 = arith.constant 0 : i32
        %dma_start3A_160 = arith.constant 0 : i32
        %dma_start3A_161 = tpu.memref_slice %arg4[%arg1, %dma_start3A_159, %dma_start3A_160] : memref<16x320x64xi32, #tpu.memory_space<hbm>> -> memref<1x320x64xi32, #tpu.memory_space<hbm>>
        %dma_start3A_162 = tpu.memref_squeeze %dma_start3A_161 : memref<1x320x64xi32, #tpu.memory_space<hbm>> -> memref<320x64xi32, #tpu.memory_space<hbm>>
        %dma_start3A_163 = arith.constant 0 : i32
        %dma_start3A_164 = tpu.memref_slice %dma_start3A_162[%mul3A_37, %dma_start3A_163] : memref<320x64xi32, #tpu.memory_space<hbm>> -> memref<32x64xi32, #tpu.memory_space<hbm>>
        tpu.enqueue_dma source(%dma_start3A_164 : memref<32x64xi32, #tpu.memory_space<hbm>>) target(%arg7 : memref<32x64xi32, #tpu.memory_space<vmem>>) target_semaphore(%run_scoped3A : memref<!tpu.dma_semaphore, #tpu.memory_space<semaphore_mem>>)
        %dma_wait3A_165 = arith.constant 0 : i32
        %dma_wait3A_166 = arith.constant 0 : i32
        %dma_wait3A_167 = tpu.memref_slice %arg4[%arg1, %dma_wait3A_165, %dma_wait3A_166] : memref<16x320x64xi32, #tpu.memory_space<hbm>> -> memref<1x320x64xi32, #tpu.memory_space<hbm>>
        %dma_wait3A_168 = tpu.memref_squeeze %dma_wait3A_167 : memref<1x320x64xi32, #tpu.memory_space<hbm>> -> memref<320x64xi32, #tpu.memory_space<hbm>>
        %dma_wait3A_169 = arith.constant 0 : i32
        %dma_wait3A_170 = tpu.memref_slice %dma_wait3A_168[%mul3A_37, %dma_wait3A_169] : memref<320x64xi32, #tpu.memory_space<hbm>> -> memref<32x64xi32, #tpu.memory_space<hbm>>
        %dma_wait3A_171 = arith.constant 0 : i32
        %dma_wait3A_172 = arith.constant 0 : i32
        %dma_wait3A_173 = tpu.memref_slice %arg4[%arg1, %dma_wait3A_171, %dma_wait3A_172] : memref<16x320x64xi32, #tpu.memory_space<hbm>> -> memref<1x320x64xi32, #tpu.memory_space<hbm>>
        %dma_wait3A_174 = tpu.memref_squeeze %dma_wait3A_173 : memref<1x320x64xi32, #tpu.memory_space<hbm>> -> memref<320x64xi32, #tpu.memory_space<hbm>>
        %dma_wait3A_175 = arith.constant 0 : i32
        %dma_wait3A_176 = tpu.memref_slice %dma_wait3A_174[%mul3A_37, %dma_wait3A_175] : memref<320x64xi32, #tpu.memory_space<hbm>> -> memref<32x64xi32, #tpu.memory_space<hbm>>
        tpu.wait_dma2 semaphore(%run_scoped3A : memref<!tpu.dma_semaphore, #tpu.memory_space<semaphore_mem>>) src(%dma_wait3A_176 : memref<32x64xi32, #tpu.memory_space<hbm>>) dst(%arg7 : memref<32x64xi32, #tpu.memory_space<vmem>>)
        tpu.yield
      }) : () -> ()
      %dma_start3A = arith.constant 0 : i32
      %dma_start3A_38 = arith.constant 0 : i32
      %dma_start3A_39 = tpu.memref_slice %arg6[%dma_start3A, %dma_start3A_38] : memref<32x64xi32, #tpu.memory_space<vmem>> -> memref<1x64xi32, #tpu.memory_space<vmem>>
      %dma_start3A_40 = tpu.memref_squeeze %dma_start3A_39 : memref<1x64xi32, #tpu.memory_space<vmem>> -> memref<64xi32, #tpu.memory_space<vmem>>
      %dma_start3A_41 = arith.constant 0 : i32
      %dma_start3A_42 = arith.constant 0 : i32
      %dma_start3A_43 = tpu.memref_slice %arg16[%dma_start3A_41, %dma_start3A_42] : memref<10240x64xf32, #tpu.memory_space<vmem_shared>> -> memref<10240x64xf32, #tpu.memory_space<vmem_shared>>
      tpu.enqueue_indirect_dma source(%dma_start3A_43 : memref<10240x64xf32, #tpu.memory_space<vmem_shared>>) target(%arg8 : memref<64x64xf32, #tpu.memory_space<vmem>>) offsets(%dma_start3A_40 : memref<64xi32, #tpu.memory_space<vmem>>) semaphore(%arg18 : memref<!tpu.dma_semaphore, #tpu.memory_space<semaphore_mem>>)
      %dma_start3A_44 = arith.constant 1 : i32
      %dma_start3A_45 = arith.constant 0 : i32
      %dma_start3A_46 = tpu.memref_slice %arg6[%dma_start3A_44, %dma_start3A_45] : memref<32x64xi32, #tpu.memory_space<vmem>> -> memref<1x64xi32, #tpu.memory_space<vmem>>
      %dma_start3A_47 = tpu.memref_squeeze %dma_start3A_46 : memref<1x64xi32, #tpu.memory_space<vmem>> -> memref<64xi32, #tpu.memory_space<vmem>>
      %dma_start3A_48 = arith.constant 0 : i32
      %dma_start3A_49 = arith.constant 0 : i32
      %dma_start3A_50 = tpu.memref_slice %arg16[%dma_start3A_48, %dma_start3A_49] : memref<10240x64xf32, #tpu.memory_space<vmem_shared>> -> memref<10240x64xf32, #tpu.memory_space<vmem_shared>>
      tpu.enqueue_indirect_dma source(%dma_start3A_50 : memref<10240x64xf32, #tpu.memory_space<vmem_shared>>) target(%arg9 : memref<64x64xf32, #tpu.memory_space<vmem>>) offsets(%dma_start3A_47 : memref<64xi32, #tpu.memory_space<vmem>>) semaphore(%arg19 : memref<!tpu.dma_semaphore, #tpu.memory_space<semaphore_mem>>)
      %dma_start3A_51 = arith.constant 2 : i32
      %dma_start3A_52 = arith.constant 0 : i32
      %dma_start3A_53 = tpu.memref_slice %arg6[%dma_start3A_51, %dma_start3A_52] : memref<32x64xi32, #tpu.memory_space<vmem>> -> memref<1x64xi32, #tpu.memory_space<vmem>>
      %dma_start3A_54 = tpu.memref_squeeze %dma_start3A_53 : memref<1x64xi32, #tpu.memory_space<vmem>> -> memref<64xi32, #tpu.memory_space<vmem>>
      %dma_start3A_55 = arith.constant 0 : i32
      %dma_start3A_56 = arith.constant 0 : i32
      %dma_start3A_57 = tpu.memref_slice %arg16[%dma_start3A_55, %dma_start3A_56] : memref<10240x64xf32, #tpu.memory_space<vmem_shared>> -> memref<10240x64xf32, #tpu.memory_space<vmem_shared>>
      tpu.enqueue_indirect_dma source(%dma_start3A_57 : memref<10240x64xf32, #tpu.memory_space<vmem_shared>>) target(%arg10 : memref<64x64xf32, #tpu.memory_space<vmem>>) offsets(%dma_start3A_54 : memref<64xi32, #tpu.memory_space<vmem>>) semaphore(%arg20 : memref<!tpu.dma_semaphore, #tpu.memory_space<semaphore_mem>>)
      %dma_start3A_58 = arith.constant 3 : i32
      %dma_start3A_59 = arith.constant 0 : i32
      %dma_start3A_60 = tpu.memref_slice %arg6[%dma_start3A_58, %dma_start3A_59] : memref<32x64xi32, #tpu.memory_space<vmem>> -> memref<1x64xi32, #tpu.memory_space<vmem>>
      %dma_start3A_61 = tpu.memref_squeeze %dma_start3A_60 : memref<1x64xi32, #tpu.memory_space<vmem>> -> memref<64xi32, #tpu.memory_space<vmem>>
      %dma_start3A_62 = arith.constant 0 : i32
      %dma_start3A_63 = arith.constant 0 : i32
      %dma_start3A_64 = tpu.memref_slice %arg16[%dma_start3A_62, %dma_start3A_63] : memref<10240x64xf32, #tpu.memory_space<vmem_shared>> -> memref<10240x64xf32, #tpu.memory_space<vmem_shared>>
      tpu.enqueue_indirect_dma source(%dma_start3A_64 : memref<10240x64xf32, #tpu.memory_space<vmem_shared>>) target(%arg11 : memref<64x64xf32, #tpu.memory_space<vmem>>) offsets(%dma_start3A_61 : memref<64xi32, #tpu.memory_space<vmem>>) semaphore(%arg21 : memref<!tpu.dma_semaphore, #tpu.memory_space<semaphore_mem>>)
      %dma_start3A_65 = arith.constant 4 : i32
      %dma_start3A_66 = arith.constant 0 : i32
      %dma_start3A_67 = tpu.memref_slice %arg6[%dma_start3A_65, %dma_start3A_66] : memref<32x64xi32, #tpu.memory_space<vmem>> -> memref<1x64xi32, #tpu.memory_space<vmem>>
      %dma_start3A_68 = tpu.memref_squeeze %dma_start3A_67 : memref<1x64xi32, #tpu.memory_space<vmem>> -> memref<64xi32, #tpu.memory_space<vmem>>
      %dma_start3A_69 = arith.constant 0 : i32
      %dma_start3A_70 = arith.constant 0 : i32
      %dma_start3A_71 = tpu.memref_slice %arg16[%dma_start3A_69, %dma_start3A_70] : memref<10240x64xf32, #tpu.memory_space<vmem_shared>> -> memref<10240x64xf32, #tpu.memory_space<vmem_shared>>
      tpu.enqueue_indirect_dma source(%dma_start3A_71 : memref<10240x64xf32, #tpu.memory_space<vmem_shared>>) target(%arg12 : memref<64x64xf32, #tpu.memory_space<vmem>>) offsets(%dma_start3A_68 : memref<64xi32, #tpu.memory_space<vmem>>) semaphore(%arg22 : memref<!tpu.dma_semaphore, #tpu.memory_space<semaphore_mem>>)
      %dma_start3A_72 = arith.constant 5 : i32
      %dma_start3A_73 = arith.constant 0 : i32
      %dma_start3A_74 = tpu.memref_slice %arg6[%dma_start3A_72, %dma_start3A_73] : memref<32x64xi32, #tpu.memory_space<vmem>> -> memref<1x64xi32, #tpu.memory_space<vmem>>
      %dma_start3A_75 = tpu.memref_squeeze %dma_start3A_74 : memref<1x64xi32, #tpu.memory_space<vmem>> -> memref<64xi32, #tpu.memory_space<vmem>>
      %dma_start3A_76 = arith.constant 0 : i32
      %dma_start3A_77 = arith.constant 0 : i32
      %dma_start3A_78 = tpu.memref_slice %arg16[%dma_start3A_76, %dma_start3A_77] : memref<10240x64xf32, #tpu.memory_space<vmem_shared>> -> memref<10240x64xf32, #tpu.memory_space<vmem_shared>>
      tpu.enqueue_indirect_dma source(%dma_start3A_78 : memref<10240x64xf32, #tpu.memory_space<vmem_shared>>) target(%arg13 : memref<64x64xf32, #tpu.memory_space<vmem>>) offsets(%dma_start3A_75 : memref<64xi32, #tpu.memory_space<vmem>>) semaphore(%arg23 : memref<!tpu.dma_semaphore, #tpu.memory_space<semaphore_mem>>)
      %dma_start3A_79 = arith.constant 6 : i32
      %dma_start3A_80 = arith.constant 0 : i32
      %dma_start3A_81 = tpu.memref_slice %arg6[%dma_start3A_79, %dma_start3A_80] : memref<32x64xi32, #tpu.memory_space<vmem>> -> memref<1x64xi32, #tpu.memory_space<vmem>>
      %dma_start3A_82 = tpu.memref_squeeze %dma_start3A_81 : memref<1x64xi32, #tpu.memory_space<vmem>> -> memref<64xi32, #tpu.memory_space<vmem>>
      %dma_start3A_83 = arith.constant 0 : i32
      %dma_start3A_84 = arith.constant 0 : i32
      %dma_start3A_85 = tpu.memref_slice %arg16[%dma_start3A_83, %dma_start3A_84] : memref<10240x64xf32, #tpu.memory_space<vmem_shared>> -> memref<10240x64xf32, #tpu.memory_space<vmem_shared>>
      tpu.enqueue_indirect_dma source(%dma_start3A_85 : memref<10240x64xf32, #tpu.memory_space<vmem_shared>>) target(%arg14 : memref<64x64xf32, #tpu.memory_space<vmem>>) offsets(%dma_start3A_82 : memref<64xi32, #tpu.memory_space<vmem>>) semaphore(%arg24 : memref<!tpu.dma_semaphore, #tpu.memory_space<semaphore_mem>>)
      %dma_start3A_86 = arith.constant 7 : i32
      %dma_start3A_87 = arith.constant 0 : i32
      %dma_start3A_88 = tpu.memref_slice %arg6[%dma_start3A_86, %dma_start3A_87] : memref<32x64xi32, #tpu.memory_space<vmem>> -> memref<1x64xi32, #tpu.memory_space<vmem>>
      %dma_start3A_89 = tpu.memref_squeeze %dma_start3A_88 : memref<1x64xi32, #tpu.memory_space<vmem>> -> memref<64xi32, #tpu.memory_space<vmem>>
      %dma_start3A_90 = arith.constant 0 : i32
      %dma_start3A_91 = arith.constant 0 : i32
      %dma_start3A_92 = tpu.memref_slice %arg16[%dma_start3A_90, %dma_start3A_91] : memref<10240x64xf32, #tpu.memory_space<vmem_shared>> -> memref<10240x64xf32, #tpu.memory_space<vmem_shared>>
      tpu.enqueue_indirect_dma source(%dma_start3A_92 : memref<10240x64xf32, #tpu.memory_space<vmem_shared>>) target(%arg15 : memref<64x64xf32, #tpu.memory_space<vmem>>) offsets(%dma_start3A_89 : memref<64xi32, #tpu.memory_space<vmem>>) semaphore(%arg25 : memref<!tpu.dma_semaphore, #tpu.memory_space<semaphore_mem>>)
      %scan3A_93 = arith.constant 0 : i32
      %scan3A_94 = arith.constant 4 : i32
      %scan3A_95 = arith.addi %scan3A_93, %scan3A_94 : i32
      %scan3A_96 = arith.constant 1 : i32
      scf.for %scan3A_153 = %scan3A_93 to %scan3A_95 step %scan3A_96  : i32 {
        %mul3A_154 = arith.constant 8 : i32
        %mul3A_155 = arith.muli %scan3A_153, %mul3A_154 : i32
        %add3A_156 = arith.constant 0 : i32
        %add3A_157 = arith.addi %add3A_156, %mul3A_155 : i32
        %add3A_158 = arith.constant 0 : i32
        %add3A_159 = arith.addi %add3A_157, %add3A_158 : i32
        %dma_wait3A_160 = arith.constant 0 : i32
        %dma_wait3A_161 = tpu.memref_slice %arg6[%add3A_159, %dma_wait3A_160] : memref<32x64xi32, #tpu.memory_space<vmem>> -> memref<1x64xi32, #tpu.memory_space<vmem>>
        %dma_wait3A_162 = tpu.memref_squeeze %dma_wait3A_161 : memref<1x64xi32, #tpu.memory_space<vmem>> -> memref<64xi32, #tpu.memory_space<vmem>>
        %dma_wait3A_163 = arith.constant 0 : i32
        %dma_wait3A_164 = arith.constant 0 : i32
        %dma_wait3A_165 = tpu.memref_slice %arg16[%dma_wait3A_163, %dma_wait3A_164] : memref<10240x64xf32, #tpu.memory_space<vmem_shared>> -> memref<10240x64xf32, #tpu.memory_space<vmem_shared>>
        tpu.wait_indirect_dma semaphore(%arg18 : memref<!tpu.dma_semaphore, #tpu.memory_space<semaphore_mem>>) src(%dma_wait3A_165 : memref<10240x64xf32, #tpu.memory_space<vmem_shared>>) dst(%arg8 : memref<64x64xf32, #tpu.memory_space<vmem>>)
        %add3A_166 = arith.constant 0 : i32
        %add3A_167 = arith.addi %add3A_157, %add3A_166 : i32
        %dma_start3A_168 = arith.constant 0 : i32
        %dma_start3A_169 = tpu.memref_slice %arg7[%add3A_167, %dma_start3A_168] : memref<32x64xi32, #tpu.memory_space<vmem>> -> memref<1x64xi32, #tpu.memory_space<vmem>>
        %dma_start3A_170 = tpu.memref_squeeze %dma_start3A_169 : memref<1x64xi32, #tpu.memory_space<vmem>> -> memref<64xi32, #tpu.memory_space<vmem>>
        %dma_start3A_171 = arith.constant 0 : i32
        %dma_start3A_172 = arith.constant 0 : i32
        %dma_start3A_173 = tpu.memref_slice %arg17[%dma_start3A_171, %dma_start3A_172] : memref<10240x64xf32, #tpu.memory_space<vmem_shared>> -> memref<10240x64xf32, #tpu.memory_space<vmem_shared>>
        tpu.enqueue_indirect_dma source(%arg8 : memref<64x64xf32, #tpu.memory_space<vmem>>) target(%dma_start3A_173 : memref<10240x64xf32, #tpu.memory_space<vmem_shared>>) offsets(%dma_start3A_170 : memref<64xi32, #tpu.memory_space<vmem>>) semaphore(%arg26 : memref<!tpu.dma_semaphore, #tpu.memory_space<semaphore_mem>>) {add = true}
        %add3A_174 = arith.constant 1 : i32
        %add3A_175 = arith.addi %add3A_157, %add3A_174 : i32
        %dma_wait3A_176 = arith.constant 0 : i32
        %dma_wait3A_177 = tpu.memref_slice %arg6[%add3A_175, %dma_wait3A_176] : memref<32x64xi32, #tpu.memory_space<vmem>> -> memref<1x64xi32, #tpu.memory_space<vmem>>
        %dma_wait3A_178 = tpu.memref_squeeze %dma_wait3A_177 : memref<1x64xi32, #tpu.memory_space<vmem>> -> memref<64xi32, #tpu.memory_space<vmem>>
        %dma_wait3A_179 = arith.constant 0 : i32
        %dma_wait3A_180 = arith.constant 0 : i32
        %dma_wait3A_181 = tpu.memref_slice %arg16[%dma_wait3A_179, %dma_wait3A_180] : memref<10240x64xf32, #tpu.memory_space<vmem_shared>> -> memref<10240x64xf32, #tpu.memory_space<vmem_shared>>
        tpu.wait_indirect_dma semaphore(%arg19 : memref<!tpu.dma_semaphore, #tpu.memory_space<semaphore_mem>>) src(%dma_wait3A_181 : memref<10240x64xf32, #tpu.memory_space<vmem_shared>>) dst(%arg9 : memref<64x64xf32, #tpu.memory_space<vmem>>)
        %add3A_182 = arith.constant 1 : i32
        %add3A_183 = arith.addi %add3A_157, %add3A_182 : i32
        %dma_start3A_184 = arith.constant 0 : i32
        %dma_start3A_185 = tpu.memref_slice %arg7[%add3A_183, %dma_start3A_184] : memref<32x64xi32, #tpu.memory_space<vmem>> -> memref<1x64xi32, #tpu.memory_space<vmem>>
        %dma_start3A_186 = tpu.memref_squeeze %dma_start3A_185 : memref<1x64xi32, #tpu.memory_space<vmem>> -> memref<64xi32, #tpu.memory_space<vmem>>
        %dma_start3A_187 = arith.constant 0 : i32
        %dma_start3A_188 = arith.constant 0 : i32
        %dma_start3A_189 = tpu.memref_slice %arg17[%dma_start3A_187, %dma_start3A_188] : memref<10240x64xf32, #tpu.memory_space<vmem_shared>> -> memref<10240x64xf32, #tpu.memory_space<vmem_shared>>
        tpu.enqueue_indirect_dma source(%arg9 : memref<64x64xf32, #tpu.memory_space<vmem>>) target(%dma_start3A_189 : memref<10240x64xf32, #tpu.memory_space<vmem_shared>>) offsets(%dma_start3A_186 : memref<64xi32, #tpu.memory_space<vmem>>) semaphore(%arg27 : memref<!tpu.dma_semaphore, #tpu.memory_space<semaphore_mem>>) {add = true}
        %add3A_190 = arith.constant 2 : i32
        %add3A_191 = arith.addi %add3A_157, %add3A_190 : i32
        %dma_wait3A_192 = arith.constant 0 : i32
        %dma_wait3A_193 = tpu.memref_slice %arg6[%add3A_191, %dma_wait3A_192] : memref<32x64xi32, #tpu.memory_space<vmem>> -> memref<1x64xi32, #tpu.memory_space<vmem>>
        %dma_wait3A_194 = tpu.memref_squeeze %dma_wait3A_193 : memref<1x64xi32, #tpu.memory_space<vmem>> -> memref<64xi32, #tpu.memory_space<vmem>>
        %dma_wait3A_195 = arith.constant 0 : i32
        %dma_wait3A_196 = arith.constant 0 : i32
        %dma_wait3A_197 = tpu.memref_slice %arg16[%dma_wait3A_195, %dma_wait3A_196] : memref<10240x64xf32, #tpu.memory_space<vmem_shared>> -> memref<10240x64xf32, #tpu.memory_space<vmem_shared>>
        tpu.wait_indirect_dma semaphore(%arg20 : memref<!tpu.dma_semaphore, #tpu.memory_space<semaphore_mem>>) src(%dma_wait3A_197 : memref<10240x64xf32, #tpu.memory_space<vmem_shared>>) dst(%arg10 : memref<64x64xf32, #tpu.memory_space<vmem>>)
        %add3A_198 = arith.constant 2 : i32
        %add3A_199 = arith.addi %add3A_157, %add3A_198 : i32
        %dma_start3A_200 = arith.constant 0 : i32
        %dma_start3A_201 = tpu.memref_slice %arg7[%add3A_199, %dma_start3A_200] : memref<32x64xi32, #tpu.memory_space<vmem>> -> memref<1x64xi32, #tpu.memory_space<vmem>>
        %dma_start3A_202 = tpu.memref_squeeze %dma_start3A_201 : memref<1x64xi32, #tpu.memory_space<vmem>> -> memref<64xi32, #tpu.memory_space<vmem>>
        %dma_start3A_203 = arith.constant 0 : i32
        %dma_start3A_204 = arith.constant 0 : i32
        %dma_start3A_205 = tpu.memref_slice %arg17[%dma_start3A_203, %dma_start3A_204] : memref<10240x64xf32, #tpu.memory_space<vmem_shared>> -> memref<10240x64xf32, #tpu.memory_space<vmem_shared>>
        tpu.enqueue_indirect_dma source(%arg10 : memref<64x64xf32, #tpu.memory_space<vmem>>) target(%dma_start3A_205 : memref<10240x64xf32, #tpu.memory_space<vmem_shared>>) offsets(%dma_start3A_202 : memref<64xi32, #tpu.memory_space<vmem>>) semaphore(%arg28 : memref<!tpu.dma_semaphore, #tpu.memory_space<semaphore_mem>>) {add = true}
        %add3A_206 = arith.constant 3 : i32
        %add3A_207 = arith.addi %add3A_157, %add3A_206 : i32
        %dma_wait3A_208 = arith.constant 0 : i32
        %dma_wait3A_209 = tpu.memref_slice %arg6[%add3A_207, %dma_wait3A_208] : memref<32x64xi32, #tpu.memory_space<vmem>> -> memref<1x64xi32, #tpu.memory_space<vmem>>
        %dma_wait3A_210 = tpu.memref_squeeze %dma_wait3A_209 : memref<1x64xi32, #tpu.memory_space<vmem>> -> memref<64xi32, #tpu.memory_space<vmem>>
        %dma_wait3A_211 = arith.constant 0 : i32
        %dma_wait3A_212 = arith.constant 0 : i32
        %dma_wait3A_213 = tpu.memref_slice %arg16[%dma_wait3A_211, %dma_wait3A_212] : memref<10240x64xf32, #tpu.memory_space<vmem_shared>> -> memref<10240x64xf32, #tpu.memory_space<vmem_shared>>
        tpu.wait_indirect_dma semaphore(%arg21 : memref<!tpu.dma_semaphore, #tpu.memory_space<semaphore_mem>>) src(%dma_wait3A_213 : memref<10240x64xf32, #tpu.memory_space<vmem_shared>>) dst(%arg11 : memref<64x64xf32, #tpu.memory_space<vmem>>)
        %add3A_214 = arith.constant 3 : i32
        %add3A_215 = arith.addi %add3A_157, %add3A_214 : i32
        %dma_start3A_216 = arith.constant 0 : i32
        %dma_start3A_217 = tpu.memref_slice %arg7[%add3A_215, %dma_start3A_216] : memref<32x64xi32, #tpu.memory_space<vmem>> -> memref<1x64xi32, #tpu.memory_space<vmem>>
        %dma_start3A_218 = tpu.memref_squeeze %dma_start3A_217 : memref<1x64xi32, #tpu.memory_space<vmem>> -> memref<64xi32, #tpu.memory_space<vmem>>
        %dma_start3A_219 = arith.constant 0 : i32
        %dma_start3A_220 = arith.constant 0 : i32
        %dma_start3A_221 = tpu.memref_slice %arg17[%dma_start3A_219, %dma_start3A_220] : memref<10240x64xf32, #tpu.memory_space<vmem_shared>> -> memref<10240x64xf32, #tpu.memory_space<vmem_shared>>
        tpu.enqueue_indirect_dma source(%arg11 : memref<64x64xf32, #tpu.memory_space<vmem>>) target(%dma_start3A_221 : memref<10240x64xf32, #tpu.memory_space<vmem_shared>>) offsets(%dma_start3A_218 : memref<64xi32, #tpu.memory_space<vmem>>) semaphore(%arg29 : memref<!tpu.dma_semaphore, #tpu.memory_space<semaphore_mem>>) {add = true}
        %add3A_222 = arith.constant 4 : i32
        %add3A_223 = arith.addi %add3A_157, %add3A_222 : i32
        %dma_wait3A_224 = arith.constant 0 : i32
        %dma_wait3A_225 = tpu.memref_slice %arg6[%add3A_223, %dma_wait3A_224] : memref<32x64xi32, #tpu.memory_space<vmem>> -> memref<1x64xi32, #tpu.memory_space<vmem>>
        %dma_wait3A_226 = tpu.memref_squeeze %dma_wait3A_225 : memref<1x64xi32, #tpu.memory_space<vmem>> -> memref<64xi32, #tpu.memory_space<vmem>>
        %dma_wait3A_227 = arith.constant 0 : i32
        %dma_wait3A_228 = arith.constant 0 : i32
        %dma_wait3A_229 = tpu.memref_slice %arg16[%dma_wait3A_227, %dma_wait3A_228] : memref<10240x64xf32, #tpu.memory_space<vmem_shared>> -> memref<10240x64xf32, #tpu.memory_space<vmem_shared>>
        tpu.wait_indirect_dma semaphore(%arg22 : memref<!tpu.dma_semaphore, #tpu.memory_space<semaphore_mem>>) src(%dma_wait3A_229 : memref<10240x64xf32, #tpu.memory_space<vmem_shared>>) dst(%arg12 : memref<64x64xf32, #tpu.memory_space<vmem>>)
        %add3A_230 = arith.constant 4 : i32
        %add3A_231 = arith.addi %add3A_157, %add3A_230 : i32
        %dma_start3A_232 = arith.constant 0 : i32
        %dma_start3A_233 = tpu.memref_slice %arg7[%add3A_231, %dma_start3A_232] : memref<32x64xi32, #tpu.memory_space<vmem>> -> memref<1x64xi32, #tpu.memory_space<vmem>>
        %dma_start3A_234 = tpu.memref_squeeze %dma_start3A_233 : memref<1x64xi32, #tpu.memory_space<vmem>> -> memref<64xi32, #tpu.memory_space<vmem>>
        %dma_start3A_235 = arith.constant 0 : i32
        %dma_start3A_236 = arith.constant 0 : i32
        %dma_start3A_237 = tpu.memref_slice %arg17[%dma_start3A_235, %dma_start3A_236] : memref<10240x64xf32, #tpu.memory_space<vmem_shared>> -> memref<10240x64xf32, #tpu.memory_space<vmem_shared>>
        tpu.enqueue_indirect_dma source(%arg12 : memref<64x64xf32, #tpu.memory_space<vmem>>) target(%dma_start3A_237 : memref<10240x64xf32, #tpu.memory_space<vmem_shared>>) offsets(%dma_start3A_234 : memref<64xi32, #tpu.memory_space<vmem>>) semaphore(%arg30 : memref<!tpu.dma_semaphore, #tpu.memory_space<semaphore_mem>>) {add = true}
        %add3A_238 = arith.constant 5 : i32
        %add3A_239 = arith.addi %add3A_157, %add3A_238 : i32
        %dma_wait3A_240 = arith.constant 0 : i32
        %dma_wait3A_241 = tpu.memref_slice %arg6[%add3A_239, %dma_wait3A_240] : memref<32x64xi32, #tpu.memory_space<vmem>> -> memref<1x64xi32, #tpu.memory_space<vmem>>
        %dma_wait3A_242 = tpu.memref_squeeze %dma_wait3A_241 : memref<1x64xi32, #tpu.memory_space<vmem>> -> memref<64xi32, #tpu.memory_space<vmem>>
        %dma_wait3A_243 = arith.constant 0 : i32
        %dma_wait3A_244 = arith.constant 0 : i32
        %dma_wait3A_245 = tpu.memref_slice %arg16[%dma_wait3A_243, %dma_wait3A_244] : memref<10240x64xf32, #tpu.memory_space<vmem_shared>> -> memref<10240x64xf32, #tpu.memory_space<vmem_shared>>
        tpu.wait_indirect_dma semaphore(%arg23 : memref<!tpu.dma_semaphore, #tpu.memory_space<semaphore_mem>>) src(%dma_wait3A_245 : memref<10240x64xf32, #tpu.memory_space<vmem_shared>>) dst(%arg13 : memref<64x64xf32, #tpu.memory_space<vmem>>)
        %add3A_246 = arith.constant 5 : i32
        %add3A_247 = arith.addi %add3A_157, %add3A_246 : i32
        %dma_start3A_248 = arith.constant 0 : i32
        %dma_start3A_249 = tpu.memref_slice %arg7[%add3A_247, %dma_start3A_248] : memref<32x64xi32, #tpu.memory_space<vmem>> -> memref<1x64xi32, #tpu.memory_space<vmem>>
        %dma_start3A_250 = tpu.memref_squeeze %dma_start3A_249 : memref<1x64xi32, #tpu.memory_space<vmem>> -> memref<64xi32, #tpu.memory_space<vmem>>
        %dma_start3A_251 = arith.constant 0 : i32
        %dma_start3A_252 = arith.constant 0 : i32
        %dma_start3A_253 = tpu.memref_slice %arg17[%dma_start3A_251, %dma_start3A_252] : memref<10240x64xf32, #tpu.memory_space<vmem_shared>> -> memref<10240x64xf32, #tpu.memory_space<vmem_shared>>
        tpu.enqueue_indirect_dma source(%arg13 : memref<64x64xf32, #tpu.memory_space<vmem>>) target(%dma_start3A_253 : memref<10240x64xf32, #tpu.memory_space<vmem_shared>>) offsets(%dma_start3A_250 : memref<64xi32, #tpu.memory_space<vmem>>) semaphore(%arg31 : memref<!tpu.dma_semaphore, #tpu.memory_space<semaphore_mem>>) {add = true}
        %add3A_254 = arith.constant 6 : i32
        %add3A_255 = arith.addi %add3A_157, %add3A_254 : i32
        %dma_wait3A_256 = arith.constant 0 : i32
        %dma_wait3A_257 = tpu.memref_slice %arg6[%add3A_255, %dma_wait3A_256] : memref<32x64xi32, #tpu.memory_space<vmem>> -> memref<1x64xi32, #tpu.memory_space<vmem>>
        %dma_wait3A_258 = tpu.memref_squeeze %dma_wait3A_257 : memref<1x64xi32, #tpu.memory_space<vmem>> -> memref<64xi32, #tpu.memory_space<vmem>>
        %dma_wait3A_259 = arith.constant 0 : i32
        %dma_wait3A_260 = arith.constant 0 : i32
        %dma_wait3A_261 = tpu.memref_slice %arg16[%dma_wait3A_259, %dma_wait3A_260] : memref<10240x64xf32, #tpu.memory_space<vmem_shared>> -> memref<10240x64xf32, #tpu.memory_space<vmem_shared>>
        tpu.wait_indirect_dma semaphore(%arg24 : memref<!tpu.dma_semaphore, #tpu.memory_space<semaphore_mem>>) src(%dma_wait3A_261 : memref<10240x64xf32, #tpu.memory_space<vmem_shared>>) dst(%arg14 : memref<64x64xf32, #tpu.memory_space<vmem>>)
        %add3A_262 = arith.constant 6 : i32
        %add3A_263 = arith.addi %add3A_157, %add3A_262 : i32
        %dma_start3A_264 = arith.constant 0 : i32
        %dma_start3A_265 = tpu.memref_slice %arg7[%add3A_263, %dma_start3A_264] : memref<32x64xi32, #tpu.memory_space<vmem>> -> memref<1x64xi32, #tpu.memory_space<vmem>>
        %dma_start3A_266 = tpu.memref_squeeze %dma_start3A_265 : memref<1x64xi32, #tpu.memory_space<vmem>> -> memref<64xi32, #tpu.memory_space<vmem>>
        %dma_start3A_267 = arith.constant 0 : i32
        %dma_start3A_268 = arith.constant 0 : i32
        %dma_start3A_269 = tpu.memref_slice %arg17[%dma_start3A_267, %dma_start3A_268] : memref<10240x64xf32, #tpu.memory_space<vmem_shared>> -> memref<10240x64xf32, #tpu.memory_space<vmem_shared>>
        tpu.enqueue_indirect_dma source(%arg14 : memref<64x64xf32, #tpu.memory_space<vmem>>) target(%dma_start3A_269 : memref<10240x64xf32, #tpu.memory_space<vmem_shared>>) offsets(%dma_start3A_266 : memref<64xi32, #tpu.memory_space<vmem>>) semaphore(%arg32 : memref<!tpu.dma_semaphore, #tpu.memory_space<semaphore_mem>>) {add = true}
        %add3A_270 = arith.constant 7 : i32
        %add3A_271 = arith.addi %add3A_157, %add3A_270 : i32
        %dma_wait3A_272 = arith.constant 0 : i32
        %dma_wait3A_273 = tpu.memref_slice %arg6[%add3A_271, %dma_wait3A_272] : memref<32x64xi32, #tpu.memory_space<vmem>> -> memref<1x64xi32, #tpu.memory_space<vmem>>
        %dma_wait3A_274 = tpu.memref_squeeze %dma_wait3A_273 : memref<1x64xi32, #tpu.memory_space<vmem>> -> memref<64xi32, #tpu.memory_space<vmem>>
        %dma_wait3A_275 = arith.constant 0 : i32
        %dma_wait3A_276 = arith.constant 0 : i32
        %dma_wait3A_277 = tpu.memref_slice %arg16[%dma_wait3A_275, %dma_wait3A_276] : memref<10240x64xf32, #tpu.memory_space<vmem_shared>> -> memref<10240x64xf32, #tpu.memory_space<vmem_shared>>
        tpu.wait_indirect_dma semaphore(%arg25 : memref<!tpu.dma_semaphore, #tpu.memory_space<semaphore_mem>>) src(%dma_wait3A_277 : memref<10240x64xf32, #tpu.memory_space<vmem_shared>>) dst(%arg15 : memref<64x64xf32, #tpu.memory_space<vmem>>)
        %add3A_278 = arith.constant 7 : i32
        %add3A_279 = arith.addi %add3A_157, %add3A_278 : i32
        %dma_start3A_280 = arith.constant 0 : i32
        %dma_start3A_281 = tpu.memref_slice %arg7[%add3A_279, %dma_start3A_280] : memref<32x64xi32, #tpu.memory_space<vmem>> -> memref<1x64xi32, #tpu.memory_space<vmem>>
        %dma_start3A_282 = tpu.memref_squeeze %dma_start3A_281 : memref<1x64xi32, #tpu.memory_space<vmem>> -> memref<64xi32, #tpu.memory_space<vmem>>
        %dma_start3A_283 = arith.constant 0 : i32
        %dma_start3A_284 = arith.constant 0 : i32
        %dma_start3A_285 = tpu.memref_slice %arg17[%dma_start3A_283, %dma_start3A_284] : memref<10240x64xf32, #tpu.memory_space<vmem_shared>> -> memref<10240x64xf32, #tpu.memory_space<vmem_shared>>
        tpu.enqueue_indirect_dma source(%arg15 : memref<64x64xf32, #tpu.memory_space<vmem>>) target(%dma_start3A_285 : memref<10240x64xf32, #tpu.memory_space<vmem_shared>>) offsets(%dma_start3A_282 : memref<64xi32, #tpu.memory_space<vmem>>) semaphore(%arg33 : memref<!tpu.dma_semaphore, #tpu.memory_space<semaphore_mem>>) {add = true}
        %add3A_286 = arith.constant 8 : i32
        %add3A_287 = arith.addi %add3A_157, %add3A_286 : i32
        %add3A_288 = arith.constant 0 : i32
        %add3A_289 = arith.addi %add3A_287, %add3A_288 : i32
        %lt3A = arith.constant 32 : i32
        %lt3A_290 = arith.cmpi slt, %add3A_289, %lt3A : i32
        %convert_element_type3A = arith.extui %lt3A_290 : i1 to i32
        %cond3A = arith.constant 0 : i32
        %cond3A_291 = arith.cmpi ne, %convert_element_type3A, %cond3A : i32
        scf.if %cond3A_291 {
          %add3A_355 = arith.constant 0 : i32
          %add3A_356 = arith.addi %add3A_157, %add3A_355 : i32
          %dma_wait3A_357 = arith.constant 0 : i32
          %dma_wait3A_358 = tpu.memref_slice %arg7[%add3A_356, %dma_wait3A_357] : memref<32x64xi32, #tpu.memory_space<vmem>> -> memref<1x64xi32, #tpu.memory_space<vmem>>
          %dma_wait3A_359 = tpu.memref_squeeze %dma_wait3A_358 : memref<1x64xi32, #tpu.memory_space<vmem>> -> memref<64xi32, #tpu.memory_space<vmem>>
          %dma_wait3A_360 = arith.constant 0 : i32
          %dma_wait3A_361 = arith.constant 0 : i32
          %dma_wait3A_362 = tpu.memref_slice %arg17[%dma_wait3A_360, %dma_wait3A_361] : memref<10240x64xf32, #tpu.memory_space<vmem_shared>> -> memref<10240x64xf32, #tpu.memory_space<vmem_shared>>
          tpu.wait_indirect_dma semaphore(%arg26 : memref<!tpu.dma_semaphore, #tpu.memory_space<semaphore_mem>>) src(%arg8 : memref<64x64xf32, #tpu.memory_space<vmem>>) dst(%dma_wait3A_362 : memref<10240x64xf32, #tpu.memory_space<vmem_shared>>)
          %add3A_363 = arith.constant 8 : i32
          %add3A_364 = arith.addi %add3A_157, %add3A_363 : i32
          %add3A_365 = arith.constant 0 : i32
          %add3A_366 = arith.addi %add3A_364, %add3A_365 : i32
          %dma_start3A_367 = arith.constant 0 : i32
          %dma_start3A_368 = tpu.memref_slice %arg6[%add3A_366, %dma_start3A_367] : memref<32x64xi32, #tpu.memory_space<vmem>> -> memref<1x64xi32, #tpu.memory_space<vmem>>
          %dma_start3A_369 = tpu.memref_squeeze %dma_start3A_368 : memref<1x64xi32, #tpu.memory_space<vmem>> -> memref<64xi32, #tpu.memory_space<vmem>>
          %dma_start3A_370 = arith.constant 0 : i32
          %dma_start3A_371 = arith.constant 0 : i32
          %dma_start3A_372 = tpu.memref_slice %arg16[%dma_start3A_370, %dma_start3A_371] : memref<10240x64xf32, #tpu.memory_space<vmem_shared>> -> memref<10240x64xf32, #tpu.memory_space<vmem_shared>>
          tpu.enqueue_indirect_dma source(%dma_start3A_372 : memref<10240x64xf32, #tpu.memory_space<vmem_shared>>) target(%arg8 : memref<64x64xf32, #tpu.memory_space<vmem>>) offsets(%dma_start3A_369 : memref<64xi32, #tpu.memory_space<vmem>>) semaphore(%arg18 : memref<!tpu.dma_semaphore, #tpu.memory_space<semaphore_mem>>)
        } else {
        }
        %add3A_292 = arith.constant 8 : i32
        %add3A_293 = arith.addi %add3A_157, %add3A_292 : i32
        %add3A_294 = arith.constant 1 : i32
        %add3A_295 = arith.addi %add3A_293, %add3A_294 : i32
        %lt3A_296 = arith.constant 32 : i32
        %lt3A_297 = arith.cmpi slt, %add3A_295, %lt3A_296 : i32
        %convert_element_type3A_298 = arith.extui %lt3A_297 : i1 to i32
        %cond3A_299 = arith.constant 0 : i32
        %cond3A_300 = arith.cmpi ne, %convert_element_type3A_298, %cond3A_299 : i32
        scf.if %cond3A_300 {
          %add3A_355 = arith.constant 1 : i32
          %add3A_356 = arith.addi %add3A_157, %add3A_355 : i32
          %dma_wait3A_357 = arith.constant 0 : i32
          %dma_wait3A_358 = tpu.memref_slice %arg7[%add3A_356, %dma_wait3A_357] : memref<32x64xi32, #tpu.memory_space<vmem>> -> memref<1x64xi32, #tpu.memory_space<vmem>>
          %dma_wait3A_359 = tpu.memref_squeeze %dma_wait3A_358 : memref<1x64xi32, #tpu.memory_space<vmem>> -> memref<64xi32, #tpu.memory_space<vmem>>
          %dma_wait3A_360 = arith.constant 0 : i32
          %dma_wait3A_361 = arith.constant 0 : i32
          %dma_wait3A_362 = tpu.memref_slice %arg17[%dma_wait3A_360, %dma_wait3A_361] : memref<10240x64xf32, #tpu.memory_space<vmem_shared>> -> memref<10240x64xf32, #tpu.memory_space<vmem_shared>>
          tpu.wait_indirect_dma semaphore(%arg27 : memref<!tpu.dma_semaphore, #tpu.memory_space<semaphore_mem>>) src(%arg9 : memref<64x64xf32, #tpu.memory_space<vmem>>) dst(%dma_wait3A_362 : memref<10240x64xf32, #tpu.memory_space<vmem_shared>>)
          %add3A_363 = arith.constant 8 : i32
          %add3A_364 = arith.addi %add3A_157, %add3A_363 : i32
          %add3A_365 = arith.constant 1 : i32
          %add3A_366 = arith.addi %add3A_364, %add3A_365 : i32
          %dma_start3A_367 = arith.constant 0 : i32
          %dma_start3A_368 = tpu.memref_slice %arg6[%add3A_366, %dma_start3A_367] : memref<32x64xi32, #tpu.memory_space<vmem>> -> memref<1x64xi32, #tpu.memory_space<vmem>>
          %dma_start3A_369 = tpu.memref_squeeze %dma_start3A_368 : memref<1x64xi32, #tpu.memory_space<vmem>> -> memref<64xi32, #tpu.memory_space<vmem>>
          %dma_start3A_370 = arith.constant 0 : i32
          %dma_start3A_371 = arith.constant 0 : i32
          %dma_start3A_372 = tpu.memref_slice %arg16[%dma_start3A_370, %dma_start3A_371] : memref<10240x64xf32, #tpu.memory_space<vmem_shared>> -> memref<10240x64xf32, #tpu.memory_space<vmem_shared>>
          tpu.enqueue_indirect_dma source(%dma_start3A_372 : memref<10240x64xf32, #tpu.memory_space<vmem_shared>>) target(%arg9 : memref<64x64xf32, #tpu.memory_space<vmem>>) offsets(%dma_start3A_369 : memref<64xi32, #tpu.memory_space<vmem>>) semaphore(%arg19 : memref<!tpu.dma_semaphore, #tpu.memory_space<semaphore_mem>>)
        } else {
        }
        %add3A_301 = arith.constant 8 : i32
        %add3A_302 = arith.addi %add3A_157, %add3A_301 : i32
        %add3A_303 = arith.constant 2 : i32
        %add3A_304 = arith.addi %add3A_302, %add3A_303 : i32
        %lt3A_305 = arith.constant 32 : i32
        %lt3A_306 = arith.cmpi slt, %add3A_304, %lt3A_305 : i32
        %convert_element_type3A_307 = arith.extui %lt3A_306 : i1 to i32
        %cond3A_308 = arith.constant 0 : i32
        %cond3A_309 = arith.cmpi ne, %convert_element_type3A_307, %cond3A_308 : i32
        scf.if %cond3A_309 {
          %add3A_355 = arith.constant 2 : i32
          %add3A_356 = arith.addi %add3A_157, %add3A_355 : i32
          %dma_wait3A_357 = arith.constant 0 : i32
          %dma_wait3A_358 = tpu.memref_slice %arg7[%add3A_356, %dma_wait3A_357] : memref<32x64xi32, #tpu.memory_space<vmem>> -> memref<1x64xi32, #tpu.memory_space<vmem>>
          %dma_wait3A_359 = tpu.memref_squeeze %dma_wait3A_358 : memref<1x64xi32, #tpu.memory_space<vmem>> -> memref<64xi32, #tpu.memory_space<vmem>>
          %dma_wait3A_360 = arith.constant 0 : i32
          %dma_wait3A_361 = arith.constant 0 : i32
          %dma_wait3A_362 = tpu.memref_slice %arg17[%dma_wait3A_360, %dma_wait3A_361] : memref<10240x64xf32, #tpu.memory_space<vmem_shared>> -> memref<10240x64xf32, #tpu.memory_space<vmem_shared>>
          tpu.wait_indirect_dma semaphore(%arg28 : memref<!tpu.dma_semaphore, #tpu.memory_space<semaphore_mem>>) src(%arg10 : memref<64x64xf32, #tpu.memory_space<vmem>>) dst(%dma_wait3A_362 : memref<10240x64xf32, #tpu.memory_space<vmem_shared>>)
          %add3A_363 = arith.constant 8 : i32
          %add3A_364 = arith.addi %add3A_157, %add3A_363 : i32
          %add3A_365 = arith.constant 2 : i32
          %add3A_366 = arith.addi %add3A_364, %add3A_365 : i32
          %dma_start3A_367 = arith.constant 0 : i32
          %dma_start3A_368 = tpu.memref_slice %arg6[%add3A_366, %dma_start3A_367] : memref<32x64xi32, #tpu.memory_space<vmem>> -> memref<1x64xi32, #tpu.memory_space<vmem>>
          %dma_start3A_369 = tpu.memref_squeeze %dma_start3A_368 : memref<1x64xi32, #tpu.memory_space<vmem>> -> memref<64xi32, #tpu.memory_space<vmem>>
          %dma_start3A_370 = arith.constant 0 : i32
          %dma_start3A_371 = arith.constant 0 : i32
          %dma_start3A_372 = tpu.memref_slice %arg16[%dma_start3A_370, %dma_start3A_371] : memref<10240x64xf32, #tpu.memory_space<vmem_shared>> -> memref<10240x64xf32, #tpu.memory_space<vmem_shared>>
          tpu.enqueue_indirect_dma source(%dma_start3A_372 : memref<10240x64xf32, #tpu.memory_space<vmem_shared>>) target(%arg10 : memref<64x64xf32, #tpu.memory_space<vmem>>) offsets(%dma_start3A_369 : memref<64xi32, #tpu.memory_space<vmem>>) semaphore(%arg20 : memref<!tpu.dma_semaphore, #tpu.memory_space<semaphore_mem>>)
        } else {
        }
        %add3A_310 = arith.constant 8 : i32
        %add3A_311 = arith.addi %add3A_157, %add3A_310 : i32
        %add3A_312 = arith.constant 3 : i32
        %add3A_313 = arith.addi %add3A_311, %add3A_312 : i32
        %lt3A_314 = arith.constant 32 : i32
        %lt3A_315 = arith.cmpi slt, %add3A_313, %lt3A_314 : i32
        %convert_element_type3A_316 = arith.extui %lt3A_315 : i1 to i32
        %cond3A_317 = arith.constant 0 : i32
        %cond3A_318 = arith.cmpi ne, %convert_element_type3A_316, %cond3A_317 : i32
        scf.if %cond3A_318 {
          %add3A_355 = arith.constant 3 : i32
          %add3A_356 = arith.addi %add3A_157, %add3A_355 : i32
          %dma_wait3A_357 = arith.constant 0 : i32
          %dma_wait3A_358 = tpu.memref_slice %arg7[%add3A_356, %dma_wait3A_357] : memref<32x64xi32, #tpu.memory_space<vmem>> -> memref<1x64xi32, #tpu.memory_space<vmem>>
          %dma_wait3A_359 = tpu.memref_squeeze %dma_wait3A_358 : memref<1x64xi32, #tpu.memory_space<vmem>> -> memref<64xi32, #tpu.memory_space<vmem>>
          %dma_wait3A_360 = arith.constant 0 : i32
          %dma_wait3A_361 = arith.constant 0 : i32
          %dma_wait3A_362 = tpu.memref_slice %arg17[%dma_wait3A_360, %dma_wait3A_361] : memref<10240x64xf32, #tpu.memory_space<vmem_shared>> -> memref<10240x64xf32, #tpu.memory_space<vmem_shared>>
          tpu.wait_indirect_dma semaphore(%arg29 : memref<!tpu.dma_semaphore, #tpu.memory_space<semaphore_mem>>) src(%arg11 : memref<64x64xf32, #tpu.memory_space<vmem>>) dst(%dma_wait3A_362 : memref<10240x64xf32, #tpu.memory_space<vmem_shared>>)
          %add3A_363 = arith.constant 8 : i32
          %add3A_364 = arith.addi %add3A_157, %add3A_363 : i32
          %add3A_365 = arith.constant 3 : i32
          %add3A_366 = arith.addi %add3A_364, %add3A_365 : i32
          %dma_start3A_367 = arith.constant 0 : i32
          %dma_start3A_368 = tpu.memref_slice %arg6[%add3A_366, %dma_start3A_367] : memref<32x64xi32, #tpu.memory_space<vmem>> -> memref<1x64xi32, #tpu.memory_space<vmem>>
          %dma_start3A_369 = tpu.memref_squeeze %dma_start3A_368 : memref<1x64xi32, #tpu.memory_space<vmem>> -> memref<64xi32, #tpu.memory_space<vmem>>
          %dma_start3A_370 = arith.constant 0 : i32
          %dma_start3A_371 = arith.constant 0 : i32
          %dma_start3A_372 = tpu.memref_slice %arg16[%dma_start3A_370, %dma_start3A_371] : memref<10240x64xf32, #tpu.memory_space<vmem_shared>> -> memref<10240x64xf32, #tpu.memory_space<vmem_shared>>
          tpu.enqueue_indirect_dma source(%dma_start3A_372 : memref<10240x64xf32, #tpu.memory_space<vmem_shared>>) target(%arg11 : memref<64x64xf32, #tpu.memory_space<vmem>>) offsets(%dma_start3A_369 : memref<64xi32, #tpu.memory_space<vmem>>) semaphore(%arg21 : memref<!tpu.dma_semaphore, #tpu.memory_space<semaphore_mem>>)
        } else {
        }
        %add3A_319 = arith.constant 8 : i32
        %add3A_320 = arith.addi %add3A_157, %add3A_319 : i32
        %add3A_321 = arith.constant 4 : i32
        %add3A_322 = arith.addi %add3A_320, %add3A_321 : i32
        %lt3A_323 = arith.constant 32 : i32
        %lt3A_324 = arith.cmpi slt, %add3A_322, %lt3A_323 : i32
        %convert_element_type3A_325 = arith.extui %lt3A_324 : i1 to i32
        %cond3A_326 = arith.constant 0 : i32
        %cond3A_327 = arith.cmpi ne, %convert_element_type3A_325, %cond3A_326 : i32
        scf.if %cond3A_327 {
          %add3A_355 = arith.constant 4 : i32
          %add3A_356 = arith.addi %add3A_157, %add3A_355 : i32
          %dma_wait3A_357 = arith.constant 0 : i32
          %dma_wait3A_358 = tpu.memref_slice %arg7[%add3A_356, %dma_wait3A_357] : memref<32x64xi32, #tpu.memory_space<vmem>> -> memref<1x64xi32, #tpu.memory_space<vmem>>
          %dma_wait3A_359 = tpu.memref_squeeze %dma_wait3A_358 : memref<1x64xi32, #tpu.memory_space<vmem>> -> memref<64xi32, #tpu.memory_space<vmem>>
          %dma_wait3A_360 = arith.constant 0 : i32
          %dma_wait3A_361 = arith.constant 0 : i32
          %dma_wait3A_362 = tpu.memref_slice %arg17[%dma_wait3A_360, %dma_wait3A_361] : memref<10240x64xf32, #tpu.memory_space<vmem_shared>> -> memref<10240x64xf32, #tpu.memory_space<vmem_shared>>
          tpu.wait_indirect_dma semaphore(%arg30 : memref<!tpu.dma_semaphore, #tpu.memory_space<semaphore_mem>>) src(%arg12 : memref<64x64xf32, #tpu.memory_space<vmem>>) dst(%dma_wait3A_362 : memref<10240x64xf32, #tpu.memory_space<vmem_shared>>)
          %add3A_363 = arith.constant 8 : i32
          %add3A_364 = arith.addi %add3A_157, %add3A_363 : i32
          %add3A_365 = arith.constant 4 : i32
          %add3A_366 = arith.addi %add3A_364, %add3A_365 : i32
          %dma_start3A_367 = arith.constant 0 : i32
          %dma_start3A_368 = tpu.memref_slice %arg6[%add3A_366, %dma_start3A_367] : memref<32x64xi32, #tpu.memory_space<vmem>> -> memref<1x64xi32, #tpu.memory_space<vmem>>
          %dma_start3A_369 = tpu.memref_squeeze %dma_start3A_368 : memref<1x64xi32, #tpu.memory_space<vmem>> -> memref<64xi32, #tpu.memory_space<vmem>>
          %dma_start3A_370 = arith.constant 0 : i32
          %dma_start3A_371 = arith.constant 0 : i32
          %dma_start3A_372 = tpu.memref_slice %arg16[%dma_start3A_370, %dma_start3A_371] : memref<10240x64xf32, #tpu.memory_space<vmem_shared>> -> memref<10240x64xf32, #tpu.memory_space<vmem_shared>>
          tpu.enqueue_indirect_dma source(%dma_start3A_372 : memref<10240x64xf32, #tpu.memory_space<vmem_shared>>) target(%arg12 : memref<64x64xf32, #tpu.memory_space<vmem>>) offsets(%dma_start3A_369 : memref<64xi32, #tpu.memory_space<vmem>>) semaphore(%arg22 : memref<!tpu.dma_semaphore, #tpu.memory_space<semaphore_mem>>)
        } else {
        }
        %add3A_328 = arith.constant 8 : i32
        %add3A_329 = arith.addi %add3A_157, %add3A_328 : i32
        %add3A_330 = arith.constant 5 : i32
        %add3A_331 = arith.addi %add3A_329, %add3A_330 : i32
        %lt3A_332 = arith.constant 32 : i32
        %lt3A_333 = arith.cmpi slt, %add3A_331, %lt3A_332 : i32
        %convert_element_type3A_334 = arith.extui %lt3A_333 : i1 to i32
        %cond3A_335 = arith.constant 0 : i32
        %cond3A_336 = arith.cmpi ne, %convert_element_type3A_334, %cond3A_335 : i32
        scf.if %cond3A_336 {
          %add3A_355 = arith.constant 5 : i32
          %add3A_356 = arith.addi %add3A_157, %add3A_355 : i32
          %dma_wait3A_357 = arith.constant 0 : i32
          %dma_wait3A_358 = tpu.memref_slice %arg7[%add3A_356, %dma_wait3A_357] : memref<32x64xi32, #tpu.memory_space<vmem>> -> memref<1x64xi32, #tpu.memory_space<vmem>>
          %dma_wait3A_359 = tpu.memref_squeeze %dma_wait3A_358 : memref<1x64xi32, #tpu.memory_space<vmem>> -> memref<64xi32, #tpu.memory_space<vmem>>
          %dma_wait3A_360 = arith.constant 0 : i32
          %dma_wait3A_361 = arith.constant 0 : i32
          %dma_wait3A_362 = tpu.memref_slice %arg17[%dma_wait3A_360, %dma_wait3A_361] : memref<10240x64xf32, #tpu.memory_space<vmem_shared>> -> memref<10240x64xf32, #tpu.memory_space<vmem_shared>>
          tpu.wait_indirect_dma semaphore(%arg31 : memref<!tpu.dma_semaphore, #tpu.memory_space<semaphore_mem>>) src(%arg13 : memref<64x64xf32, #tpu.memory_space<vmem>>) dst(%dma_wait3A_362 : memref<10240x64xf32, #tpu.memory_space<vmem_shared>>)
          %add3A_363 = arith.constant 8 : i32
          %add3A_364 = arith.addi %add3A_157, %add3A_363 : i32
          %add3A_365 = arith.constant 5 : i32
          %add3A_366 = arith.addi %add3A_364, %add3A_365 : i32
          %dma_start3A_367 = arith.constant 0 : i32
          %dma_start3A_368 = tpu.memref_slice %arg6[%add3A_366, %dma_start3A_367] : memref<32x64xi32, #tpu.memory_space<vmem>> -> memref<1x64xi32, #tpu.memory_space<vmem>>
          %dma_start3A_369 = tpu.memref_squeeze %dma_start3A_368 : memref<1x64xi32, #tpu.memory_space<vmem>> -> memref<64xi32, #tpu.memory_space<vmem>>
          %dma_start3A_370 = arith.constant 0 : i32
          %dma_start3A_371 = arith.constant 0 : i32
          %dma_start3A_372 = tpu.memref_slice %arg16[%dma_start3A_370, %dma_start3A_371] : memref<10240x64xf32, #tpu.memory_space<vmem_shared>> -> memref<10240x64xf32, #tpu.memory_space<vmem_shared>>
          tpu.enqueue_indirect_dma source(%dma_start3A_372 : memref<10240x64xf32, #tpu.memory_space<vmem_shared>>) target(%arg13 : memref<64x64xf32, #tpu.memory_space<vmem>>) offsets(%dma_start3A_369 : memref<64xi32, #tpu.memory_space<vmem>>) semaphore(%arg23 : memref<!tpu.dma_semaphore, #tpu.memory_space<semaphore_mem>>)
        } else {
        }
        %add3A_337 = arith.constant 8 : i32
        %add3A_338 = arith.addi %add3A_157, %add3A_337 : i32
        %add3A_339 = arith.constant 6 : i32
        %add3A_340 = arith.addi %add3A_338, %add3A_339 : i32
        %lt3A_341 = arith.constant 32 : i32
        %lt3A_342 = arith.cmpi slt, %add3A_340, %lt3A_341 : i32
        %convert_element_type3A_343 = arith.extui %lt3A_342 : i1 to i32
        %cond3A_344 = arith.constant 0 : i32
        %cond3A_345 = arith.cmpi ne, %convert_element_type3A_343, %cond3A_344 : i32
        scf.if %cond3A_345 {
          %add3A_355 = arith.constant 6 : i32
          %add3A_356 = arith.addi %add3A_157, %add3A_355 : i32
          %dma_wait3A_357 = arith.constant 0 : i32
          %dma_wait3A_358 = tpu.memref_slice %arg7[%add3A_356, %dma_wait3A_357] : memref<32x64xi32, #tpu.memory_space<vmem>> -> memref<1x64xi32, #tpu.memory_space<vmem>>
          %dma_wait3A_359 = tpu.memref_squeeze %dma_wait3A_358 : memref<1x64xi32, #tpu.memory_space<vmem>> -> memref<64xi32, #tpu.memory_space<vmem>>
          %dma_wait3A_360 = arith.constant 0 : i32
          %dma_wait3A_361 = arith.constant 0 : i32
          %dma_wait3A_362 = tpu.memref_slice %arg17[%dma_wait3A_360, %dma_wait3A_361] : memref<10240x64xf32, #tpu.memory_space<vmem_shared>> -> memref<10240x64xf32, #tpu.memory_space<vmem_shared>>
          tpu.wait_indirect_dma semaphore(%arg32 : memref<!tpu.dma_semaphore, #tpu.memory_space<semaphore_mem>>) src(%arg14 : memref<64x64xf32, #tpu.memory_space<vmem>>) dst(%dma_wait3A_362 : memref<10240x64xf32, #tpu.memory_space<vmem_shared>>)
          %add3A_363 = arith.constant 8 : i32
          %add3A_364 = arith.addi %add3A_157, %add3A_363 : i32
          %add3A_365 = arith.constant 6 : i32
          %add3A_366 = arith.addi %add3A_364, %add3A_365 : i32
          %dma_start3A_367 = arith.constant 0 : i32
          %dma_start3A_368 = tpu.memref_slice %arg6[%add3A_366, %dma_start3A_367] : memref<32x64xi32, #tpu.memory_space<vmem>> -> memref<1x64xi32, #tpu.memory_space<vmem>>
          %dma_start3A_369 = tpu.memref_squeeze %dma_start3A_368 : memref<1x64xi32, #tpu.memory_space<vmem>> -> memref<64xi32, #tpu.memory_space<vmem>>
          %dma_start3A_370 = arith.constant 0 : i32
          %dma_start3A_371 = arith.constant 0 : i32
          %dma_start3A_372 = tpu.memref_slice %arg16[%dma_start3A_370, %dma_start3A_371] : memref<10240x64xf32, #tpu.memory_space<vmem_shared>> -> memref<10240x64xf32, #tpu.memory_space<vmem_shared>>
          tpu.enqueue_indirect_dma source(%dma_start3A_372 : memref<10240x64xf32, #tpu.memory_space<vmem_shared>>) target(%arg14 : memref<64x64xf32, #tpu.memory_space<vmem>>) offsets(%dma_start3A_369 : memref<64xi32, #tpu.memory_space<vmem>>) semaphore(%arg24 : memref<!tpu.dma_semaphore, #tpu.memory_space<semaphore_mem>>)
        } else {
        }
        %add3A_346 = arith.constant 8 : i32
        %add3A_347 = arith.addi %add3A_157, %add3A_346 : i32
        %add3A_348 = arith.constant 7 : i32
        %add3A_349 = arith.addi %add3A_347, %add3A_348 : i32
        %lt3A_350 = arith.constant 32 : i32
        %lt3A_351 = arith.cmpi slt, %add3A_349, %lt3A_350 : i32
        %convert_element_type3A_352 = arith.extui %lt3A_351 : i1 to i32
        %cond3A_353 = arith.constant 0 : i32
        %cond3A_354 = arith.cmpi ne, %convert_element_type3A_352, %cond3A_353 : i32
        scf.if %cond3A_354 {
          %add3A_355 = arith.constant 7 : i32
          %add3A_356 = arith.addi %add3A_157, %add3A_355 : i32
          %dma_wait3A_357 = arith.constant 0 : i32
          %dma_wait3A_358 = tpu.memref_slice %arg7[%add3A_356, %dma_wait3A_357] : memref<32x64xi32, #tpu.memory_space<vmem>> -> memref<1x64xi32, #tpu.memory_space<vmem>>
          %dma_wait3A_359 = tpu.memref_squeeze %dma_wait3A_358 : memref<1x64xi32, #tpu.memory_space<vmem>> -> memref<64xi32, #tpu.memory_space<vmem>>
          %dma_wait3A_360 = arith.constant 0 : i32
          %dma_wait3A_361 = arith.constant 0 : i32
          %dma_wait3A_362 = tpu.memref_slice %arg17[%dma_wait3A_360, %dma_wait3A_361] : memref<10240x64xf32, #tpu.memory_space<vmem_shared>> -> memref<10240x64xf32, #tpu.memory_space<vmem_shared>>
          tpu.wait_indirect_dma semaphore(%arg33 : memref<!tpu.dma_semaphore, #tpu.memory_space<semaphore_mem>>) src(%arg15 : memref<64x64xf32, #tpu.memory_space<vmem>>) dst(%dma_wait3A_362 : memref<10240x64xf32, #tpu.memory_space<vmem_shared>>)
          %add3A_363 = arith.constant 8 : i32
          %add3A_364 = arith.addi %add3A_157, %add3A_363 : i32
          %add3A_365 = arith.constant 7 : i32
          %add3A_366 = arith.addi %add3A_364, %add3A_365 : i32
          %dma_start3A_367 = arith.constant 0 : i32
          %dma_start3A_368 = tpu.memref_slice %arg6[%add3A_366, %dma_start3A_367] : memref<32x64xi32, #tpu.memory_space<vmem>> -> memref<1x64xi32, #tpu.memory_space<vmem>>
          %dma_start3A_369 = tpu.memref_squeeze %dma_start3A_368 : memref<1x64xi32, #tpu.memory_space<vmem>> -> memref<64xi32, #tpu.memory_space<vmem>>
          %dma_start3A_370 = arith.constant 0 : i32
          %dma_start3A_371 = arith.constant 0 : i32
          %dma_start3A_372 = tpu.memref_slice %arg16[%dma_start3A_370, %dma_start3A_371] : memref<10240x64xf32, #tpu.memory_space<vmem_shared>> -> memref<10240x64xf32, #tpu.memory_space<vmem_shared>>
          tpu.enqueue_indirect_dma source(%dma_start3A_372 : memref<10240x64xf32, #tpu.memory_space<vmem_shared>>) target(%arg15 : memref<64x64xf32, #tpu.memory_space<vmem>>) offsets(%dma_start3A_369 : memref<64xi32, #tpu.memory_space<vmem>>) semaphore(%arg25 : memref<!tpu.dma_semaphore, #tpu.memory_space<semaphore_mem>>)
        } else {
        }
      }
      %scan3A_97 = arith.constant 4 : i32
      %dma_wait3A = arith.constant 24 : i32
      %dma_wait3A_98 = arith.constant 0 : i32
      %dma_wait3A_99 = tpu.memref_slice %arg7[%dma_wait3A, %dma_wait3A_98] : memref<32x64xi32, #tpu.memory_space<vmem>> -> memref<1x64xi32, #tpu.memory_space<vmem>>
      %dma_wait3A_100 = tpu.memref_squeeze %dma_wait3A_99 : memref<1x64xi32, #tpu.memory_space<vmem>> -> memref<64xi32, #tpu.memory_space<vmem>>
      %dma_wait3A_101 = arith.constant 0 : i32
      %dma_wait3A_102 = arith.constant 0 : i32
      %dma_wait3A_103 = tpu.memref_slice %arg17[%dma_wait3A_101, %dma_wait3A_102] : memref<10240x64xf32, #tpu.memory_space<vmem_shared>> -> memref<10240x64xf32, #tpu.memory_space<vmem_shared>>
      tpu.wait_indirect_dma semaphore(%arg26 : memref<!tpu.dma_semaphore, #tpu.memory_space<semaphore_mem>>) src(%arg8 : memref<64x64xf32, #tpu.memory_space<vmem>>) dst(%dma_wait3A_103 : memref<10240x64xf32, #tpu.memory_space<vmem_shared>>)
      %dma_wait3A_104 = arith.constant 25 : i32
      %dma_wait3A_105 = arith.constant 0 : i32
      %dma_wait3A_106 = tpu.memref_slice %arg7[%dma_wait3A_104, %dma_wait3A_105] : memref<32x64xi32, #tpu.memory_space<vmem>> -> memref<1x64xi32, #tpu.memory_space<vmem>>
      %dma_wait3A_107 = tpu.memref_squeeze %dma_wait3A_106 : memref<1x64xi32, #tpu.memory_space<vmem>> -> memref<64xi32, #tpu.memory_space<vmem>>
      %dma_wait3A_108 = arith.constant 0 : i32
      %dma_wait3A_109 = arith.constant 0 : i32
      %dma_wait3A_110 = tpu.memref_slice %arg17[%dma_wait3A_108, %dma_wait3A_109] : memref<10240x64xf32, #tpu.memory_space<vmem_shared>> -> memref<10240x64xf32, #tpu.memory_space<vmem_shared>>
      tpu.wait_indirect_dma semaphore(%arg27 : memref<!tpu.dma_semaphore, #tpu.memory_space<semaphore_mem>>) src(%arg9 : memref<64x64xf32, #tpu.memory_space<vmem>>) dst(%dma_wait3A_110 : memref<10240x64xf32, #tpu.memory_space<vmem_shared>>)
      %dma_wait3A_111 = arith.constant 26 : i32
      %dma_wait3A_112 = arith.constant 0 : i32
      %dma_wait3A_113 = tpu.memref_slice %arg7[%dma_wait3A_111, %dma_wait3A_112] : memref<32x64xi32, #tpu.memory_space<vmem>> -> memref<1x64xi32, #tpu.memory_space<vmem>>
      %dma_wait3A_114 = tpu.memref_squeeze %dma_wait3A_113 : memref<1x64xi32, #tpu.memory_space<vmem>> -> memref<64xi32, #tpu.memory_space<vmem>>
      %dma_wait3A_115 = arith.constant 0 : i32
      %dma_wait3A_116 = arith.constant 0 : i32
      %dma_wait3A_117 = tpu.memref_slice %arg17[%dma_wait3A_115, %dma_wait3A_116] : memref<10240x64xf32, #tpu.memory_space<vmem_shared>> -> memref<10240x64xf32, #tpu.memory_space<vmem_shared>>
      tpu.wait_indirect_dma semaphore(%arg28 : memref<!tpu.dma_semaphore, #tpu.memory_space<semaphore_mem>>) src(%arg10 : memref<64x64xf32, #tpu.memory_space<vmem>>) dst(%dma_wait3A_117 : memref<10240x64xf32, #tpu.memory_space<vmem_shared>>)
      %dma_wait3A_118 = arith.constant 27 : i32
      %dma_wait3A_119 = arith.constant 0 : i32
      %dma_wait3A_120 = tpu.memref_slice %arg7[%dma_wait3A_118, %dma_wait3A_119] : memref<32x64xi32, #tpu.memory_space<vmem>> -> memref<1x64xi32, #tpu.memory_space<vmem>>
      %dma_wait3A_121 = tpu.memref_squeeze %dma_wait3A_120 : memref<1x64xi32, #tpu.memory_space<vmem>> -> memref<64xi32, #tpu.memory_space<vmem>>
      %dma_wait3A_122 = arith.constant 0 : i32
      %dma_wait3A_123 = arith.constant 0 : i32
      %dma_wait3A_124 = tpu.memref_slice %arg17[%dma_wait3A_122, %dma_wait3A_123] : memref<10240x64xf32, #tpu.memory_space<vmem_shared>> -> memref<10240x64xf32, #tpu.memory_space<vmem_shared>>
      tpu.wait_indirect_dma semaphore(%arg29 : memref<!tpu.dma_semaphore, #tpu.memory_space<semaphore_mem>>) src(%arg11 : memref<64x64xf32, #tpu.memory_space<vmem>>) dst(%dma_wait3A_124 : memref<10240x64xf32, #tpu.memory_space<vmem_shared>>)
      %dma_wait3A_125 = arith.constant 28 : i32
      %dma_wait3A_126 = arith.constant 0 : i32
      %dma_wait3A_127 = tpu.memref_slice %arg7[%dma_wait3A_125, %dma_wait3A_126] : memref<32x64xi32, #tpu.memory_space<vmem>> -> memref<1x64xi32, #tpu.memory_space<vmem>>
      %dma_wait3A_128 = tpu.memref_squeeze %dma_wait3A_127 : memref<1x64xi32, #tpu.memory_space<vmem>> -> memref<64xi32, #tpu.memory_space<vmem>>
      %dma_wait3A_129 = arith.constant 0 : i32
      %dma_wait3A_130 = arith.constant 0 : i32
      %dma_wait3A_131 = tpu.memref_slice %arg17[%dma_wait3A_129, %dma_wait3A_130] : memref<10240x64xf32, #tpu.memory_space<vmem_shared>> -> memref<10240x64xf32, #tpu.memory_space<vmem_shared>>
      tpu.wait_indirect_dma semaphore(%arg30 : memref<!tpu.dma_semaphore, #tpu.memory_space<semaphore_mem>>) src(%arg12 : memref<64x64xf32, #tpu.memory_space<vmem>>) dst(%dma_wait3A_131 : memref<10240x64xf32, #tpu.memory_space<vmem_shared>>)
      %dma_wait3A_132 = arith.constant 29 : i32
      %dma_wait3A_133 = arith.constant 0 : i32
      %dma_wait3A_134 = tpu.memref_slice %arg7[%dma_wait3A_132, %dma_wait3A_133] : memref<32x64xi32, #tpu.memory_space<vmem>> -> memref<1x64xi32, #tpu.memory_space<vmem>>
      %dma_wait3A_135 = tpu.memref_squeeze %dma_wait3A_134 : memref<1x64xi32, #tpu.memory_space<vmem>> -> memref<64xi32, #tpu.memory_space<vmem>>
      %dma_wait3A_136 = arith.constant 0 : i32
      %dma_wait3A_137 = arith.constant 0 : i32
      %dma_wait3A_138 = tpu.memref_slice %arg17[%dma_wait3A_136, %dma_wait3A_137] : memref<10240x64xf32, #tpu.memory_space<vmem_shared>> -> memref<10240x64xf32, #tpu.memory_space<vmem_shared>>
      tpu.wait_indirect_dma semaphore(%arg31 : memref<!tpu.dma_semaphore, #tpu.memory_space<semaphore_mem>>) src(%arg13 : memref<64x64xf32, #tpu.memory_space<vmem>>) dst(%dma_wait3A_138 : memref<10240x64xf32, #tpu.memory_space<vmem_shared>>)
      %dma_wait3A_139 = arith.constant 30 : i32
      %dma_wait3A_140 = arith.constant 0 : i32
      %dma_wait3A_141 = tpu.memref_slice %arg7[%dma_wait3A_139, %dma_wait3A_140] : memref<32x64xi32, #tpu.memory_space<vmem>> -> memref<1x64xi32, #tpu.memory_space<vmem>>
      %dma_wait3A_142 = tpu.memref_squeeze %dma_wait3A_141 : memref<1x64xi32, #tpu.memory_space<vmem>> -> memref<64xi32, #tpu.memory_space<vmem>>
      %dma_wait3A_143 = arith.constant 0 : i32
      %dma_wait3A_144 = arith.constant 0 : i32
      %dma_wait3A_145 = tpu.memref_slice %arg17[%dma_wait3A_143, %dma_wait3A_144] : memref<10240x64xf32, #tpu.memory_space<vmem_shared>> -> memref<10240x64xf32, #tpu.memory_space<vmem_shared>>
      tpu.wait_indirect_dma semaphore(%arg32 : memref<!tpu.dma_semaphore, #tpu.memory_space<semaphore_mem>>) src(%arg14 : memref<64x64xf32, #tpu.memory_space<vmem>>) dst(%dma_wait3A_145 : memref<10240x64xf32, #tpu.memory_space<vmem_shared>>)
      %dma_wait3A_146 = arith.constant 31 : i32
      %dma_wait3A_147 = arith.constant 0 : i32
      %dma_wait3A_148 = tpu.memref_slice %arg7[%dma_wait3A_146, %dma_wait3A_147] : memref<32x64xi32, #tpu.memory_space<vmem>> -> memref<1x64xi32, #tpu.memory_space<vmem>>
      %dma_wait3A_149 = tpu.memref_squeeze %dma_wait3A_148 : memref<1x64xi32, #tpu.memory_space<vmem>> -> memref<64xi32, #tpu.memory_space<vmem>>
      %dma_wait3A_150 = arith.constant 0 : i32
      %dma_wait3A_151 = arith.constant 0 : i32
      %dma_wait3A_152 = tpu.memref_slice %arg17[%dma_wait3A_150, %dma_wait3A_151] : memref<10240x64xf32, #tpu.memory_space<vmem_shared>> -> memref<10240x64xf32, #tpu.memory_space<vmem_shared>>
      tpu.wait_indirect_dma semaphore(%arg33 : memref<!tpu.dma_semaphore, #tpu.memory_space<semaphore_mem>>) src(%arg15 : memref<64x64xf32, #tpu.memory_space<vmem>>) dst(%dma_wait3A_152 : memref<10240x64xf32, #tpu.memory_space<vmem_shared>>)
    }
    %scan3A_29 = arith.constant 10 : i32
    %barrier3A_30 = arith.constant 0 : index
    tpu.barrier barrier_id(%barrier3A_30)
    "tpu.region"() ({
      %run_scoped3A = tpu.sem_alloc : memref<!tpu.dma_semaphore, #tpu.memory_space<semaphore_mem>>
      %dma_start3A = arith.constant 0 : i32
      %dma_start3A_31 = arith.constant 0 : i32
      %dma_start3A_32 = tpu.memref_slice %arg5[%arg0, %dma_start3A, %dma_start3A_31] : memref<2x10240x64xf32, #tpu.memory_space<hbm>> -> memref<1x10240x64xf32, #tpu.memory_space<hbm>>
      %dma_start3A_33 = tpu.memref_squeeze %dma_start3A_32 : memref<1x10240x64xf32, #tpu.memory_space<hbm>> -> memref<10240x64xf32, #tpu.memory_space<hbm>>
      %dma_start3A_34 = arith.constant 0 : i32
      %dma_start3A_35 = tpu.memref_slice %dma_start3A_33[%mul3A_5, %dma_start3A_34] : memref<10240x64xf32, #tpu.memory_space<hbm>> -> memref<640x64xf32, #tpu.memory_space<hbm>>
      %dma_start3A_36 = arith.constant 0 : i32
      %dma_start3A_37 = tpu.memref_slice %arg17[%mul3A_5, %dma_start3A_36] : memref<10240x64xf32, #tpu.memory_space<vmem_shared>> -> memref<640x64xf32, #tpu.memory_space<vmem_shared>>
      tpu.enqueue_dma source(%dma_start3A_37 : memref<640x64xf32, #tpu.memory_space<vmem_shared>>) target(%dma_start3A_35 : memref<640x64xf32, #tpu.memory_space<hbm>>) target_semaphore(%run_scoped3A : memref<!tpu.dma_semaphore, #tpu.memory_space<semaphore_mem>>)
      %dma_wait3A = arith.constant 0 : i32
      %dma_wait3A_38 = arith.constant 0 : i32
      %dma_wait3A_39 = tpu.memref_slice %arg5[%arg0, %dma_wait3A, %dma_wait3A_38] : memref<2x10240x64xf32, #tpu.memory_space<hbm>> -> memref<1x10240x64xf32, #tpu.memory_space<hbm>>
      %dma_wait3A_40 = tpu.memref_squeeze %dma_wait3A_39 : memref<1x10240x64xf32, #tpu.memory_space<hbm>> -> memref<10240x64xf32, #tpu.memory_space<hbm>>
      %dma_wait3A_41 = arith.constant 0 : i32
      %dma_wait3A_42 = tpu.memref_slice %dma_wait3A_40[%mul3A_5, %dma_wait3A_41] : memref<10240x64xf32, #tpu.memory_space<hbm>> -> memref<640x64xf32, #tpu.memory_space<hbm>>
      %dma_wait3A_43 = arith.constant 0 : i32
      %dma_wait3A_44 = tpu.memref_slice %arg17[%mul3A_5, %dma_wait3A_43] : memref<10240x64xf32, #tpu.memory_space<vmem_shared>> -> memref<640x64xf32, #tpu.memory_space<vmem_shared>>
      tpu.wait_dma2 semaphore(%run_scoped3A : memref<!tpu.dma_semaphore, #tpu.memory_space<semaphore_mem>>) src(%dma_wait3A_44 : memref<640x64xf32, #tpu.memory_space<vmem_shared>>) dst(%dma_wait3A_42 : memref<640x64xf32, #tpu.memory_space<hbm>>)
      tpu.yield
    }) : () -> ()
    return
  }
}

module attributes {stable_mosaic.version = 14 : i64} {
  func.func @_scales_body(%arg0: memref<2x32x10240xf32, #tpu.memory_space<vmem>>, %arg1: memref<2x10240xf32, #tpu.memory_space<vmem>>) attributes {dimension_semantics = [], scalar_prefetch = 0 : i64, scratch_operands = 0 : i64, tpu.core_type = #tpu.core_type<tc>} {
    %get3A = arith.constant 0 : index
    %get3A_0 = arith.constant 0 : index
    %get3A_1 = arith.constant 0 : index
    %get3A_2 = vector.load %arg0[%get3A, %get3A_0, %get3A_1] : memref<2x32x10240xf32, #tpu.memory_space<vmem>>, vector<2x32x10240xf32>
    %reduce_sum3A = arith.constant dense<0.000000e+00> : vector<2x10240xf32>
    %reduce_sum3A_3 = vector.multi_reduction <add>, %get3A_2, %reduce_sum3A [1] : vector<2x32x10240xf32> to vector<2x10240xf32>
    %max3A = arith.constant 1.000000e+00 : f32
    %max3A_4 = vector.broadcast %max3A : f32 to vector<2x10240xf32>
    %max3A_5 = arith.maximumf %reduce_sum3A_3, %max3A_4 : vector<2x10240xf32>
    %rsqrt3A = math.rsqrt %max3A_5 : vector<2x10240xf32>
    %swap3A = arith.constant 0 : index
    %swap3A_6 = arith.constant 0 : index
    %swap3A_7 = vector.load %arg1[%swap3A, %swap3A_6] : memref<2x10240xf32, #tpu.memory_space<vmem>>, vector<2x10240xf32>
    tpu.vector_store %arg1[%swap3A, %swap3A_6], %rsqrt3A {strides = array<i32>} : memref<2x10240xf32, #tpu.memory_space<vmem>>, vector<2x10240xf32>,
    return
  }
}

module attributes {stable_mosaic.version = 14 : i64} {
  func.func @_prep_body(%arg0: i32, %arg1: memref<1024x128xf32, #tpu.memory_space<vmem>>, %arg2: memref<128x128xf32, #tpu.memory_space<vmem>>, %arg3: memref<1024x1xf32, #tpu.memory_space<vmem>>, %arg4: memref<2x1024x64xf32, #tpu.memory_space<vmem>>) attributes {dimension_semantics = [#tpu.dimension_semantics<arbitrary>], iteration_bounds = array<i64: 10>, scalar_prefetch = 0 : i64, scratch_operands = 0 : i64, tpu.core_type = #tpu.core_type<tc>, window_params = [{transform_indices = @transform_0, window_bounds = array<i64: 1024, 128>}, {pipeline_mode = #tpu.pipeline_mode<synchronous>, transform_indices = @transform_1, window_bounds = array<i64: 128, 128>}, {transform_indices = @transform_2, window_bounds = array<i64: 1024, 1>}, {transform_indices = @transform_3, window_bounds = array<i64: 2, 1024, 64>}]} {
    %get3A = arith.constant 0 : index
    %get3A_0 = arith.constant 0 : index
    %get3A_1 = vector.load %arg1[%get3A, %get3A_0] : memref<1024x128xf32, #tpu.memory_space<vmem>>, vector<1024x128xf32>
    %get3A_2 = arith.constant 0 : index
    %get3A_3 = arith.constant 0 : index
    %get3A_4 = vector.load %arg2[%get3A_2, %get3A_3] : memref<128x128xf32, #tpu.memory_space<vmem>>, vector<128x128xf32>
    %dot_general3A = arith.constant dense<0.000000e+00> : vector<1024x128xf32>
    %dot_general3A_5 = tpu.matmul %get3A_1, %get3A_4, %dot_general3A {dimension_numbers = #tpu.dot_dimension_numbers<[1], [0], [0], [1], [0, 0, 1, 1], [], []>, transpose_lhs_hint = false} : vector<1024x128xf32>, vector<128x128xf32>, vector<1024x128xf32> -> vector<1024x128xf32>
    %get3A_6 = arith.constant 0 : index
    %get3A_7 = arith.constant 0 : index
    %get3A_8 = vector.load %arg3[%get3A_6, %get3A_7] : memref<1024x1xf32, #tpu.memory_space<vmem>>, vector<1024x1xf32>
    %mul3A = vector.broadcast %get3A_8 : vector<1024x1xf32> to vector<1024x128xf32>
    %mul3A_9 = arith.mulf %dot_general3A_5, %mul3A : vector<1024x128xf32>
    %slice3A = vector.extract_strided_slice %mul3A_9 {offsets = [0, 0], sizes = [1024, 64], strides = [1, 1]} : vector<1024x128xf32> to vector<1024x64xf32>
    %swap3A = arith.constant 0 : index
    %swap3A_10 = arith.constant 0 : index
    %swap3A_11 = arith.constant 0 : index
    %swap3A_12 = vector.load %arg4[%swap3A, %swap3A_10, %swap3A_11] : memref<2x1024x64xf32, #tpu.memory_space<vmem>>, vector<1x1024x64xf32>
    %swap3A_13 = vector.shape_cast %swap3A_12 : vector<1x1024x64xf32> to vector<1024x64xf32>
    %swap3A_14 = vector.shape_cast %slice3A : vector<1024x64xf32> to vector<1x1024x64xf32>
    tpu.vector_store %arg4[%swap3A, %swap3A_10, %swap3A_11], %swap3A_14 {strides = array<i32>} : memref<2x1024x64xf32, #tpu.memory_space<vmem>>, vector<1x1024x64xf32>,
    %slice3A_15 = vector.extract_strided_slice %mul3A_9 {offsets = [0, 64], sizes = [1024, 64], strides = [1, 1]} : vector<1024x128xf32> to vector<1024x64xf32>
    %swap3A_16 = arith.constant 1 : index
    %swap3A_17 = arith.constant 0 : index
    %swap3A_18 = arith.constant 0 : index
    %swap3A_19 = vector.load %arg4[%swap3A_16, %swap3A_17, %swap3A_18] : memref<2x1024x64xf32, #tpu.memory_space<vmem>>, vector<1x1024x64xf32>
    %swap3A_20 = vector.shape_cast %swap3A_19 : vector<1x1024x64xf32> to vector<1024x64xf32>
    %swap3A_21 = vector.shape_cast %slice3A_15 : vector<1024x64xf32> to vector<1x1024x64xf32>
    tpu.vector_store %arg4[%swap3A_16, %swap3A_17, %swap3A_18], %swap3A_21 {strides = array<i32>} : memref<2x1024x64xf32, #tpu.memory_space<vmem>>, vector<1x1024x64xf32>,
    return
  }
  func.func @transform_0(%arg0: i32) -> (i32, i32) {
    %c0_i32 = arith.constant 0 : i32
    %c0_i32_0 = arith.constant 0 : i32
    return %arg0, %c0_i32 : i32, i32
  }
  func.func @transform_1(%arg0: i32) -> (i32, i32) {
    %c0_i32 = arith.constant 0 : i32
    %c0_i32_0 = arith.constant 0 : i32
    %c0_i32_1 = arith.constant 0 : i32
    return %c0_i32, %c0_i32_0 : i32, i32
  }
  func.func @transform_2(%arg0: i32) -> (i32, i32) {
    %c0_i32 = arith.constant 0 : i32
    %c0_i32_0 = arith.constant 0 : i32
    return %arg0, %c0_i32 : i32, i32
  }
  func.func @transform_3(%arg0: i32) -> (i32, i32, i32) {
    %c0_i32 = arith.constant 0 : i32
    %c0_i32_0 = arith.constant 0 : i32
    %c0_i32_1 = arith.constant 0 : i32
    return %c0_i32, %arg0, %c0_i32_0 : i32, i32, i32
  }
}

module attributes {stable_mosaic.version = 14 : i64} {
  func.func @_mid_body(%arg0: i32, %arg1: memref<2x1024x64xf32, #tpu.memory_space<vmem>>, %arg2: memref<1024x1xf32, #tpu.memory_space<vmem>>, %arg3: memref<1024x1xf32, #tpu.memory_space<vmem>>, %arg4: memref<1x128xf32, #tpu.memory_space<vmem>>, %arg5: memref<128x128xf32, #tpu.memory_space<vmem>>, %arg6: memref<2x1024x64xf32, #tpu.memory_space<vmem>>) attributes {dimension_semantics = [#tpu.dimension_semantics<arbitrary>], iteration_bounds = array<i64: 10>, scalar_prefetch = 0 : i64, scratch_operands = 0 : i64, tpu.core_type = #tpu.core_type<tc>, window_params = [{transform_indices = @transform_0, window_bounds = array<i64: 2, 1024, 64>}, {transform_indices = @transform_1, window_bounds = array<i64: 1024, 1>}, {transform_indices = @transform_2, window_bounds = array<i64: 1024, 1>}, {pipeline_mode = #tpu.pipeline_mode<synchronous>, transform_indices = @transform_3, window_bounds = array<i64: 1, 128>}, {pipeline_mode = #tpu.pipeline_mode<synchronous>, transform_indices = @transform_4, window_bounds = array<i64: 128, 128>}, {transform_indices = @transform_5, window_bounds = array<i64: 2, 1024, 64>}]} {
    %get3A = arith.constant 0 : index
    %get3A_0 = arith.constant 0 : index
    %get3A_1 = arith.constant 0 : index
    %get3A_2 = vector.load %arg1[%get3A, %get3A_0, %get3A_1] : memref<2x1024x64xf32, #tpu.memory_space<vmem>>, vector<1x1024x64xf32>
    %get3A_3 = vector.shape_cast %get3A_2 : vector<1x1024x64xf32> to vector<1024x64xf32>
    %get3A_4 = arith.constant 1 : index
    %get3A_5 = arith.constant 0 : index
    %get3A_6 = arith.constant 0 : index
    %get3A_7 = vector.load %arg1[%get3A_4, %get3A_5, %get3A_6] : memref<2x1024x64xf32, #tpu.memory_space<vmem>>, vector<1x1024x64xf32>
    %get3A_8 = vector.shape_cast %get3A_7 : vector<1x1024x64xf32> to vector<1024x64xf32>
    %concatenate3A = tpu.concatenate %get3A_3, %get3A_8 in 1 : vector<1024x64xf32>, vector<1024x64xf32> -> vector<1024x128xf32>
    %get3A_9 = arith.constant 0 : index
    %get3A_10 = arith.constant 0 : index
    %get3A_11 = vector.load %arg2[%get3A_9, %get3A_10] : memref<1024x1xf32, #tpu.memory_space<vmem>>, vector<1024x1xf32>
    %mul3A = vector.broadcast %get3A_11 : vector<1024x1xf32> to vector<1024x128xf32>
    %mul3A_12 = arith.mulf %concatenate3A, %mul3A : vector<1024x128xf32>
    %get3A_13 = arith.constant 0 : index
    %get3A_14 = arith.constant 0 : index
    %get3A_15 = vector.load %arg4[%get3A_13, %get3A_14] : memref<1x128xf32, #tpu.memory_space<vmem>>, vector<1x128xf32>
    %add3A = vector.broadcast %get3A_15 : vector<1x128xf32> to vector<1024x128xf32>
    %add3A_16 = arith.addf %mul3A_12, %add3A : vector<1024x128xf32>
    %max3A = arith.constant 0.000000e+00 : f32
    %max3A_17 = vector.broadcast %max3A : f32 to vector<1024x128xf32>
    %max3A_18 = arith.maximumf %add3A_16, %max3A_17 : vector<1024x128xf32>
    %get3A_19 = arith.constant 0 : index
    %get3A_20 = arith.constant 0 : index
    %get3A_21 = vector.load %arg3[%get3A_19, %get3A_20] : memref<1024x1xf32, #tpu.memory_space<vmem>>, vector<1024x1xf32>
    %mul3A_22 = vector.broadcast %get3A_21 : vector<1024x1xf32> to vector<1024x128xf32>
    %mul3A_23 = arith.mulf %max3A_18, %mul3A_22 : vector<1024x128xf32>
    %mul3A_24 = arith.constant 1024 : i32
    %mul3A_25 = arith.muli %arg0, %mul3A_24 : i32
    %iota3A = tpu.iota {dimensions = array<i32: 0>} : vector<1024x1xi32>
    %add3A_26 = vector.broadcast %mul3A_25 : i32 to vector<1024x1xi32>
    %add3A_27 = arith.addi %add3A_26, %iota3A : vector<1024x1xi32>
    %lt3A = arith.constant 10000 : i32
    %lt3A_28 = vector.broadcast %lt3A : i32 to vector<1024x1xi32>
    %lt3A_29 = arith.cmpi slt, %add3A_27, %lt3A_28 : vector<1024x1xi32>
    %jit3A = arith.constant 0.000000e+00 : f32
    %broadcast_in_dim3A = vector.shape_cast %lt3A_29 : vector<1024x1xi1> to vector<1024x1xi1>
    %broadcast_in_dim3A_30 = vector.broadcast %broadcast_in_dim3A : vector<1024x1xi1> to vector<1024x128xi1>
    %broadcast_in_dim3A_31 = vector.broadcast %jit3A : f32 to vector<1024x128xf32>
    %select_n3A = arith.select %broadcast_in_dim3A_30, %mul3A_23, %broadcast_in_dim3A_31 : vector<1024x128xi1>, vector<1024x128xf32>
    %get3A_32 = arith.constant 0 : index
    %get3A_33 = arith.constant 0 : index
    %get3A_34 = vector.load %arg5[%get3A_32, %get3A_33] : memref<128x128xf32, #tpu.memory_space<vmem>>, vector<128x128xf32>
    %dot_general3A = arith.constant dense<0.000000e+00> : vector<1024x128xf32>
    %dot_general3A_35 = tpu.matmul %select_n3A, %get3A_34, %dot_general3A {dimension_numbers = #tpu.dot_dimension_numbers<[1], [0], [0], [1], [0, 0, 1, 1], [], []>, transpose_lhs_hint = false} : vector<1024x128xf32>, vector<128x128xf32>, vector<1024x128xf32> -> vector<1024x128xf32>
    %slice3A = vector.extract_strided_slice %dot_general3A_35 {offsets = [0, 0], sizes = [1024, 64], strides = [1, 1]} : vector<1024x128xf32> to vector<1024x64xf32>
    %swap3A = arith.constant 0 : index
    %swap3A_36 = arith.constant 0 : index
    %swap3A_37 = arith.constant 0 : index
    %swap3A_38 = vector.load %arg6[%swap3A, %swap3A_36, %swap3A_37] : memref<2x1024x64xf32, #tpu.memory_space<vmem>>, vector<1x1024x64xf32>
    %swap3A_39 = vector.shape_cast %swap3A_38 : vector<1x1024x64xf32> to vector<1024x64xf32>
    %swap3A_40 = vector.shape_cast %slice3A : vector<1024x64xf32> to vector<1x1024x64xf32>
    tpu.vector_store %arg6[%swap3A, %swap3A_36, %swap3A_37], %swap3A_40 {strides = array<i32>} : memref<2x1024x64xf32, #tpu.memory_space<vmem>>, vector<1x1024x64xf32>,
    %slice3A_41 = vector.extract_strided_slice %dot_general3A_35 {offsets = [0, 64], sizes = [1024, 64], strides = [1, 1]} : vector<1024x128xf32> to vector<1024x64xf32>
    %swap3A_42 = arith.constant 1 : index
    %swap3A_43 = arith.constant 0 : index
    %swap3A_44 = arith.constant 0 : index
    %swap3A_45 = vector.load %arg6[%swap3A_42, %swap3A_43, %swap3A_44] : memref<2x1024x64xf32, #tpu.memory_space<vmem>>, vector<1x1024x64xf32>
    %swap3A_46 = vector.shape_cast %swap3A_45 : vector<1x1024x64xf32> to vector<1024x64xf32>
    %swap3A_47 = vector.shape_cast %slice3A_41 : vector<1024x64xf32> to vector<1x1024x64xf32>
    tpu.vector_store %arg6[%swap3A_42, %swap3A_43, %swap3A_44], %swap3A_47 {strides = array<i32>} : memref<2x1024x64xf32, #tpu.memory_space<vmem>>, vector<1x1024x64xf32>,
    return
  }
  func.func @transform_0(%arg0: i32) -> (i32, i32, i32) {
    %c0_i32 = arith.constant 0 : i32
    %c0_i32_0 = arith.constant 0 : i32
    %c0_i32_1 = arith.constant 0 : i32
    return %c0_i32, %arg0, %c0_i32_0 : i32, i32, i32
  }
  func.func @transform_1(%arg0: i32) -> (i32, i32) {
    %c0_i32 = arith.constant 0 : i32
    %c0_i32_0 = arith.constant 0 : i32
    return %arg0, %c0_i32 : i32, i32
  }
  func.func @transform_2(%arg0: i32) -> (i32, i32) {
    %c0_i32 = arith.constant 0 : i32
    %c0_i32_0 = arith.constant 0 : i32
    return %arg0, %c0_i32 : i32, i32
  }
  func.func @transform_3(%arg0: i32) -> (i32, i32) {
    %c0_i32 = arith.constant 0 : i32
    %c0_i32_0 = arith.constant 0 : i32
    %c0_i32_1 = arith.constant 0 : i32
    return %c0_i32, %c0_i32_0 : i32, i32
  }
  func.func @transform_4(%arg0: i32) -> (i32, i32) {
    %c0_i32 = arith.constant 0 : i32
    %c0_i32_0 = arith.constant 0 : i32
    %c0_i32_1 = arith.constant 0 : i32
    return %c0_i32, %c0_i32_0 : i32, i32
  }
  func.func @transform_5(%arg0: i32) -> (i32, i32, i32) {
    %c0_i32 = arith.constant 0 : i32
    %c0_i32_0 = arith.constant 0 : i32
    %c0_i32_1 = arith.constant 0 : i32
    return %c0_i32, %arg0, %c0_i32_0 : i32, i32, i32
  }
}

module attributes {stable_mosaic.version = 14 : i64} {
  func.func @_final_body(%arg0: i32, %arg1: memref<2x1024x64xf32, #tpu.memory_space<vmem>>, %arg2: memref<1024x1xf32, #tpu.memory_space<vmem>>, %arg3: memref<1x128xf32, #tpu.memory_space<vmem>>, %arg4: memref<1024x128xf32, #tpu.memory_space<vmem>>) attributes {dimension_semantics = [#tpu.dimension_semantics<arbitrary>], iteration_bounds = array<i64: 10>, scalar_prefetch = 0 : i64, scratch_operands = 0 : i64, tpu.core_type = #tpu.core_type<tc>, window_params = [{transform_indices = @transform_0, window_bounds = array<i64: 2, 1024, 64>}, {transform_indices = @transform_1, window_bounds = array<i64: 1024, 1>}, {pipeline_mode = #tpu.pipeline_mode<synchronous>, transform_indices = @transform_2, window_bounds = array<i64: 1, 128>}, {transform_indices = @transform_3, window_bounds = array<i64: 1024, 128>}]} {
    %get3A = arith.constant 0 : index
    %get3A_0 = arith.constant 0 : index
    %get3A_1 = arith.constant 0 : index
    %get3A_2 = vector.load %arg1[%get3A, %get3A_0, %get3A_1] : memref<2x1024x64xf32, #tpu.memory_space<vmem>>, vector<1x1024x64xf32>
    %get3A_3 = vector.shape_cast %get3A_2 : vector<1x1024x64xf32> to vector<1024x64xf32>
    %get3A_4 = arith.constant 1 : index
    %get3A_5 = arith.constant 0 : index
    %get3A_6 = arith.constant 0 : index
    %get3A_7 = vector.load %arg1[%get3A_4, %get3A_5, %get3A_6] : memref<2x1024x64xf32, #tpu.memory_space<vmem>>, vector<1x1024x64xf32>
    %get3A_8 = vector.shape_cast %get3A_7 : vector<1x1024x64xf32> to vector<1024x64xf32>
    %concatenate3A = tpu.concatenate %get3A_3, %get3A_8 in 1 : vector<1024x64xf32>, vector<1024x64xf32> -> vector<1024x128xf32>
    %get3A_9 = arith.constant 0 : index
    %get3A_10 = arith.constant 0 : index
    %get3A_11 = vector.load %arg2[%get3A_9, %get3A_10] : memref<1024x1xf32, #tpu.memory_space<vmem>>, vector<1024x1xf32>
    %mul3A = vector.broadcast %get3A_11 : vector<1024x1xf32> to vector<1024x128xf32>
    %mul3A_12 = arith.mulf %concatenate3A, %mul3A : vector<1024x128xf32>
    %get3A_13 = arith.constant 0 : index
    %get3A_14 = arith.constant 0 : index
    %get3A_15 = vector.load %arg3[%get3A_13, %get3A_14] : memref<1x128xf32, #tpu.memory_space<vmem>>, vector<1x128xf32>
    %add3A = vector.broadcast %get3A_15 : vector<1x128xf32> to vector<1024x128xf32>
    %add3A_16 = arith.addf %mul3A_12, %add3A : vector<1024x128xf32>
    %swap3A = arith.constant 0 : index
    %swap3A_17 = arith.constant 0 : index
    %swap3A_18 = vector.load %arg4[%swap3A, %swap3A_17] : memref<1024x128xf32, #tpu.memory_space<vmem>>, vector<1024x128xf32>
    tpu.vector_store %arg4[%swap3A, %swap3A_17], %add3A_16 {strides = array<i32>} : memref<1024x128xf32, #tpu.memory_space<vmem>>, vector<1024x128xf32>,
    return
  }
  func.func @transform_0(%arg0: i32) -> (i32, i32, i32) {
    %c0_i32 = arith.constant 0 : i32
    %c0_i32_0 = arith.constant 0 : i32
    %c0_i32_1 = arith.constant 0 : i32
    return %c0_i32, %arg0, %c0_i32_0 : i32, i32, i32
  }
  func.func @transform_1(%arg0: i32) -> (i32, i32) {
    %c0_i32 = arith.constant 0 : i32
    %c0_i32_0 = arith.constant 0 : i32
    return %arg0, %c0_i32 : i32, i32
  }
  func.func @transform_2(%arg0: i32) -> (i32, i32) {
    %c0_i32 = arith.constant 0 : i32
    %c0_i32_0 = arith.constant 0 : i32
    %c0_i32_1 = arith.constant 0 : i32
    return %c0_i32, %c0_i32_0 : i32, i32
  }
  func.func @transform_3(%arg0: i32) -> (i32, i32) {
    %c0_i32 = arith.constant 0 : i32
    %c0_i32_0 = arith.constant 0 : i32
    return %arg0, %c0_i32 : i32, i32
  }
}

</mosaic_0001>

<sc_bundles>
// kernel: kernel.12.cloned.1.call-start
scs
__scs_entry_jumppad:
0x0: {  	(pc) =	sbr.rel $0x88, $3  }
0x1: {  	(tag) =	ssettag $0x0;
	lr =	simm.s32 $0x1  }
0x2: {  	[smem:$0x3F9B] =	sst lr;
	_ =	strace $0xD0000000  }
0x3: {  	_ = 	snop  }
0x4: {  	_ = 	snop  }
0x5: {  	_ = 	snop  }
0x6: {  	_ = 	snop  }
0x7: {  	_ = 	snop  }
__scs_overlays_trampoline_lowered:
0x8: {  	[smem:$0x3FAA] =	sst s0  }
0x9: {  	[smem:$0x3FAB] =	sst s1  }
0xa: {  	[smem:$0x3FAC] =	sst s2  }
0xb: {  	[smem:$0x3FAD] =	sst s3  }
0xc: {  	[smem:$0x3FAE] =	sst s4  }
0xd: {  	[smem:$0x3FAF] =	sst s5  }
0xe: {  	[smem:$0x3FB0] =	sst s6  }
0xf: {  	[smem:$0x3FB1] =	sst s7  }
0x10: {  	[smem:$0x3FB2] =	sst s8  }
0x11: {  	[smem:$0x3FB3] =	sst s9;
	s0 =	simm.s32 @!p0 $0x0  }
0x12: {  	s1 =	sld [smem:$0x3F99];
	s0 =	simm.s32 @p0 $0x1  }
0x13: {  	[smem:$0x3FB4] =	sst s0;
	s0 =	simm.s32 @!p1 $0x0  }
0x14: {  	s2 =	sld [smem:$0x3F98];
	s0 =	simm.s32 @p1 $0x1  }
0x15: {  	[smem:$0x3FB5] =	sst s0;
	s0 =	simm.s32 @!p2 $0x0  }
0x16: {  	s3 =	sld [smem:$0x3FDB];
	s0 =	simm.s32 @p2 $0x1  }
0x17: {  	s4 =	simm.s32 $0x1BF5;
	[smem:$0x3FB7] =	sst s0  }
0x18: {  	s0 =	sld [smem:$0x3F9A];
	_ =	swait.ge [sflag:s4], $0x0  }
0x19: {  	s7 =	sld [smem:$0x3F9B]  }
0x1a: {  	s8 =	sadd.s32 $0xFFFFE003, lr  }
0x1b: {  	s9 =	sadd.s32 $0xFFFFFEF7, lr;
	s5 =	simm.s32 $0xFFFFFFFF;
	p2 =	slt.u32 s8, $0xFFFFF086  }
0x1c: {  	p1 =	slt.u32 s9, $0xF7A;
	s5 =	simm.s32 @!p2 $0x0  }
0x1d: {  	s5 =	simm.s32 @p1 $0x1;
	p0 =	seq.s32 s7, s2  }
0x1e: {  	s7 =	smul.u32 @!p0 $0xF7A, s2;
	p2 =	seq.s32 @!p0 s5, $0x0  }
0x1f: {  	s9 =	smul.u32 $0xF7A, s1;
	s8 =	simm.s32 @!p0 $0x1BF5;
	p2 =	por !p2, p0  }
0x20: {  	[sflag:s8] =	ssyncset.s32 @!p0 $0xFFFFF086;
	s6 =	sadd.s32 @!p0 s3, s7;
	s7 =	simm.s32 @!p0 $0x108  }
0x21: {  	s3 =	sadd.s32 s3, s9;
	s6 =	sadd.s32 @!p0 $0x88, s6;
	s7 =	simm.s32 @p2 $0x1082  }
0x22: {  	[simem:s7], [sflag:s8] =	dma.local @!p0 [hbm:s6], $0xF7A  }
0x23: {  	s9 =	sor.u32 $0xD0000000, s2;
	s6 =	simm.s32 $0x108;
	_ =	swait.ge @!p0 [sflag:s8], $0x0  }
0x24: {  	s3 =	sadd.s32 $0x88, s3;
	s6 =	simm.s32 @!p1 $0x1082;
	[sflag:s4] =	ssyncset.s32 $0xFFFFF086  }
0x25: {  	[simem:s6], [sflag:s4] =	dma.local [hbm:s3], $0xF7A  }
0x26: {  	[smem:$0x3F9B] =	sst s1;
	(tag) =	ssettag s2;
	_ =	strace s9  }
0x27: {  	s1 =	sld [smem:$0x3FAB]  }
0x28: {  	s2 =	sld [smem:$0x3FAC]  }
0x29: {  	s4 =	sld [smem:$0x3FAE]  }
0x2a: {  	p0 =	seq.s32 s5, $0x0;
	s5 =	sld [smem:$0x3FAF]  }
0x2b: {  	s6 =	sld [smem:$0x3FB0]  }
0x2c: {  	s7 =	sld [smem:$0x3FB1]  }
0x2d: {  	s3 =	simm.s32 $0x108;
	s8 =	sld [smem:$0x3FB2]  }
0x2e: {  	s3 =	simm.s32 @!p0 $0x1082;
	s9 =	sld [smem:$0x3FB3]  }
0x2f: {  	lr =	sadd.s32 s0, s3;
	s0 =	sld [smem:$0x3FAA]  }
0x30: {  	s3 =	sld [smem:$0x3FAD]  }
0x31: {  	[smem:$0x3FB6] =	sst s10  }
0x32: {  	s10 =	sld [smem:$0x3FB4];
	_ =	sdelay $0x3  }
0x33: {  	p0 =	seq.s32 s10, $0x1;
	s10 =	sld [smem:$0x3FB6];
	_ =	sdelay $0x3  }
0x34: {  	[smem:$0x3FB6] =	sst s10  }
0x35: {  	s10 =	sld [smem:$0x3FB5];
	_ =	sdelay $0x3  }
0x36: {  	p1 =	seq.s32 s10, $0x1;
	s10 =	sld [smem:$0x3FB6];
	_ =	sdelay $0x3  }
0x37: {  	[smem:$0x3FB6] =	sst s10  }
0x38: {  	s10 =	sld [smem:$0x3FB7]  }
0x39: {  	_ = 	snop;
	(pc) =	sbr.ind lr, $3  }
0x3a: {  	_ = 	snop  }
0x3b: {  	_ = 	snop  }
0x3c: {  	p2 =	seq.s32 s10, $0x1;
	s10 =	sld [smem:$0x3FB6]  }
0x3d: {  	_ =	shalt  }
0x3e: {  	_ =	shalt  }
0x3f: {  	_ =	shalt  }
0x40: {  	_ =	shalt  }
0x41: {  	_ =	shalt  }
0x42: {  	_ =	shalt  }
0x43: {  	_ =	shalt  }
0x44: {  	_ =	shalt  }
0x45: {  	_ =	shalt  }
0x46: {  	_ =	shalt  }
0x47: {  	_ =	shalt  }
0x48: {  	_ =	shalt  }
0x49: {  	_ =	shalt  }
0x4a: {  	_ =	shalt  }
0x4b: {  	_ =	shalt  }
0x4c: {  	_ =	shalt  }
0x4d: {  	_ =	shalt  }
0x4e: {  	_ =	shalt  }
0x4f: {  	_ =	shalt  }
0x50: {  	_ =	shalt  }
0x51: {  	_ =	shalt  }
0x52: {  	_ =	shalt  }
0x53: {  	_ =	shalt  }
0x54: {  	_ =	shalt  }
0x55: {  	_ =	shalt  }
0x56: {  	_ =	shalt  }
0x57: {  	_ =	shalt  }
0x58: {  	_ =	shalt  }
0x59: {  	_ =	shalt  }
0x5a: {  	_ =	shalt  }
0x5b: {  	_ =	shalt  }
0x5c: {  	_ =	shalt  }
0x5d: {  	_ =	shalt  }
0x5e: {  	_ =	shalt  }
0x5f: {  	_ =	shalt  }
0x60: {  	_ =	shalt  }
0x61: {  	_ =	shalt  }
0x62: {  	_ =	shalt  }
0x63: {  	_ =	shalt  }
0x64: {  	_ =	shalt  }
0x65: {  	_ =	shalt  }
0x66: {  	_ =	shalt  }
0x67: {  	_ =	shalt  }
0x68: {  	_ =	shalt  }
0x69: {  	_ =	shalt  }
0x6a: {  	_ =	shalt  }
0x6b: {  	_ =	shalt  }
0x6c: {  	_ =	shalt  }
0x6d: {  	_ =	shalt  }
0x6e: {  	_ =	shalt  }
0x6f: {  	_ =	shalt  }
0x70: {  	_ =	shalt  }
0x71: {  	_ =	shalt  }
0x72: {  	_ =	shalt  }
0x73: {  	_ =	shalt  }
0x74: {  	_ =	shalt  }
0x75: {  	_ =	shalt  }
0x76: {  	_ =	shalt  }
0x77: {  	_ =	shalt  }
0x78: {  	_ =	shalt  }
0x79: {  	_ =	shalt  }
0x7a: {  	_ =	shalt  }
0x7b: {  	_ =	shalt  }
0x7c: {  	_ =	shalt  }
0x7d: {  	_ =	shalt  }
0x7e: {  	_ =	shalt  }
0x7f: {  	_ =	shalt  }
0x80: {  	_ =	shalt  }
0x81: {  	_ =	shalt  }
0x82: {  	_ =	shalt  }
0x83: {  	_ =	shalt  }
0x84: {  	_ =	shalt  }
0x85: {  	_ =	shalt  }
0x86: {  	_ =	shalt  }
0x87: {  	_ =	shalt  }
.Lfunc_end0:
.L_simem_size_0:
called_computation.1_lowered:
.L_overlay_start_0:
0x88: {  	s2 =	sld [smem:$0x3FD9]  }
0x89: {  	s3 =	sld [smem:$0x3FFE];
	_ =	sdelay $0x1  }
0x8a: {  	s1 =	srdreg.scid  }
0x8b: {  	s0 =	sand.u32 $0x1, s1  }
0x8c: {  	s16 =	sshll.u32 s0, $0xA;
	s2 =	sadd.s32 s3, s2  }
0x8d: {  	s2 =	sadd.s32 s2, s16  }
0x8e: {  	[smem:$0x3FC2] =	sst s2  }
0x8f: {  	_ = 	snop  }
0x90: {  	(tm) =	ssettm $0x1  }
0x91: {  	s17 =	sld [smem:$0x3FFB];
	_ =	sdelay $0x3  }
0x92: {  	_ =	strace s17  }
0x93: {  	s2 =	sld [smem:$0x3FFC];
	_ =	sdelay $0x3  }
0x94: {  	_ =	strace s2  }
0x95: {  	s2 =	sld [smem:$0x3FFD];
	_ =	sdelay $0x3  }
0x96: {  	_ =	strace s2  }
0x97: {  	_ =	strace $0x8FFFFFFF  }
0x98: {  	s18 =	sld [smem:$0x3FDB];
	_ =	sdelay $0x1  }
0x99: {  	s19 =	simm.s32 $_scs_section_size  }
0x9a: {  	s4 =	simm.s32 $_size__tile_overlayer_lowered;
	s5 =	simm.s32 $_tile_overlayer_lowered  }
0x9b: {  	s22 =	simm.s32 $0x1BFF;
	s21 =	sshll.u32 s5, $0x1;
	s2 =	sadd.s32 s19, s18  }
0x9c: {  	s6 =	simm.s32 $0x0;
	s20 =	sshll.u32 s4, $0x1;
	s4 =	sadd.s32 s21, s2  }
0x9d: {  	[timem:s6], [sflag:s22] =	dma.local [hbm:s4], s20  }
0x9e: {  	_ =	swait.ge [sflag:s22], s20  }
0x9f: {  	s3 =	ssub.s32 $0x0, s20;
	[sflag:s22] =	ssyncset.done $0x0  }
0xa0: {  	[sflag:s22] =	ssyncadd.s32 s3;
	_ =	sdelay $0x1  }
0xa1: {  	s23 =	simm.s32 $0x1B8B  }
0xa2: {  	_ =	swait.ge [sflag:s23], $0x1  }
0xa3: {  	[sflag:s23] =	ssyncset.done $0x0  }
0xa4: {  	s25 =	simm.s32 $0x1B8E;
	s24 =	sld [smem:$0x3FFE];
	[sflag:s23] =	ssyncadd.s32 $0xFFFFFFFF  }
0xa5: {  	s26 =	simm.s32 $execute0_lowered;
	[smem:$0x3FD2] =	sst s25  }
0xa6: {  	s4 =	sshll.u32 s26, $0x1;
	_ =	strace $0x80000049;
	[dreg:$0x1] =	wrdreg $0xFFFFFFFF  }
0xa7: {  	s28 =	simm.s32 $_size_execute0_lowered;
	s2 =	sadd.s32 s2, s4;
	[dreg:$0x0] =	wrdreg $0x0  }
0xa8: {  	s4 =	sshll.u32 s28, $0x1;
	[dreg:$0x2] =	wrdreg s2  }
0xa9: {  	[dreg:$0x3] =	wrdreg s4  }
0xaa: {  	[dreg:$0x4] =	wrdreg $0xC0  }
0xab: {  	_ =	task [dreg:s6], $0x5FFFF  }
0xac: {  	[dreg:$0x1] =	wrdreg $0xFFFFFFFF  }
0xad: {  	[dreg:$0x0] =	wrdreg $0x60  }
0xae: {  	[dreg:$0x2] =	wrdreg s24  }
0xaf: {  	[dreg:$0x3] =	wrdreg $0x90000  }
0xb0: {  	[dreg:$0x4] =	wrdreg $0x130000  }
0xb1: {  	[dreg:$0x5] =	wrdreg $0x9  }
0xb2: {  	_ =	task.clear_ibuf [dreg:s6], $0x6FFFF;
	_ =	strace $0x90000049  }
0xb3: {  	s29 =	simm.s32 $0x9;
	_ =	strace $0x8000004B  }
0xb4: {  	_ =	swait.ge [sflag:s29], $0x1  }
0xb5: {  	[sflag:s29] =	ssyncadd.s32 $0xFFFFFFFF  }
0xb6: {  	_ =	strace $0x9000004B  }
0xb7: {  	_ =	sfence  }
0xb8: {  	s30 =	sld [smem:$0x0];
	_ =	sdelay $0x2  }
0xb9: {  	s31 =	sshll.u32 s1, $0xD;
	s1 =	sshrl.u32 s1, $0x2  }
0xba: {  	s3 =	sand.u32 $0x4000, s31;
	s1 =	sadd.s32 s1, s30  }
0xbb: {  	s0 =	sor.u32 s3, s0;
	s1 =	sshll.u32 s1, $0x11  }
0xbc: {  	s0 =	sor.u32 s1, s0  }
0xbd: {  	s0 =	sadd.s32 $0x8F2B, s0  }
0xbe: {  	[sflag:s0] =	ssyncadd.remote.s32 $0x1  }
0xbf: {  	_ =	sfence.sel $0xFFFF  }
0xc0: {  	[dreg:$0x0] =	wrdreg $0xFFFFFFFF;
	(pc) =	sbr.abs _section_cstart, $3  }
0xc1: {  	[dreg:$0x1] =	wrdreg $0xFFFFFFFF  }
0xc2: {  	_ =	task.clear_ibuf [dreg:s6], $0x2FFFF;
	_ =	strace $0x9FFFFFFF  }
0xc3: {  	(tm) =	ssettm $0x7FFFFFFF  }
tec
execute0_lowered:
.L_overlay_start_1:
0x0: {  	(tag) =	ssettag $0x1  }
0x1: {  	s0 =	rddreg [dreg:$0x0]  }
0x2: {  	s2 =	rddreg [dreg:$0x1]  }
0x3: {  	s3 =	rddreg [dreg:$0x2]  }
0x4: {  	s11 =	simm.s32 $0x0;
	s10 =	stileid.u32;
	s1 =	srdreg.scid  }
0x5: {  	s29 =	simm.s32 $0x3000;
	s31 =	simm.s32 $0x4000;
	s12 =	simm.s32 $0x8000  }
0x6: {  	s28 =	simm.s32 $0xC;
	s30 =	simm.s32 $0xD;
	s4 =	smul.u32 $0xA00, s10  }
0x7: {  	[smem:$0x7FF] =	sst s11;
	s1 =	sand.u32 $0x1, s1;
	s6 =	smul.u32 $0xA000, s10  }
0x8: {  	s7 =	smul.u32 $0x28000, s10;
	s10 =	sshll.u32 s10, $0x6;
	_ =	strace $0x8000004A  }
0x9: {  	s5 =	smul.u32 $0x14000, s1;
	s1 =	ssub.s32 $0x2, s1;
	s21 =	sor.u32 $0x1C11, s10  }
0xa: {  	s10 =	simm.s32 $0x7000;
	s4 =	sadd.s32 s4, s0;
	s13 =	sshrl.u32 s1, $0x1  }
0xb: {  	s14 =	sadd.s32 s6, s2;
	s8 =	sshrl.u32 s6, $0x3;
	s7 =	sshrl.u32 s7, $0x2  }
0xc: {  	s6 =	sadd.s32 s6, s3;
	[dreg:$0x6] =	wrdreg s21;
	s0 =	sadd.s32 s5, s0  }
0xd: {  	s1 =	ssub.s32 s1, s13;
	[dreg:$0x7] =	wrdreg s6;
	s25 =	sadd.s32 $0xB600, s4  }
0xe: {  	s7 =	sadd.s32 s7, s3;
	s4 =	sadd.s32 $0x1600, s4;
	[dreg:$0x11] =	wrdreg s25  }
0xf: {  	s26 =	sshrl.u32 s14, $0x3;
	s13 =	simm.s32 $0x1;
	[dreg:$0x12] =	wrdreg s4  }
0x10: {  	s14 =	simm.s32 $0x2;
	s15 =	sadd.s32 $0x1000, s7;
	[dreg:$0x14] =	wrdreg s26  }
0x11: {  	s6 =	simm.s32 $0x8;
	s16 =	sadd.s32 $0x2000, s7;
	[dreg:$0x8] =	wrdreg s15  }
0x12: {  	s5 =	simm.s32 $0xF;
	s17 =	sadd.s32 $0x3000, s7;
	[dreg:$0x9] =	wrdreg s16  }
0x13: {  	s9 =	sadd.s32 s8, s0;
	s18 =	sadd.s32 $0x4000, s7;
	[dreg:$0xa] =	wrdreg s17  }
0x14: {  	s19 =	sadd.s32 $0x5000, s7;
	s20 =	sadd.s32 $0x6000, s7;
	[dreg:$0xb] =	wrdreg s18  }
0x15: {  	s22 =	sadd.s32 $0x7000, s7;
	s23 =	sadd.s32 $0x8000, s7;
	[dreg:$0xc] =	wrdreg s19  }
0x16: {  	s24 =	sadd.s32 $0x9000, s7;
	s0 =	sadd.s32 $0x3D600, s0;
	[dreg:$0xd] =	wrdreg s20  }
0x17: {  	s1 =	smax.u32 s1, $0x1;
	s25 =	simm.s32 $0x40;
	[dreg:$0xe] =	wrdreg s22  }
0x18: {  	s26 =	simm.s32 $0x2000;
	s7 =	simm.s32 $0x9;
	[dreg:$0xf] =	wrdreg s23  }
0x19: {  	s4 =	simm.s32 $0xA;
	s9 =	sadd.s32 $0x15600, s9;
	[dreg:$0x10] =	wrdreg s24  }
0x1a: {  	[dreg:$0x13] =	wrdreg s1;
	s22 =	simm.s32 $0x1000;
	s0 =	sadd.s32 s8, s0  }
0x1b: {  	s1 =	simm.s32 $0x5000;
	s8 =	simm.s32 $0x6000;
	s15 =	simm.s32 $0x3  }
0x1c: {  	s16 =	simm.s32 $0x4;
	s19 =	simm.s32 $0x5;
	s20 =	simm.s32 $0x6  }
0x1d: {  	s24 =	simm.s32 $0x7;
	s23 =	simm.s32 $0xB;
	[dreg:$0x5] =	wrdreg s9  }
0x1e: {  	v0 =	vimm.f32 $0.0e+00;
	[dreg:$0x15] =	wrdreg s0;
	s0 =	simm.s32 $0xE;
	s9 =	simm.s32 $0x10  }
.LBB2_1:
0x1f: {  	[dreg:$0x4] =	wrdreg s11;
	s17 =	simm.s32 $0x100;
	s11 =	simm.s32 $0x0  }
.LBB2_2:
0x20: {  	p0 =	sne.s32 s17, $0x3F00;
	[tilespmem:s11+$0x1030] =	vst v0;
	s18 =	smov.u32 s17;
	s17 =	sadd.s32 $0x100, s17  }
.Ltmp0:
0x21: {  	[tilespmem:s11+$0x1020] =	vst v0;
	(pc) =	sbr.rel @p0 .LBB2_2-.Ltmp0, $3  }
0x22: {  	[tilespmem:s11+$0x1000] =	vst v0  }
0x23: {  	[tilespmem:s11+$0x1010] =	vst v0;
	_ =	sdelay $0x1  }
0x24: {  	s11 =	sshra.s32 s18, $0x2  }
0x25: {  	[tilespmem:s11+$0x1030] =	vst v0  }
0x26: {  	[tilespmem:s11+$0x1020] =	vst v0  }
0x27: {  	[tilespmem:s11+$0x1000] =	vst v0;
	s18 =	rddreg [dreg:$0x5]  }
0x28: {  	[tilespmem:s11+$0x1010] =	vst v0;
	s17 =	rddreg [dreg:$0x14]  }
0x29: {  	[spmem:s17], [sflag:s21] =	dma.local [hbm:s18], $0x1400  }
0x2a: {  	s17 =	simm.s32 $0x11  }
0x2b: {  	_ =	swait.ge [sflag:s17], $0x1400  }
0x2c: {  	[sflag:s17] =	ssyncset.done $0x0  }
0x2d: {  	s18 =	rddreg [dreg:$0x7];
	[sflag:s17] =	ssyncadd.s32 $0xFFFFEC00  }
0x2e: {  	[spmem:s18] =	stream.linear.scatter [tilespmem:s22], [sflag:$0x11], $0x1000, $0x38;
	[tilespmem:$0x1D000] =	vst v63  }
0x2f: {  	_ =	swait.ge [sflag:s17], $0x1000  }
0x30: {  	[sflag:s17] =	ssyncset.done $0x0  }
0x31: {  	s21 =	rddreg [dreg:$0x8];
	[sflag:s17] =	ssyncadd.s32 $0xFFFFF000  }
0x32: {  	[spmem:s21] =	stream.linear.scatter [tilespmem:s22], [sflag:$0x11], $0x1000, $0x38;
	[tilespmem:$0x1D000] =	vst v63  }
0x33: {  	_ =	swait.ge [sflag:s17], $0x1000  }
0x34: {  	[sflag:s17] =	ssyncset.done $0x0  }
0x35: {  	s18 =	rddreg [dreg:$0x9];
	[sflag:s17] =	ssyncadd.s32 $0xFFFFF000  }
0x36: {  	[spmem:s18] =	stream.linear.scatter [tilespmem:s22], [sflag:$0x11], $0x1000, $0x38;
	[tilespmem:$0x1D000] =	vst v63  }
0x37: {  	_ =	swait.ge [sflag:s17], $0x1000  }
0x38: {  	[sflag:s17] =	ssyncset.done $0x0  }
0x39: {  	s21 =	rddreg [dreg:$0xa];
	[sflag:s17] =	ssyncadd.s32 $0xFFFFF000  }
0x3a: {  	[spmem:s21] =	stream.linear.scatter [tilespmem:s22], [sflag:$0x11], $0x1000, $0x38;
	[tilespmem:$0x1D000] =	vst v63  }
0x3b: {  	_ =	swait.ge [sflag:s17], $0x1000  }
0x3c: {  	[sflag:s17] =	ssyncset.done $0x0  }
0x3d: {  	s18 =	rddreg [dreg:$0xb];
	[sflag:s17] =	ssyncadd.s32 $0xFFFFF000  }
0x3e: {  	[spmem:s18] =	stream.linear.scatter [tilespmem:s22], [sflag:$0x11], $0x1000, $0x38;
	[tilespmem:$0x1D000] =	vst v63  }
0x3f: {  	_ =	swait.ge [sflag:s17], $0x1000  }
0x40: {  	[sflag:s17] =	ssyncset.done $0x0  }
0x41: {  	s21 =	rddreg [dreg:$0xc];
	[sflag:s17] =	ssyncadd.s32 $0xFFFFF000  }
0x42: {  	[spmem:s21] =	stream.linear.scatter [tilespmem:s22], [sflag:$0x11], $0x1000, $0x38;
	[tilespmem:$0x1D000] =	vst v63  }
0x43: {  	_ =	swait.ge [sflag:s17], $0x1000  }
0x44: {  	[sflag:s17] =	ssyncset.done $0x0  }
0x45: {  	s18 =	rddreg [dreg:$0xd];
	[sflag:s17] =	ssyncadd.s32 $0xFFFFF000  }
0x46: {  	[spmem:s18] =	stream.linear.scatter [tilespmem:s22], [sflag:$0x11], $0x1000, $0x38;
	[tilespmem:$0x1D000] =	vst v63  }
0x47: {  	_ =	swait.ge [sflag:s17], $0x1000  }
0x48: {  	[sflag:s17] =	ssyncset.done $0x0  }
0x49: {  	s21 =	rddreg [dreg:$0xe];
	[sflag:s17] =	ssyncadd.s32 $0xFFFFF000  }
0x4a: {  	[spmem:s21] =	stream.linear.scatter [tilespmem:s22], [sflag:$0x11], $0x1000, $0x38;
	[tilespmem:$0x1D000] =	vst v63  }
0x4b: {  	_ =	swait.ge [sflag:s17], $0x1000  }
0x4c: {  	[sflag:s17] =	ssyncset.done $0x0  }
0x4d: {  	s18 =	rddreg [dreg:$0xf];
	[sflag:s17] =	ssyncadd.s32 $0xFFFFF000  }
0x4e: {  	[spmem:s18] =	stream.linear.scatter [tilespmem:s22], [sflag:$0x11], $0x1000, $0x38;
	[tilespmem:$0x1D000] =	vst v63  }
0x4f: {  	_ =	swait.ge [sflag:s17], $0x1000  }
0x50: {  	[sflag:s17] =	ssyncset.done $0x0  }
0x51: {  	s21 =	rddreg [dreg:$0x10];
	[sflag:s17] =	ssyncadd.s32 $0xFFFFF000  }
0x52: {  	[spmem:s21] =	stream.linear.scatter [tilespmem:s22], [sflag:$0x11], $0x1000, $0x38;
	[tilespmem:$0x1D000] =	vst v63  }
0x53: {  	_ =	swait.ge [sflag:s17], $0x1000  }
0x54: {  	[sflag:s17] =	ssyncset.done $0x0  }
0x55: {  	[sflag:s17] =	ssyncadd.s32 $0xFFFFF000  }
0x56: {  	s11 =	simm.s32 $0x0;
	[bflag:$0x0] =	sbarrier.arrive $0xFFFF  }
.LBB2_4:
0x57: {  	[dreg:$0x16] =	wrdreg s11  }
0x58: {  	s11 =	sshll.u32 s11, $0x8;
	s18 =	rddreg [dreg:$0x11]  }
0x59: {  	s17 =	simm.s32 $0x0;
	s21 =	simm.s32 $0x11;
	s18 =	sadd.s32 s11, s18  }
0x5a: {  	[tilespmem:s17], [sflag:$0x11] =	stream.linear.gather [hbm4b:s18+s17], $0x800, $0x38;
	[tilespmem:$0x1D000] =	vst v63  }
0x5b: {  	_ =	swait.ge [sflag:s21], $0x800  }
0x5c: {  	[sflag:s21] =	ssyncset.done $0x0;
	s18 =	rddreg [dreg:$0x12]  }
0x5d: {  	[sflag:s21] =	ssyncadd.s32 $0xFFFFF800;
	s11 =	sadd.s32 s11, s18;
	s18 =	simm.s32 $0x800  }
0x5e: {  	[tilespmem:s18], [sflag:$0x11] =	stream.linear.gather [hbm4b:s11+s17], $0x800, $0x38;
	[tilespmem:$0x1D000] =	vst v63  }
0x5f: {  	_ =	swait.ge [sflag:s21], $0x800  }
0x60: {  	[sflag:s21] =	ssyncset.done $0x0  }
0x61: {  	[sflag:s21] =	ssyncadd.s32 $0xFFFFF800  }
0x62: {  	[tilespmem:s22], [sflag:$0x1] =	stream.indirect.gather [spmem:s2], $0x40, s17, s25, $0xb8;
	[tilespmem:$0x1D000] =	vst v63  }
0x63: {  	_ = 	snop  }
0x64: {  	[tilespmem:s26], [sflag:$0x2] =	stream.indirect.gather [spmem:s2], $0x40, s25, s25, $0xb8;
	[tilespmem:$0x1D000] =	vst v63  }
0x65: {  	s17 =	simm.s32 $0x80  }
0x66: {  	[tilespmem:s29], [sflag:$0x3] =	stream.indirect.gather [spmem:s2], $0x40, s17, s25, $0xb8;
	[tilespmem:$0x1D000] =	vst v63  }
0x67: {  	s18 =	simm.s32 $0xC0  }
0x68: {  	[tilespmem:s31], [sflag:$0x4] =	stream.indirect.gather [spmem:s2], $0x40, s18, s25, $0xb8;
	[tilespmem:$0x1D000] =	vst v63  }
0x69: {  	s21 =	simm.s32 $0x100  }
0x6a: {  	[tilespmem:s1], [sflag:$0x5] =	stream.indirect.gather [spmem:s2], $0x40, s21, s25, $0xb8;
	[tilespmem:$0x1D000] =	vst v63  }
0x6b: {  	s17 =	simm.s32 $0x140  }
0x6c: {  	[tilespmem:s8], [sflag:$0x6] =	stream.indirect.gather [spmem:s2], $0x40, s17, s25, $0xb8;
	[tilespmem:$0x1D000] =	vst v63  }
0x6d: {  	s18 =	simm.s32 $0x180  }
0x6e: {  	[tilespmem:s10], [sflag:$0x7] =	stream.indirect.gather [spmem:s2], $0x40, s18, s25, $0xb8;
	[tilespmem:$0x1D000] =	vst v63  }
0x6f: {  	s21 =	simm.s32 $0x1C0  }
0x70: {  	[tilespmem:s12], [sflag:$0x8] =	stream.indirect.gather [spmem:s2], $0x40, s21, s25, $0xb8;
	[tilespmem:$0x1D000] =	vst v63  }
0x71: {  	_ =	swait.ge [sflag:s13], $0x1000  }
0x72: {  	[sflag:s13] =	ssyncset.done $0x0  }
0x73: {  	s17 =	simm.s32 $0x800;
	[sflag:s13] =	ssyncadd.s32 $0xFFFFF000  }
0x74: {  	[spmem:s3] =	stream.indirect.scatter.add.f32 [tilespmem:s22], [sflag:$0x9], $0x40, s17, s25, $0xb8;
	[tilespmem:$0x1D000] =	vst v63  }
0x75: {  	_ =	swait.ge [sflag:s14], $0x1000  }
0x76: {  	[sflag:s14] =	ssyncset.done $0x0  }
0x77: {  	s18 =	simm.s32 $0x840;
	[sflag:s14] =	ssyncadd.s32 $0xFFFFF000  }
0x78: {  	[spmem:s3] =	stream.indirect.scatter.add.f32 [tilespmem:s26], [sflag:$0xA], $0x40, s18, s25, $0xb8;
	[tilespmem:$0x1D000] =	vst v63  }
0x79: {  	_ =	swait.ge [sflag:s15], $0x1000  }
0x7a: {  	[sflag:s15] =	ssyncset.done $0x0  }
0x7b: {  	s21 =	simm.s32 $0x880;
	[sflag:s15] =	ssyncadd.s32 $0xFFFFF000  }
0x7c: {  	[spmem:s3] =	stream.indirect.scatter.add.f32 [tilespmem:s29], [sflag:$0xB], $0x40, s21, s25, $0xb8;
	[tilespmem:$0x1D000] =	vst v63  }
0x7d: {  	_ =	swait.ge [sflag:s16], $0x1000  }
0x7e: {  	[sflag:s16] =	ssyncset.done $0x0  }
0x7f: {  	s17 =	simm.s32 $0x8C0;
	[sflag:s16] =	ssyncadd.s32 $0xFFFFF000  }
0x80: {  	[spmem:s3] =	stream.indirect.scatter.add.f32 [tilespmem:s31], [sflag:$0xC], $0x40, s17, s25, $0xb8;
	[tilespmem:$0x1D000] =	vst v63  }
0x81: {  	_ =	swait.ge [sflag:s19], $0x1000  }
0x82: {  	[sflag:s19] =	ssyncset.done $0x0  }
0x83: {  	s18 =	simm.s32 $0x900;
	[sflag:s19] =	ssyncadd.s32 $0xFFFFF000  }
0x84: {  	[spmem:s3] =	stream.indirect.scatter.add.f32 [tilespmem:s1], [sflag:$0xD], $0x40, s18, s25, $0xb8;
	[tilespmem:$0x1D000] =	vst v63  }
0x85: {  	_ =	swait.ge [sflag:s20], $0x1000  }
0x86: {  	[sflag:s20] =	ssyncset.done $0x0  }
0x87: {  	s21 =	simm.s32 $0x940;
	[sflag:s20] =	ssyncadd.s32 $0xFFFFF000  }
0x88: {  	[spmem:s3] =	stream.indirect.scatter.add.f32 [tilespmem:s8], [sflag:$0xE], $0x40, s21, s25, $0xb8;
	[tilespmem:$0x1D000] =	vst v63  }
0x89: {  	_ =	swait.ge [sflag:s24], $0x1000  }
0x8a: {  	[sflag:s24] =	ssyncset.done $0x0  }
0x8b: {  	s17 =	simm.s32 $0x980;
	[sflag:s24] =	ssyncadd.s32 $0xFFFFF000  }
0x8c: {  	[spmem:s3] =	stream.indirect.scatter.add.f32 [tilespmem:s10], [sflag:$0xF], $0x40, s17, s25, $0xb8;
	[tilespmem:$0x1D000] =	vst v63  }
0x8d: {  	_ =	swait.ge [sflag:s6], $0x1000  }
0x8e: {  	[sflag:s6] =	ssyncset.done $0x0  }
0x8f: {  	s18 =	simm.s32 $0x9C0;
	[sflag:s6] =	ssyncadd.s32 $0xFFFFF000  }
0x90: {  	[spmem:s3] =	stream.indirect.scatter.add.f32 [tilespmem:s12], [sflag:$0x10], $0x40, s18, s25, $0xb8;
	[tilespmem:$0x1D000] =	vst v63  }
0x91: {  	_ =	swait.ge [sflag:s7], $0x1000  }
0x92: {  	[sflag:s7] =	ssyncset.done $0x0  }
0x93: {  	s21 =	simm.s32 $0x200;
	[sflag:s7] =	ssyncadd.s32 $0xFFFFF000  }
0x94: {  	[tilespmem:s22], [sflag:$0x1] =	stream.indirect.gather [spmem:s2], $0x40, s21, s25, $0xb8;
	[tilespmem:$0x1D000] =	vst v63  }
0x95: {  	_ =	swait.ge [sflag:s4], $0x1000  }
0x96: {  	[sflag:s4] =	ssyncset.done $0x0  }
0x97: {  	s17 =	simm.s32 $0x240;
	[sflag:s4] =	ssyncadd.s32 $0xFFFFF000  }
0x98: {  	[tilespmem:s26], [sflag:$0x2] =	stream.indirect.gather [spmem:s2], $0x40, s17, s25, $0xb8;
	[tilespmem:$0x1D000] =	vst v63  }
0x99: {  	_ =	swait.ge [sflag:s23], $0x1000  }
0x9a: {  	[sflag:s23] =	ssyncset.done $0x0  }
0x9b: {  	s18 =	simm.s32 $0x280;
	[sflag:s23] =	ssyncadd.s32 $0xFFFFF000  }
0x9c: {  	[tilespmem:s29], [sflag:$0x3] =	stream.indirect.gather [spmem:s2], $0x40, s18, s25, $0xb8;
	[tilespmem:$0x1D000] =	vst v63  }
0x9d: {  	_ =	swait.ge [sflag:s28], $0x1000  }
0x9e: {  	[sflag:s28] =	ssyncset.done $0x0  }
0x9f: {  	s21 =	simm.s32 $0x2C0;
	[sflag:s28] =	ssyncadd.s32 $0xFFFFF000  }
0xa0: {  	[tilespmem:s31], [sflag:$0x4] =	stream.indirect.gather [spmem:s2], $0x40, s21, s25, $0xb8;
	[tilespmem:$0x1D000] =	vst v63  }
0xa1: {  	_ =	swait.ge [sflag:s30], $0x1000  }
0xa2: {  	[sflag:s30] =	ssyncset.done $0x0  }
0xa3: {  	s17 =	simm.s32 $0x300;
	[sflag:s30] =	ssyncadd.s32 $0xFFFFF000  }
0xa4: {  	[tilespmem:s1], [sflag:$0x5] =	stream.indirect.gather [spmem:s2], $0x40, s17, s25, $0xb8;
	[tilespmem:$0x1D000] =	vst v63  }
0xa5: {  	_ =	swait.ge [sflag:s0], $0x1000  }
0xa6: {  	[sflag:s0] =	ssyncset.done $0x0  }
0xa7: {  	s18 =	simm.s32 $0x340;
	[sflag:s0] =	ssyncadd.s32 $0xFFFFF000  }
0xa8: {  	[tilespmem:s8], [sflag:$0x6] =	stream.indirect.gather [spmem:s2], $0x40, s18, s25, $0xb8;
	[tilespmem:$0x1D000] =	vst v63  }
0xa9: {  	_ =	swait.ge [sflag:s5], $0x1000  }
0xaa: {  	[sflag:s5] =	ssyncset.done $0x0  }
0xab: {  	s21 =	simm.s32 $0x380;
	[sflag:s5] =	ssyncadd.s32 $0xFFFFF000  }
0xac: {  	[tilespmem:s10], [sflag:$0x7] =	stream.indirect.gather [spmem:s2], $0x40, s21, s25, $0xb8;
	[tilespmem:$0x1D000] =	vst v63  }
0xad: {  	_ =	swait.ge [sflag:s9], $0x1000  }
0xae: {  	[sflag:s9] =	ssyncset.done $0x0  }
0xaf: {  	s11 =	simm.s32 $0x3C0;
	s18 =	simm.s32 $0x800;
	[sflag:s9] =	ssyncadd.s32 $0xFFFFF000  }
.LBB2_5:
0xb0: {  	[tilespmem:s12], [sflag:$0x8] =	stream.indirect.gather [spmem:s2], $0x40, s11, s25, $0xb8;
	[tilespmem:$0x1D000] =	vst v63  }
0xb1: {  	s11 =	smov.u32 s18  }
0xb2: {  	p0 =	sne.s32 s18, $0x1000;
	s18 =	sadd.s32 $0x800, s18;
	_ =	swait.ge [sflag:s13], $0x1000  }
0xb3: {  	s11 =	sshra.s32 s11, $0x2;
	[sflag:s13] =	ssyncset.done $0x0  }
0xb4: {  	s21 =	sadd.s32 $0x800, s11;
	[sflag:s13] =	ssyncadd.s32 $0xFFFFF000  }
0xb5: {  	[spmem:s3] =	stream.indirect.scatter.add.f32 [tilespmem:s22], [sflag:$0x9], $0x40, s21, s25, $0xb8;
	[tilespmem:$0x1D000] =	vst v63  }
0xb6: {  	_ =	swait.ge [sflag:s14], $0x1000  }
0xb7: {  	[sflag:s14] =	ssyncset.done $0x0  }
0xb8: {  	s21 =	sadd.s32 $0x840, s11;
	[sflag:s14] =	ssyncadd.s32 $0xFFFFF000  }
0xb9: {  	[spmem:s3] =	stream.indirect.scatter.add.f32 [tilespmem:s26], [sflag:$0xA], $0x40, s21, s25, $0xb8;
	[tilespmem:$0x1D000] =	vst v63  }
0xba: {  	_ =	swait.ge [sflag:s15], $0x1000  }
0xbb: {  	[sflag:s15] =	ssyncset.done $0x0  }
0xbc: {  	s21 =	sadd.s32 $0x880, s11;
	[sflag:s15] =	ssyncadd.s32 $0xFFFFF000  }
0xbd: {  	[spmem:s3] =	stream.indirect.scatter.add.f32 [tilespmem:s29], [sflag:$0xB], $0x40, s21, s25, $0xb8;
	[tilespmem:$0x1D000] =	vst v63  }
0xbe: {  	_ =	swait.ge [sflag:s16], $0x1000  }
0xbf: {  	[sflag:s16] =	ssyncset.done $0x0  }
0xc0: {  	s21 =	sadd.s32 $0x8C0, s11;
	[sflag:s16] =	ssyncadd.s32 $0xFFFFF000  }
0xc1: {  	[spmem:s3] =	stream.indirect.scatter.add.f32 [tilespmem:s31], [sflag:$0xC], $0x40, s21, s25, $0xb8;
	[tilespmem:$0x1D000] =	vst v63  }
0xc2: {  	_ =	swait.ge [sflag:s19], $0x1000  }
0xc3: {  	[sflag:s19] =	ssyncset.done $0x0  }
0xc4: {  	s21 =	sadd.s32 $0x900, s11;
	[sflag:s19] =	ssyncadd.s32 $0xFFFFF000  }
0xc5: {  	[spmem:s3] =	stream.indirect.scatter.add.f32 [tilespmem:s1], [sflag:$0xD], $0x40, s21, s25, $0xb8;
	[tilespmem:$0x1D000] =	vst v63  }
0xc6: {  	_ =	swait.ge [sflag:s20], $0x1000  }
0xc7: {  	[sflag:s20] =	ssyncset.done $0x0  }
0xc8: {  	s21 =	sadd.s32 $0x940, s11;
	[sflag:s20] =	ssyncadd.s32 $0xFFFFF000  }
0xc9: {  	[spmem:s3] =	stream.indirect.scatter.add.f32 [tilespmem:s8], [sflag:$0xE], $0x40, s21, s25, $0xb8;
	[tilespmem:$0x1D000] =	vst v63  }
0xca: {  	_ =	swait.ge [sflag:s24], $0x1000  }
0xcb: {  	[sflag:s24] =	ssyncset.done $0x0  }
0xcc: {  	s21 =	sadd.s32 $0x980, s11;
	[sflag:s24] =	ssyncadd.s32 $0xFFFFF000  }
0xcd: {  	[spmem:s3] =	stream.indirect.scatter.add.f32 [tilespmem:s10], [sflag:$0xF], $0x40, s21, s25, $0xb8;
	[tilespmem:$0x1D000] =	vst v63  }
0xce: {  	_ =	swait.ge [sflag:s6], $0x1000  }
0xcf: {  	[sflag:s6] =	ssyncset.done $0x0  }
0xd0: {  	s21 =	sadd.s32 $0x9C0, s11;
	[sflag:s6] =	ssyncadd.s32 $0xFFFFF000  }
0xd1: {  	[spmem:s3] =	stream.indirect.scatter.add.f32 [tilespmem:s12], [sflag:$0x10], $0x40, s21, s25, $0xb8;
	[tilespmem:$0x1D000] =	vst v63  }
0xd2: {  	_ =	swait.ge [sflag:s7], $0x1000  }
0xd3: {  	[sflag:s7] =	ssyncset.done $0x0  }
0xd4: {  	s21 =	sadd.s32 $0x200, s11;
	[sflag:s7] =	ssyncadd.s32 $0xFFFFF000  }
0xd5: {  	[tilespmem:s22], [sflag:$0x1] =	stream.indirect.gather [spmem:s2], $0x40, s21, s25, $0xb8;
	[tilespmem:$0x1D000] =	vst v63  }
0xd6: {  	_ =	swait.ge [sflag:s4], $0x1000  }
0xd7: {  	[sflag:s4] =	ssyncset.done $0x0  }
0xd8: {  	s21 =	sadd.s32 $0x240, s11;
	[sflag:s4] =	ssyncadd.s32 $0xFFFFF000  }
0xd9: {  	[tilespmem:s26], [sflag:$0x2] =	stream.indirect.gather [spmem:s2], $0x40, s21, s25, $0xb8;
	[tilespmem:$0x1D000] =	vst v63  }
0xda: {  	_ =	swait.ge [sflag:s23], $0x1000  }
0xdb: {  	[sflag:s23] =	ssyncset.done $0x0  }
0xdc: {  	s21 =	sadd.s32 $0x280, s11;
	[sflag:s23] =	ssyncadd.s32 $0xFFFFF000  }
0xdd: {  	[tilespmem:s29], [sflag:$0x3] =	stream.indirect.gather [spmem:s2], $0x40, s21, s25, $0xb8;
	[tilespmem:$0x1D000] =	vst v63  }
0xde: {  	_ =	swait.ge [sflag:s28], $0x1000  }
0xdf: {  	[sflag:s28] =	ssyncset.done $0x0  }
0xe0: {  	s21 =	sadd.s32 $0x2C0, s11;
	[sflag:s28] =	ssyncadd.s32 $0xFFFFF000  }
0xe1: {  	[tilespmem:s31], [sflag:$0x4] =	stream.indirect.gather [spmem:s2], $0x40, s21, s25, $0xb8;
	[tilespmem:$0x1D000] =	vst v63  }
0xe2: {  	_ =	swait.ge [sflag:s30], $0x1000  }
0xe3: {  	[sflag:s30] =	ssyncset.done $0x0  }
0xe4: {  	s21 =	sadd.s32 $0x300, s11;
	[sflag:s30] =	ssyncadd.s32 $0xFFFFF000  }
0xe5: {  	[tilespmem:s1], [sflag:$0x5] =	stream.indirect.gather [spmem:s2], $0x40, s21, s25, $0xb8;
	[tilespmem:$0x1D000] =	vst v63  }
0xe6: {  	_ =	swait.ge [sflag:s0], $0x1000  }
0xe7: {  	[sflag:s0] =	ssyncset.done $0x0  }
0xe8: {  	s21 =	sadd.s32 $0x340, s11;
	[sflag:s0] =	ssyncadd.s32 $0xFFFFF000  }
0xe9: {  	[tilespmem:s8], [sflag:$0x6] =	stream.indirect.gather [spmem:s2], $0x40, s21, s25, $0xb8;
	[tilespmem:$0x1D000] =	vst v63  }
0xea: {  	_ =	swait.ge [sflag:s5], $0x1000  }
0xeb: {  	[sflag:s5] =	ssyncset.done $0x0  }
.Ltmp1:
0xec: {  	s21 =	sadd.s32 $0x380, s11;
	[sflag:s5] =	ssyncadd.s32 $0xFFFFF000;
	(pc) =	sbr.rel @p0 .LBB2_5-.Ltmp1, $4  }
0xed: {  	[tilespmem:s10], [sflag:$0x7] =	stream.indirect.gather [spmem:s2], $0x40, s21, s25, $0xb8;
	[tilespmem:$0x1D000] =	vst v63  }
0xee: {  	_ =	swait.ge [sflag:s9], $0x1000  }
0xef: {  	[sflag:s9] =	ssyncset.done $0x0  }
0xf0: {  	s11 =	sadd.s32 $0x3C0, s11;
	[sflag:s9] =	ssyncadd.s32 $0xFFFFF000  }
0xf1: {  	[tilespmem:s12], [sflag:$0x8] =	stream.indirect.gather [spmem:s2], $0x40, s11, s25, $0xb8;
	[tilespmem:$0x1D000] =	vst v63  }
0xf2: {  	_ =	swait.ge [sflag:s13], $0x1000  }
0xf3: {  	[sflag:s13] =	ssyncset.done $0x0  }
0xf4: {  	s17 =	simm.s32 $0xE00;
	[sflag:s13] =	ssyncadd.s32 $0xFFFFF000  }
0xf5: {  	[spmem:s3] =	stream.indirect.scatter.add.f32 [tilespmem:s22], [sflag:$0x9], $0x40, s17, s25, $0xb8;
	[tilespmem:$0x1D000] =	vst v63  }
0xf6: {  	_ =	swait.ge [sflag:s14], $0x1000  }
0xf7: {  	[sflag:s14] =	ssyncset.done $0x0  }
0xf8: {  	s18 =	simm.s32 $0xE40;
	[sflag:s14] =	ssyncadd.s32 $0xFFFFF000  }
0xf9: {  	[spmem:s3] =	stream.indirect.scatter.add.f32 [tilespmem:s26], [sflag:$0xA], $0x40, s18, s25, $0xb8;
	[tilespmem:$0x1D000] =	vst v63  }
0xfa: {  	_ =	swait.ge [sflag:s15], $0x1000  }
0xfb: {  	[sflag:s15] =	ssyncset.done $0x0  }
0xfc: {  	s21 =	simm.s32 $0xE80;
	[sflag:s15] =	ssyncadd.s32 $0xFFFFF000  }
0xfd: {  	[spmem:s3] =	stream.indirect.scatter.add.f32 [tilespmem:s29], [sflag:$0xB], $0x40, s21, s25, $0xb8;
	[tilespmem:$0x1D000] =	vst v63  }
0xfe: {  	_ =	swait.ge [sflag:s16], $0x1000  }
0xff: {  	[sflag:s16] =	ssyncset.done $0x0  }
0x100: {  	s17 =	simm.s32 $0xEC0;
	[sflag:s16] =	ssyncadd.s32 $0xFFFFF000  }
0x101: {  	[spmem:s3] =	stream.indirect.scatter.add.f32 [tilespmem:s31], [sflag:$0xC], $0x40, s17, s25, $0xb8;
	[tilespmem:$0x1D000] =	vst v63  }
0x102: {  	_ =	swait.ge [sflag:s19], $0x1000  }
0x103: {  	[sflag:s19] =	ssyncset.done $0x0  }
0x104: {  	s18 =	simm.s32 $0xF00;
	[sflag:s19] =	ssyncadd.s32 $0xFFFFF000  }
0x105: {  	[spmem:s3] =	stream.indirect.scatter.add.f32 [tilespmem:s1], [sflag:$0xD], $0x40, s18, s25, $0xb8;
	[tilespmem:$0x1D000] =	vst v63  }
0x106: {  	_ =	swait.ge [sflag:s20], $0x1000  }
0x107: {  	[sflag:s20] =	ssyncset.done $0x0  }
0x108: {  	s21 =	simm.s32 $0xF40;
	[sflag:s20] =	ssyncadd.s32 $0xFFFFF000  }
0x109: {  	[spmem:s3] =	stream.indirect.scatter.add.f32 [tilespmem:s8], [sflag:$0xE], $0x40, s21, s25, $0xb8;
	[tilespmem:$0x1D000] =	vst v63  }
0x10a: {  	_ =	swait.ge [sflag:s24], $0x1000  }
0x10b: {  	[sflag:s24] =	ssyncset.done $0x0  }
0x10c: {  	s17 =	simm.s32 $0xF80;
	[sflag:s24] =	ssyncadd.s32 $0xFFFFF000  }
0x10d: {  	[spmem:s3] =	stream.indirect.scatter.add.f32 [tilespmem:s10], [sflag:$0xF], $0x40, s17, s25, $0xb8;
	[tilespmem:$0x1D000] =	vst v63  }
0x10e: {  	_ =	swait.ge [sflag:s6], $0x1000  }
0x10f: {  	[sflag:s6] =	ssyncset.done $0x0  }
0x110: {  	s18 =	simm.s32 $0xFC0;
	[sflag:s6] =	ssyncadd.s32 $0xFFFFF000  }
0x111: {  	[spmem:s3] =	stream.indirect.scatter.add.f32 [tilespmem:s12], [sflag:$0x10], $0x40, s18, s25, $0xb8;
	[tilespmem:$0x1D000] =	vst v63  }
0x112: {  	_ =	swait.ge [sflag:s7], $0x1000  }
0x113: {  	[sflag:s7] =	ssyncset.done $0x0  }
0x114: {  	[sflag:s7] =	ssyncadd.s32 $0xFFFFF000  }
0x115: {  	_ =	swait.ge [sflag:s4], $0x1000  }
0x116: {  	[sflag:s4] =	ssyncset.done $0x0  }
0x117: {  	[sflag:s4] =	ssyncadd.s32 $0xFFFFF000  }
0x118: {  	_ =	swait.ge [sflag:s23], $0x1000  }
0x119: {  	[sflag:s23] =	ssyncset.done $0x0  }
0x11a: {  	[sflag:s23] =	ssyncadd.s32 $0xFFFFF000  }
0x11b: {  	_ =	swait.ge [sflag:s28], $0x1000  }
0x11c: {  	[sflag:s28] =	ssyncset.done $0x0  }
0x11d: {  	[sflag:s28] =	ssyncadd.s32 $0xFFFFF000  }
0x11e: {  	_ =	swait.ge [sflag:s30], $0x1000  }
0x11f: {  	[sflag:s30] =	ssyncset.done $0x0  }
0x120: {  	[sflag:s30] =	ssyncadd.s32 $0xFFFFF000  }
0x121: {  	_ =	swait.ge [sflag:s0], $0x1000  }
0x122: {  	[sflag:s0] =	ssyncset.done $0x0  }
0x123: {  	[sflag:s0] =	ssyncadd.s32 $0xFFFFF000  }
0x124: {  	_ =	swait.ge [sflag:s5], $0x1000  }
0x125: {  	[sflag:s5] =	ssyncset.done $0x0  }
0x126: {  	[sflag:s5] =	ssyncadd.s32 $0xFFFFF000  }
0x127: {  	_ =	swait.ge [sflag:s9], $0x1000  }
0x128: {  	s21 =	rddreg [dreg:$0x16]  }
0x129: {  	s11 =	sadd.s32 $0x1, s21  }
0x12a: {  	p0 =	sne.s32 s11, $0xA  }
.Ltmp2:
0x12b: {  	_ = 	snop;
	(pc) =	sbr.rel @p0 .LBB2_4-.Ltmp2, $3  }
0x12c: {  	_ =	sdelay $0x1  }
0x12d: {  	[sflag:s9] =	ssyncset.done $0x0  }
0x12e: {  	[sflag:s9] =	ssyncadd.s32 $0xFFFFF000  }
0x12f: {  	[bflag:$0x0] =	sbarrier.arrive $0xFFFF  }
0x130: {  	s11 =	rddreg [dreg:$0x7]  }
0x131: {  	s21 =	rddreg [dreg:$0x6]  }
0x132: {  	s18 =	simm.s32 $0x11;
	s17 =	rddreg [dreg:$0x15];
	s11 =	sshrl.u32 s11, $0x3  }
0x133: {  	[hbm:s17], [sflag:s21] =	dma.local [spmem:s11], $0x1400  }
0x134: {  	_ =	swait.ge [sflag:s18], $0x1400  }
0x135: {  	s17 =	rddreg [dreg:$0x4]  }
0x136: {  	s11 =	sadd.s32 $0x1, s17;
	s17 =	rddreg [dreg:$0x13]  }
0x137: {  	p0 =	sne.s32 s11, s17  }
.Ltmp3:
0x138: {  	_ = 	snop;
	(pc) =	sbr.rel @p0 .LBB2_1-.Ltmp3, $3  }
0x139: {  	_ =	sdelay $0x1  }
0x13a: {  	[sflag:s18] =	ssyncset.done $0x0  }
0x13b: {  	[sflag:s18] =	ssyncadd.s32 $0xFFFFEC00  }
0x13c: {  	_ =	sfence.sel $0x180000  }
0x13d: {  	[bflag:$0x0] =	sbarrier.arrive $0xFFFF  }
0x13e: {  	_ =	strace $0x9000004A  }
0x13f: {  	s0 =	stileid.u32;
	[bflag:$0x2] =	sbarrier.arrive $0xFFFF  }
0x140: {  	p0 =	sne.s32 s0, $0x0;
	s0 =	rddreg [dreg:$0x3]  }
0x141: {  	s0 =	sadd.s32 @!p0 $0x100000, s0  }
0x142: {  	[sflag:s0] =	ssyncadd.tile.s32 @!p0 $0x1;
	_ =	shalt  }
.Lfunc_end2:
_tile_overlayer_lowered:
.L_overlay_start_2:
0x143: {  	(tag) =	ssettag $0x2  }
0x144: {  	s0 =	rddreg [dreg:$0x0];
	s2 =	stileid.u32  }
0x145: {  	s1 =	rddreg [dreg:$0x1];
	p0 =	sne.s32 s2, $0x0  }
0x146: {  	s3 =	rddreg [dreg:$0x2];
	[bflag:$0x3] =	sbarrier.arrive $0xFFFF;
	s2 =	simm.s32 @!p0 $0x1C11  }
0x147: {  	[timem:s3], [sflag:s2] =	dma.local @!p0 [hbm:s0], s1  }
0x148: {  	s0 =	simm.s32 @!p0 $0x11  }
0x149: {  	_ =	swait.ge @!p0 [sflag:s0], s1  }
0x14a: {  	s1 =	ssub.s32 @!p0 $0x0, s1;
	[sflag:s0] =	ssyncset.done @!p0 $0x0  }
0x14b: {  	[sflag:s0] =	ssyncadd.s32 @!p0 s1  }
0x14c: {  	[bflag:$0x3] =	sbarrier.arrive $0xFFFF  }
0x14d: {  	_ =	shalt  }

// kernel: kernel.15.cloned.1.call-start
scs
__scs_entry_jumppad:
0x0: {  	(pc) =	sbr.rel $0x88, $3  }
0x1: {  	(tag) =	ssettag $0x0;
	lr =	simm.s32 $0x1  }
0x2: {  	[smem:$0x3F9B] =	sst lr;
	_ =	strace $0xD0000000  }
0x3: {  	_ = 	snop  }
0x4: {  	_ = 	snop  }
0x5: {  	_ = 	snop  }
0x6: {  	_ = 	snop  }
0x7: {  	_ = 	snop  }
__scs_overlays_trampoline_lowered:
0x8: {  	[smem:$0x3FAA] =	sst s0  }
0x9: {  	[smem:$0x3FAB] =	sst s1  }
0xa: {  	[smem:$0x3FAC] =	sst s2  }
0xb: {  	[smem:$0x3FAD] =	sst s3  }
0xc: {  	[smem:$0x3FAE] =	sst s4  }
0xd: {  	[smem:$0x3FAF] =	sst s5  }
0xe: {  	[smem:$0x3FB0] =	sst s6  }
0xf: {  	[smem:$0x3FB1] =	sst s7  }
0x10: {  	[smem:$0x3FB2] =	sst s8  }
0x11: {  	[smem:$0x3FB3] =	sst s9;
	s0 =	simm.s32 @!p0 $0x0  }
0x12: {  	s1 =	sld [smem:$0x3F99];
	s0 =	simm.s32 @p0 $0x1  }
0x13: {  	[smem:$0x3FB4] =	sst s0;
	s0 =	simm.s32 @!p1 $0x0  }
0x14: {  	s2 =	sld [smem:$0x3F98];
	s0 =	simm.s32 @p1 $0x1  }
0x15: {  	[smem:$0x3FB5] =	sst s0;
	s0 =	simm.s32 @!p2 $0x0  }
0x16: {  	s3 =	sld [smem:$0x3FDB];
	s0 =	simm.s32 @p2 $0x1  }
0x17: {  	s4 =	simm.s32 $0x1BF5;
	[smem:$0x3FB7] =	sst s0  }
0x18: {  	s0 =	sld [smem:$0x3F9A];
	_ =	swait.ge [sflag:s4], $0x0  }
0x19: {  	s7 =	sld [smem:$0x3F9B]  }
0x1a: {  	s8 =	sadd.s32 $0xFFFFE003, lr  }
0x1b: {  	s9 =	sadd.s32 $0xFFFFFEF7, lr;
	s5 =	simm.s32 $0xFFFFFFFF;
	p2 =	slt.u32 s8, $0xFFFFF086  }
0x1c: {  	p1 =	slt.u32 s9, $0xF7A;
	s5 =	simm.s32 @!p2 $0x0  }
0x1d: {  	s5 =	simm.s32 @p1 $0x1;
	p0 =	seq.s32 s7, s2  }
0x1e: {  	s7 =	smul.u32 @!p0 $0xF7A, s2;
	p2 =	seq.s32 @!p0 s5, $0x0  }
0x1f: {  	s9 =	smul.u32 $0xF7A, s1;
	s8 =	simm.s32 @!p0 $0x1BF5;
	p2 =	por !p2, p0  }
0x20: {  	[sflag:s8] =	ssyncset.s32 @!p0 $0xFFFFF086;
	s6 =	sadd.s32 @!p0 s3, s7;
	s7 =	simm.s32 @!p0 $0x108  }
0x21: {  	s3 =	sadd.s32 s3, s9;
	s6 =	sadd.s32 @!p0 $0x88, s6;
	s7 =	simm.s32 @p2 $0x1082  }
0x22: {  	[simem:s7], [sflag:s8] =	dma.local @!p0 [hbm:s6], $0xF7A  }
0x23: {  	s9 =	sor.u32 $0xD0000000, s2;
	s6 =	simm.s32 $0x108;
	_ =	swait.ge @!p0 [sflag:s8], $0x0  }
0x24: {  	s3 =	sadd.s32 $0x88, s3;
	s6 =	simm.s32 @!p1 $0x1082;
	[sflag:s4] =	ssyncset.s32 $0xFFFFF086  }
0x25: {  	[simem:s6], [sflag:s4] =	dma.local [hbm:s3], $0xF7A  }
0x26: {  	[smem:$0x3F9B] =	sst s1;
	(tag) =	ssettag s2;
	_ =	strace s9  }
0x27: {  	s1 =	sld [smem:$0x3FAB]  }
0x28: {  	s2 =	sld [smem:$0x3FAC]  }
0x29: {  	s4 =	sld [smem:$0x3FAE]  }
0x2a: {  	p0 =	seq.s32 s5, $0x0;
	s5 =	sld [smem:$0x3FAF]  }
0x2b: {  	s6 =	sld [smem:$0x3FB0]  }
0x2c: {  	s7 =	sld [smem:$0x3FB1]  }
0x2d: {  	s3 =	simm.s32 $0x108;
	s8 =	sld [smem:$0x3FB2]  }
0x2e: {  	s3 =	simm.s32 @!p0 $0x1082;
	s9 =	sld [smem:$0x3FB3]  }
0x2f: {  	lr =	sadd.s32 s0, s3;
	s0 =	sld [smem:$0x3FAA]  }
0x30: {  	s3 =	sld [smem:$0x3FAD]  }
0x31: {  	[smem:$0x3FB6] =	sst s10  }
0x32: {  	s10 =	sld [smem:$0x3FB4];
	_ =	sdelay $0x3  }
0x33: {  	p0 =	seq.s32 s10, $0x1;
	s10 =	sld [smem:$0x3FB6];
	_ =	sdelay $0x3  }
0x34: {  	[smem:$0x3FB6] =	sst s10  }
0x35: {  	s10 =	sld [smem:$0x3FB5];
	_ =	sdelay $0x3  }
0x36: {  	p1 =	seq.s32 s10, $0x1;
	s10 =	sld [smem:$0x3FB6];
	_ =	sdelay $0x3  }
0x37: {  	[smem:$0x3FB6] =	sst s10  }
0x38: {  	s10 =	sld [smem:$0x3FB7]  }
0x39: {  	_ = 	snop;
	(pc) =	sbr.ind lr, $3  }
0x3a: {  	_ = 	snop  }
0x3b: {  	_ = 	snop  }
0x3c: {  	p2 =	seq.s32 s10, $0x1;
	s10 =	sld [smem:$0x3FB6]  }
0x3d: {  	_ =	shalt  }
0x3e: {  	_ =	shalt  }
0x3f: {  	_ =	shalt  }
0x40: {  	_ =	shalt  }
0x41: {  	_ =	shalt  }
0x42: {  	_ =	shalt  }
0x43: {  	_ =	shalt  }
0x44: {  	_ =	shalt  }
0x45: {  	_ =	shalt  }
0x46: {  	_ =	shalt  }
0x47: {  	_ =	shalt  }
0x48: {  	_ =	shalt  }
0x49: {  	_ =	shalt  }
0x4a: {  	_ =	shalt  }
0x4b: {  	_ =	shalt  }
0x4c: {  	_ =	shalt  }
0x4d: {  	_ =	shalt  }
0x4e: {  	_ =	shalt  }
0x4f: {  	_ =	shalt  }
0x50: {  	_ =	shalt  }
0x51: {  	_ =	shalt  }
0x52: {  	_ =	shalt  }
0x53: {  	_ =	shalt  }
0x54: {  	_ =	shalt  }
0x55: {  	_ =	shalt  }
0x56: {  	_ =	shalt  }
0x57: {  	_ =	shalt  }
0x58: {  	_ =	shalt  }
0x59: {  	_ =	shalt  }
0x5a: {  	_ =	shalt  }
0x5b: {  	_ =	shalt  }
0x5c: {  	_ =	shalt  }
0x5d: {  	_ =	shalt  }
0x5e: {  	_ =	shalt  }
0x5f: {  	_ =	shalt  }
0x60: {  	_ =	shalt  }
0x61: {  	_ =	shalt  }
0x62: {  	_ =	shalt  }
0x63: {  	_ =	shalt  }
0x64: {  	_ =	shalt  }
0x65: {  	_ =	shalt  }
0x66: {  	_ =	shalt  }
0x67: {  	_ =	shalt  }
0x68: {  	_ =	shalt  }
0x69: {  	_ =	shalt  }
0x6a: {  	_ =	shalt  }
0x6b: {  	_ =	shalt  }
0x6c: {  	_ =	shalt  }
0x6d: {  	_ =	shalt  }
0x6e: {  	_ =	shalt  }
0x6f: {  	_ =	shalt  }
0x70: {  	_ =	shalt  }
0x71: {  	_ =	shalt  }
0x72: {  	_ =	shalt  }
0x73: {  	_ =	shalt  }
0x74: {  	_ =	shalt  }
0x75: {  	_ =	shalt  }
0x76: {  	_ =	shalt  }
0x77: {  	_ =	shalt  }
0x78: {  	_ =	shalt  }
0x79: {  	_ =	shalt  }
0x7a: {  	_ =	shalt  }
0x7b: {  	_ =	shalt  }
0x7c: {  	_ =	shalt  }
0x7d: {  	_ =	shalt  }
0x7e: {  	_ =	shalt  }
0x7f: {  	_ =	shalt  }
0x80: {  	_ =	shalt  }
0x81: {  	_ =	shalt  }
0x82: {  	_ =	shalt  }
0x83: {  	_ =	shalt  }
0x84: {  	_ =	shalt  }
0x85: {  	_ =	shalt  }
0x86: {  	_ =	shalt  }
0x87: {  	_ =	shalt  }
.Lfunc_end0:
.L_simem_size_0:
called_computation.2_lowered:
.L_overlay_start_0:
0x88: {  	s2 =	sld [smem:$0x3FD9]  }
0x89: {  	s3 =	sld [smem:$0x3FFE];
	_ =	sdelay $0x1  }
0x8a: {  	s1 =	srdreg.scid  }
0x8b: {  	s0 =	sand.u32 $0x1, s1  }
0x8c: {  	s16 =	sshll.u32 s0, $0xA;
	s2 =	sadd.s32 s3, s2  }
0x8d: {  	s2 =	sadd.s32 s2, s16  }
0x8e: {  	[smem:$0x3FC2] =	sst s2  }
0x8f: {  	_ = 	snop  }
0x90: {  	(tm) =	ssettm $0x1  }
0x91: {  	s17 =	sld [smem:$0x3FFB];
	_ =	sdelay $0x3  }
0x92: {  	_ =	strace s17  }
0x93: {  	s2 =	sld [smem:$0x3FFC];
	_ =	sdelay $0x3  }
0x94: {  	_ =	strace s2  }
0x95: {  	s2 =	sld [smem:$0x3FFD];
	_ =	sdelay $0x3  }
0x96: {  	_ =	strace s2  }
0x97: {  	_ =	strace $0x8FFFFFFF  }
0x98: {  	s18 =	sld [smem:$0x3FDB];
	_ =	sdelay $0x1  }
0x99: {  	s19 =	simm.s32 $_scs_section_size  }
0x9a: {  	s4 =	simm.s32 $_size__tile_overlayer_lowered;
	s5 =	simm.s32 $_tile_overlayer_lowered  }
0x9b: {  	s22 =	simm.s32 $0x1BFF;
	s21 =	sshll.u32 s5, $0x1;
	s2 =	sadd.s32 s19, s18  }
0x9c: {  	s6 =	simm.s32 $0x0;
	s20 =	sshll.u32 s4, $0x1;
	s4 =	sadd.s32 s21, s2  }
0x9d: {  	[timem:s6], [sflag:s22] =	dma.local [hbm:s4], s20  }
0x9e: {  	_ =	swait.ge [sflag:s22], s20  }
0x9f: {  	s3 =	ssub.s32 $0x0, s20;
	[sflag:s22] =	ssyncset.done $0x0  }
0xa0: {  	[sflag:s22] =	ssyncadd.s32 s3;
	_ =	sdelay $0x1  }
0xa1: {  	s23 =	simm.s32 $0x1B8B  }
0xa2: {  	_ =	swait.ge [sflag:s23], $0x1  }
0xa3: {  	[sflag:s23] =	ssyncset.done $0x0  }
0xa4: {  	s25 =	simm.s32 $0x1B8E;
	s24 =	sld [smem:$0x3FFE];
	[sflag:s23] =	ssyncadd.s32 $0xFFFFFFFF  }
0xa5: {  	s26 =	simm.s32 $execute0_lowered;
	[smem:$0x3FD2] =	sst s25  }
0xa6: {  	s4 =	sshll.u32 s26, $0x1;
	_ =	strace $0x8000004C;
	[dreg:$0x1] =	wrdreg $0xFFFFFFFF  }
0xa7: {  	s28 =	simm.s32 $_size_execute0_lowered;
	s2 =	sadd.s32 s2, s4;
	[dreg:$0x0] =	wrdreg $0x0  }
0xa8: {  	s4 =	sshll.u32 s28, $0x1;
	[dreg:$0x2] =	wrdreg s2  }
0xa9: {  	[dreg:$0x3] =	wrdreg s4  }
0xaa: {  	[dreg:$0x4] =	wrdreg $0xC0  }
0xab: {  	_ =	task [dreg:s6], $0x5FFFF  }
0xac: {  	[dreg:$0x1] =	wrdreg $0xFFFFFFFF  }
0xad: {  	[dreg:$0x0] =	wrdreg $0x60  }
0xae: {  	[dreg:$0x2] =	wrdreg s24  }
0xaf: {  	[dreg:$0x3] =	wrdreg $0x90000  }
0xb0: {  	[dreg:$0x4] =	wrdreg $0x130000  }
0xb1: {  	[dreg:$0x5] =	wrdreg $0x9  }
0xb2: {  	_ =	task.clear_ibuf [dreg:s6], $0x6FFFF;
	_ =	strace $0x9000004C  }
0xb3: {  	s29 =	simm.s32 $0x9;
	_ =	strace $0x8000004E  }
0xb4: {  	_ =	swait.ge [sflag:s29], $0x1  }
0xb5: {  	[sflag:s29] =	ssyncadd.s32 $0xFFFFFFFF  }
0xb6: {  	_ =	strace $0x9000004E  }
0xb7: {  	_ =	sfence  }
0xb8: {  	s30 =	sld [smem:$0x0];
	_ =	sdelay $0x2  }
0xb9: {  	s31 =	sshll.u32 s1, $0xD;
	s1 =	sshrl.u32 s1, $0x2  }
0xba: {  	s3 =	sand.u32 $0x4000, s31;
	s1 =	sadd.s32 s1, s30  }
0xbb: {  	s0 =	sor.u32 s3, s0;
	s1 =	sshll.u32 s1, $0x11  }
0xbc: {  	s0 =	sor.u32 s1, s0  }
0xbd: {  	s0 =	sadd.s32 $0x8F2B, s0  }
0xbe: {  	[sflag:s0] =	ssyncadd.remote.s32 $0x1  }
0xbf: {  	_ =	sfence.sel $0xFFFF  }
0xc0: {  	[dreg:$0x0] =	wrdreg $0xFFFFFFFF;
	(pc) =	sbr.abs _section_cstart, $3  }
0xc1: {  	[dreg:$0x1] =	wrdreg $0xFFFFFFFF  }
0xc2: {  	_ =	task.clear_ibuf [dreg:s6], $0x2FFFF;
	_ =	strace $0x9FFFFFFF  }
0xc3: {  	(tm) =	ssettm $0x7FFFFFFF  }
tec
execute0_lowered:
.L_overlay_start_1:
0x0: {  	(tag) =	ssettag $0x1  }
0x1: {  	s0 =	rddreg [dreg:$0x0]  }
0x2: {  	s2 =	rddreg [dreg:$0x1]  }
0x3: {  	s3 =	rddreg [dreg:$0x2]  }
0x4: {  	s11 =	simm.s32 $0x0;
	s10 =	stileid.u32;
	s1 =	srdreg.scid  }
0x5: {  	s29 =	simm.s32 $0x3000;
	s31 =	simm.s32 $0x4000;
	s12 =	simm.s32 $0x8000  }
0x6: {  	s28 =	simm.s32 $0xC;
	s30 =	simm.s32 $0xD;
	s4 =	smul.u32 $0xA00, s10  }
0x7: {  	[smem:$0x7FF] =	sst s11;
	s1 =	sand.u32 $0x1, s1;
	s6 =	smul.u32 $0xA000, s10  }
0x8: {  	s7 =	smul.u32 $0x28000, s10;
	s10 =	sshll.u32 s10, $0x6;
	_ =	strace $0x8000004D  }
0x9: {  	s5 =	smul.u32 $0x14000, s1;
	s1 =	ssub.s32 $0x2, s1;
	s21 =	sor.u32 $0x1C11, s10  }
0xa: {  	s10 =	simm.s32 $0x7000;
	s4 =	sadd.s32 s4, s0;
	s13 =	sshrl.u32 s1, $0x1  }
0xb: {  	s14 =	sadd.s32 s6, s2;
	s8 =	sshrl.u32 s6, $0x3;
	s7 =	sshrl.u32 s7, $0x2  }
0xc: {  	s6 =	sadd.s32 s6, s3;
	[dreg:$0x6] =	wrdreg s21;
	s0 =	sadd.s32 s5, s0  }
0xd: {  	s1 =	ssub.s32 s1, s13;
	[dreg:$0x7] =	wrdreg s6;
	s25 =	sadd.s32 $0xB600, s4  }
0xe: {  	s7 =	sadd.s32 s7, s3;
	s4 =	sadd.s32 $0x1600, s4;
	[dreg:$0x11] =	wrdreg s25  }
0xf: {  	s26 =	sshrl.u32 s14, $0x3;
	s13 =	simm.s32 $0x1;
	[dreg:$0x12] =	wrdreg s4  }
0x10: {  	s14 =	simm.s32 $0x2;
	s15 =	sadd.s32 $0x1000, s7;
	[dreg:$0x14] =	wrdreg s26  }
0x11: {  	s6 =	simm.s32 $0x8;
	s16 =	sadd.s32 $0x2000, s7;
	[dreg:$0x8] =	wrdreg s15  }
0x12: {  	s5 =	simm.s32 $0xF;
	s17 =	sadd.s32 $0x3000, s7;
	[dreg:$0x9] =	wrdreg s16  }
0x13: {  	s9 =	sadd.s32 s8, s0;
	s18 =	sadd.s32 $0x4000, s7;
	[dreg:$0xa] =	wrdreg s17  }
0x14: {  	s19 =	sadd.s32 $0x5000, s7;
	s20 =	sadd.s32 $0x6000, s7;
	[dreg:$0xb] =	wrdreg s18  }
0x15: {  	s22 =	sadd.s32 $0x7000, s7;
	s23 =	sadd.s32 $0x8000, s7;
	[dreg:$0xc] =	wrdreg s19  }
0x16: {  	s24 =	sadd.s32 $0x9000, s7;
	s0 =	sadd.s32 $0x3D600, s0;
	[dreg:$0xd] =	wrdreg s20  }
0x17: {  	s1 =	smax.u32 s1, $0x1;
	s25 =	simm.s32 $0x40;
	[dreg:$0xe] =	wrdreg s22  }
0x18: {  	s26 =	simm.s32 $0x2000;
	s7 =	simm.s32 $0x9;
	[dreg:$0xf] =	wrdreg s23  }
0x19: {  	s4 =	simm.s32 $0xA;
	s9 =	sadd.s32 $0x15600, s9;
	[dreg:$0x10] =	wrdreg s24  }
0x1a: {  	[dreg:$0x13] =	wrdreg s1;
	s22 =	simm.s32 $0x1000;
	s0 =	sadd.s32 s8, s0  }
0x1b: {  	s1 =	simm.s32 $0x5000;
	s8 =	simm.s32 $0x6000;
	s15 =	simm.s32 $0x3  }
0x1c: {  	s16 =	simm.s32 $0x4;
	s19 =	simm.s32 $0x5;
	s20 =	simm.s32 $0x6  }
0x1d: {  	s24 =	simm.s32 $0x7;
	s23 =	simm.s32 $0xB;
	[dreg:$0x5] =	wrdreg s9  }
0x1e: {  	v0 =	vimm.f32 $0.0e+00;
	[dreg:$0x15] =	wrdreg s0;
	s0 =	simm.s32 $0xE;
	s9 =	simm.s32 $0x10  }
.LBB2_1:
0x1f: {  	[dreg:$0x4] =	wrdreg s11;
	s17 =	simm.s32 $0x100;
	s11 =	simm.s32 $0x0  }
.LBB2_2:
0x20: {  	p0 =	sne.s32 s17, $0x3F00;
	[tilespmem:s11+$0x1030] =	vst v0;
	s18 =	smov.u32 s17;
	s17 =	sadd.s32 $0x100, s17  }
.Ltmp0:
0x21: {  	[tilespmem:s11+$0x1020] =	vst v0;
	(pc) =	sbr.rel @p0 .LBB2_2-.Ltmp0, $3  }
0x22: {  	[tilespmem:s11+$0x1000] =	vst v0  }
0x23: {  	[tilespmem:s11+$0x1010] =	vst v0;
	_ =	sdelay $0x1  }
0x24: {  	s11 =	sshra.s32 s18, $0x2  }
0x25: {  	[tilespmem:s11+$0x1030] =	vst v0  }
0x26: {  	[tilespmem:s11+$0x1020] =	vst v0  }
0x27: {  	[tilespmem:s11+$0x1000] =	vst v0;
	s18 =	rddreg [dreg:$0x5]  }
0x28: {  	[tilespmem:s11+$0x1010] =	vst v0;
	s17 =	rddreg [dreg:$0x14]  }
0x29: {  	[spmem:s17], [sflag:s21] =	dma.local [hbm:s18], $0x1400  }
0x2a: {  	s17 =	simm.s32 $0x11  }
0x2b: {  	_ =	swait.ge [sflag:s17], $0x1400  }
0x2c: {  	[sflag:s17] =	ssyncset.done $0x0  }
0x2d: {  	s18 =	rddreg [dreg:$0x7];
	[sflag:s17] =	ssyncadd.s32 $0xFFFFEC00  }
0x2e: {  	[spmem:s18] =	stream.linear.scatter [tilespmem:s22], [sflag:$0x11], $0x1000, $0x38;
	[tilespmem:$0x1D000] =	vst v63  }
0x2f: {  	_ =	swait.ge [sflag:s17], $0x1000  }
0x30: {  	[sflag:s17] =	ssyncset.done $0x0  }
0x31: {  	s21 =	rddreg [dreg:$0x8];
	[sflag:s17] =	ssyncadd.s32 $0xFFFFF000  }
0x32: {  	[spmem:s21] =	stream.linear.scatter [tilespmem:s22], [sflag:$0x11], $0x1000, $0x38;
	[tilespmem:$0x1D000] =	vst v63  }
0x33: {  	_ =	swait.ge [sflag:s17], $0x1000  }
0x34: {  	[sflag:s17] =	ssyncset.done $0x0  }
0x35: {  	s18 =	rddreg [dreg:$0x9];
	[sflag:s17] =	ssyncadd.s32 $0xFFFFF000  }
0x36: {  	[spmem:s18] =	stream.linear.scatter [tilespmem:s22], [sflag:$0x11], $0x1000, $0x38;
	[tilespmem:$0x1D000] =	vst v63  }
0x37: {  	_ =	swait.ge [sflag:s17], $0x1000  }
0x38: {  	[sflag:s17] =	ssyncset.done $0x0  }
0x39: {  	s21 =	rddreg [dreg:$0xa];
	[sflag:s17] =	ssyncadd.s32 $0xFFFFF000  }
0x3a: {  	[spmem:s21] =	stream.linear.scatter [tilespmem:s22], [sflag:$0x11], $0x1000, $0x38;
	[tilespmem:$0x1D000] =	vst v63  }
0x3b: {  	_ =	swait.ge [sflag:s17], $0x1000  }
0x3c: {  	[sflag:s17] =	ssyncset.done $0x0  }
0x3d: {  	s18 =	rddreg [dreg:$0xb];
	[sflag:s17] =	ssyncadd.s32 $0xFFFFF000  }
0x3e: {  	[spmem:s18] =	stream.linear.scatter [tilespmem:s22], [sflag:$0x11], $0x1000, $0x38;
	[tilespmem:$0x1D000] =	vst v63  }
0x3f: {  	_ =	swait.ge [sflag:s17], $0x1000  }
0x40: {  	[sflag:s17] =	ssyncset.done $0x0  }
0x41: {  	s21 =	rddreg [dreg:$0xc];
	[sflag:s17] =	ssyncadd.s32 $0xFFFFF000  }
0x42: {  	[spmem:s21] =	stream.linear.scatter [tilespmem:s22], [sflag:$0x11], $0x1000, $0x38;
	[tilespmem:$0x1D000] =	vst v63  }
0x43: {  	_ =	swait.ge [sflag:s17], $0x1000  }
0x44: {  	[sflag:s17] =	ssyncset.done $0x0  }
0x45: {  	s18 =	rddreg [dreg:$0xd];
	[sflag:s17] =	ssyncadd.s32 $0xFFFFF000  }
0x46: {  	[spmem:s18] =	stream.linear.scatter [tilespmem:s22], [sflag:$0x11], $0x1000, $0x38;
	[tilespmem:$0x1D000] =	vst v63  }
0x47: {  	_ =	swait.ge [sflag:s17], $0x1000  }
0x48: {  	[sflag:s17] =	ssyncset.done $0x0  }
0x49: {  	s21 =	rddreg [dreg:$0xe];
	[sflag:s17] =	ssyncadd.s32 $0xFFFFF000  }
0x4a: {  	[spmem:s21] =	stream.linear.scatter [tilespmem:s22], [sflag:$0x11], $0x1000, $0x38;
	[tilespmem:$0x1D000] =	vst v63  }
0x4b: {  	_ =	swait.ge [sflag:s17], $0x1000  }
0x4c: {  	[sflag:s17] =	ssyncset.done $0x0  }
0x4d: {  	s18 =	rddreg [dreg:$0xf];
	[sflag:s17] =	ssyncadd.s32 $0xFFFFF000  }
0x4e: {  	[spmem:s18] =	stream.linear.scatter [tilespmem:s22], [sflag:$0x11], $0x1000, $0x38;
	[tilespmem:$0x1D000] =	vst v63  }
0x4f: {  	_ =	swait.ge [sflag:s17], $0x1000  }
0x50: {  	[sflag:s17] =	ssyncset.done $0x0  }
0x51: {  	s21 =	rddreg [dreg:$0x10];
	[sflag:s17] =	ssyncadd.s32 $0xFFFFF000  }
0x52: {  	[spmem:s21] =	stream.linear.scatter [tilespmem:s22], [sflag:$0x11], $0x1000, $0x38;
	[tilespmem:$0x1D000] =	vst v63  }
0x53: {  	_ =	swait.ge [sflag:s17], $0x1000  }
0x54: {  	[sflag:s17] =	ssyncset.done $0x0  }
0x55: {  	[sflag:s17] =	ssyncadd.s32 $0xFFFFF000  }
0x56: {  	s11 =	simm.s32 $0x0;
	[bflag:$0x0] =	sbarrier.arrive $0xFFFF  }
.LBB2_4:
0x57: {  	[dreg:$0x16] =	wrdreg s11  }
0x58: {  	s11 =	sshll.u32 s11, $0x8;
	s18 =	rddreg [dreg:$0x11]  }
0x59: {  	s17 =	simm.s32 $0x0;
	s21 =	simm.s32 $0x11;
	s18 =	sadd.s32 s11, s18  }
0x5a: {  	[tilespmem:s17], [sflag:$0x11] =	stream.linear.gather [hbm4b:s18+s17], $0x800, $0x38;
	[tilespmem:$0x1D000] =	vst v63  }
0x5b: {  	_ =	swait.ge [sflag:s21], $0x800  }
0x5c: {  	[sflag:s21] =	ssyncset.done $0x0;
	s18 =	rddreg [dreg:$0x12]  }
0x5d: {  	[sflag:s21] =	ssyncadd.s32 $0xFFFFF800;
	s11 =	sadd.s32 s11, s18;
	s18 =	simm.s32 $0x800  }
0x5e: {  	[tilespmem:s18], [sflag:$0x11] =	stream.linear.gather [hbm4b:s11+s17], $0x800, $0x38;
	[tilespmem:$0x1D000] =	vst v63  }
0x5f: {  	_ =	swait.ge [sflag:s21], $0x800  }
0x60: {  	[sflag:s21] =	ssyncset.done $0x0  }
0x61: {  	[sflag:s21] =	ssyncadd.s32 $0xFFFFF800  }
0x62: {  	[tilespmem:s22], [sflag:$0x1] =	stream.indirect.gather [spmem:s2], $0x40, s17, s25, $0xb8;
	[tilespmem:$0x1D000] =	vst v63  }
0x63: {  	_ = 	snop  }
0x64: {  	[tilespmem:s26], [sflag:$0x2] =	stream.indirect.gather [spmem:s2], $0x40, s25, s25, $0xb8;
	[tilespmem:$0x1D000] =	vst v63  }
0x65: {  	s17 =	simm.s32 $0x80  }
0x66: {  	[tilespmem:s29], [sflag:$0x3] =	stream.indirect.gather [spmem:s2], $0x40, s17, s25, $0xb8;
	[tilespmem:$0x1D000] =	vst v63  }
0x67: {  	s18 =	simm.s32 $0xC0  }
0x68: {  	[tilespmem:s31], [sflag:$0x4] =	stream.indirect.gather [spmem:s2], $0x40, s18, s25, $0xb8;
	[tilespmem:$0x1D000] =	vst v63  }
0x69: {  	s21 =	simm.s32 $0x100  }
0x6a: {  	[tilespmem:s1], [sflag:$0x5] =	stream.indirect.gather [spmem:s2], $0x40, s21, s25, $0xb8;
	[tilespmem:$0x1D000] =	vst v63  }
0x6b: {  	s17 =	simm.s32 $0x140  }
0x6c: {  	[tilespmem:s8], [sflag:$0x6] =	stream.indirect.gather [spmem:s2], $0x40, s17, s25, $0xb8;
	[tilespmem:$0x1D000] =	vst v63  }
0x6d: {  	s18 =	simm.s32 $0x180  }
0x6e: {  	[tilespmem:s10], [sflag:$0x7] =	stream.indirect.gather [spmem:s2], $0x40, s18, s25, $0xb8;
	[tilespmem:$0x1D000] =	vst v63  }
0x6f: {  	s21 =	simm.s32 $0x1C0  }
0x70: {  	[tilespmem:s12], [sflag:$0x8] =	stream.indirect.gather [spmem:s2], $0x40, s21, s25, $0xb8;
	[tilespmem:$0x1D000] =	vst v63  }
0x71: {  	_ =	swait.ge [sflag:s13], $0x1000  }
0x72: {  	[sflag:s13] =	ssyncset.done $0x0  }
0x73: {  	s17 =	simm.s32 $0x800;
	[sflag:s13] =	ssyncadd.s32 $0xFFFFF000  }
0x74: {  	[spmem:s3] =	stream.indirect.scatter.add.f32 [tilespmem:s22], [sflag:$0x9], $0x40, s17, s25, $0xb8;
	[tilespmem:$0x1D000] =	vst v63  }
0x75: {  	_ =	swait.ge [sflag:s14], $0x1000  }
0x76: {  	[sflag:s14] =	ssyncset.done $0x0  }
0x77: {  	s18 =	simm.s32 $0x840;
	[sflag:s14] =	ssyncadd.s32 $0xFFFFF000  }
0x78: {  	[spmem:s3] =	stream.indirect.scatter.add.f32 [tilespmem:s26], [sflag:$0xA], $0x40, s18, s25, $0xb8;
	[tilespmem:$0x1D000] =	vst v63  }
0x79: {  	_ =	swait.ge [sflag:s15], $0x1000  }
0x7a: {  	[sflag:s15] =	ssyncset.done $0x0  }
0x7b: {  	s21 =	simm.s32 $0x880;
	[sflag:s15] =	ssyncadd.s32 $0xFFFFF000  }
0x7c: {  	[spmem:s3] =	stream.indirect.scatter.add.f32 [tilespmem:s29], [sflag:$0xB], $0x40, s21, s25, $0xb8;
	[tilespmem:$0x1D000] =	vst v63  }
0x7d: {  	_ =	swait.ge [sflag:s16], $0x1000  }
0x7e: {  	[sflag:s16] =	ssyncset.done $0x0  }
0x7f: {  	s17 =	simm.s32 $0x8C0;
	[sflag:s16] =	ssyncadd.s32 $0xFFFFF000  }
0x80: {  	[spmem:s3] =	stream.indirect.scatter.add.f32 [tilespmem:s31], [sflag:$0xC], $0x40, s17, s25, $0xb8;
	[tilespmem:$0x1D000] =	vst v63  }
0x81: {  	_ =	swait.ge [sflag:s19], $0x1000  }
0x82: {  	[sflag:s19] =	ssyncset.done $0x0  }
0x83: {  	s18 =	simm.s32 $0x900;
	[sflag:s19] =	ssyncadd.s32 $0xFFFFF000  }
0x84: {  	[spmem:s3] =	stream.indirect.scatter.add.f32 [tilespmem:s1], [sflag:$0xD], $0x40, s18, s25, $0xb8;
	[tilespmem:$0x1D000] =	vst v63  }
0x85: {  	_ =	swait.ge [sflag:s20], $0x1000  }
0x86: {  	[sflag:s20] =	ssyncset.done $0x0  }
0x87: {  	s21 =	simm.s32 $0x940;
	[sflag:s20] =	ssyncadd.s32 $0xFFFFF000  }
0x88: {  	[spmem:s3] =	stream.indirect.scatter.add.f32 [tilespmem:s8], [sflag:$0xE], $0x40, s21, s25, $0xb8;
	[tilespmem:$0x1D000] =	vst v63  }
0x89: {  	_ =	swait.ge [sflag:s24], $0x1000  }
0x8a: {  	[sflag:s24] =	ssyncset.done $0x0  }
0x8b: {  	s17 =	simm.s32 $0x980;
	[sflag:s24] =	ssyncadd.s32 $0xFFFFF000  }
0x8c: {  	[spmem:s3] =	stream.indirect.scatter.add.f32 [tilespmem:s10], [sflag:$0xF], $0x40, s17, s25, $0xb8;
	[tilespmem:$0x1D000] =	vst v63  }
0x8d: {  	_ =	swait.ge [sflag:s6], $0x1000  }
0x8e: {  	[sflag:s6] =	ssyncset.done $0x0  }
0x8f: {  	s18 =	simm.s32 $0x9C0;
	[sflag:s6] =	ssyncadd.s32 $0xFFFFF000  }
0x90: {  	[spmem:s3] =	stream.indirect.scatter.add.f32 [tilespmem:s12], [sflag:$0x10], $0x40, s18, s25, $0xb8;
	[tilespmem:$0x1D000] =	vst v63  }
0x91: {  	_ =	swait.ge [sflag:s7], $0x1000  }
0x92: {  	[sflag:s7] =	ssyncset.done $0x0  }
0x93: {  	s21 =	simm.s32 $0x200;
	[sflag:s7] =	ssyncadd.s32 $0xFFFFF000  }
0x94: {  	[tilespmem:s22], [sflag:$0x1] =	stream.indirect.gather [spmem:s2], $0x40, s21, s25, $0xb8;
	[tilespmem:$0x1D000] =	vst v63  }
0x95: {  	_ =	swait.ge [sflag:s4], $0x1000  }
0x96: {  	[sflag:s4] =	ssyncset.done $0x0  }
0x97: {  	s17 =	simm.s32 $0x240;
	[sflag:s4] =	ssyncadd.s32 $0xFFFFF000  }
0x98: {  	[tilespmem:s26], [sflag:$0x2] =	stream.indirect.gather [spmem:s2], $0x40, s17, s25, $0xb8;
	[tilespmem:$0x1D000] =	vst v63  }
0x99: {  	_ =	swait.ge [sflag:s23], $0x1000  }
0x9a: {  	[sflag:s23] =	ssyncset.done $0x0  }
0x9b: {  	s18 =	simm.s32 $0x280;
	[sflag:s23] =	ssyncadd.s32 $0xFFFFF000  }
0x9c: {  	[tilespmem:s29], [sflag:$0x3] =	stream.indirect.gather [spmem:s2], $0x40, s18, s25, $0xb8;
	[tilespmem:$0x1D000] =	vst v63  }
0x9d: {  	_ =	swait.ge [sflag:s28], $0x1000  }
0x9e: {  	[sflag:s28] =	ssyncset.done $0x0  }
0x9f: {  	s21 =	simm.s32 $0x2C0;
	[sflag:s28] =	ssyncadd.s32 $0xFFFFF000  }
0xa0: {  	[tilespmem:s31], [sflag:$0x4] =	stream.indirect.gather [spmem:s2], $0x40, s21, s25, $0xb8;
	[tilespmem:$0x1D000] =	vst v63  }
0xa1: {  	_ =	swait.ge [sflag:s30], $0x1000  }
0xa2: {  	[sflag:s30] =	ssyncset.done $0x0  }
0xa3: {  	s17 =	simm.s32 $0x300;
	[sflag:s30] =	ssyncadd.s32 $0xFFFFF000  }
0xa4: {  	[tilespmem:s1], [sflag:$0x5] =	stream.indirect.gather [spmem:s2], $0x40, s17, s25, $0xb8;
	[tilespmem:$0x1D000] =	vst v63  }
0xa5: {  	_ =	swait.ge [sflag:s0], $0x1000  }
0xa6: {  	[sflag:s0] =	ssyncset.done $0x0  }
0xa7: {  	s18 =	simm.s32 $0x340;
	[sflag:s0] =	ssyncadd.s32 $0xFFFFF000  }
0xa8: {  	[tilespmem:s8], [sflag:$0x6] =	stream.indirect.gather [spmem:s2], $0x40, s18, s25, $0xb8;
	[tilespmem:$0x1D000] =	vst v63  }
0xa9: {  	_ =	swait.ge [sflag:s5], $0x1000  }
0xaa: {  	[sflag:s5] =	ssyncset.done $0x0  }
0xab: {  	s21 =	simm.s32 $0x380;
	[sflag:s5] =	ssyncadd.s32 $0xFFFFF000  }
0xac: {  	[tilespmem:s10], [sflag:$0x7] =	stream.indirect.gather [spmem:s2], $0x40, s21, s25, $0xb8;
	[tilespmem:$0x1D000] =	vst v63  }
0xad: {  	_ =	swait.ge [sflag:s9], $0x1000  }
0xae: {  	[sflag:s9] =	ssyncset.done $0x0  }
0xaf: {  	s11 =	simm.s32 $0x3C0;
	s18 =	simm.s32 $0x800;
	[sflag:s9] =	ssyncadd.s32 $0xFFFFF000  }
.LBB2_5:
0xb0: {  	[tilespmem:s12], [sflag:$0x8] =	stream.indirect.gather [spmem:s2], $0x40, s11, s25, $0xb8;
	[tilespmem:$0x1D000] =	vst v63  }
0xb1: {  	s11 =	smov.u32 s18  }
0xb2: {  	p0 =	sne.s32 s18, $0x1000;
	s18 =	sadd.s32 $0x800, s18;
	_ =	swait.ge [sflag:s13], $0x1000  }
0xb3: {  	s11 =	sshra.s32 s11, $0x2;
	[sflag:s13] =	ssyncset.done $0x0  }
0xb4: {  	s21 =	sadd.s32 $0x800, s11;
	[sflag:s13] =	ssyncadd.s32 $0xFFFFF000  }
0xb5: {  	[spmem:s3] =	stream.indirect.scatter.add.f32 [tilespmem:s22], [sflag:$0x9], $0x40, s21, s25, $0xb8;
	[tilespmem:$0x1D000] =	vst v63  }
0xb6: {  	_ =	swait.ge [sflag:s14], $0x1000  }
0xb7: {  	[sflag:s14] =	ssyncset.done $0x0  }
0xb8: {  	s21 =	sadd.s32 $0x840, s11;
	[sflag:s14] =	ssyncadd.s32 $0xFFFFF000  }
0xb9: {  	[spmem:s3] =	stream.indirect.scatter.add.f32 [tilespmem:s26], [sflag:$0xA], $0x40, s21, s25, $0xb8;
	[tilespmem:$0x1D000] =	vst v63  }
0xba: {  	_ =	swait.ge [sflag:s15], $0x1000  }
0xbb: {  	[sflag:s15] =	ssyncset.done $0x0  }
0xbc: {  	s21 =	sadd.s32 $0x880, s11;
	[sflag:s15] =	ssyncadd.s32 $0xFFFFF000  }
0xbd: {  	[spmem:s3] =	stream.indirect.scatter.add.f32 [tilespmem:s29], [sflag:$0xB], $0x40, s21, s25, $0xb8;
	[tilespmem:$0x1D000] =	vst v63  }
0xbe: {  	_ =	swait.ge [sflag:s16], $0x1000  }
0xbf: {  	[sflag:s16] =	ssyncset.done $0x0  }
0xc0: {  	s21 =	sadd.s32 $0x8C0, s11;
	[sflag:s16] =	ssyncadd.s32 $0xFFFFF000  }
0xc1: {  	[spmem:s3] =	stream.indirect.scatter.add.f32 [tilespmem:s31], [sflag:$0xC], $0x40, s21, s25, $0xb8;
	[tilespmem:$0x1D000] =	vst v63  }
0xc2: {  	_ =	swait.ge [sflag:s19], $0x1000  }
0xc3: {  	[sflag:s19] =	ssyncset.done $0x0  }
0xc4: {  	s21 =	sadd.s32 $0x900, s11;
	[sflag:s19] =	ssyncadd.s32 $0xFFFFF000  }
0xc5: {  	[spmem:s3] =	stream.indirect.scatter.add.f32 [tilespmem:s1], [sflag:$0xD], $0x40, s21, s25, $0xb8;
	[tilespmem:$0x1D000] =	vst v63  }
0xc6: {  	_ =	swait.ge [sflag:s20], $0x1000  }
0xc7: {  	[sflag:s20] =	ssyncset.done $0x0  }
0xc8: {  	s21 =	sadd.s32 $0x940, s11;
	[sflag:s20] =	ssyncadd.s32 $0xFFFFF000  }
0xc9: {  	[spmem:s3] =	stream.indirect.scatter.add.f32 [tilespmem:s8], [sflag:$0xE], $0x40, s21, s25, $0xb8;
	[tilespmem:$0x1D000] =	vst v63  }
0xca: {  	_ =	swait.ge [sflag:s24], $0x1000  }
0xcb: {  	[sflag:s24] =	ssyncset.done $0x0  }
0xcc: {  	s21 =	sadd.s32 $0x980, s11;
	[sflag:s24] =	ssyncadd.s32 $0xFFFFF000  }
0xcd: {  	[spmem:s3] =	stream.indirect.scatter.add.f32 [tilespmem:s10], [sflag:$0xF], $0x40, s21, s25, $0xb8;
	[tilespmem:$0x1D000] =	vst v63  }
0xce: {  	_ =	swait.ge [sflag:s6], $0x1000  }
0xcf: {  	[sflag:s6] =	ssyncset.done $0x0  }
0xd0: {  	s21 =	sadd.s32 $0x9C0, s11;
	[sflag:s6] =	ssyncadd.s32 $0xFFFFF000  }
0xd1: {  	[spmem:s3] =	stream.indirect.scatter.add.f32 [tilespmem:s12], [sflag:$0x10], $0x40, s21, s25, $0xb8;
	[tilespmem:$0x1D000] =	vst v63  }
0xd2: {  	_ =	swait.ge [sflag:s7], $0x1000  }
0xd3: {  	[sflag:s7] =	ssyncset.done $0x0  }
0xd4: {  	s21 =	sadd.s32 $0x200, s11;
	[sflag:s7] =	ssyncadd.s32 $0xFFFFF000  }
0xd5: {  	[tilespmem:s22], [sflag:$0x1] =	stream.indirect.gather [spmem:s2], $0x40, s21, s25, $0xb8;
	[tilespmem:$0x1D000] =	vst v63  }
0xd6: {  	_ =	swait.ge [sflag:s4], $0x1000  }
0xd7: {  	[sflag:s4] =	ssyncset.done $0x0  }
0xd8: {  	s21 =	sadd.s32 $0x240, s11;
	[sflag:s4] =	ssyncadd.s32 $0xFFFFF000  }
0xd9: {  	[tilespmem:s26], [sflag:$0x2] =	stream.indirect.gather [spmem:s2], $0x40, s21, s25, $0xb8;
	[tilespmem:$0x1D000] =	vst v63  }
0xda: {  	_ =	swait.ge [sflag:s23], $0x1000  }
0xdb: {  	[sflag:s23] =	ssyncset.done $0x0  }
0xdc: {  	s21 =	sadd.s32 $0x280, s11;
	[sflag:s23] =	ssyncadd.s32 $0xFFFFF000  }
0xdd: {  	[tilespmem:s29], [sflag:$0x3] =	stream.indirect.gather [spmem:s2], $0x40, s21, s25, $0xb8;
	[tilespmem:$0x1D000] =	vst v63  }
0xde: {  	_ =	swait.ge [sflag:s28], $0x1000  }
0xdf: {  	[sflag:s28] =	ssyncset.done $0x0  }
0xe0: {  	s21 =	sadd.s32 $0x2C0, s11;
	[sflag:s28] =	ssyncadd.s32 $0xFFFFF000  }
0xe1: {  	[tilespmem:s31], [sflag:$0x4] =	stream.indirect.gather [spmem:s2], $0x40, s21, s25, $0xb8;
	[tilespmem:$0x1D000] =	vst v63  }
0xe2: {  	_ =	swait.ge [sflag:s30], $0x1000  }
0xe3: {  	[sflag:s30] =	ssyncset.done $0x0  }
0xe4: {  	s21 =	sadd.s32 $0x300, s11;
	[sflag:s30] =	ssyncadd.s32 $0xFFFFF000  }
0xe5: {  	[tilespmem:s1], [sflag:$0x5] =	stream.indirect.gather [spmem:s2], $0x40, s21, s25, $0xb8;
	[tilespmem:$0x1D000] =	vst v63  }
0xe6: {  	_ =	swait.ge [sflag:s0], $0x1000  }
0xe7: {  	[sflag:s0] =	ssyncset.done $0x0  }
0xe8: {  	s21 =	sadd.s32 $0x340, s11;
	[sflag:s0] =	ssyncadd.s32 $0xFFFFF000  }
0xe9: {  	[tilespmem:s8], [sflag:$0x6] =	stream.indirect.gather [spmem:s2], $0x40, s21, s25, $0xb8;
	[tilespmem:$0x1D000] =	vst v63  }
0xea: {  	_ =	swait.ge [sflag:s5], $0x1000  }
0xeb: {  	[sflag:s5] =	ssyncset.done $0x0  }
.Ltmp1:
0xec: {  	s21 =	sadd.s32 $0x380, s11;
	[sflag:s5] =	ssyncadd.s32 $0xFFFFF000;
	(pc) =	sbr.rel @p0 .LBB2_5-.Ltmp1, $4  }
0xed: {  	[tilespmem:s10], [sflag:$0x7] =	stream.indirect.gather [spmem:s2], $0x40, s21, s25, $0xb8;
	[tilespmem:$0x1D000] =	vst v63  }
0xee: {  	_ =	swait.ge [sflag:s9], $0x1000  }
0xef: {  	[sflag:s9] =	ssyncset.done $0x0  }
0xf0: {  	s11 =	sadd.s32 $0x3C0, s11;
	[sflag:s9] =	ssyncadd.s32 $0xFFFFF000  }
0xf1: {  	[tilespmem:s12], [sflag:$0x8] =	stream.indirect.gather [spmem:s2], $0x40, s11, s25, $0xb8;
	[tilespmem:$0x1D000] =	vst v63  }
0xf2: {  	_ =	swait.ge [sflag:s13], $0x1000  }
0xf3: {  	[sflag:s13] =	ssyncset.done $0x0  }
0xf4: {  	s17 =	simm.s32 $0xE00;
	[sflag:s13] =	ssyncadd.s32 $0xFFFFF000  }
0xf5: {  	[spmem:s3] =	stream.indirect.scatter.add.f32 [tilespmem:s22], [sflag:$0x9], $0x40, s17, s25, $0xb8;
	[tilespmem:$0x1D000] =	vst v63  }
0xf6: {  	_ =	swait.ge [sflag:s14], $0x1000  }
0xf7: {  	[sflag:s14] =	ssyncset.done $0x0  }
0xf8: {  	s18 =	simm.s32 $0xE40;
	[sflag:s14] =	ssyncadd.s32 $0xFFFFF000  }
0xf9: {  	[spmem:s3] =	stream.indirect.scatter.add.f32 [tilespmem:s26], [sflag:$0xA], $0x40, s18, s25, $0xb8;
	[tilespmem:$0x1D000] =	vst v63  }
0xfa: {  	_ =	swait.ge [sflag:s15], $0x1000  }
0xfb: {  	[sflag:s15] =	ssyncset.done $0x0  }
0xfc: {  	s21 =	simm.s32 $0xE80;
	[sflag:s15] =	ssyncadd.s32 $0xFFFFF000  }
0xfd: {  	[spmem:s3] =	stream.indirect.scatter.add.f32 [tilespmem:s29], [sflag:$0xB], $0x40, s21, s25, $0xb8;
	[tilespmem:$0x1D000] =	vst v63  }
0xfe: {  	_ =	swait.ge [sflag:s16], $0x1000  }
0xff: {  	[sflag:s16] =	ssyncset.done $0x0  }
0x100: {  	s17 =	simm.s32 $0xEC0;
	[sflag:s16] =	ssyncadd.s32 $0xFFFFF000  }
0x101: {  	[spmem:s3] =	stream.indirect.scatter.add.f32 [tilespmem:s31], [sflag:$0xC], $0x40, s17, s25, $0xb8;
	[tilespmem:$0x1D000] =	vst v63  }
0x102: {  	_ =	swait.ge [sflag:s19], $0x1000  }
0x103: {  	[sflag:s19] =	ssyncset.done $0x0  }
0x104: {  	s18 =	simm.s32 $0xF00;
	[sflag:s19] =	ssyncadd.s32 $0xFFFFF000  }
0x105: {  	[spmem:s3] =	stream.indirect.scatter.add.f32 [tilespmem:s1], [sflag:$0xD], $0x40, s18, s25, $0xb8;
	[tilespmem:$0x1D000] =	vst v63  }
0x106: {  	_ =	swait.ge [sflag:s20], $0x1000  }
0x107: {  	[sflag:s20] =	ssyncset.done $0x0  }
0x108: {  	s21 =	simm.s32 $0xF40;
	[sflag:s20] =	ssyncadd.s32 $0xFFFFF000  }
0x109: {  	[spmem:s3] =	stream.indirect.scatter.add.f32 [tilespmem:s8], [sflag:$0xE], $0x40, s21, s25, $0xb8;
	[tilespmem:$0x1D000] =	vst v63  }
0x10a: {  	_ =	swait.ge [sflag:s24], $0x1000  }
0x10b: {  	[sflag:s24] =	ssyncset.done $0x0  }
0x10c: {  	s17 =	simm.s32 $0xF80;
	[sflag:s24] =	ssyncadd.s32 $0xFFFFF000  }
0x10d: {  	[spmem:s3] =	stream.indirect.scatter.add.f32 [tilespmem:s10], [sflag:$0xF], $0x40, s17, s25, $0xb8;
	[tilespmem:$0x1D000] =	vst v63  }
0x10e: {  	_ =	swait.ge [sflag:s6], $0x1000  }
0x10f: {  	[sflag:s6] =	ssyncset.done $0x0  }
0x110: {  	s18 =	simm.s32 $0xFC0;
	[sflag:s6] =	ssyncadd.s32 $0xFFFFF000  }
0x111: {  	[spmem:s3] =	stream.indirect.scatter.add.f32 [tilespmem:s12], [sflag:$0x10], $0x40, s18, s25, $0xb8;
	[tilespmem:$0x1D000] =	vst v63  }
0x112: {  	_ =	swait.ge [sflag:s7], $0x1000  }
0x113: {  	[sflag:s7] =	ssyncset.done $0x0  }
0x114: {  	[sflag:s7] =	ssyncadd.s32 $0xFFFFF000  }
0x115: {  	_ =	swait.ge [sflag:s4], $0x1000  }
0x116: {  	[sflag:s4] =	ssyncset.done $0x0  }
0x117: {  	[sflag:s4] =	ssyncadd.s32 $0xFFFFF000  }
0x118: {  	_ =	swait.ge [sflag:s23], $0x1000  }
0x119: {  	[sflag:s23] =	ssyncset.done $0x0  }
0x11a: {  	[sflag:s23] =	ssyncadd.s32 $0xFFFFF000  }
0x11b: {  	_ =	swait.ge [sflag:s28], $0x1000  }
0x11c: {  	[sflag:s28] =	ssyncset.done $0x0  }
0x11d: {  	[sflag:s28] =	ssyncadd.s32 $0xFFFFF000  }
0x11e: {  	_ =	swait.ge [sflag:s30], $0x1000  }
0x11f: {  	[sflag:s30] =	ssyncset.done $0x0  }
0x120: {  	[sflag:s30] =	ssyncadd.s32 $0xFFFFF000  }
0x121: {  	_ =	swait.ge [sflag:s0], $0x1000  }
0x122: {  	[sflag:s0] =	ssyncset.done $0x0  }
0x123: {  	[sflag:s0] =	ssyncadd.s32 $0xFFFFF000  }
0x124: {  	_ =	swait.ge [sflag:s5], $0x1000  }
0x125: {  	[sflag:s5] =	ssyncset.done $0x0  }
0x126: {  	[sflag:s5] =	ssyncadd.s32 $0xFFFFF000  }
0x127: {  	_ =	swait.ge [sflag:s9], $0x1000  }
0x128: {  	s21 =	rddreg [dreg:$0x16]  }
0x129: {  	s11 =	sadd.s32 $0x1, s21  }
0x12a: {  	p0 =	sne.s32 s11, $0xA  }
.Ltmp2:
0x12b: {  	_ = 	snop;
	(pc) =	sbr.rel @p0 .LBB2_4-.Ltmp2, $3  }
0x12c: {  	_ =	sdelay $0x1  }
0x12d: {  	[sflag:s9] =	ssyncset.done $0x0  }
0x12e: {  	[sflag:s9] =	ssyncadd.s32 $0xFFFFF000  }
0x12f: {  	[bflag:$0x0] =	sbarrier.arrive $0xFFFF  }
0x130: {  	s11 =	rddreg [dreg:$0x7]  }
0x131: {  	s21 =	rddreg [dreg:$0x6]  }
0x132: {  	s18 =	simm.s32 $0x11;
	s17 =	rddreg [dreg:$0x15];
	s11 =	sshrl.u32 s11, $0x3  }
0x133: {  	[hbm:s17], [sflag:s21] =	dma.local [spmem:s11], $0x1400  }
0x134: {  	_ =	swait.ge [sflag:s18], $0x1400  }
0x135: {  	s17 =	rddreg [dreg:$0x4]  }
0x136: {  	s11 =	sadd.s32 $0x1, s17;
	s17 =	rddreg [dreg:$0x13]  }
0x137: {  	p0 =	sne.s32 s11, s17  }
.Ltmp3:
0x138: {  	_ = 	snop;
	(pc) =	sbr.rel @p0 .LBB2_1-.Ltmp3, $3  }
0x139: {  	_ =	sdelay $0x1  }
0x13a: {  	[sflag:s18] =	ssyncset.done $0x0  }
0x13b: {  	[sflag:s18] =	ssyncadd.s32 $0xFFFFEC00  }
0x13c: {  	_ =	sfence.sel $0x180000  }
0x13d: {  	[bflag:$0x0] =	sbarrier.arrive $0xFFFF  }
0x13e: {  	_ =	strace $0x9000004D  }
0x13f: {  	s0 =	stileid.u32;
	[bflag:$0x2] =	sbarrier.arrive $0xFFFF  }
0x140: {  	p0 =	sne.s32 s0, $0x0;
	s0 =	rddreg [dreg:$0x3]  }
0x141: {  	s0 =	sadd.s32 @!p0 $0x100000, s0  }
0x142: {  	[sflag:s0] =	ssyncadd.tile.s32 @!p0 $0x1;
	_ =	shalt  }
.Lfunc_end2:
_tile_overlayer_lowered:
.L_overlay_start_2:
0x143: {  	(tag) =	ssettag $0x2  }
0x144: {  	s0 =	rddreg [dreg:$0x0];
	s2 =	stileid.u32  }
0x145: {  	s1 =	rddreg [dreg:$0x1];
	p0 =	sne.s32 s2, $0x0  }
0x146: {  	s3 =	rddreg [dreg:$0x2];
	[bflag:$0x3] =	sbarrier.arrive $0xFFFF;
	s2 =	simm.s32 @!p0 $0x1C11  }
0x147: {  	[timem:s3], [sflag:s2] =	dma.local @!p0 [hbm:s0], s1  }
0x148: {  	s0 =	simm.s32 @!p0 $0x11  }
0x149: {  	_ =	swait.ge @!p0 [sflag:s0], s1  }
0x14a: {  	s1 =	ssub.s32 @!p0 $0x0, s1;
	[sflag:s0] =	ssyncset.done @!p0 $0x0  }
0x14b: {  	[sflag:s0] =	ssyncadd.s32 @!p0 s1  }
0x14c: {  	[bflag:$0x3] =	sbarrier.arrive $0xFFFF  }
0x14d: {  	_ =	shalt  }

// kernel: kernel.9.cloned.1.call-start
scs
__scs_entry_jumppad:
0x0: {  	(pc) =	sbr.rel $0x88, $3  }
0x1: {  	(tag) =	ssettag $0x0;
	lr =	simm.s32 $0x1  }
0x2: {  	[smem:$0x3F9B] =	sst lr;
	_ =	strace $0xD0000000  }
0x3: {  	_ = 	snop  }
0x4: {  	_ = 	snop  }
0x5: {  	_ = 	snop  }
0x6: {  	_ = 	snop  }
0x7: {  	_ = 	snop  }
__scs_overlays_trampoline_lowered:
0x8: {  	[smem:$0x3FAA] =	sst s0  }
0x9: {  	[smem:$0x3FAB] =	sst s1  }
0xa: {  	[smem:$0x3FAC] =	sst s2  }
0xb: {  	[smem:$0x3FAD] =	sst s3  }
0xc: {  	[smem:$0x3FAE] =	sst s4  }
0xd: {  	[smem:$0x3FAF] =	sst s5  }
0xe: {  	[smem:$0x3FB0] =	sst s6  }
0xf: {  	[smem:$0x3FB1] =	sst s7  }
0x10: {  	[smem:$0x3FB2] =	sst s8  }
0x11: {  	[smem:$0x3FB3] =	sst s9;
	s0 =	simm.s32 @!p0 $0x0  }
0x12: {  	s1 =	sld [smem:$0x3F99];
	s0 =	simm.s32 @p0 $0x1  }
0x13: {  	[smem:$0x3FB4] =	sst s0;
	s0 =	simm.s32 @!p1 $0x0  }
0x14: {  	s2 =	sld [smem:$0x3F98];
	s0 =	simm.s32 @p1 $0x1  }
0x15: {  	[smem:$0x3FB5] =	sst s0;
	s0 =	simm.s32 @!p2 $0x0  }
0x16: {  	s3 =	sld [smem:$0x3FDB];
	s0 =	simm.s32 @p2 $0x1  }
0x17: {  	s4 =	simm.s32 $0x1BF5;
	[smem:$0x3FB7] =	sst s0  }
0x18: {  	s0 =	sld [smem:$0x3F9A];
	_ =	swait.ge [sflag:s4], $0x0  }
0x19: {  	s7 =	sld [smem:$0x3F9B]  }
0x1a: {  	s8 =	sadd.s32 $0xFFFFE003, lr  }
0x1b: {  	s9 =	sadd.s32 $0xFFFFFEF7, lr;
	s5 =	simm.s32 $0xFFFFFFFF;
	p2 =	slt.u32 s8, $0xFFFFF086  }
0x1c: {  	p1 =	slt.u32 s9, $0xF7A;
	s5 =	simm.s32 @!p2 $0x0  }
0x1d: {  	s5 =	simm.s32 @p1 $0x1;
	p0 =	seq.s32 s7, s2  }
0x1e: {  	s7 =	smul.u32 @!p0 $0xF7A, s2;
	p2 =	seq.s32 @!p0 s5, $0x0  }
0x1f: {  	s9 =	smul.u32 $0xF7A, s1;
	s8 =	simm.s32 @!p0 $0x1BF5;
	p2 =	por !p2, p0  }
0x20: {  	[sflag:s8] =	ssyncset.s32 @!p0 $0xFFFFF086;
	s6 =	sadd.s32 @!p0 s3, s7;
	s7 =	simm.s32 @!p0 $0x108  }
0x21: {  	s3 =	sadd.s32 s3, s9;
	s6 =	sadd.s32 @!p0 $0x88, s6;
	s7 =	simm.s32 @p2 $0x1082  }
0x22: {  	[simem:s7], [sflag:s8] =	dma.local @!p0 [hbm:s6], $0xF7A  }
0x23: {  	s9 =	sor.u32 $0xD0000000, s2;
	s6 =	simm.s32 $0x108;
	_ =	swait.ge @!p0 [sflag:s8], $0x0  }
0x24: {  	s3 =	sadd.s32 $0x88, s3;
	s6 =	simm.s32 @!p1 $0x1082;
	[sflag:s4] =	ssyncset.s32 $0xFFFFF086  }
0x25: {  	[simem:s6], [sflag:s4] =	dma.local [hbm:s3], $0xF7A  }
0x26: {  	[smem:$0x3F9B] =	sst s1;
	(tag) =	ssettag s2;
	_ =	strace s9  }
0x27: {  	s1 =	sld [smem:$0x3FAB]  }
0x28: {  	s2 =	sld [smem:$0x3FAC]  }
0x29: {  	s4 =	sld [smem:$0x3FAE]  }
0x2a: {  	p0 =	seq.s32 s5, $0x0;
	s5 =	sld [smem:$0x3FAF]  }
0x2b: {  	s6 =	sld [smem:$0x3FB0]  }
0x2c: {  	s7 =	sld [smem:$0x3FB1]  }
0x2d: {  	s3 =	simm.s32 $0x108;
	s8 =	sld [smem:$0x3FB2]  }
0x2e: {  	s3 =	simm.s32 @!p0 $0x1082;
	s9 =	sld [smem:$0x3FB3]  }
0x2f: {  	lr =	sadd.s32 s0, s3;
	s0 =	sld [smem:$0x3FAA]  }
0x30: {  	s3 =	sld [smem:$0x3FAD]  }
0x31: {  	[smem:$0x3FB6] =	sst s10  }
0x32: {  	s10 =	sld [smem:$0x3FB4];
	_ =	sdelay $0x3  }
0x33: {  	p0 =	seq.s32 s10, $0x1;
	s10 =	sld [smem:$0x3FB6];
	_ =	sdelay $0x3  }
0x34: {  	[smem:$0x3FB6] =	sst s10  }
0x35: {  	s10 =	sld [smem:$0x3FB5];
	_ =	sdelay $0x3  }
0x36: {  	p1 =	seq.s32 s10, $0x1;
	s10 =	sld [smem:$0x3FB6];
	_ =	sdelay $0x3  }
0x37: {  	[smem:$0x3FB6] =	sst s10  }
0x38: {  	s10 =	sld [smem:$0x3FB7]  }
0x39: {  	_ = 	snop;
	(pc) =	sbr.ind lr, $3  }
0x3a: {  	_ = 	snop  }
0x3b: {  	_ = 	snop  }
0x3c: {  	p2 =	seq.s32 s10, $0x1;
	s10 =	sld [smem:$0x3FB6]  }
0x3d: {  	_ =	shalt  }
0x3e: {  	_ =	shalt  }
0x3f: {  	_ =	shalt  }
0x40: {  	_ =	shalt  }
0x41: {  	_ =	shalt  }
0x42: {  	_ =	shalt  }
0x43: {  	_ =	shalt  }
0x44: {  	_ =	shalt  }
0x45: {  	_ =	shalt  }
0x46: {  	_ =	shalt  }
0x47: {  	_ =	shalt  }
0x48: {  	_ =	shalt  }
0x49: {  	_ =	shalt  }
0x4a: {  	_ =	shalt  }
0x4b: {  	_ =	shalt  }
0x4c: {  	_ =	shalt  }
0x4d: {  	_ =	shalt  }
0x4e: {  	_ =	shalt  }
0x4f: {  	_ =	shalt  }
0x50: {  	_ =	shalt  }
0x51: {  	_ =	shalt  }
0x52: {  	_ =	shalt  }
0x53: {  	_ =	shalt  }
0x54: {  	_ =	shalt  }
0x55: {  	_ =	shalt  }
0x56: {  	_ =	shalt  }
0x57: {  	_ =	shalt  }
0x58: {  	_ =	shalt  }
0x59: {  	_ =	shalt  }
0x5a: {  	_ =	shalt  }
0x5b: {  	_ =	shalt  }
0x5c: {  	_ =	shalt  }
0x5d: {  	_ =	shalt  }
0x5e: {  	_ =	shalt  }
0x5f: {  	_ =	shalt  }
0x60: {  	_ =	shalt  }
0x61: {  	_ =	shalt  }
0x62: {  	_ =	shalt  }
0x63: {  	_ =	shalt  }
0x64: {  	_ =	shalt  }
0x65: {  	_ =	shalt  }
0x66: {  	_ =	shalt  }
0x67: {  	_ =	shalt  }
0x68: {  	_ =	shalt  }
0x69: {  	_ =	shalt  }
0x6a: {  	_ =	shalt  }
0x6b: {  	_ =	shalt  }
0x6c: {  	_ =	shalt  }
0x6d: {  	_ =	shalt  }
0x6e: {  	_ =	shalt  }
0x6f: {  	_ =	shalt  }
0x70: {  	_ =	shalt  }
0x71: {  	_ =	shalt  }
0x72: {  	_ =	shalt  }
0x73: {  	_ =	shalt  }
0x74: {  	_ =	shalt  }
0x75: {  	_ =	shalt  }
0x76: {  	_ =	shalt  }
0x77: {  	_ =	shalt  }
0x78: {  	_ =	shalt  }
0x79: {  	_ =	shalt  }
0x7a: {  	_ =	shalt  }
0x7b: {  	_ =	shalt  }
0x7c: {  	_ =	shalt  }
0x7d: {  	_ =	shalt  }
0x7e: {  	_ =	shalt  }
0x7f: {  	_ =	shalt  }
0x80: {  	_ =	shalt  }
0x81: {  	_ =	shalt  }
0x82: {  	_ =	shalt  }
0x83: {  	_ =	shalt  }
0x84: {  	_ =	shalt  }
0x85: {  	_ =	shalt  }
0x86: {  	_ =	shalt  }
0x87: {  	_ =	shalt  }
.Lfunc_end0:
.L_simem_size_0:
called_computation_lowered:
.L_overlay_start_0:
0x88: {  	s2 =	sld [smem:$0x3FD9]  }
0x89: {  	s3 =	sld [smem:$0x3FFE];
	_ =	sdelay $0x1  }
0x8a: {  	s1 =	srdreg.scid  }
0x8b: {  	s0 =	sand.u32 $0x1, s1  }
0x8c: {  	s17 =	sshll.u32 s0, $0xA;
	s2 =	sadd.s32 s3, s2  }
0x8d: {  	s2 =	sadd.s32 s2, s17  }
0x8e: {  	[smem:$0x3FC2] =	sst s2  }
0x8f: {  	_ = 	snop  }
0x90: {  	s2 =	sld [smem:$0x3FD0];
	(tm) =	ssettm $0x1  }
0x91: {  	s18 =	sld [smem:$0x3FFB];
	_ =	sdelay $0x3  }
0x92: {  	_ =	strace s18  }
0x93: {  	s3 =	sld [smem:$0x3FFC];
	_ =	sdelay $0x3  }
0x94: {  	_ =	strace s3  }
0x95: {  	s3 =	sld [smem:$0x3FFD];
	_ =	sdelay $0x3  }
0x96: {  	_ =	strace s3  }
0x97: {  	_ =	strace $0x8FFFFFFF  }
0x98: {  	s19 =	sld [smem:$0x3FDB];
	_ =	sdelay $0x1  }
0x99: {  	s4 =	simm.s32 $_scs_section_size  }
0x9a: {  	s5 =	simm.s32 $_size__tile_overlayer_lowered;
	s6 =	simm.s32 $_tile_overlayer_lowered  }
0x9b: {  	s22 =	simm.s32 $0x1BFF;
	s21 =	sshll.u32 s6, $0x1;
	s3 =	sadd.s32 s4, s19  }
0x9c: {  	s7 =	simm.s32 $0x0;
	s20 =	sshll.u32 s5, $0x1;
	s5 =	sadd.s32 s21, s3  }
0x9d: {  	[timem:s7], [sflag:s22] =	dma.local [hbm:s5], s20  }
0x9e: {  	_ =	swait.ge [sflag:s22], s20  }
0x9f: {  	s4 =	ssub.s32 $0x0, s20;
	[sflag:s22] =	ssyncset.done $0x0  }
0xa0: {  	[sflag:s22] =	ssyncadd.s32 s4;
	_ =	sdelay $0x1  }
0xa1: {  	s23 =	simm.s32 $0x1B8B  }
0xa2: {  	_ =	swait.ge [sflag:s23], $0x1  }
0xa3: {  	[sflag:s23] =	ssyncset.done $0x0  }
0xa4: {  	s25 =	simm.s32 $0x1B8E;
	s24 =	sld [smem:$0x3FFE];
	[sflag:s23] =	ssyncadd.s32 $0xFFFFFFFF  }
0xa5: {  	s26 =	simm.s32 $execute0_lowered;
	[smem:$0x3FD2] =	sst s25  }
0xa6: {  	s5 =	sshll.u32 s26, $0x1;
	_ =	strace $0x80000046;
	[dreg:$0x1] =	wrdreg $0xFFFFFFFF  }
0xa7: {  	s28 =	simm.s32 $_size_execute0_lowered;
	s3 =	sadd.s32 s3, s5;
	[dreg:$0x0] =	wrdreg $0x0  }
0xa8: {  	s5 =	sshll.u32 s28, $0x1;
	[dreg:$0x2] =	wrdreg s3  }
0xa9: {  	[dreg:$0x3] =	wrdreg s5  }
0xaa: {  	[dreg:$0x4] =	wrdreg $0xC0  }
0xab: {  	_ =	task [dreg:s7], $0x5FFFF  }
0xac: {  	[dreg:$0x1] =	wrdreg $0xFFFFFFFF  }
0xad: {  	[dreg:$0x0] =	wrdreg $0x60  }
0xae: {  	[dreg:$0x2] =	wrdreg s24  }
0xaf: {  	[dreg:$0x3] =	wrdreg s2  }
0xb0: {  	[dreg:$0x4] =	wrdreg $0x9  }
0xb1: {  	_ =	task.clear_ibuf [dreg:s7], $0x5FFFF;
	_ =	strace $0x90000046  }
0xb2: {  	s29 =	simm.s32 $0x9;
	_ =	strace $0x80000048  }
0xb3: {  	_ =	swait.ge [sflag:s29], $0x1  }
0xb4: {  	[sflag:s29] =	ssyncadd.s32 $0xFFFFFFFF  }
0xb5: {  	_ =	strace $0x90000048  }
0xb6: {  	_ =	sfence  }
0xb7: {  	s30 =	sld [smem:$0x0];
	_ =	sdelay $0x2  }
0xb8: {  	s31 =	sshll.u32 s1, $0xD;
	s1 =	sshrl.u32 s1, $0x2  }
0xb9: {  	s3 =	sand.u32 $0x4000, s31;
	s1 =	sadd.s32 s1, s30  }
0xba: {  	s0 =	sor.u32 s3, s0;
	s1 =	sshll.u32 s1, $0x11  }
0xbb: {  	s0 =	sor.u32 s1, s0  }
0xbc: {  	s0 =	sadd.s32 $0x8F2B, s0  }
0xbd: {  	[sflag:s0] =	ssyncadd.remote.s32 $0x1  }
0xbe: {  	_ =	sfence.sel $0xFFFF  }
0xbf: {  	[dreg:$0x0] =	wrdreg $0xFFFFFFFF;
	(pc) =	sbr.abs _section_cstart, $3  }
0xc0: {  	[dreg:$0x1] =	wrdreg $0xFFFFFFFF  }
0xc1: {  	_ =	task.clear_ibuf [dreg:s7], $0x2FFFF;
	_ =	strace $0x9FFFFFFF  }
0xc2: {  	(tm) =	ssettm $0x7FFFFFFF  }
0xc3: {  	_ =	shalt  }
tec
execute0_lowered:
.L_overlay_start_1:
0x0: {  	(tag) =	ssettag $0x1  }
0x1: {  	s0 =	srdreg.scid  }
0x2: {  	s3 =	sand.u32 $0x1, s0  }
0x3: {  	s4 =	rddreg [dreg:$0x0];
	s0 =	stileid.u32;
	s1 =	sshll.u32 s3, $0x4  }
0x4: {  	s5 =	rddreg [dreg:$0x1];
	s1 =	sor.u32 s0, s1  }
0x5: {  	s2 =	simm.s32 $0x0;
	s9 =	simm.s32 $0x2800;
	s6 =	smul.u32 $0x2800, s1  }
0x6: {  	s10 =	simm.s32 $0x0;
	[smem:$0x7FF] =	sst s2;
	s3 =	ssub.s32 $0x2, s3  }
0x7: {  	s31 =	sshrl.u32 s3, $0x1;
	s1 =	rddreg [dreg:$0x2];
	s6 =	sshrl.u32 s6, $0x3  }
0x8: {  	_ =	strace $0x80000047;
	s8 =	ssub.s32 s3, s31;
	s7 =	sadd.s32 s6, s4  }
0x9: {  	s4 =	sadd.s32 s5, s6;
	s3 =	sadd.s32 $0xB600, s7;
	s5 =	sadd.s32 $0x1600, s7  }
0xa: {  	v0 =	vimm.f32 $0.0e+00;
	v1 =	vimm.f32 $1.000000000e+00;
	s6 =	sadd.s32 $0xA000, s4;
	s7 =	smax.u32 s8, $0x1;
	s8 =	simm.s32 $0x1  }
.LBB2_1:
0xb: {  	s11 =	simm.s32 $0x40;
	s12 =	simm.s32 $0x0  }
.LBB2_2:
0xc: {  	p0 =	sne.s32 s11, $0x9FC0;
	[tilespmem:s12+$0x2800] =	vst v0;
	s12 =	smov.u32 s11;
	s11 =	sadd.s32 $0x40, s11  }
.Ltmp0:
0xd: {  	(pc) =	sbr.rel @p0 .LBB2_2-.Ltmp0, $2  }
0xe: {  	_ =	sdelay $0x2  }
0xf: {  	s12 =	sshra.s32 s12, $0x2  }
0x10: {  	[tilespmem:s12+$0x2800] =	vst v0;
	s11 =	simm.s32 $0x0  }
0x11: {  	[tilespmem:s11], [sflag:$0x1] =	stream.linear.gather [hbm4b:s3+s11], $0x2800, $0x38;
	[tilespmem:$0x5000] =	vst v63  }
0x12: {  	_ =	swait.ge [sflag:s8], $0x2800  }
0x13: {  	[sflag:s8] =	ssyncset.done $0x0  }
0x14: {  	s12 =	simm.s32 $0x0;
	s11 =	simm.s32 $0x40;
	[sflag:s8] =	ssyncadd.s32 $0xFFFFD800  }
.LBB2_4:
0x15: {  	p0 =	sne.s32 s11, $0x9FC0;
	v2 =	vld [tilespmem:s12+$0x0];
	_ =	sdelay $0x3  }
.Ltmp1:
0x16: {  	(pc) =	sbr.rel @p0 .LBB2_4-.Ltmp1, $2  }
0x17: {  	_ =	sdelay $0x2  }
0x18: {  	s12 =	sshra.s32 s11, $0x2;
	s11 =	sadd.s32 $0x40, s11;
	[tilespmem:v2+s9+$0x0] =	vst.idx.add.f32.msk $0xffff, v1  }
0x19: {  	v2 =	vld [tilespmem:s12+$0x0];
	_ =	sdelay $0x7  }
0x1a: {  	s11 =	simm.s32 $0x0;
	[tilespmem:v2+s9+$0x0] =	vst.idx.add.f32.msk $0xffff, v1  }
0x1b: {  	[hbm4b:s4+s11] =	stream.linear.scatter [tilespmem:s9], [sflag:$0x1], $0x2800, $0x38;
	[tilespmem:$0x5000] =	vst v63  }
0x1c: {  	_ =	swait.ge [sflag:s8], $0x2800  }
0x1d: {  	[sflag:s8] =	ssyncset.done $0x0  }
0x1e: {  	s12 =	simm.s32 $0x0;
	s11 =	simm.s32 $0x40;
	[sflag:s8] =	ssyncadd.s32 $0xFFFFD800  }
.LBB2_6:
0x1f: {  	p0 =	sne.s32 s11, $0x9FC0;
	[tilespmem:s12+$0x2800] =	vst v0;
	s12 =	smov.u32 s11;
	s11 =	sadd.s32 $0x40, s11  }
.Ltmp2:
0x20: {  	(pc) =	sbr.rel @p0 .LBB2_6-.Ltmp2, $2  }
0x21: {  	_ =	sdelay $0x2  }
0x22: {  	s12 =	sshra.s32 s12, $0x2  }
0x23: {  	[tilespmem:s12+$0x2800] =	vst v0;
	s11 =	simm.s32 $0x0  }
0x24: {  	[tilespmem:s11], [sflag:$0x1] =	stream.linear.gather [hbm4b:s5+s11], $0x2800, $0x38;
	[tilespmem:$0x5000] =	vst v63  }
0x25: {  	_ =	swait.ge [sflag:s8], $0x2800  }
0x26: {  	[sflag:s8] =	ssyncset.done $0x0  }
0x27: {  	s12 =	simm.s32 $0x0;
	s11 =	simm.s32 $0x40;
	[sflag:s8] =	ssyncadd.s32 $0xFFFFD800  }
.LBB2_8:
0x28: {  	p0 =	sne.s32 s11, $0x9FC0;
	v2 =	vld [tilespmem:s12+$0x0];
	_ =	sdelay $0x3  }
.Ltmp3:
0x29: {  	(pc) =	sbr.rel @p0 .LBB2_8-.Ltmp3, $2  }
0x2a: {  	_ =	sdelay $0x2  }
0x2b: {  	s12 =	sshra.s32 s11, $0x2;
	s11 =	sadd.s32 $0x40, s11;
	[tilespmem:v2+s9+$0x0] =	vst.idx.add.f32.msk $0xffff, v1  }
0x2c: {  	v2 =	vld [tilespmem:s12+$0x0];
	_ =	sdelay $0x5  }
0x2d: {  	s10 =	sadd.s32 $0x1, s10  }
0x2e: {  	p0 =	sne.s32 s10, s7  }
.Ltmp4:
0x2f: {  	[tilespmem:v2+s9+$0x0] =	vst.idx.add.f32.msk $0xffff, v1;
	(pc) =	sbr.rel @p0 .LBB2_1-.Ltmp4, $4  }
0x30: {  	[hbm4b:s6+s2] =	stream.linear.scatter [tilespmem:s9], [sflag:$0x1], $0x2800, $0x38;
	[tilespmem:$0x5000] =	vst v63  }
0x31: {  	_ =	swait.ge [sflag:s8], $0x2800  }
0x32: {  	[sflag:s8] =	ssyncset.done $0x0  }
0x33: {  	[sflag:s8] =	ssyncadd.s32 $0xFFFFD800  }
0x34: {  	_ =	sfence.sel $0x180000  }
0x35: {  	[bflag:$0x0] =	sbarrier.arrive $0xFFFF  }
0x36: {  	p0 =	sne.s32 s0, $0x0;
	_ =	strace $0x90000047  }
0x37: {  	s0 =	sadd.s32 @!p0 $0x100000, s1;
	[bflag:$0x2] =	sbarrier.arrive $0xFFFF  }
0x38: {  	[sflag:s0] =	ssyncadd.tile.s32 @!p0 $0x1;
	_ =	shalt  }
.Lfunc_end2:
_tile_overlayer_lowered:
.L_overlay_start_2:
0x39: {  	(tag) =	ssettag $0x2  }
0x3a: {  	s0 =	rddreg [dreg:$0x0];
	s2 =	stileid.u32  }
0x3b: {  	s1 =	rddreg [dreg:$0x1];
	p0 =	sne.s32 s2, $0x0  }
0x3c: {  	s3 =	rddreg [dreg:$0x2];
	[bflag:$0x3] =	sbarrier.arrive $0xFFFF;
	s2 =	simm.s32 @!p0 $0x1C01  }
0x3d: {  	[timem:s3], [sflag:s2] =	dma.local @!p0 [hbm:s0], s1  }
0x3e: {  	s0 =	simm.s32 @!p0 $0x1  }
0x3f: {  	_ =	swait.ge @!p0 [sflag:s0], s1  }
0x40: {  	s1 =	ssub.s32 @!p0 $0x0, s1;
	[sflag:s0] =	ssyncset.done @!p0 $0x0  }
0x41: {  	[sflag:s0] =	ssyncadd.s32 @!p0 s1  }
0x42: {  	[bflag:$0x3] =	sbarrier.arrive $0xFFFF  }
0x43: {  	_ =	shalt  }

</sc_bundles>
